<compile_context>
chip_gen: v7x
topology: tpu7x:2x2x1
jax: 0.10.2.dev20260603
libtpu: 0.0.44.dev20260713+nightly
codegen_flags: <defaults>
</compile_context>

<pallas_src>
import jax
import jax.numpy as jnp
from jax import lax
from jax.experimental import pallas as pl
from jax.experimental.pallas import tpu as pltpu
from jax.experimental.pallas import tpu_sc as plsc

N = 10000
E = 320000
IN_DIM = 128
H = 8
D = 16
NC = 2
NS = 16
L = 16
NT = NC * NS
EPT = E // NT
C = 40
NCHUNK = EPT // C
PAIRS = NCHUNK // 2
RB = C
NRB = N // RB

_BN = 2000
_NB = N // _BN

_GATHER_DNUMS = lax.GatherDimensionNumbers(
    offset_dims=(), collapsed_slice_dims=(0,), start_index_map=(0,))


def _lane_take(x, idx):
    return lax.gather(x, idx[:, None], _GATHER_DNUMS, (1,),
                      mode=lax.GatherScatterMode.PROMISE_IN_BOUNDS)


def _qkv_body(h_ref, ha_ref, wq_ref, wk_ref, wv_ref, q_ref, k_ref, v_ref):
    q_ref[...] = jnp.dot(ha_ref[...], wq_ref[...],
                         preferred_element_type=jnp.float32)
    k_ref[...] = jnp.dot(h_ref[...], wk_ref[...],
                         preferred_element_type=jnp.float32)
    v_ref[...] = jnp.dot(h_ref[...], wv_ref[...],
                         preferred_element_type=jnp.float32) * (1.0 / N)


def _qkv(h, h_add, Wq, Wk, Wv):
    row_spec = pl.BlockSpec((_BN, IN_DIM), lambda i: (i, 0))
    w_spec = pl.BlockSpec((IN_DIM, IN_DIM), lambda i: (0, 0))
    return pl.pallas_call(
        _qkv_body,
        grid=(_NB,),
        in_specs=[row_spec, row_spec, w_spec, w_spec, w_spec],
        out_specs=[row_spec, row_spec, row_spec],
        out_shape=[jax.ShapeDtypeStruct((N, IN_DIM), jnp.float32)] * 3,
    )(h, h_add, Wq, Wk, Wv)


def _edge_body(src_hbm, dst_hbm, q_hbm, k_hbm, v_hbm, out_hbm,
               s0, s1, d0, d1, sd0, sd1, k0, k1, v0, v1, q0, q1, m0, m1, wv_sh,
               semi0, semi1, semg0, semg1, sems0, sems1):
    c = lax.axis_index("c")
    s = lax.axis_index("s")
    ebase = (c * NS + s) * EPT
    sv, dv, sd = (s0, s1), (d0, d1), (sd0, sd1)
    kb, vb, qb, mb = (k0, k1), (v0, v1), (q0, q1), (m0, m1)
    semi, semg, sems = (semi0, semi1), (semg0, semg1), (sems0, sems1)
    zero16 = jnp.zeros((L,), jnp.float32)

    def _zero_row(i, _):
        for j in range(IN_DIM // L):
            m0[i, pl.ds(j * L, L)] = zero16
        return 0
    lax.fori_loop(0, RB, _zero_row, 0)
    nblk = (NRB - 1 - s) // NS + 1

    def _zero_blk(b, _):
        blk = s + b * NS
        pltpu.sync_copy(m0.at[pl.ds(0, RB)], wv_sh.at[pl.ds(blk * RB, RB)])
        return 0
    lax.fori_loop(0, nblk, _zero_blk, 0)
    plsc.subcore_barrier()

    def fire_idx(g, b):
        pltpu.async_copy(src_hbm.at[pl.ds(ebase + g * C, C)], sv[b], semi[b])
        pltpu.async_copy(dst_hbm.at[pl.ds(ebase + g * C, C)], dv[b], semi[b])

    def wait_idx(g, b):
        pltpu.make_async_copy(src_hbm.at[pl.ds(ebase + g * C, C)], sv[b],
                              semi[b]).wait()
        pltpu.make_async_copy(dst_hbm.at[pl.ds(ebase + g * C, C)], dv[b],
                              semi[b]).wait()

    def fire_gather(b):
        pltpu.async_copy(k_hbm.at[sv[b]], kb[b], semg[b])
        pltpu.async_copy(v_hbm.at[sv[b]], vb[b], semg[b])
        pltpu.async_copy(q_hbm.at[dv[b]], qb[b], semg[b])

    def wait_gather(b):
        pltpu.make_async_copy(k_hbm.at[sv[b]], kb[b], semg[b]).wait()
        pltpu.make_async_copy(v_hbm.at[sv[b]], vb[b], semg[b]).wait()
        pltpu.make_async_copy(q_hbm.at[dv[b]], qb[b], semg[b]).wait()

    def copy_sd(b):
        for off in (0, 16, 24):
            sl = pl.ds(off, L)
            sd[b][sl] = dv[b][sl]

    def fire_scatter(b):
        pltpu.async_copy(mb[b], wv_sh.at[sd[b]], sems[b], add=True)

    def wait_scatter(b):
        pltpu.make_async_copy(mb[b], wv_sh.at[sd[b]], sems[b]).wait()

    def compute(b):
        kr, vr, qr, mr = kb[b], vb[b], qb[b], mb[b]

        def _edge(e, _):
            for hh in range(H):
                sl = pl.ds(hh * L, L)
                x = kr[e, sl] * qr[e, sl]
                for sh in (8, 4, 2, 1):
                    idx = lax.iota(jnp.int32, L) ^ sh
                    x = x + _lane_take(x, idx)
                mr[e, sl] = vr[e, sl] * x
            return 0
        lax.fori_loop(0, C, _edge, 0)

    def step(g, b, first, fire_i, fire_g):
        wait_gather(b)
        if not first:
            wait_scatter(b)
        copy_sd(b)
        if fire_i:
            fire_idx(g + 2, b)
        if fire_g:
            wait_idx(g + 1, 1 - b)
            fire_gather(1 - b)
        compute(b)
        fire_scatter(b)

    fire_idx(0, 0)
    fire_idx(1, 1)
    wait_idx(0, 0)
    fire_gather(0)
    step(0, 0, True, True, True)
    step(1, 1, True, True, True)

    def _pair(i, _):
        step(2 * i, 0, False, True, True)
        step(2 * i + 1, 1, False, True, True)
        return 0
    lax.fori_loop(1, PAIRS - 1, _pair, 0)

    step(NCHUNK - 2, 0, False, False, True)
    step(NCHUNK - 1, 1, False, False, False)
    wait_scatter(0)
    wait_scatter(1)

    plsc.subcore_barrier()

    def _drain_blk(b, _):
        blk = s + b * NS
        pltpu.sync_copy(wv_sh.at[pl.ds(blk * RB, RB)],
                        out_hbm.at[c, pl.ds(blk * RB, RB)])
        return 0
    lax.fori_loop(0, nblk, _drain_blk, 0)


def _edge_sc(src, dst, q, k, v):
    mesh = plsc.VectorSubcoreMesh(core_axis_name="c", subcore_axis_name="s")
    fn = pl.kernel(
        _edge_body,
        out_type=jax.ShapeDtypeStruct((NC, N, IN_DIM), jnp.float32),
        mesh=mesh,
        scratch_types=[
            pltpu.VMEM((C,), jnp.int32),
            pltpu.VMEM((C,), jnp.int32),
            pltpu.VMEM((C,), jnp.int32),
            pltpu.VMEM((C,), jnp.int32),
            pltpu.VMEM((C,), jnp.int32),
            pltpu.VMEM((C,), jnp.int32),
            pltpu.VMEM((C, IN_DIM), jnp.float32),
            pltpu.VMEM((C, IN_DIM), jnp.float32),
            pltpu.VMEM((C, IN_DIM), jnp.float32),
            pltpu.VMEM((C, IN_DIM), jnp.float32),
            pltpu.VMEM((C, IN_DIM), jnp.float32),
            pltpu.VMEM((C, IN_DIM), jnp.float32),
            pltpu.VMEM((C, IN_DIM), jnp.float32),
            pltpu.VMEM((C, IN_DIM), jnp.float32),
            pltpu.VMEM_SHARED((N, IN_DIM), jnp.float32),
            pltpu.SemaphoreType.DMA,
            pltpu.SemaphoreType.DMA,
            pltpu.SemaphoreType.DMA,
            pltpu.SemaphoreType.DMA,
            pltpu.SemaphoreType.DMA,
            pltpu.SemaphoreType.DMA,
        ],
    )
    return fn(src, dst, q, k, v)


def _combine_body(p_ref, o_ref):
    o_ref[...] = p_ref[0] + p_ref[1]


def _combine(partials):
    return pl.pallas_call(
        _combine_body,
        grid=(_NB,),
        in_specs=[pl.BlockSpec((NC, _BN, IN_DIM), lambda i: (0, i, 0))],
        out_specs=pl.BlockSpec((_BN, IN_DIM), lambda i: (i, 0)),
        out_shape=jax.ShapeDtypeStruct((N, IN_DIM), jnp.float32),
    )(partials)


def kernel(h, h_add, edge_index, Wq, Wk, Wv):
    q, k, v = _qkv(h, h_add, Wq, Wk, Wv)
    partials = _edge_sc(edge_index[0], edge_index[1], q, k, v)
    return _combine(partials).reshape(N, H, D)

# --- scband reference (transcript-rebuilt; emitter-appended) ---
"""Pipeline reference for scband-cross-former-attention-53034256171298 (READ-ONLY COPY).

The authoritative reference and input builder live on the scoring server;
editing this copy changes nothing except your own understanding.
"""

import jax, jax.numpy as jnp
import numpy as np

N = 10000
E = 320000
IN_DIM = 128
H = 8
D = 16

def setup_inputs(seed: int = 0) -> dict:
    key = jax.random.key(seed)
    k0, k1, k2, k3, k4, k5 = jax.random.split(key, 6)
    h = jax.random.normal(k0, (N, IN_DIM), dtype=jnp.float32)
    h_add = jax.random.normal(k1, (N, IN_DIM), dtype=jnp.float32)
    edge_index = jax.random.randint(k2, (2, E), 0, N, dtype=jnp.int32)
    scale = 1.0 / np.sqrt(IN_DIM)
    # torch nn.Linear weight is [out,in]; we store transposed [in,out] and use x @ W
    Wq = jax.random.normal(k3, (IN_DIM, H * D), dtype=jnp.float32) * scale
    Wk = jax.random.normal(k4, (IN_DIM, H * D), dtype=jnp.float32) * scale
    Wv = jax.random.normal(k5, (IN_DIM, H * D), dtype=jnp.float32) * scale
    return {"h": h, "h_add": h_add, "edge_index": edge_index, "Wq": Wq, "Wk": Wk, "Wv": Wv}

def reference(h, h_add, edge_index, Wq, Wk, Wv):
    n = h.shape[0]
    Q_h = (h_add @ Wq).reshape(n, H, D)
    K_h = (h @ Wk).reshape(n, H, D)
    V_h = (h @ Wv).reshape(n, H, D)
    src = edge_index[0]
    dst = edge_index[1]
    # apply_edges src_dot_dst('K_h','Q_h','score'): score_e = sum(K_h[src] * Q_h[dst], -1)
    score = jnp.sum(K_h[src] * Q_h[dst], axis=-1, keepdims=True)  # [E, H, 1]
    # u_mul_e('V_h','score') then sum -> wV
    msg = V_h[src] * score  # [E, H, D]
    wV = jax.ops.segment_sum(msg, dst, num_segments=n)  # [N, H, D]
    # head_out = wV / batch_num_nodes()[0]  (single graph with N nodes)
    head_out = wV / n
    return head_out

if __name__ == "__main__":
    import jax
    _d = setup_inputs()
    print(jax.jit(kernel)(*tuple(_d.values())))

</pallas_src>

<mosaic_0001>
#map = affine_map<(d0, d1) -> (0)>
#map1 = affine_map<(d0, d1) -> (0, 0)>
#map2 = affine_map<(d0, d1) -> (0, 0, 0)>
module attributes {stable_mosaic.version = 14 : i64} {
  func.func @_edge_body(%arg0: i32, %arg1: i32, %arg2: memref<320000xi32, #tpu.memory_space<hbm>>, %arg3: memref<320000xi32, #tpu.memory_space<hbm>>, %arg4: memref<10000x128xf32, #tpu.memory_space<hbm>>, %arg5: memref<10000x128xf32, #tpu.memory_space<hbm>>, %arg6: memref<10000x128xf32, #tpu.memory_space<hbm>>, %arg7: memref<2x10000x128xf32, #tpu.memory_space<hbm>>, %arg8: memref<40xi32, #tpu.memory_space<vmem>>, %arg9: memref<40xi32, #tpu.memory_space<vmem>>, %arg10: memref<40xi32, #tpu.memory_space<vmem>>, %arg11: memref<40xi32, #tpu.memory_space<vmem>>, %arg12: memref<40xi32, #tpu.memory_space<vmem>>, %arg13: memref<40xi32, #tpu.memory_space<vmem>>, %arg14: memref<40x128xf32, #tpu.memory_space<vmem>>, %arg15: memref<40x128xf32, #tpu.memory_space<vmem>>, %arg16: memref<40x128xf32, #tpu.memory_space<vmem>>, %arg17: memref<40x128xf32, #tpu.memory_space<vmem>>, %arg18: memref<40x128xf32, #tpu.memory_space<vmem>>, %arg19: memref<40x128xf32, #tpu.memory_space<vmem>>, %arg20: memref<40x128xf32, #tpu.memory_space<vmem>>, %arg21: memref<40x128xf32, #tpu.memory_space<vmem>>, %arg22: memref<10000x128xf32, #tpu.memory_space<vmem_shared>>, %arg23: memref<!tpu.dma_semaphore, #tpu.memory_space<semaphore_mem>>, %arg24: memref<!tpu.dma_semaphore, #tpu.memory_space<semaphore_mem>>, %arg25: memref<!tpu.dma_semaphore, #tpu.memory_space<semaphore_mem>>, %arg26: memref<!tpu.dma_semaphore, #tpu.memory_space<semaphore_mem>>, %arg27: memref<!tpu.dma_semaphore, #tpu.memory_space<semaphore_mem>>, %arg28: memref<!tpu.dma_semaphore, #tpu.memory_space<semaphore_mem>>) attributes {dimension_semantics = [#tpu.dimension_semantics<core_parallel>, #tpu.dimension_semantics<subcore_parallel>], iteration_bounds = array<i64: 2, 16>, scalar_prefetch = 0 : i64, scratch_operands = 21 : i64, tpu.core_type = #tpu.core_type<sc_vector_subcore>, window_params = [{transform_indices = #map}, {transform_indices = #map}, {transform_indices = #map1}, {transform_indices = #map1}, {transform_indices = #map1}, {transform_indices = #map2}]} {
    %mul3A = arith.constant 16 : i32
    %mul3A_0 = arith.muli %arg0, %mul3A : i32
    %add3A = arith.addi %mul3A_0, %arg1 : i32
    %mul3A_1 = arith.constant 10000 : i32
    %mul3A_2 = arith.muli %add3A, %mul3A_1 : i32
    %broadcast_in_dim3A = arith.constant 0.000000e+00 : f32
    %broadcast_in_dim3A_3 = vector.broadcast %broadcast_in_dim3A : f32 to vector<16xf32>
    %scan3A = arith.constant 0 : i32
    %scan3A_4 = arith.constant 0 : i32
    %scan3A_5 = arith.constant 40 : i32
    %scan3A_6 = arith.addi %scan3A_4, %scan3A_5 : i32
    %scan3A_7 = arith.constant 1 : i32
    %scan3A_8 = scf.for %scan3A_329 = %scan3A_4 to %scan3A_6 step %scan3A_7 iter_args(%scan3A_330 = %scan3A) -> (i32)  : i32 {
      %swap3A_331 = arith.index_cast %scan3A_329 : i32 to index
      %swap3A_332 = arith.constant 0 : index
      %swap3A_333 = tpu.vector_load %arg20[%swap3A_331, %swap3A_332] {strides = array<i32>} : memref<40x128xf32, #tpu.memory_space<vmem>>, vector<1x16xf32>,
      %swap3A_334 = vector.shape_cast %swap3A_333 : vector<1x16xf32> to vector<16xf32>
      %swap3A_335 = vector.shape_cast %broadcast_in_dim3A_3 : vector<16xf32> to vector<1x16xf32>
      tpu.vector_store %arg20[%swap3A_331, %swap3A_332], %swap3A_335 {strides = array<i32>} : memref<40x128xf32, #tpu.memory_space<vmem>>, vector<1x16xf32>,
      %swap3A_336 = arith.index_cast %scan3A_329 : i32 to index
      %swap3A_337 = arith.constant 16 : index
      %swap3A_338 = tpu.vector_load %arg20[%swap3A_336, %swap3A_337] {strides = array<i32>} : memref<40x128xf32, #tpu.memory_space<vmem>>, vector<1x16xf32>,
      %swap3A_339 = vector.shape_cast %swap3A_338 : vector<1x16xf32> to vector<16xf32>
      %swap3A_340 = vector.shape_cast %broadcast_in_dim3A_3 : vector<16xf32> to vector<1x16xf32>
      tpu.vector_store %arg20[%swap3A_336, %swap3A_337], %swap3A_340 {strides = array<i32>} : memref<40x128xf32, #tpu.memory_space<vmem>>, vector<1x16xf32>,
      %swap3A_341 = arith.index_cast %scan3A_329 : i32 to index
      %swap3A_342 = arith.constant 32 : index
      %swap3A_343 = tpu.vector_load %arg20[%swap3A_341, %swap3A_342] {strides = array<i32>} : memref<40x128xf32, #tpu.memory_space<vmem>>, vector<1x16xf32>,
      %swap3A_344 = vector.shape_cast %swap3A_343 : vector<1x16xf32> to vector<16xf32>
      %swap3A_345 = vector.shape_cast %broadcast_in_dim3A_3 : vector<16xf32> to vector<1x16xf32>
      tpu.vector_store %arg20[%swap3A_341, %swap3A_342], %swap3A_345 {strides = array<i32>} : memref<40x128xf32, #tpu.memory_space<vmem>>, vector<1x16xf32>,
      %swap3A_346 = arith.index_cast %scan3A_329 : i32 to index
      %swap3A_347 = arith.constant 48 : index
      %swap3A_348 = tpu.vector_load %arg20[%swap3A_346, %swap3A_347] {strides = array<i32>} : memref<40x128xf32, #tpu.memory_space<vmem>>, vector<1x16xf32>,
      %swap3A_349 = vector.shape_cast %swap3A_348 : vector<1x16xf32> to vector<16xf32>
      %swap3A_350 = vector.shape_cast %broadcast_in_dim3A_3 : vector<16xf32> to vector<1x16xf32>
      tpu.vector_store %arg20[%swap3A_346, %swap3A_347], %swap3A_350 {strides = array<i32>} : memref<40x128xf32, #tpu.memory_space<vmem>>, vector<1x16xf32>,
      %swap3A_351 = arith.index_cast %scan3A_329 : i32 to index
      %swap3A_352 = arith.constant 64 : index
      %swap3A_353 = tpu.vector_load %arg20[%swap3A_351, %swap3A_352] {strides = array<i32>} : memref<40x128xf32, #tpu.memory_space<vmem>>, vector<1x16xf32>,
      %swap3A_354 = vector.shape_cast %swap3A_353 : vector<1x16xf32> to vector<16xf32>
      %swap3A_355 = vector.shape_cast %broadcast_in_dim3A_3 : vector<16xf32> to vector<1x16xf32>
      tpu.vector_store %arg20[%swap3A_351, %swap3A_352], %swap3A_355 {strides = array<i32>} : memref<40x128xf32, #tpu.memory_space<vmem>>, vector<1x16xf32>,
      %swap3A_356 = arith.index_cast %scan3A_329 : i32 to index
      %swap3A_357 = arith.constant 80 : index
      %swap3A_358 = tpu.vector_load %arg20[%swap3A_356, %swap3A_357] {strides = array<i32>} : memref<40x128xf32, #tpu.memory_space<vmem>>, vector<1x16xf32>,
      %swap3A_359 = vector.shape_cast %swap3A_358 : vector<1x16xf32> to vector<16xf32>
      %swap3A_360 = vector.shape_cast %broadcast_in_dim3A_3 : vector<16xf32> to vector<1x16xf32>
      tpu.vector_store %arg20[%swap3A_356, %swap3A_357], %swap3A_360 {strides = array<i32>} : memref<40x128xf32, #tpu.memory_space<vmem>>, vector<1x16xf32>,
      %swap3A_361 = arith.index_cast %scan3A_329 : i32 to index
      %swap3A_362 = arith.constant 96 : index
      %swap3A_363 = tpu.vector_load %arg20[%swap3A_361, %swap3A_362] {strides = array<i32>} : memref<40x128xf32, #tpu.memory_space<vmem>>, vector<1x16xf32>,
      %swap3A_364 = vector.shape_cast %swap3A_363 : vector<1x16xf32> to vector<16xf32>
      %swap3A_365 = vector.shape_cast %broadcast_in_dim3A_3 : vector<16xf32> to vector<1x16xf32>
      tpu.vector_store %arg20[%swap3A_361, %swap3A_362], %swap3A_365 {strides = array<i32>} : memref<40x128xf32, #tpu.memory_space<vmem>>, vector<1x16xf32>,
      %swap3A_366 = arith.index_cast %scan3A_329 : i32 to index
      %swap3A_367 = arith.constant 112 : index
      %swap3A_368 = tpu.vector_load %arg20[%swap3A_366, %swap3A_367] {strides = array<i32>} : memref<40x128xf32, #tpu.memory_space<vmem>>, vector<1x16xf32>,
      %swap3A_369 = vector.shape_cast %swap3A_368 : vector<1x16xf32> to vector<16xf32>
      %swap3A_370 = vector.shape_cast %broadcast_in_dim3A_3 : vector<16xf32> to vector<1x16xf32>
      tpu.vector_store %arg20[%swap3A_366, %swap3A_367], %swap3A_370 {strides = array<i32>} : memref<40x128xf32, #tpu.memory_space<vmem>>, vector<1x16xf32>,
      %scan3A_371 = arith.constant 0 : i32
      scf.yield %scan3A_371 : i32
    }
    %scan3A_9 = arith.constant 40 : i32
    %sub3A = arith.constant 249 : i32
    %sub3A_10 = arith.subi %sub3A, %arg1 : i32
    %jit3A = arith.constant 16 : i32
    %div3A = arith.divsi %sub3A_10, %jit3A : i32
    %sign3A = arith.constant 0 : i32
    %sign3A_11 = arith.cmpi sgt, %sub3A_10, %sign3A : i32
    %sign3A_12 = arith.extui %sign3A_11 : i1 to i32
    %sign3A_13 = arith.constant 0 : i32
    %sign3A_14 = arith.cmpi slt, %sub3A_10, %sign3A_13 : i32
    %sign3A_15 = arith.extui %sign3A_14 : i1 to i32
    %sign3A_16 = arith.subi %sign3A_12, %sign3A_15 : i32
    %sign3A_17 = arith.constant 0 : i32
    %sign3A_18 = arith.cmpi sgt, %jit3A, %sign3A_17 : i32
    %sign3A_19 = arith.extui %sign3A_18 : i1 to i32
    %sign3A_20 = arith.constant 0 : i32
    %sign3A_21 = arith.cmpi slt, %jit3A, %sign3A_20 : i32
    %sign3A_22 = arith.extui %sign3A_21 : i1 to i32
    %sign3A_23 = arith.subi %sign3A_19, %sign3A_22 : i32
    %ne3A = arith.cmpi ne, %sign3A_16, %sign3A_23 : i32
    %rem3A = arith.remsi %sub3A_10, %jit3A : i32
    %ne3A_24 = arith.constant 0 : i32
    %ne3A_25 = arith.cmpi ne, %rem3A, %ne3A_24 : i32
    %and3A = arith.andi %ne3A, %ne3A_25 : i1
    %sub3A_26 = arith.constant 1 : i32
    %sub3A_27 = arith.subi %div3A, %sub3A_26 : i32
    %select_n3A = arith.select %and3A, %sub3A_27, %div3A : i32
    %add3A_28 = arith.constant 1 : i32
    %add3A_29 = arith.addi %select_n3A, %add3A_28 : i32
    %while3A = arith.constant 0 : i32
    %while3A_30 = arith.constant 0 : i32
    %while3A_31 = arith.subi %add3A_29, %while3A : i32
    %while3A_32 = arith.addi %while3A, %while3A_31 : i32
    %while3A_33 = arith.constant 1 : i32
    %while3A_34 = arith.divsi %while3A_31, %while3A_33 : i32
    %while3A_35 = arith.muli %while3A_34, %while3A_33 : i32
    %while3A_36 = arith.addi %while3A, %while3A_35 : i32
    %while3A_37 = arith.constant 1 : i32
    %while3A_38 = scf.for %while3A_329 = %while3A to %while3A_36 step %while3A_37 iter_args(%while3A_330 = %while3A_30) -> (i32)  : i32 {
      %mul3A_331 = arith.constant 16 : i32
      %mul3A_332 = arith.muli %while3A_329, %mul3A_331 : i32
      %add3A_333 = arith.addi %arg1, %mul3A_332 : i32
      %mul3A_334 = arith.constant 40 : i32
      %mul3A_335 = arith.muli %add3A_333, %mul3A_334 : i32
      "tpu.region"() ({
        %run_scoped3A = tpu.sem_alloc : memref<!tpu.dma_semaphore, #tpu.memory_space<semaphore_mem>>
        %dma_start3A_337 = arith.constant 0 : i32
        %dma_start3A_338 = arith.constant 0 : i32
        %dma_start3A_339 = tpu.memref_slice %arg20[%dma_start3A_337, %dma_start3A_338] : memref<40x128xf32, #tpu.memory_space<vmem>> -> memref<40x128xf32, #tpu.memory_space<vmem>>
        %dma_start3A_340 = arith.constant 0 : i32
        %dma_start3A_341 = tpu.memref_slice %arg22[%mul3A_335, %dma_start3A_340] : memref<10000x128xf32, #tpu.memory_space<vmem_shared>> -> memref<40x128xf32, #tpu.memory_space<vmem_shared>>
        %dma_start3A_342 = arith.constant 0 : i32
        %dma_start3A_343 = tpu.memref_slice %arg22[%mul3A_335, %dma_start3A_342] : memref<10000x128xf32, #tpu.memory_space<vmem_shared>> -> memref<40x128xf32, #tpu.memory_space<vmem_shared>>
        %dma_start3A_344 = arith.constant 0 : i32
        %dma_start3A_345 = arith.constant 0 : i32
        %dma_start3A_346 = tpu.memref_slice %arg20[%dma_start3A_344, %dma_start3A_345] : memref<40x128xf32, #tpu.memory_space<vmem>> -> memref<40x128xf32, #tpu.memory_space<vmem>>
        tpu.enqueue_dma source(%dma_start3A_346 : memref<40x128xf32, #tpu.memory_space<vmem>>) target(%dma_start3A_343 : memref<40x128xf32, #tpu.memory_space<vmem_shared>>) target_semaphore(%run_scoped3A : memref<!tpu.dma_semaphore, #tpu.memory_space<semaphore_mem>>)
        %dma_wait3A_347 = arith.constant 0 : i32
        %dma_wait3A_348 = arith.constant 0 : i32
        %dma_wait3A_349 = tpu.memref_slice %arg20[%dma_wait3A_347, %dma_wait3A_348] : memref<40x128xf32, #tpu.memory_space<vmem>> -> memref<40x128xf32, #tpu.memory_space<vmem>>
        %dma_wait3A_350 = arith.constant 0 : i32
        %dma_wait3A_351 = tpu.memref_slice %arg22[%mul3A_335, %dma_wait3A_350] : memref<10000x128xf32, #tpu.memory_space<vmem_shared>> -> memref<40x128xf32, #tpu.memory_space<vmem_shared>>
        %dma_wait3A_352 = arith.constant 0 : i32
        %dma_wait3A_353 = tpu.memref_slice %arg22[%mul3A_335, %dma_wait3A_352] : memref<10000x128xf32, #tpu.memory_space<vmem_shared>> -> memref<40x128xf32, #tpu.memory_space<vmem_shared>>
        %dma_wait3A_354 = arith.constant 0 : i32
        %dma_wait3A_355 = arith.constant 0 : i32
        %dma_wait3A_356 = tpu.memref_slice %arg20[%dma_wait3A_354, %dma_wait3A_355] : memref<40x128xf32, #tpu.memory_space<vmem>> -> memref<40x128xf32, #tpu.memory_space<vmem>>
        tpu.wait_dma2 semaphore(%run_scoped3A : memref<!tpu.dma_semaphore, #tpu.memory_space<semaphore_mem>>) src(%dma_wait3A_356 : memref<40x128xf32, #tpu.memory_space<vmem>>) dst(%dma_wait3A_353 : memref<40x128xf32, #tpu.memory_space<vmem_shared>>)
        tpu.yield
      }) : () -> ()
      %while3A_336 = arith.constant 0 : i32
      scf.yield %while3A_336 : i32
    }
    %while3A_39 = arith.constant 1 : i32
    %while3A_40 = scf.for %while3A_329 = %while3A_36 to %while3A_32 step %while3A_39 iter_args(%while3A_330 = %while3A_38) -> (i32)  : i32 {
      %mul3A_331 = arith.constant 16 : i32
      %mul3A_332 = arith.muli %while3A_329, %mul3A_331 : i32
      %add3A_333 = arith.addi %arg1, %mul3A_332 : i32
      %mul3A_334 = arith.constant 40 : i32
      %mul3A_335 = arith.muli %add3A_333, %mul3A_334 : i32
      "tpu.region"() ({
        %run_scoped3A = tpu.sem_alloc : memref<!tpu.dma_semaphore, #tpu.memory_space<semaphore_mem>>
        %dma_start3A_337 = arith.constant 0 : i32
        %dma_start3A_338 = arith.constant 0 : i32
        %dma_start3A_339 = tpu.memref_slice %arg20[%dma_start3A_337, %dma_start3A_338] : memref<40x128xf32, #tpu.memory_space<vmem>> -> memref<40x128xf32, #tpu.memory_space<vmem>>
        %dma_start3A_340 = arith.constant 0 : i32
        %dma_start3A_341 = tpu.memref_slice %arg22[%mul3A_335, %dma_start3A_340] : memref<10000x128xf32, #tpu.memory_space<vmem_shared>> -> memref<40x128xf32, #tpu.memory_space<vmem_shared>>
        %dma_start3A_342 = arith.constant 0 : i32
        %dma_start3A_343 = tpu.memref_slice %arg22[%mul3A_335, %dma_start3A_342] : memref<10000x128xf32, #tpu.memory_space<vmem_shared>> -> memref<40x128xf32, #tpu.memory_space<vmem_shared>>
        %dma_start3A_344 = arith.constant 0 : i32
        %dma_start3A_345 = arith.constant 0 : i32
        %dma_start3A_346 = tpu.memref_slice %arg20[%dma_start3A_344, %dma_start3A_345] : memref<40x128xf32, #tpu.memory_space<vmem>> -> memref<40x128xf32, #tpu.memory_space<vmem>>
        tpu.enqueue_dma source(%dma_start3A_346 : memref<40x128xf32, #tpu.memory_space<vmem>>) target(%dma_start3A_343 : memref<40x128xf32, #tpu.memory_space<vmem_shared>>) target_semaphore(%run_scoped3A : memref<!tpu.dma_semaphore, #tpu.memory_space<semaphore_mem>>)
        %dma_wait3A_347 = arith.constant 0 : i32
        %dma_wait3A_348 = arith.constant 0 : i32
        %dma_wait3A_349 = tpu.memref_slice %arg20[%dma_wait3A_347, %dma_wait3A_348] : memref<40x128xf32, #tpu.memory_space<vmem>> -> memref<40x128xf32, #tpu.memory_space<vmem>>
        %dma_wait3A_350 = arith.constant 0 : i32
        %dma_wait3A_351 = tpu.memref_slice %arg22[%mul3A_335, %dma_wait3A_350] : memref<10000x128xf32, #tpu.memory_space<vmem_shared>> -> memref<40x128xf32, #tpu.memory_space<vmem_shared>>
        %dma_wait3A_352 = arith.constant 0 : i32
        %dma_wait3A_353 = tpu.memref_slice %arg22[%mul3A_335, %dma_wait3A_352] : memref<10000x128xf32, #tpu.memory_space<vmem_shared>> -> memref<40x128xf32, #tpu.memory_space<vmem_shared>>
        %dma_wait3A_354 = arith.constant 0 : i32
        %dma_wait3A_355 = arith.constant 0 : i32
        %dma_wait3A_356 = tpu.memref_slice %arg20[%dma_wait3A_354, %dma_wait3A_355] : memref<40x128xf32, #tpu.memory_space<vmem>> -> memref<40x128xf32, #tpu.memory_space<vmem>>
        tpu.wait_dma2 semaphore(%run_scoped3A : memref<!tpu.dma_semaphore, #tpu.memory_space<semaphore_mem>>) src(%dma_wait3A_356 : memref<40x128xf32, #tpu.memory_space<vmem>>) dst(%dma_wait3A_353 : memref<40x128xf32, #tpu.memory_space<vmem_shared>>)
        tpu.yield
      }) : () -> ()
      %while3A_336 = arith.constant 0 : i32
      scf.yield %while3A_336 : i32
    }
    %barrier3A = arith.constant 0 : index
    tpu.barrier barrier_id(%barrier3A)
    %add3A_41 = arith.constant 0 : i32
    %add3A_42 = arith.addi %mul3A_2, %add3A_41 : i32
    %dma_start3A = tpu.memref_slice %arg2[%add3A_42] : memref<320000xi32, #tpu.memory_space<hbm>> -> memref<40xi32, #tpu.memory_space<hbm>>
    %dma_start3A_43 = tpu.memref_slice %arg2[%add3A_42] : memref<320000xi32, #tpu.memory_space<hbm>> -> memref<40xi32, #tpu.memory_space<hbm>>
    tpu.enqueue_dma source(%dma_start3A_43 : memref<40xi32, #tpu.memory_space<hbm>>) target(%arg8 : memref<40xi32, #tpu.memory_space<vmem>>) target_semaphore(%arg23 : memref<!tpu.dma_semaphore, #tpu.memory_space<semaphore_mem>>)
    %add3A_44 = arith.constant 0 : i32
    %add3A_45 = arith.addi %mul3A_2, %add3A_44 : i32
    %dma_start3A_46 = tpu.memref_slice %arg3[%add3A_45] : memref<320000xi32, #tpu.memory_space<hbm>> -> memref<40xi32, #tpu.memory_space<hbm>>
    %dma_start3A_47 = tpu.memref_slice %arg3[%add3A_45] : memref<320000xi32, #tpu.memory_space<hbm>> -> memref<40xi32, #tpu.memory_space<hbm>>
    tpu.enqueue_dma source(%dma_start3A_47 : memref<40xi32, #tpu.memory_space<hbm>>) target(%arg10 : memref<40xi32, #tpu.memory_space<vmem>>) target_semaphore(%arg23 : memref<!tpu.dma_semaphore, #tpu.memory_space<semaphore_mem>>)
    %add3A_48 = arith.constant 40 : i32
    %add3A_49 = arith.addi %mul3A_2, %add3A_48 : i32
    %dma_start3A_50 = tpu.memref_slice %arg2[%add3A_49] : memref<320000xi32, #tpu.memory_space<hbm>> -> memref<40xi32, #tpu.memory_space<hbm>>
    %dma_start3A_51 = tpu.memref_slice %arg2[%add3A_49] : memref<320000xi32, #tpu.memory_space<hbm>> -> memref<40xi32, #tpu.memory_space<hbm>>
    tpu.enqueue_dma source(%dma_start3A_51 : memref<40xi32, #tpu.memory_space<hbm>>) target(%arg9 : memref<40xi32, #tpu.memory_space<vmem>>) target_semaphore(%arg24 : memref<!tpu.dma_semaphore, #tpu.memory_space<semaphore_mem>>)
    %add3A_52 = arith.constant 40 : i32
    %add3A_53 = arith.addi %mul3A_2, %add3A_52 : i32
    %dma_start3A_54 = tpu.memref_slice %arg3[%add3A_53] : memref<320000xi32, #tpu.memory_space<hbm>> -> memref<40xi32, #tpu.memory_space<hbm>>
    %dma_start3A_55 = tpu.memref_slice %arg3[%add3A_53] : memref<320000xi32, #tpu.memory_space<hbm>> -> memref<40xi32, #tpu.memory_space<hbm>>
    tpu.enqueue_dma source(%dma_start3A_55 : memref<40xi32, #tpu.memory_space<hbm>>) target(%arg11 : memref<40xi32, #tpu.memory_space<vmem>>) target_semaphore(%arg24 : memref<!tpu.dma_semaphore, #tpu.memory_space<semaphore_mem>>)
    %add3A_56 = arith.constant 0 : i32
    %add3A_57 = arith.addi %mul3A_2, %add3A_56 : i32
    %dma_wait3A = tpu.memref_slice %arg2[%add3A_57] : memref<320000xi32, #tpu.memory_space<hbm>> -> memref<40xi32, #tpu.memory_space<hbm>>
    %dma_wait3A_58 = tpu.memref_slice %arg2[%add3A_57] : memref<320000xi32, #tpu.memory_space<hbm>> -> memref<40xi32, #tpu.memory_space<hbm>>
    tpu.wait_dma2 semaphore(%arg23 : memref<!tpu.dma_semaphore, #tpu.memory_space<semaphore_mem>>) src(%dma_wait3A_58 : memref<40xi32, #tpu.memory_space<hbm>>) dst(%arg8 : memref<40xi32, #tpu.memory_space<vmem>>)
    %add3A_59 = arith.constant 0 : i32
    %add3A_60 = arith.addi %mul3A_2, %add3A_59 : i32
    %dma_wait3A_61 = tpu.memref_slice %arg3[%add3A_60] : memref<320000xi32, #tpu.memory_space<hbm>> -> memref<40xi32, #tpu.memory_space<hbm>>
    %dma_wait3A_62 = tpu.memref_slice %arg3[%add3A_60] : memref<320000xi32, #tpu.memory_space<hbm>> -> memref<40xi32, #tpu.memory_space<hbm>>
    tpu.wait_dma2 semaphore(%arg23 : memref<!tpu.dma_semaphore, #tpu.memory_space<semaphore_mem>>) src(%dma_wait3A_62 : memref<40xi32, #tpu.memory_space<hbm>>) dst(%arg10 : memref<40xi32, #tpu.memory_space<vmem>>)
    %dma_start3A_63 = arith.constant 0 : i32
    %dma_start3A_64 = arith.constant 0 : i32
    %dma_start3A_65 = tpu.memref_slice %arg5[%dma_start3A_63, %dma_start3A_64] : memref<10000x128xf32, #tpu.memory_space<hbm>> -> memref<10000x128xf32, #tpu.memory_space<hbm>>
    tpu.enqueue_indirect_dma source(%dma_start3A_65 : memref<10000x128xf32, #tpu.memory_space<hbm>>) target(%arg14 : memref<40x128xf32, #tpu.memory_space<vmem>>) offsets(%arg8 : memref<40xi32, #tpu.memory_space<vmem>>) semaphore(%arg25 : memref<!tpu.dma_semaphore, #tpu.memory_space<semaphore_mem>>)
    %dma_start3A_66 = arith.constant 0 : i32
    %dma_start3A_67 = arith.constant 0 : i32
    %dma_start3A_68 = tpu.memref_slice %arg6[%dma_start3A_66, %dma_start3A_67] : memref<10000x128xf32, #tpu.memory_space<hbm>> -> memref<10000x128xf32, #tpu.memory_space<hbm>>
    tpu.enqueue_indirect_dma source(%dma_start3A_68 : memref<10000x128xf32, #tpu.memory_space<hbm>>) target(%arg16 : memref<40x128xf32, #tpu.memory_space<vmem>>) offsets(%arg8 : memref<40xi32, #tpu.memory_space<vmem>>) semaphore(%arg25 : memref<!tpu.dma_semaphore, #tpu.memory_space<semaphore_mem>>)
    %dma_start3A_69 = arith.constant 0 : i32
    %dma_start3A_70 = arith.constant 0 : i32
    %dma_start3A_71 = tpu.memref_slice %arg4[%dma_start3A_69, %dma_start3A_70] : memref<10000x128xf32, #tpu.memory_space<hbm>> -> memref<10000x128xf32, #tpu.memory_space<hbm>>
    tpu.enqueue_indirect_dma source(%dma_start3A_71 : memref<10000x128xf32, #tpu.memory_space<hbm>>) target(%arg18 : memref<40x128xf32, #tpu.memory_space<vmem>>) offsets(%arg10 : memref<40xi32, #tpu.memory_space<vmem>>) semaphore(%arg25 : memref<!tpu.dma_semaphore, #tpu.memory_space<semaphore_mem>>)
    %dma_wait3A_72 = arith.constant 0 : i32
    %dma_wait3A_73 = arith.constant 0 : i32
    %dma_wait3A_74 = tpu.memref_slice %arg5[%dma_wait3A_72, %dma_wait3A_73] : memref<10000x128xf32, #tpu.memory_space<hbm>> -> memref<10000x128xf32, #tpu.memory_space<hbm>>
    tpu.wait_indirect_dma semaphore(%arg25 : memref<!tpu.dma_semaphore, #tpu.memory_space<semaphore_mem>>) src(%dma_wait3A_74 : memref<10000x128xf32, #tpu.memory_space<hbm>>) dst(%arg14 : memref<40x128xf32, #tpu.memory_space<vmem>>)
    %dma_wait3A_75 = arith.constant 0 : i32
    %dma_wait3A_76 = arith.constant 0 : i32
    %dma_wait3A_77 = tpu.memref_slice %arg6[%dma_wait3A_75, %dma_wait3A_76] : memref<10000x128xf32, #tpu.memory_space<hbm>> -> memref<10000x128xf32, #tpu.memory_space<hbm>>
    tpu.wait_indirect_dma semaphore(%arg25 : memref<!tpu.dma_semaphore, #tpu.memory_space<semaphore_mem>>) src(%dma_wait3A_77 : memref<10000x128xf32, #tpu.memory_space<hbm>>) dst(%arg16 : memref<40x128xf32, #tpu.memory_space<vmem>>)
    %dma_wait3A_78 = arith.constant 0 : i32
    %dma_wait3A_79 = arith.constant 0 : i32
    %dma_wait3A_80 = tpu.memref_slice %arg4[%dma_wait3A_78, %dma_wait3A_79] : memref<10000x128xf32, #tpu.memory_space<hbm>> -> memref<10000x128xf32, #tpu.memory_space<hbm>>
    tpu.wait_indirect_dma semaphore(%arg25 : memref<!tpu.dma_semaphore, #tpu.memory_space<semaphore_mem>>) src(%dma_wait3A_80 : memref<10000x128xf32, #tpu.memory_space<hbm>>) dst(%arg18 : memref<40x128xf32, #tpu.memory_space<vmem>>)
    %get3A = arith.constant 0 : index
    %get3A_81 = tpu.vector_load %arg10[%get3A] {strides = array<i32>} : memref<40xi32, #tpu.memory_space<vmem>>, vector<16xi32>,
    %get3A_82 = vector.shape_cast %get3A_81 : vector<16xi32> to vector<16xi32>
    %swap3A = arith.constant 0 : index
    %swap3A_83 = tpu.vector_load %arg12[%swap3A] {strides = array<i32>} : memref<40xi32, #tpu.memory_space<vmem>>, vector<16xi32>,
    %swap3A_84 = vector.shape_cast %swap3A_83 : vector<16xi32> to vector<16xi32>
    %swap3A_85 = vector.shape_cast %get3A_82 : vector<16xi32> to vector<16xi32>
    tpu.vector_store %arg12[%swap3A], %swap3A_85 {strides = array<i32>} : memref<40xi32, #tpu.memory_space<vmem>>, vector<16xi32>,
    %get3A_86 = arith.constant 16 : index
    %get3A_87 = tpu.vector_load %arg10[%get3A_86] {strides = array<i32>} : memref<40xi32, #tpu.memory_space<vmem>>, vector<16xi32>,
    %get3A_88 = vector.shape_cast %get3A_87 : vector<16xi32> to vector<16xi32>
    %swap3A_89 = arith.constant 16 : index
    %swap3A_90 = tpu.vector_load %arg12[%swap3A_89] {strides = array<i32>} : memref<40xi32, #tpu.memory_space<vmem>>, vector<16xi32>,
    %swap3A_91 = vector.shape_cast %swap3A_90 : vector<16xi32> to vector<16xi32>
    %swap3A_92 = vector.shape_cast %get3A_88 : vector<16xi32> to vector<16xi32>
    tpu.vector_store %arg12[%swap3A_89], %swap3A_92 {strides = array<i32>} : memref<40xi32, #tpu.memory_space<vmem>>, vector<16xi32>,
    %get3A_93 = arith.constant 24 : index
    %get3A_94 = tpu.vector_load %arg10[%get3A_93] {strides = array<i32>} : memref<40xi32, #tpu.memory_space<vmem>>, vector<16xi32>,
    %get3A_95 = vector.shape_cast %get3A_94 : vector<16xi32> to vector<16xi32>
    %swap3A_96 = arith.constant 24 : index
    %swap3A_97 = tpu.vector_load %arg12[%swap3A_96] {strides = array<i32>} : memref<40xi32, #tpu.memory_space<vmem>>, vector<16xi32>,
    %swap3A_98 = vector.shape_cast %swap3A_97 : vector<16xi32> to vector<16xi32>
    %swap3A_99 = vector.shape_cast %get3A_95 : vector<16xi32> to vector<16xi32>
    tpu.vector_store %arg12[%swap3A_96], %swap3A_99 {strides = array<i32>} : memref<40xi32, #tpu.memory_space<vmem>>, vector<16xi32>,
    %add3A_100 = arith.constant 80 : i32
    %add3A_101 = arith.addi %mul3A_2, %add3A_100 : i32
    %dma_start3A_102 = tpu.memref_slice %arg2[%add3A_101] : memref<320000xi32, #tpu.memory_space<hbm>> -> memref<40xi32, #tpu.memory_space<hbm>>
    %dma_start3A_103 = tpu.memref_slice %arg2[%add3A_101] : memref<320000xi32, #tpu.memory_space<hbm>> -> memref<40xi32, #tpu.memory_space<hbm>>
    tpu.enqueue_dma source(%dma_start3A_103 : memref<40xi32, #tpu.memory_space<hbm>>) target(%arg8 : memref<40xi32, #tpu.memory_space<vmem>>) target_semaphore(%arg23 : memref<!tpu.dma_semaphore, #tpu.memory_space<semaphore_mem>>)
    %add3A_104 = arith.constant 80 : i32
    %add3A_105 = arith.addi %mul3A_2, %add3A_104 : i32
    %dma_start3A_106 = tpu.memref_slice %arg3[%add3A_105] : memref<320000xi32, #tpu.memory_space<hbm>> -> memref<40xi32, #tpu.memory_space<hbm>>
    %dma_start3A_107 = tpu.memref_slice %arg3[%add3A_105] : memref<320000xi32, #tpu.memory_space<hbm>> -> memref<40xi32, #tpu.memory_space<hbm>>
    tpu.enqueue_dma source(%dma_start3A_107 : memref<40xi32, #tpu.memory_space<hbm>>) target(%arg10 : memref<40xi32, #tpu.memory_space<vmem>>) target_semaphore(%arg23 : memref<!tpu.dma_semaphore, #tpu.memory_space<semaphore_mem>>)
    %add3A_108 = arith.constant 40 : i32
    %add3A_109 = arith.addi %mul3A_2, %add3A_108 : i32
    %dma_wait3A_110 = tpu.memref_slice %arg2[%add3A_109] : memref<320000xi32, #tpu.memory_space<hbm>> -> memref<40xi32, #tpu.memory_space<hbm>>
    %dma_wait3A_111 = tpu.memref_slice %arg2[%add3A_109] : memref<320000xi32, #tpu.memory_space<hbm>> -> memref<40xi32, #tpu.memory_space<hbm>>
    tpu.wait_dma2 semaphore(%arg24 : memref<!tpu.dma_semaphore, #tpu.memory_space<semaphore_mem>>) src(%dma_wait3A_111 : memref<40xi32, #tpu.memory_space<hbm>>) dst(%arg9 : memref<40xi32, #tpu.memory_space<vmem>>)
    %add3A_112 = arith.constant 40 : i32
    %add3A_113 = arith.addi %mul3A_2, %add3A_112 : i32
    %dma_wait3A_114 = tpu.memref_slice %arg3[%add3A_113] : memref<320000xi32, #tpu.memory_space<hbm>> -> memref<40xi32, #tpu.memory_space<hbm>>
    %dma_wait3A_115 = tpu.memref_slice %arg3[%add3A_113] : memref<320000xi32, #tpu.memory_space<hbm>> -> memref<40xi32, #tpu.memory_space<hbm>>
    tpu.wait_dma2 semaphore(%arg24 : memref<!tpu.dma_semaphore, #tpu.memory_space<semaphore_mem>>) src(%dma_wait3A_115 : memref<40xi32, #tpu.memory_space<hbm>>) dst(%arg11 : memref<40xi32, #tpu.memory_space<vmem>>)
    %dma_start3A_116 = arith.constant 0 : i32
    %dma_start3A_117 = arith.constant 0 : i32
    %dma_start3A_118 = tpu.memref_slice %arg5[%dma_start3A_116, %dma_start3A_117] : memref<10000x128xf32, #tpu.memory_space<hbm>> -> memref<10000x128xf32, #tpu.memory_space<hbm>>
    tpu.enqueue_indirect_dma source(%dma_start3A_118 : memref<10000x128xf32, #tpu.memory_space<hbm>>) target(%arg15 : memref<40x128xf32, #tpu.memory_space<vmem>>) offsets(%arg9 : memref<40xi32, #tpu.memory_space<vmem>>) semaphore(%arg26 : memref<!tpu.dma_semaphore, #tpu.memory_space<semaphore_mem>>)
    %dma_start3A_119 = arith.constant 0 : i32
    %dma_start3A_120 = arith.constant 0 : i32
    %dma_start3A_121 = tpu.memref_slice %arg6[%dma_start3A_119, %dma_start3A_120] : memref<10000x128xf32, #tpu.memory_space<hbm>> -> memref<10000x128xf32, #tpu.memory_space<hbm>>
    tpu.enqueue_indirect_dma source(%dma_start3A_121 : memref<10000x128xf32, #tpu.memory_space<hbm>>) target(%arg17 : memref<40x128xf32, #tpu.memory_space<vmem>>) offsets(%arg9 : memref<40xi32, #tpu.memory_space<vmem>>) semaphore(%arg26 : memref<!tpu.dma_semaphore, #tpu.memory_space<semaphore_mem>>)
    %dma_start3A_122 = arith.constant 0 : i32
    %dma_start3A_123 = arith.constant 0 : i32
    %dma_start3A_124 = tpu.memref_slice %arg4[%dma_start3A_122, %dma_start3A_123] : memref<10000x128xf32, #tpu.memory_space<hbm>> -> memref<10000x128xf32, #tpu.memory_space<hbm>>
    tpu.enqueue_indirect_dma source(%dma_start3A_124 : memref<10000x128xf32, #tpu.memory_space<hbm>>) target(%arg19 : memref<40x128xf32, #tpu.memory_space<vmem>>) offsets(%arg11 : memref<40xi32, #tpu.memory_space<vmem>>) semaphore(%arg26 : memref<!tpu.dma_semaphore, #tpu.memory_space<semaphore_mem>>)
    %scan3A_125 = arith.constant 0 : i32
    %scan3A_126 = arith.constant 0 : i32
    %scan3A_127 = arith.constant 40 : i32
    %scan3A_128 = arith.addi %scan3A_126, %scan3A_127 : i32
    %scan3A_129 = arith.constant 1 : i32
    %scan3A_130 = scf.for %scan3A_329 = %scan3A_126 to %scan3A_128 step %scan3A_129 iter_args(%scan3A_330 = %scan3A_125) -> (i32)  : i32 {
      %get3A_331 = arith.index_cast %scan3A_329 : i32 to index
      %get3A_332 = arith.constant 0 : index
      %get3A_333 = tpu.vector_load %arg14[%get3A_331, %get3A_332] {strides = array<i32>} : memref<40x128xf32, #tpu.memory_space<vmem>>, vector<1x16xf32>,
      %get3A_334 = vector.shape_cast %get3A_333 : vector<1x16xf32> to vector<16xf32>
      %get3A_335 = arith.index_cast %scan3A_329 : i32 to index
      %get3A_336 = arith.constant 0 : index
      %get3A_337 = tpu.vector_load %arg18[%get3A_335, %get3A_336] {strides = array<i32>} : memref<40x128xf32, #tpu.memory_space<vmem>>, vector<1x16xf32>,
      %get3A_338 = vector.shape_cast %get3A_337 : vector<1x16xf32> to vector<16xf32>
      %mul3A_339 = arith.mulf %get3A_334, %get3A_338 : vector<16xf32>
      %iota3A = tpu.iota {dimensions = array<i32: 0>} : vector<16xi32>
      %xor3A = arith.constant 8 : i32
      %xor3A_340 = vector.broadcast %xor3A : i32 to vector<16xi32>
      %xor3A_341 = arith.xori %iota3A, %xor3A_340 : vector<16xi32>
      %broadcast_in_dim3A_342 = vector.shape_cast %xor3A_341 : vector<16xi32> to vector<16x1xi32>
      %gather3A = vector.shape_cast %broadcast_in_dim3A_342 : vector<16x1xi32> to vector<16xi32>
      %gather3A_343 = tpu.dynamic_gather %mul3A_339[%gather3A] in [0] : vector<16xf32>, vector<16xi32> -> vector<16xf32>
      %add3A_344 = arith.addf %mul3A_339, %gather3A_343 : vector<16xf32>
      %iota3A_345 = tpu.iota {dimensions = array<i32: 0>} : vector<16xi32>
      %xor3A_346 = arith.constant 4 : i32
      %xor3A_347 = vector.broadcast %xor3A_346 : i32 to vector<16xi32>
      %xor3A_348 = arith.xori %iota3A_345, %xor3A_347 : vector<16xi32>
      %broadcast_in_dim3A_349 = vector.shape_cast %xor3A_348 : vector<16xi32> to vector<16x1xi32>
      %gather3A_350 = vector.shape_cast %broadcast_in_dim3A_349 : vector<16x1xi32> to vector<16xi32>
      %gather3A_351 = tpu.dynamic_gather %add3A_344[%gather3A_350] in [0] : vector<16xf32>, vector<16xi32> -> vector<16xf32>
      %add3A_352 = arith.addf %add3A_344, %gather3A_351 : vector<16xf32>
      %iota3A_353 = tpu.iota {dimensions = array<i32: 0>} : vector<16xi32>
      %xor3A_354 = arith.constant 2 : i32
      %xor3A_355 = vector.broadcast %xor3A_354 : i32 to vector<16xi32>
      %xor3A_356 = arith.xori %iota3A_353, %xor3A_355 : vector<16xi32>
      %broadcast_in_dim3A_357 = vector.shape_cast %xor3A_356 : vector<16xi32> to vector<16x1xi32>
      %gather3A_358 = vector.shape_cast %broadcast_in_dim3A_357 : vector<16x1xi32> to vector<16xi32>
      %gather3A_359 = tpu.dynamic_gather %add3A_352[%gather3A_358] in [0] : vector<16xf32>, vector<16xi32> -> vector<16xf32>
      %add3A_360 = arith.addf %add3A_352, %gather3A_359 : vector<16xf32>
      %iota3A_361 = tpu.iota {dimensions = array<i32: 0>} : vector<16xi32>
      %xor3A_362 = arith.constant 1 : i32
      %xor3A_363 = vector.broadcast %xor3A_362 : i32 to vector<16xi32>
      %xor3A_364 = arith.xori %iota3A_361, %xor3A_363 : vector<16xi32>
      %broadcast_in_dim3A_365 = vector.shape_cast %xor3A_364 : vector<16xi32> to vector<16x1xi32>
      %gather3A_366 = vector.shape_cast %broadcast_in_dim3A_365 : vector<16x1xi32> to vector<16xi32>
      %gather3A_367 = tpu.dynamic_gather %add3A_360[%gather3A_366] in [0] : vector<16xf32>, vector<16xi32> -> vector<16xf32>
      %add3A_368 = arith.addf %add3A_360, %gather3A_367 : vector<16xf32>
      %get3A_369 = arith.index_cast %scan3A_329 : i32 to index
      %get3A_370 = arith.constant 0 : index
      %get3A_371 = tpu.vector_load %arg16[%get3A_369, %get3A_370] {strides = array<i32>} : memref<40x128xf32, #tpu.memory_space<vmem>>, vector<1x16xf32>,
      %get3A_372 = vector.shape_cast %get3A_371 : vector<1x16xf32> to vector<16xf32>
      %mul3A_373 = arith.mulf %get3A_372, %add3A_368 : vector<16xf32>
      %swap3A_374 = arith.index_cast %scan3A_329 : i32 to index
      %swap3A_375 = arith.constant 0 : index
      %swap3A_376 = tpu.vector_load %arg20[%swap3A_374, %swap3A_375] {strides = array<i32>} : memref<40x128xf32, #tpu.memory_space<vmem>>, vector<1x16xf32>,
      %swap3A_377 = vector.shape_cast %swap3A_376 : vector<1x16xf32> to vector<16xf32>
      %swap3A_378 = vector.shape_cast %mul3A_373 : vector<16xf32> to vector<1x16xf32>
      tpu.vector_store %arg20[%swap3A_374, %swap3A_375], %swap3A_378 {strides = array<i32>} : memref<40x128xf32, #tpu.memory_space<vmem>>, vector<1x16xf32>,
      %get3A_379 = arith.index_cast %scan3A_329 : i32 to index
      %get3A_380 = arith.constant 16 : index
      %get3A_381 = tpu.vector_load %arg14[%get3A_379, %get3A_380] {strides = array<i32>} : memref<40x128xf32, #tpu.memory_space<vmem>>, vector<1x16xf32>,
      %get3A_382 = vector.shape_cast %get3A_381 : vector<1x16xf32> to vector<16xf32>
      %get3A_383 = arith.index_cast %scan3A_329 : i32 to index
      %get3A_384 = arith.constant 16 : index
      %get3A_385 = tpu.vector_load %arg18[%get3A_383, %get3A_384] {strides = array<i32>} : memref<40x128xf32, #tpu.memory_space<vmem>>, vector<1x16xf32>,
      %get3A_386 = vector.shape_cast %get3A_385 : vector<1x16xf32> to vector<16xf32>
      %mul3A_387 = arith.mulf %get3A_382, %get3A_386 : vector<16xf32>
      %iota3A_388 = tpu.iota {dimensions = array<i32: 0>} : vector<16xi32>
      %xor3A_389 = arith.constant 8 : i32
      %xor3A_390 = vector.broadcast %xor3A_389 : i32 to vector<16xi32>
      %xor3A_391 = arith.xori %iota3A_388, %xor3A_390 : vector<16xi32>
      %broadcast_in_dim3A_392 = vector.shape_cast %xor3A_391 : vector<16xi32> to vector<16x1xi32>
      %gather3A_393 = vector.shape_cast %broadcast_in_dim3A_392 : vector<16x1xi32> to vector<16xi32>
      %gather3A_394 = tpu.dynamic_gather %mul3A_387[%gather3A_393] in [0] : vector<16xf32>, vector<16xi32> -> vector<16xf32>
      %add3A_395 = arith.addf %mul3A_387, %gather3A_394 : vector<16xf32>
      %iota3A_396 = tpu.iota {dimensions = array<i32: 0>} : vector<16xi32>
      %xor3A_397 = arith.constant 4 : i32
      %xor3A_398 = vector.broadcast %xor3A_397 : i32 to vector<16xi32>
      %xor3A_399 = arith.xori %iota3A_396, %xor3A_398 : vector<16xi32>
      %broadcast_in_dim3A_400 = vector.shape_cast %xor3A_399 : vector<16xi32> to vector<16x1xi32>
      %gather3A_401 = vector.shape_cast %broadcast_in_dim3A_400 : vector<16x1xi32> to vector<16xi32>
      %gather3A_402 = tpu.dynamic_gather %add3A_395[%gather3A_401] in [0] : vector<16xf32>, vector<16xi32> -> vector<16xf32>
      %add3A_403 = arith.addf %add3A_395, %gather3A_402 : vector<16xf32>
      %iota3A_404 = tpu.iota {dimensions = array<i32: 0>} : vector<16xi32>
      %xor3A_405 = arith.constant 2 : i32
      %xor3A_406 = vector.broadcast %xor3A_405 : i32 to vector<16xi32>
      %xor3A_407 = arith.xori %iota3A_404, %xor3A_406 : vector<16xi32>
      %broadcast_in_dim3A_408 = vector.shape_cast %xor3A_407 : vector<16xi32> to vector<16x1xi32>
      %gather3A_409 = vector.shape_cast %broadcast_in_dim3A_408 : vector<16x1xi32> to vector<16xi32>
      %gather3A_410 = tpu.dynamic_gather %add3A_403[%gather3A_409] in [0] : vector<16xf32>, vector<16xi32> -> vector<16xf32>
      %add3A_411 = arith.addf %add3A_403, %gather3A_410 : vector<16xf32>
      %iota3A_412 = tpu.iota {dimensions = array<i32: 0>} : vector<16xi32>
      %xor3A_413 = arith.constant 1 : i32
      %xor3A_414 = vector.broadcast %xor3A_413 : i32 to vector<16xi32>
      %xor3A_415 = arith.xori %iota3A_412, %xor3A_414 : vector<16xi32>
      %broadcast_in_dim3A_416 = vector.shape_cast %xor3A_415 : vector<16xi32> to vector<16x1xi32>
      %gather3A_417 = vector.shape_cast %broadcast_in_dim3A_416 : vector<16x1xi32> to vector<16xi32>
      %gather3A_418 = tpu.dynamic_gather %add3A_411[%gather3A_417] in [0] : vector<16xf32>, vector<16xi32> -> vector<16xf32>
      %add3A_419 = arith.addf %add3A_411, %gather3A_418 : vector<16xf32>
      %get3A_420 = arith.index_cast %scan3A_329 : i32 to index
      %get3A_421 = arith.constant 16 : index
      %get3A_422 = tpu.vector_load %arg16[%get3A_420, %get3A_421] {strides = array<i32>} : memref<40x128xf32, #tpu.memory_space<vmem>>, vector<1x16xf32>,
      %get3A_423 = vector.shape_cast %get3A_422 : vector<1x16xf32> to vector<16xf32>
      %mul3A_424 = arith.mulf %get3A_423, %add3A_419 : vector<16xf32>
      %swap3A_425 = arith.index_cast %scan3A_329 : i32 to index
      %swap3A_426 = arith.constant 16 : index
      %swap3A_427 = tpu.vector_load %arg20[%swap3A_425, %swap3A_426] {strides = array<i32>} : memref<40x128xf32, #tpu.memory_space<vmem>>, vector<1x16xf32>,
      %swap3A_428 = vector.shape_cast %swap3A_427 : vector<1x16xf32> to vector<16xf32>
      %swap3A_429 = vector.shape_cast %mul3A_424 : vector<16xf32> to vector<1x16xf32>
      tpu.vector_store %arg20[%swap3A_425, %swap3A_426], %swap3A_429 {strides = array<i32>} : memref<40x128xf32, #tpu.memory_space<vmem>>, vector<1x16xf32>,
      %get3A_430 = arith.index_cast %scan3A_329 : i32 to index
      %get3A_431 = arith.constant 32 : index
      %get3A_432 = tpu.vector_load %arg14[%get3A_430, %get3A_431] {strides = array<i32>} : memref<40x128xf32, #tpu.memory_space<vmem>>, vector<1x16xf32>,
      %get3A_433 = vector.shape_cast %get3A_432 : vector<1x16xf32> to vector<16xf32>
      %get3A_434 = arith.index_cast %scan3A_329 : i32 to index
      %get3A_435 = arith.constant 32 : index
      %get3A_436 = tpu.vector_load %arg18[%get3A_434, %get3A_435] {strides = array<i32>} : memref<40x128xf32, #tpu.memory_space<vmem>>, vector<1x16xf32>,
      %get3A_437 = vector.shape_cast %get3A_436 : vector<1x16xf32> to vector<16xf32>
      %mul3A_438 = arith.mulf %get3A_433, %get3A_437 : vector<16xf32>
      %iota3A_439 = tpu.iota {dimensions = array<i32: 0>} : vector<16xi32>
      %xor3A_440 = arith.constant 8 : i32
      %xor3A_441 = vector.broadcast %xor3A_440 : i32 to vector<16xi32>
      %xor3A_442 = arith.xori %iota3A_439, %xor3A_441 : vector<16xi32>
      %broadcast_in_dim3A_443 = vector.shape_cast %xor3A_442 : vector<16xi32> to vector<16x1xi32>
      %gather3A_444 = vector.shape_cast %broadcast_in_dim3A_443 : vector<16x1xi32> to vector<16xi32>
      %gather3A_445 = tpu.dynamic_gather %mul3A_438[%gather3A_444] in [0] : vector<16xf32>, vector<16xi32> -> vector<16xf32>
      %add3A_446 = arith.addf %mul3A_438, %gather3A_445 : vector<16xf32>
      %iota3A_447 = tpu.iota {dimensions = array<i32: 0>} : vector<16xi32>
      %xor3A_448 = arith.constant 4 : i32
      %xor3A_449 = vector.broadcast %xor3A_448 : i32 to vector<16xi32>
      %xor3A_450 = arith.xori %iota3A_447, %xor3A_449 : vector<16xi32>
      %broadcast_in_dim3A_451 = vector.shape_cast %xor3A_450 : vector<16xi32> to vector<16x1xi32>
      %gather3A_452 = vector.shape_cast %broadcast_in_dim3A_451 : vector<16x1xi32> to vector<16xi32>
      %gather3A_453 = tpu.dynamic_gather %add3A_446[%gather3A_452] in [0] : vector<16xf32>, vector<16xi32> -> vector<16xf32>
      %add3A_454 = arith.addf %add3A_446, %gather3A_453 : vector<16xf32>
      %iota3A_455 = tpu.iota {dimensions = array<i32: 0>} : vector<16xi32>
      %xor3A_456 = arith.constant 2 : i32
      %xor3A_457 = vector.broadcast %xor3A_456 : i32 to vector<16xi32>
      %xor3A_458 = arith.xori %iota3A_455, %xor3A_457 : vector<16xi32>
      %broadcast_in_dim3A_459 = vector.shape_cast %xor3A_458 : vector<16xi32> to vector<16x1xi32>
      %gather3A_460 = vector.shape_cast %broadcast_in_dim3A_459 : vector<16x1xi32> to vector<16xi32>
      %gather3A_461 = tpu.dynamic_gather %add3A_454[%gather3A_460] in [0] : vector<16xf32>, vector<16xi32> -> vector<16xf32>
      %add3A_462 = arith.addf %add3A_454, %gather3A_461 : vector<16xf32>
      %iota3A_463 = tpu.iota {dimensions = array<i32: 0>} : vector<16xi32>
      %xor3A_464 = arith.constant 1 : i32
      %xor3A_465 = vector.broadcast %xor3A_464 : i32 to vector<16xi32>
      %xor3A_466 = arith.xori %iota3A_463, %xor3A_465 : vector<16xi32>
      %broadcast_in_dim3A_467 = vector.shape_cast %xor3A_466 : vector<16xi32> to vector<16x1xi32>
      %gather3A_468 = vector.shape_cast %broadcast_in_dim3A_467 : vector<16x1xi32> to vector<16xi32>
      %gather3A_469 = tpu.dynamic_gather %add3A_462[%gather3A_468] in [0] : vector<16xf32>, vector<16xi32> -> vector<16xf32>
      %add3A_470 = arith.addf %add3A_462, %gather3A_469 : vector<16xf32>
      %get3A_471 = arith.index_cast %scan3A_329 : i32 to index
      %get3A_472 = arith.constant 32 : index
      %get3A_473 = tpu.vector_load %arg16[%get3A_471, %get3A_472] {strides = array<i32>} : memref<40x128xf32, #tpu.memory_space<vmem>>, vector<1x16xf32>,
      %get3A_474 = vector.shape_cast %get3A_473 : vector<1x16xf32> to vector<16xf32>
      %mul3A_475 = arith.mulf %get3A_474, %add3A_470 : vector<16xf32>
      %swap3A_476 = arith.index_cast %scan3A_329 : i32 to index
      %swap3A_477 = arith.constant 32 : index
      %swap3A_478 = tpu.vector_load %arg20[%swap3A_476, %swap3A_477] {strides = array<i32>} : memref<40x128xf32, #tpu.memory_space<vmem>>, vector<1x16xf32>,
      %swap3A_479 = vector.shape_cast %swap3A_478 : vector<1x16xf32> to vector<16xf32>
      %swap3A_480 = vector.shape_cast %mul3A_475 : vector<16xf32> to vector<1x16xf32>
      tpu.vector_store %arg20[%swap3A_476, %swap3A_477], %swap3A_480 {strides = array<i32>} : memref<40x128xf32, #tpu.memory_space<vmem>>, vector<1x16xf32>,
      %get3A_481 = arith.index_cast %scan3A_329 : i32 to index
      %get3A_482 = arith.constant 48 : index
      %get3A_483 = tpu.vector_load %arg14[%get3A_481, %get3A_482] {strides = array<i32>} : memref<40x128xf32, #tpu.memory_space<vmem>>, vector<1x16xf32>,
      %get3A_484 = vector.shape_cast %get3A_483 : vector<1x16xf32> to vector<16xf32>
      %get3A_485 = arith.index_cast %scan3A_329 : i32 to index
      %get3A_486 = arith.constant 48 : index
      %get3A_487 = tpu.vector_load %arg18[%get3A_485, %get3A_486] {strides = array<i32>} : memref<40x128xf32, #tpu.memory_space<vmem>>, vector<1x16xf32>,
      %get3A_488 = vector.shape_cast %get3A_487 : vector<1x16xf32> to vector<16xf32>
      %mul3A_489 = arith.mulf %get3A_484, %get3A_488 : vector<16xf32>
      %iota3A_490 = tpu.iota {dimensions = array<i32: 0>} : vector<16xi32>
      %xor3A_491 = arith.constant 8 : i32
      %xor3A_492 = vector.broadcast %xor3A_491 : i32 to vector<16xi32>
      %xor3A_493 = arith.xori %iota3A_490, %xor3A_492 : vector<16xi32>
      %broadcast_in_dim3A_494 = vector.shape_cast %xor3A_493 : vector<16xi32> to vector<16x1xi32>
      %gather3A_495 = vector.shape_cast %broadcast_in_dim3A_494 : vector<16x1xi32> to vector<16xi32>
      %gather3A_496 = tpu.dynamic_gather %mul3A_489[%gather3A_495] in [0] : vector<16xf32>, vector<16xi32> -> vector<16xf32>
      %add3A_497 = arith.addf %mul3A_489, %gather3A_496 : vector<16xf32>
      %iota3A_498 = tpu.iota {dimensions = array<i32: 0>} : vector<16xi32>
      %xor3A_499 = arith.constant 4 : i32
      %xor3A_500 = vector.broadcast %xor3A_499 : i32 to vector<16xi32>
      %xor3A_501 = arith.xori %iota3A_498, %xor3A_500 : vector<16xi32>
      %broadcast_in_dim3A_502 = vector.shape_cast %xor3A_501 : vector<16xi32> to vector<16x1xi32>
      %gather3A_503 = vector.shape_cast %broadcast_in_dim3A_502 : vector<16x1xi32> to vector<16xi32>
      %gather3A_504 = tpu.dynamic_gather %add3A_497[%gather3A_503] in [0] : vector<16xf32>, vector<16xi32> -> vector<16xf32>
      %add3A_505 = arith.addf %add3A_497, %gather3A_504 : vector<16xf32>
      %iota3A_506 = tpu.iota {dimensions = array<i32: 0>} : vector<16xi32>
      %xor3A_507 = arith.constant 2 : i32
      %xor3A_508 = vector.broadcast %xor3A_507 : i32 to vector<16xi32>
      %xor3A_509 = arith.xori %iota3A_506, %xor3A_508 : vector<16xi32>
      %broadcast_in_dim3A_510 = vector.shape_cast %xor3A_509 : vector<16xi32> to vector<16x1xi32>
      %gather3A_511 = vector.shape_cast %broadcast_in_dim3A_510 : vector<16x1xi32> to vector<16xi32>
      %gather3A_512 = tpu.dynamic_gather %add3A_505[%gather3A_511] in [0] : vector<16xf32>, vector<16xi32> -> vector<16xf32>
      %add3A_513 = arith.addf %add3A_505, %gather3A_512 : vector<16xf32>
      %iota3A_514 = tpu.iota {dimensions = array<i32: 0>} : vector<16xi32>
      %xor3A_515 = arith.constant 1 : i32
      %xor3A_516 = vector.broadcast %xor3A_515 : i32 to vector<16xi32>
      %xor3A_517 = arith.xori %iota3A_514, %xor3A_516 : vector<16xi32>
      %broadcast_in_dim3A_518 = vector.shape_cast %xor3A_517 : vector<16xi32> to vector<16x1xi32>
      %gather3A_519 = vector.shape_cast %broadcast_in_dim3A_518 : vector<16x1xi32> to vector<16xi32>
      %gather3A_520 = tpu.dynamic_gather %add3A_513[%gather3A_519] in [0] : vector<16xf32>, vector<16xi32> -> vector<16xf32>
      %add3A_521 = arith.addf %add3A_513, %gather3A_520 : vector<16xf32>
      %get3A_522 = arith.index_cast %scan3A_329 : i32 to index
      %get3A_523 = arith.constant 48 : index
      %get3A_524 = tpu.vector_load %arg16[%get3A_522, %get3A_523] {strides = array<i32>} : memref<40x128xf32, #tpu.memory_space<vmem>>, vector<1x16xf32>,
      %get3A_525 = vector.shape_cast %get3A_524 : vector<1x16xf32> to vector<16xf32>
      %mul3A_526 = arith.mulf %get3A_525, %add3A_521 : vector<16xf32>
      %swap3A_527 = arith.index_cast %scan3A_329 : i32 to index
      %swap3A_528 = arith.constant 48 : index
      %swap3A_529 = tpu.vector_load %arg20[%swap3A_527, %swap3A_528] {strides = array<i32>} : memref<40x128xf32, #tpu.memory_space<vmem>>, vector<1x16xf32>,
      %swap3A_530 = vector.shape_cast %swap3A_529 : vector<1x16xf32> to vector<16xf32>
      %swap3A_531 = vector.shape_cast %mul3A_526 : vector<16xf32> to vector<1x16xf32>
      tpu.vector_store %arg20[%swap3A_527, %swap3A_528], %swap3A_531 {strides = array<i32>} : memref<40x128xf32, #tpu.memory_space<vmem>>, vector<1x16xf32>,
      %get3A_532 = arith.index_cast %scan3A_329 : i32 to index
      %get3A_533 = arith.constant 64 : index
      %get3A_534 = tpu.vector_load %arg14[%get3A_532, %get3A_533] {strides = array<i32>} : memref<40x128xf32, #tpu.memory_space<vmem>>, vector<1x16xf32>,
      %get3A_535 = vector.shape_cast %get3A_534 : vector<1x16xf32> to vector<16xf32>
      %get3A_536 = arith.index_cast %scan3A_329 : i32 to index
      %get3A_537 = arith.constant 64 : index
      %get3A_538 = tpu.vector_load %arg18[%get3A_536, %get3A_537] {strides = array<i32>} : memref<40x128xf32, #tpu.memory_space<vmem>>, vector<1x16xf32>,
      %get3A_539 = vector.shape_cast %get3A_538 : vector<1x16xf32> to vector<16xf32>
      %mul3A_540 = arith.mulf %get3A_535, %get3A_539 : vector<16xf32>
      %iota3A_541 = tpu.iota {dimensions = array<i32: 0>} : vector<16xi32>
      %xor3A_542 = arith.constant 8 : i32
      %xor3A_543 = vector.broadcast %xor3A_542 : i32 to vector<16xi32>
      %xor3A_544 = arith.xori %iota3A_541, %xor3A_543 : vector<16xi32>
      %broadcast_in_dim3A_545 = vector.shape_cast %xor3A_544 : vector<16xi32> to vector<16x1xi32>
      %gather3A_546 = vector.shape_cast %broadcast_in_dim3A_545 : vector<16x1xi32> to vector<16xi32>
      %gather3A_547 = tpu.dynamic_gather %mul3A_540[%gather3A_546] in [0] : vector<16xf32>, vector<16xi32> -> vector<16xf32>
      %add3A_548 = arith.addf %mul3A_540, %gather3A_547 : vector<16xf32>
      %iota3A_549 = tpu.iota {dimensions = array<i32: 0>} : vector<16xi32>
      %xor3A_550 = arith.constant 4 : i32
      %xor3A_551 = vector.broadcast %xor3A_550 : i32 to vector<16xi32>
      %xor3A_552 = arith.xori %iota3A_549, %xor3A_551 : vector<16xi32>
      %broadcast_in_dim3A_553 = vector.shape_cast %xor3A_552 : vector<16xi32> to vector<16x1xi32>
      %gather3A_554 = vector.shape_cast %broadcast_in_dim3A_553 : vector<16x1xi32> to vector<16xi32>
      %gather3A_555 = tpu.dynamic_gather %add3A_548[%gather3A_554] in [0] : vector<16xf32>, vector<16xi32> -> vector<16xf32>
      %add3A_556 = arith.addf %add3A_548, %gather3A_555 : vector<16xf32>
      %iota3A_557 = tpu.iota {dimensions = array<i32: 0>} : vector<16xi32>
      %xor3A_558 = arith.constant 2 : i32
      %xor3A_559 = vector.broadcast %xor3A_558 : i32 to vector<16xi32>
      %xor3A_560 = arith.xori %iota3A_557, %xor3A_559 : vector<16xi32>
      %broadcast_in_dim3A_561 = vector.shape_cast %xor3A_560 : vector<16xi32> to vector<16x1xi32>
      %gather3A_562 = vector.shape_cast %broadcast_in_dim3A_561 : vector<16x1xi32> to vector<16xi32>
      %gather3A_563 = tpu.dynamic_gather %add3A_556[%gather3A_562] in [0] : vector<16xf32>, vector<16xi32> -> vector<16xf32>
      %add3A_564 = arith.addf %add3A_556, %gather3A_563 : vector<16xf32>
      %iota3A_565 = tpu.iota {dimensions = array<i32: 0>} : vector<16xi32>
      %xor3A_566 = arith.constant 1 : i32
      %xor3A_567 = vector.broadcast %xor3A_566 : i32 to vector<16xi32>
      %xor3A_568 = arith.xori %iota3A_565, %xor3A_567 : vector<16xi32>
      %broadcast_in_dim3A_569 = vector.shape_cast %xor3A_568 : vector<16xi32> to vector<16x1xi32>
      %gather3A_570 = vector.shape_cast %broadcast_in_dim3A_569 : vector<16x1xi32> to vector<16xi32>
      %gather3A_571 = tpu.dynamic_gather %add3A_564[%gather3A_570] in [0] : vector<16xf32>, vector<16xi32> -> vector<16xf32>
      %add3A_572 = arith.addf %add3A_564, %gather3A_571 : vector<16xf32>
      %get3A_573 = arith.index_cast %scan3A_329 : i32 to index
      %get3A_574 = arith.constant 64 : index
      %get3A_575 = tpu.vector_load %arg16[%get3A_573, %get3A_574] {strides = array<i32>} : memref<40x128xf32, #tpu.memory_space<vmem>>, vector<1x16xf32>,
      %get3A_576 = vector.shape_cast %get3A_575 : vector<1x16xf32> to vector<16xf32>
      %mul3A_577 = arith.mulf %get3A_576, %add3A_572 : vector<16xf32>
      %swap3A_578 = arith.index_cast %scan3A_329 : i32 to index
      %swap3A_579 = arith.constant 64 : index
      %swap3A_580 = tpu.vector_load %arg20[%swap3A_578, %swap3A_579] {strides = array<i32>} : memref<40x128xf32, #tpu.memory_space<vmem>>, vector<1x16xf32>,
      %swap3A_581 = vector.shape_cast %swap3A_580 : vector<1x16xf32> to vector<16xf32>
      %swap3A_582 = vector.shape_cast %mul3A_577 : vector<16xf32> to vector<1x16xf32>
      tpu.vector_store %arg20[%swap3A_578, %swap3A_579], %swap3A_582 {strides = array<i32>} : memref<40x128xf32, #tpu.memory_space<vmem>>, vector<1x16xf32>,
      %get3A_583 = arith.index_cast %scan3A_329 : i32 to index
      %get3A_584 = arith.constant 80 : index
      %get3A_585 = tpu.vector_load %arg14[%get3A_583, %get3A_584] {strides = array<i32>} : memref<40x128xf32, #tpu.memory_space<vmem>>, vector<1x16xf32>,
      %get3A_586 = vector.shape_cast %get3A_585 : vector<1x16xf32> to vector<16xf32>
      %get3A_587 = arith.index_cast %scan3A_329 : i32 to index
      %get3A_588 = arith.constant 80 : index
      %get3A_589 = tpu.vector_load %arg18[%get3A_587, %get3A_588] {strides = array<i32>} : memref<40x128xf32, #tpu.memory_space<vmem>>, vector<1x16xf32>,
      %get3A_590 = vector.shape_cast %get3A_589 : vector<1x16xf32> to vector<16xf32>
      %mul3A_591 = arith.mulf %get3A_586, %get3A_590 : vector<16xf32>
      %iota3A_592 = tpu.iota {dimensions = array<i32: 0>} : vector<16xi32>
      %xor3A_593 = arith.constant 8 : i32
      %xor3A_594 = vector.broadcast %xor3A_593 : i32 to vector<16xi32>
      %xor3A_595 = arith.xori %iota3A_592, %xor3A_594 : vector<16xi32>
      %broadcast_in_dim3A_596 = vector.shape_cast %xor3A_595 : vector<16xi32> to vector<16x1xi32>
      %gather3A_597 = vector.shape_cast %broadcast_in_dim3A_596 : vector<16x1xi32> to vector<16xi32>
      %gather3A_598 = tpu.dynamic_gather %mul3A_591[%gather3A_597] in [0] : vector<16xf32>, vector<16xi32> -> vector<16xf32>
      %add3A_599 = arith.addf %mul3A_591, %gather3A_598 : vector<16xf32>
      %iota3A_600 = tpu.iota {dimensions = array<i32: 0>} : vector<16xi32>
      %xor3A_601 = arith.constant 4 : i32
      %xor3A_602 = vector.broadcast %xor3A_601 : i32 to vector<16xi32>
      %xor3A_603 = arith.xori %iota3A_600, %xor3A_602 : vector<16xi32>
      %broadcast_in_dim3A_604 = vector.shape_cast %xor3A_603 : vector<16xi32> to vector<16x1xi32>
      %gather3A_605 = vector.shape_cast %broadcast_in_dim3A_604 : vector<16x1xi32> to vector<16xi32>
      %gather3A_606 = tpu.dynamic_gather %add3A_599[%gather3A_605] in [0] : vector<16xf32>, vector<16xi32> -> vector<16xf32>
      %add3A_607 = arith.addf %add3A_599, %gather3A_606 : vector<16xf32>
      %iota3A_608 = tpu.iota {dimensions = array<i32: 0>} : vector<16xi32>
      %xor3A_609 = arith.constant 2 : i32
      %xor3A_610 = vector.broadcast %xor3A_609 : i32 to vector<16xi32>
      %xor3A_611 = arith.xori %iota3A_608, %xor3A_610 : vector<16xi32>
      %broadcast_in_dim3A_612 = vector.shape_cast %xor3A_611 : vector<16xi32> to vector<16x1xi32>
      %gather3A_613 = vector.shape_cast %broadcast_in_dim3A_612 : vector<16x1xi32> to vector<16xi32>
      %gather3A_614 = tpu.dynamic_gather %add3A_607[%gather3A_613] in [0] : vector<16xf32>, vector<16xi32> -> vector<16xf32>
      %add3A_615 = arith.addf %add3A_607, %gather3A_614 : vector<16xf32>
      %iota3A_616 = tpu.iota {dimensions = array<i32: 0>} : vector<16xi32>
      %xor3A_617 = arith.constant 1 : i32
      %xor3A_618 = vector.broadcast %xor3A_617 : i32 to vector<16xi32>
      %xor3A_619 = arith.xori %iota3A_616, %xor3A_618 : vector<16xi32>
      %broadcast_in_dim3A_620 = vector.shape_cast %xor3A_619 : vector<16xi32> to vector<16x1xi32>
      %gather3A_621 = vector.shape_cast %broadcast_in_dim3A_620 : vector<16x1xi32> to vector<16xi32>
      %gather3A_622 = tpu.dynamic_gather %add3A_615[%gather3A_621] in [0] : vector<16xf32>, vector<16xi32> -> vector<16xf32>
      %add3A_623 = arith.addf %add3A_615, %gather3A_622 : vector<16xf32>
      %get3A_624 = arith.index_cast %scan3A_329 : i32 to index
      %get3A_625 = arith.constant 80 : index
      %get3A_626 = tpu.vector_load %arg16[%get3A_624, %get3A_625] {strides = array<i32>} : memref<40x128xf32, #tpu.memory_space<vmem>>, vector<1x16xf32>,
      %get3A_627 = vector.shape_cast %get3A_626 : vector<1x16xf32> to vector<16xf32>
      %mul3A_628 = arith.mulf %get3A_627, %add3A_623 : vector<16xf32>
      %swap3A_629 = arith.index_cast %scan3A_329 : i32 to index
      %swap3A_630 = arith.constant 80 : index
      %swap3A_631 = tpu.vector_load %arg20[%swap3A_629, %swap3A_630] {strides = array<i32>} : memref<40x128xf32, #tpu.memory_space<vmem>>, vector<1x16xf32>,
      %swap3A_632 = vector.shape_cast %swap3A_631 : vector<1x16xf32> to vector<16xf32>
      %swap3A_633 = vector.shape_cast %mul3A_628 : vector<16xf32> to vector<1x16xf32>
      tpu.vector_store %arg20[%swap3A_629, %swap3A_630], %swap3A_633 {strides = array<i32>} : memref<40x128xf32, #tpu.memory_space<vmem>>, vector<1x16xf32>,
      %get3A_634 = arith.index_cast %scan3A_329 : i32 to index
      %get3A_635 = arith.constant 96 : index
      %get3A_636 = tpu.vector_load %arg14[%get3A_634, %get3A_635] {strides = array<i32>} : memref<40x128xf32, #tpu.memory_space<vmem>>, vector<1x16xf32>,
      %get3A_637 = vector.shape_cast %get3A_636 : vector<1x16xf32> to vector<16xf32>
      %get3A_638 = arith.index_cast %scan3A_329 : i32 to index
      %get3A_639 = arith.constant 96 : index
      %get3A_640 = tpu.vector_load %arg18[%get3A_638, %get3A_639] {strides = array<i32>} : memref<40x128xf32, #tpu.memory_space<vmem>>, vector<1x16xf32>,
      %get3A_641 = vector.shape_cast %get3A_640 : vector<1x16xf32> to vector<16xf32>
      %mul3A_642 = arith.mulf %get3A_637, %get3A_641 : vector<16xf32>
      %iota3A_643 = tpu.iota {dimensions = array<i32: 0>} : vector<16xi32>
      %xor3A_644 = arith.constant 8 : i32
      %xor3A_645 = vector.broadcast %xor3A_644 : i32 to vector<16xi32>
      %xor3A_646 = arith.xori %iota3A_643, %xor3A_645 : vector<16xi32>
      %broadcast_in_dim3A_647 = vector.shape_cast %xor3A_646 : vector<16xi32> to vector<16x1xi32>
      %gather3A_648 = vector.shape_cast %broadcast_in_dim3A_647 : vector<16x1xi32> to vector<16xi32>
      %gather3A_649 = tpu.dynamic_gather %mul3A_642[%gather3A_648] in [0] : vector<16xf32>, vector<16xi32> -> vector<16xf32>
      %add3A_650 = arith.addf %mul3A_642, %gather3A_649 : vector<16xf32>
      %iota3A_651 = tpu.iota {dimensions = array<i32: 0>} : vector<16xi32>
      %xor3A_652 = arith.constant 4 : i32
      %xor3A_653 = vector.broadcast %xor3A_652 : i32 to vector<16xi32>
      %xor3A_654 = arith.xori %iota3A_651, %xor3A_653 : vector<16xi32>
      %broadcast_in_dim3A_655 = vector.shape_cast %xor3A_654 : vector<16xi32> to vector<16x1xi32>
      %gather3A_656 = vector.shape_cast %broadcast_in_dim3A_655 : vector<16x1xi32> to vector<16xi32>
      %gather3A_657 = tpu.dynamic_gather %add3A_650[%gather3A_656] in [0] : vector<16xf32>, vector<16xi32> -> vector<16xf32>
      %add3A_658 = arith.addf %add3A_650, %gather3A_657 : vector<16xf32>
      %iota3A_659 = tpu.iota {dimensions = array<i32: 0>} : vector<16xi32>
      %xor3A_660 = arith.constant 2 : i32
      %xor3A_661 = vector.broadcast %xor3A_660 : i32 to vector<16xi32>
      %xor3A_662 = arith.xori %iota3A_659, %xor3A_661 : vector<16xi32>
      %broadcast_in_dim3A_663 = vector.shape_cast %xor3A_662 : vector<16xi32> to vector<16x1xi32>
      %gather3A_664 = vector.shape_cast %broadcast_in_dim3A_663 : vector<16x1xi32> to vector<16xi32>
      %gather3A_665 = tpu.dynamic_gather %add3A_658[%gather3A_664] in [0] : vector<16xf32>, vector<16xi32> -> vector<16xf32>
      %add3A_666 = arith.addf %add3A_658, %gather3A_665 : vector<16xf32>
      %iota3A_667 = tpu.iota {dimensions = array<i32: 0>} : vector<16xi32>
      %xor3A_668 = arith.constant 1 : i32
      %xor3A_669 = vector.broadcast %xor3A_668 : i32 to vector<16xi32>
      %xor3A_670 = arith.xori %iota3A_667, %xor3A_669 : vector<16xi32>
      %broadcast_in_dim3A_671 = vector.shape_cast %xor3A_670 : vector<16xi32> to vector<16x1xi32>
      %gather3A_672 = vector.shape_cast %broadcast_in_dim3A_671 : vector<16x1xi32> to vector<16xi32>
      %gather3A_673 = tpu.dynamic_gather %add3A_666[%gather3A_672] in [0] : vector<16xf32>, vector<16xi32> -> vector<16xf32>
      %add3A_674 = arith.addf %add3A_666, %gather3A_673 : vector<16xf32>
      %get3A_675 = arith.index_cast %scan3A_329 : i32 to index
      %get3A_676 = arith.constant 96 : index
      %get3A_677 = tpu.vector_load %arg16[%get3A_675, %get3A_676] {strides = array<i32>} : memref<40x128xf32, #tpu.memory_space<vmem>>, vector<1x16xf32>,
      %get3A_678 = vector.shape_cast %get3A_677 : vector<1x16xf32> to vector<16xf32>
      %mul3A_679 = arith.mulf %get3A_678, %add3A_674 : vector<16xf32>
      %swap3A_680 = arith.index_cast %scan3A_329 : i32 to index
      %swap3A_681 = arith.constant 96 : index
      %swap3A_682 = tpu.vector_load %arg20[%swap3A_680, %swap3A_681] {strides = array<i32>} : memref<40x128xf32, #tpu.memory_space<vmem>>, vector<1x16xf32>,
      %swap3A_683 = vector.shape_cast %swap3A_682 : vector<1x16xf32> to vector<16xf32>
      %swap3A_684 = vector.shape_cast %mul3A_679 : vector<16xf32> to vector<1x16xf32>
      tpu.vector_store %arg20[%swap3A_680, %swap3A_681], %swap3A_684 {strides = array<i32>} : memref<40x128xf32, #tpu.memory_space<vmem>>, vector<1x16xf32>,
      %get3A_685 = arith.index_cast %scan3A_329 : i32 to index
      %get3A_686 = arith.constant 112 : index
      %get3A_687 = tpu.vector_load %arg14[%get3A_685, %get3A_686] {strides = array<i32>} : memref<40x128xf32, #tpu.memory_space<vmem>>, vector<1x16xf32>,
      %get3A_688 = vector.shape_cast %get3A_687 : vector<1x16xf32> to vector<16xf32>
      %get3A_689 = arith.index_cast %scan3A_329 : i32 to index
      %get3A_690 = arith.constant 112 : index
      %get3A_691 = tpu.vector_load %arg18[%get3A_689, %get3A_690] {strides = array<i32>} : memref<40x128xf32, #tpu.memory_space<vmem>>, vector<1x16xf32>,
      %get3A_692 = vector.shape_cast %get3A_691 : vector<1x16xf32> to vector<16xf32>
      %mul3A_693 = arith.mulf %get3A_688, %get3A_692 : vector<16xf32>
      %iota3A_694 = tpu.iota {dimensions = array<i32: 0>} : vector<16xi32>
      %xor3A_695 = arith.constant 8 : i32
      %xor3A_696 = vector.broadcast %xor3A_695 : i32 to vector<16xi32>
      %xor3A_697 = arith.xori %iota3A_694, %xor3A_696 : vector<16xi32>
      %broadcast_in_dim3A_698 = vector.shape_cast %xor3A_697 : vector<16xi32> to vector<16x1xi32>
      %gather3A_699 = vector.shape_cast %broadcast_in_dim3A_698 : vector<16x1xi32> to vector<16xi32>
      %gather3A_700 = tpu.dynamic_gather %mul3A_693[%gather3A_699] in [0] : vector<16xf32>, vector<16xi32> -> vector<16xf32>
      %add3A_701 = arith.addf %mul3A_693, %gather3A_700 : vector<16xf32>
      %iota3A_702 = tpu.iota {dimensions = array<i32: 0>} : vector<16xi32>
      %xor3A_703 = arith.constant 4 : i32
      %xor3A_704 = vector.broadcast %xor3A_703 : i32 to vector<16xi32>
      %xor3A_705 = arith.xori %iota3A_702, %xor3A_704 : vector<16xi32>
      %broadcast_in_dim3A_706 = vector.shape_cast %xor3A_705 : vector<16xi32> to vector<16x1xi32>
      %gather3A_707 = vector.shape_cast %broadcast_in_dim3A_706 : vector<16x1xi32> to vector<16xi32>
      %gather3A_708 = tpu.dynamic_gather %add3A_701[%gather3A_707] in [0] : vector<16xf32>, vector<16xi32> -> vector<16xf32>
      %add3A_709 = arith.addf %add3A_701, %gather3A_708 : vector<16xf32>
      %iota3A_710 = tpu.iota {dimensions = array<i32: 0>} : vector<16xi32>
      %xor3A_711 = arith.constant 2 : i32
      %xor3A_712 = vector.broadcast %xor3A_711 : i32 to vector<16xi32>
      %xor3A_713 = arith.xori %iota3A_710, %xor3A_712 : vector<16xi32>
      %broadcast_in_dim3A_714 = vector.shape_cast %xor3A_713 : vector<16xi32> to vector<16x1xi32>
      %gather3A_715 = vector.shape_cast %broadcast_in_dim3A_714 : vector<16x1xi32> to vector<16xi32>
      %gather3A_716 = tpu.dynamic_gather %add3A_709[%gather3A_715] in [0] : vector<16xf32>, vector<16xi32> -> vector<16xf32>
      %add3A_717 = arith.addf %add3A_709, %gather3A_716 : vector<16xf32>
      %iota3A_718 = tpu.iota {dimensions = array<i32: 0>} : vector<16xi32>
      %xor3A_719 = arith.constant 1 : i32
      %xor3A_720 = vector.broadcast %xor3A_719 : i32 to vector<16xi32>
      %xor3A_721 = arith.xori %iota3A_718, %xor3A_720 : vector<16xi32>
      %broadcast_in_dim3A_722 = vector.shape_cast %xor3A_721 : vector<16xi32> to vector<16x1xi32>
      %gather3A_723 = vector.shape_cast %broadcast_in_dim3A_722 : vector<16x1xi32> to vector<16xi32>
      %gather3A_724 = tpu.dynamic_gather %add3A_717[%gather3A_723] in [0] : vector<16xf32>, vector<16xi32> -> vector<16xf32>
      %add3A_725 = arith.addf %add3A_717, %gather3A_724 : vector<16xf32>
      %get3A_726 = arith.index_cast %scan3A_329 : i32 to index
      %get3A_727 = arith.constant 112 : index
      %get3A_728 = tpu.vector_load %arg16[%get3A_726, %get3A_727] {strides = array<i32>} : memref<40x128xf32, #tpu.memory_space<vmem>>, vector<1x16xf32>,
      %get3A_729 = vector.shape_cast %get3A_728 : vector<1x16xf32> to vector<16xf32>
      %mul3A_730 = arith.mulf %get3A_729, %add3A_725 : vector<16xf32>
      %swap3A_731 = arith.index_cast %scan3A_329 : i32 to index
      %swap3A_732 = arith.constant 112 : index
      %swap3A_733 = tpu.vector_load %arg20[%swap3A_731, %swap3A_732] {strides = array<i32>} : memref<40x128xf32, #tpu.memory_space<vmem>>, vector<1x16xf32>,
      %swap3A_734 = vector.shape_cast %swap3A_733 : vector<1x16xf32> to vector<16xf32>
      %swap3A_735 = vector.shape_cast %mul3A_730 : vector<16xf32> to vector<1x16xf32>
      tpu.vector_store %arg20[%swap3A_731, %swap3A_732], %swap3A_735 {strides = array<i32>} : memref<40x128xf32, #tpu.memory_space<vmem>>, vector<1x16xf32>,
      %scan3A_736 = arith.constant 0 : i32
      scf.yield %scan3A_736 : i32
    }
    %scan3A_131 = arith.constant 40 : i32
    %dma_start3A_132 = arith.constant 0 : i32
    %dma_start3A_133 = arith.constant 0 : i32
    %dma_start3A_134 = tpu.memref_slice %arg22[%dma_start3A_132, %dma_start3A_133] : memref<10000x128xf32, #tpu.memory_space<vmem_shared>> -> memref<10000x128xf32, #tpu.memory_space<vmem_shared>>
    tpu.enqueue_indirect_dma source(%arg20 : memref<40x128xf32, #tpu.memory_space<vmem>>) target(%dma_start3A_134 : memref<10000x128xf32, #tpu.memory_space<vmem_shared>>) offsets(%arg12 : memref<40xi32, #tpu.memory_space<vmem>>) semaphore(%arg27 : memref<!tpu.dma_semaphore, #tpu.memory_space<semaphore_mem>>) {add = true}
    %dma_wait3A_135 = arith.constant 0 : i32
    %dma_wait3A_136 = arith.constant 0 : i32
    %dma_wait3A_137 = tpu.memref_slice %arg5[%dma_wait3A_135, %dma_wait3A_136] : memref<10000x128xf32, #tpu.memory_space<hbm>> -> memref<10000x128xf32, #tpu.memory_space<hbm>>
    tpu.wait_indirect_dma semaphore(%arg26 : memref<!tpu.dma_semaphore, #tpu.memory_space<semaphore_mem>>) src(%dma_wait3A_137 : memref<10000x128xf32, #tpu.memory_space<hbm>>) dst(%arg15 : memref<40x128xf32, #tpu.memory_space<vmem>>)
    %dma_wait3A_138 = arith.constant 0 : i32
    %dma_wait3A_139 = arith.constant 0 : i32
    %dma_wait3A_140 = tpu.memref_slice %arg6[%dma_wait3A_138, %dma_wait3A_139] : memref<10000x128xf32, #tpu.memory_space<hbm>> -> memref<10000x128xf32, #tpu.memory_space<hbm>>
    tpu.wait_indirect_dma semaphore(%arg26 : memref<!tpu.dma_semaphore, #tpu.memory_space<semaphore_mem>>) src(%dma_wait3A_140 : memref<10000x128xf32, #tpu.memory_space<hbm>>) dst(%arg17 : memref<40x128xf32, #tpu.memory_space<vmem>>)
    %dma_wait3A_141 = arith.constant 0 : i32
    %dma_wait3A_142 = arith.constant 0 : i32
    %dma_wait3A_143 = tpu.memref_slice %arg4[%dma_wait3A_141, %dma_wait3A_142] : memref<10000x128xf32, #tpu.memory_space<hbm>> -> memref<10000x128xf32, #tpu.memory_space<hbm>>
    tpu.wait_indirect_dma semaphore(%arg26 : memref<!tpu.dma_semaphore, #tpu.memory_space<semaphore_mem>>) src(%dma_wait3A_143 : memref<10000x128xf32, #tpu.memory_space<hbm>>) dst(%arg19 : memref<40x128xf32, #tpu.memory_space<vmem>>)
    %get3A_144 = arith.constant 0 : index
    %get3A_145 = tpu.vector_load %arg11[%get3A_144] {strides = array<i32>} : memref<40xi32, #tpu.memory_space<vmem>>, vector<16xi32>,
    %get3A_146 = vector.shape_cast %get3A_145 : vector<16xi32> to vector<16xi32>
    %swap3A_147 = arith.constant 0 : index
    %swap3A_148 = tpu.vector_load %arg13[%swap3A_147] {strides = array<i32>} : memref<40xi32, #tpu.memory_space<vmem>>, vector<16xi32>,
    %swap3A_149 = vector.shape_cast %swap3A_148 : vector<16xi32> to vector<16xi32>
    %swap3A_150 = vector.shape_cast %get3A_146 : vector<16xi32> to vector<16xi32>
    tpu.vector_store %arg13[%swap3A_147], %swap3A_150 {strides = array<i32>} : memref<40xi32, #tpu.memory_space<vmem>>, vector<16xi32>,
    %get3A_151 = arith.constant 16 : index
    %get3A_152 = tpu.vector_load %arg11[%get3A_151] {strides = array<i32>} : memref<40xi32, #tpu.memory_space<vmem>>, vector<16xi32>,
    %get3A_153 = vector.shape_cast %get3A_152 : vector<16xi32> to vector<16xi32>
    %swap3A_154 = arith.constant 16 : index
    %swap3A_155 = tpu.vector_load %arg13[%swap3A_154] {strides = array<i32>} : memref<40xi32, #tpu.memory_space<vmem>>, vector<16xi32>,
    %swap3A_156 = vector.shape_cast %swap3A_155 : vector<16xi32> to vector<16xi32>
    %swap3A_157 = vector.shape_cast %get3A_153 : vector<16xi32> to vector<16xi32>
    tpu.vector_store %arg13[%swap3A_154], %swap3A_157 {strides = array<i32>} : memref<40xi32, #tpu.memory_space<vmem>>, vector<16xi32>,
    %get3A_158 = arith.constant 24 : index
    %get3A_159 = tpu.vector_load %arg11[%get3A_158] {strides = array<i32>} : memref<40xi32, #tpu.memory_space<vmem>>, vector<16xi32>,
    %get3A_160 = vector.shape_cast %get3A_159 : vector<16xi32> to vector<16xi32>
    %swap3A_161 = arith.constant 24 : index
    %swap3A_162 = tpu.vector_load %arg13[%swap3A_161] {strides = array<i32>} : memref<40xi32, #tpu.memory_space<vmem>>, vector<16xi32>,
    %swap3A_163 = vector.shape_cast %swap3A_162 : vector<16xi32> to vector<16xi32>
    %swap3A_164 = vector.shape_cast %get3A_160 : vector<16xi32> to vector<16xi32>
    tpu.vector_store %arg13[%swap3A_161], %swap3A_164 {strides = array<i32>} : memref<40xi32, #tpu.memory_space<vmem>>, vector<16xi32>,
    %add3A_165 = arith.constant 120 : i32
    %add3A_166 = arith.addi %mul3A_2, %add3A_165 : i32
    %dma_start3A_167 = tpu.memref_slice %arg2[%add3A_166] : memref<320000xi32, #tpu.memory_space<hbm>> -> memref<40xi32, #tpu.memory_space<hbm>>
    %dma_start3A_168 = tpu.memref_slice %arg2[%add3A_166] : memref<320000xi32, #tpu.memory_space<hbm>> -> memref<40xi32, #tpu.memory_space<hbm>>
    tpu.enqueue_dma source(%dma_start3A_168 : memref<40xi32, #tpu.memory_space<hbm>>) target(%arg9 : memref<40xi32, #tpu.memory_space<vmem>>) target_semaphore(%arg24 : memref<!tpu.dma_semaphore, #tpu.memory_space<semaphore_mem>>)
    %add3A_169 = arith.constant 120 : i32
    %add3A_170 = arith.addi %mul3A_2, %add3A_169 : i32
    %dma_start3A_171 = tpu.memref_slice %arg3[%add3A_170] : memref<320000xi32, #tpu.memory_space<hbm>> -> memref<40xi32, #tpu.memory_space<hbm>>
    %dma_start3A_172 = tpu.memref_slice %arg3[%add3A_170] : memref<320000xi32, #tpu.memory_space<hbm>> -> memref<40xi32, #tpu.memory_space<hbm>>
    tpu.enqueue_dma source(%dma_start3A_172 : memref<40xi32, #tpu.memory_space<hbm>>) target(%arg11 : memref<40xi32, #tpu.memory_space<vmem>>) target_semaphore(%arg24 : memref<!tpu.dma_semaphore, #tpu.memory_space<semaphore_mem>>)
    %add3A_173 = arith.constant 80 : i32
    %add3A_174 = arith.addi %mul3A_2, %add3A_173 : i32
    %dma_wait3A_175 = tpu.memref_slice %arg2[%add3A_174] : memref<320000xi32, #tpu.memory_space<hbm>> -> memref<40xi32, #tpu.memory_space<hbm>>
    %dma_wait3A_176 = tpu.memref_slice %arg2[%add3A_174] : memref<320000xi32, #tpu.memory_space<hbm>> -> memref<40xi32, #tpu.memory_space<hbm>>
    tpu.wait_dma2 semaphore(%arg23 : memref<!tpu.dma_semaphore, #tpu.memory_space<semaphore_mem>>) src(%dma_wait3A_176 : memref<40xi32, #tpu.memory_space<hbm>>) dst(%arg8 : memref<40xi32, #tpu.memory_space<vmem>>)
    %add3A_177 = arith.constant 80 : i32
    %add3A_178 = arith.addi %mul3A_2, %add3A_177 : i32
    %dma_wait3A_179 = tpu.memref_slice %arg3[%add3A_178] : memref<320000xi32, #tpu.memory_space<hbm>> -> memref<40xi32, #tpu.memory_space<hbm>>
    %dma_wait3A_180 = tpu.memref_slice %arg3[%add3A_178] : memref<320000xi32, #tpu.memory_space<hbm>> -> memref<40xi32, #tpu.memory_space<hbm>>
    tpu.wait_dma2 semaphore(%arg23 : memref<!tpu.dma_semaphore, #tpu.memory_space<semaphore_mem>>) src(%dma_wait3A_180 : memref<40xi32, #tpu.memory_space<hbm>>) dst(%arg10 : memref<40xi32, #tpu.memory_space<vmem>>)
    %dma_start3A_181 = arith.constant 0 : i32
    %dma_start3A_182 = arith.constant 0 : i32
    %dma_start3A_183 = tpu.memref_slice %arg5[%dma_start3A_181, %dma_start3A_182] : memref<10000x128xf32, #tpu.memory_space<hbm>> -> memref<10000x128xf32, #tpu.memory_space<hbm>>
    tpu.enqueue_indirect_dma source(%dma_start3A_183 : memref<10000x128xf32, #tpu.memory_space<hbm>>) target(%arg14 : memref<40x128xf32, #tpu.memory_space<vmem>>) offsets(%arg8 : memref<40xi32, #tpu.memory_space<vmem>>) semaphore(%arg25 : memref<!tpu.dma_semaphore, #tpu.memory_space<semaphore_mem>>)
    %dma_start3A_184 = arith.constant 0 : i32
    %dma_start3A_185 = arith.constant 0 : i32
    %dma_start3A_186 = tpu.memref_slice %arg6[%dma_start3A_184, %dma_start3A_185] : memref<10000x128xf32, #tpu.memory_space<hbm>> -> memref<10000x128xf32, #tpu.memory_space<hbm>>
    tpu.enqueue_indirect_dma source(%dma_start3A_186 : memref<10000x128xf32, #tpu.memory_space<hbm>>) target(%arg16 : memref<40x128xf32, #tpu.memory_space<vmem>>) offsets(%arg8 : memref<40xi32, #tpu.memory_space<vmem>>) semaphore(%arg25 : memref<!tpu.dma_semaphore, #tpu.memory_space<semaphore_mem>>)
    %dma_start3A_187 = arith.constant 0 : i32
    %dma_start3A_188 = arith.constant 0 : i32
    %dma_start3A_189 = tpu.memref_slice %arg4[%dma_start3A_187, %dma_start3A_188] : memref<10000x128xf32, #tpu.memory_space<hbm>> -> memref<10000x128xf32, #tpu.memory_space<hbm>>
    tpu.enqueue_indirect_dma source(%dma_start3A_189 : memref<10000x128xf32, #tpu.memory_space<hbm>>) target(%arg18 : memref<40x128xf32, #tpu.memory_space<vmem>>) offsets(%arg10 : memref<40xi32, #tpu.memory_space<vmem>>) semaphore(%arg25 : memref<!tpu.dma_semaphore, #tpu.memory_space<semaphore_mem>>)
    %scan3A_190 = arith.constant 0 : i32
    %scan3A_191 = arith.constant 0 : i32
    %scan3A_192 = arith.constant 40 : i32
    %scan3A_193 = arith.addi %scan3A_191, %scan3A_192 : i32
    %scan3A_194 = arith.constant 1 : i32
    %scan3A_195 = scf.for %scan3A_329 = %scan3A_191 to %scan3A_193 step %scan3A_194 iter_args(%scan3A_330 = %scan3A_190) -> (i32)  : i32 {
      %get3A_331 = arith.index_cast %scan3A_329 : i32 to index
      %get3A_332 = arith.constant 0 : index
      %get3A_333 = tpu.vector_load %arg15[%get3A_331, %get3A_332] {strides = array<i32>} : memref<40x128xf32, #tpu.memory_space<vmem>>, vector<1x16xf32>,
      %get3A_334 = vector.shape_cast %get3A_333 : vector<1x16xf32> to vector<16xf32>
      %get3A_335 = arith.index_cast %scan3A_329 : i32 to index
      %get3A_336 = arith.constant 0 : index
      %get3A_337 = tpu.vector_load %arg19[%get3A_335, %get3A_336] {strides = array<i32>} : memref<40x128xf32, #tpu.memory_space<vmem>>, vector<1x16xf32>,
      %get3A_338 = vector.shape_cast %get3A_337 : vector<1x16xf32> to vector<16xf32>
      %mul3A_339 = arith.mulf %get3A_334, %get3A_338 : vector<16xf32>
      %iota3A = tpu.iota {dimensions = array<i32: 0>} : vector<16xi32>
      %xor3A = arith.constant 8 : i32
      %xor3A_340 = vector.broadcast %xor3A : i32 to vector<16xi32>
      %xor3A_341 = arith.xori %iota3A, %xor3A_340 : vector<16xi32>
      %broadcast_in_dim3A_342 = vector.shape_cast %xor3A_341 : vector<16xi32> to vector<16x1xi32>
      %gather3A = vector.shape_cast %broadcast_in_dim3A_342 : vector<16x1xi32> to vector<16xi32>
      %gather3A_343 = tpu.dynamic_gather %mul3A_339[%gather3A] in [0] : vector<16xf32>, vector<16xi32> -> vector<16xf32>
      %add3A_344 = arith.addf %mul3A_339, %gather3A_343 : vector<16xf32>
      %iota3A_345 = tpu.iota {dimensions = array<i32: 0>} : vector<16xi32>
      %xor3A_346 = arith.constant 4 : i32
      %xor3A_347 = vector.broadcast %xor3A_346 : i32 to vector<16xi32>
      %xor3A_348 = arith.xori %iota3A_345, %xor3A_347 : vector<16xi32>
      %broadcast_in_dim3A_349 = vector.shape_cast %xor3A_348 : vector<16xi32> to vector<16x1xi32>
      %gather3A_350 = vector.shape_cast %broadcast_in_dim3A_349 : vector<16x1xi32> to vector<16xi32>
      %gather3A_351 = tpu.dynamic_gather %add3A_344[%gather3A_350] in [0] : vector<16xf32>, vector<16xi32> -> vector<16xf32>
      %add3A_352 = arith.addf %add3A_344, %gather3A_351 : vector<16xf32>
      %iota3A_353 = tpu.iota {dimensions = array<i32: 0>} : vector<16xi32>
      %xor3A_354 = arith.constant 2 : i32
      %xor3A_355 = vector.broadcast %xor3A_354 : i32 to vector<16xi32>
      %xor3A_356 = arith.xori %iota3A_353, %xor3A_355 : vector<16xi32>
      %broadcast_in_dim3A_357 = vector.shape_cast %xor3A_356 : vector<16xi32> to vector<16x1xi32>
      %gather3A_358 = vector.shape_cast %broadcast_in_dim3A_357 : vector<16x1xi32> to vector<16xi32>
      %gather3A_359 = tpu.dynamic_gather %add3A_352[%gather3A_358] in [0] : vector<16xf32>, vector<16xi32> -> vector<16xf32>
      %add3A_360 = arith.addf %add3A_352, %gather3A_359 : vector<16xf32>
      %iota3A_361 = tpu.iota {dimensions = array<i32: 0>} : vector<16xi32>
      %xor3A_362 = arith.constant 1 : i32
      %xor3A_363 = vector.broadcast %xor3A_362 : i32 to vector<16xi32>
      %xor3A_364 = arith.xori %iota3A_361, %xor3A_363 : vector<16xi32>
      %broadcast_in_dim3A_365 = vector.shape_cast %xor3A_364 : vector<16xi32> to vector<16x1xi32>
      %gather3A_366 = vector.shape_cast %broadcast_in_dim3A_365 : vector<16x1xi32> to vector<16xi32>
      %gather3A_367 = tpu.dynamic_gather %add3A_360[%gather3A_366] in [0] : vector<16xf32>, vector<16xi32> -> vector<16xf32>
      %add3A_368 = arith.addf %add3A_360, %gather3A_367 : vector<16xf32>
      %get3A_369 = arith.index_cast %scan3A_329 : i32 to index
      %get3A_370 = arith.constant 0 : index
      %get3A_371 = tpu.vector_load %arg17[%get3A_369, %get3A_370] {strides = array<i32>} : memref<40x128xf32, #tpu.memory_space<vmem>>, vector<1x16xf32>,
      %get3A_372 = vector.shape_cast %get3A_371 : vector<1x16xf32> to vector<16xf32>
      %mul3A_373 = arith.mulf %get3A_372, %add3A_368 : vector<16xf32>
      %swap3A_374 = arith.index_cast %scan3A_329 : i32 to index
      %swap3A_375 = arith.constant 0 : index
      %swap3A_376 = tpu.vector_load %arg21[%swap3A_374, %swap3A_375] {strides = array<i32>} : memref<40x128xf32, #tpu.memory_space<vmem>>, vector<1x16xf32>,
      %swap3A_377 = vector.shape_cast %swap3A_376 : vector<1x16xf32> to vector<16xf32>
      %swap3A_378 = vector.shape_cast %mul3A_373 : vector<16xf32> to vector<1x16xf32>
      tpu.vector_store %arg21[%swap3A_374, %swap3A_375], %swap3A_378 {strides = array<i32>} : memref<40x128xf32, #tpu.memory_space<vmem>>, vector<1x16xf32>,
      %get3A_379 = arith.index_cast %scan3A_329 : i32 to index
      %get3A_380 = arith.constant 16 : index
      %get3A_381 = tpu.vector_load %arg15[%get3A_379, %get3A_380] {strides = array<i32>} : memref<40x128xf32, #tpu.memory_space<vmem>>, vector<1x16xf32>,
      %get3A_382 = vector.shape_cast %get3A_381 : vector<1x16xf32> to vector<16xf32>
      %get3A_383 = arith.index_cast %scan3A_329 : i32 to index
      %get3A_384 = arith.constant 16 : index
      %get3A_385 = tpu.vector_load %arg19[%get3A_383, %get3A_384] {strides = array<i32>} : memref<40x128xf32, #tpu.memory_space<vmem>>, vector<1x16xf32>,
      %get3A_386 = vector.shape_cast %get3A_385 : vector<1x16xf32> to vector<16xf32>
      %mul3A_387 = arith.mulf %get3A_382, %get3A_386 : vector<16xf32>
      %iota3A_388 = tpu.iota {dimensions = array<i32: 0>} : vector<16xi32>
      %xor3A_389 = arith.constant 8 : i32
      %xor3A_390 = vector.broadcast %xor3A_389 : i32 to vector<16xi32>
      %xor3A_391 = arith.xori %iota3A_388, %xor3A_390 : vector<16xi32>
      %broadcast_in_dim3A_392 = vector.shape_cast %xor3A_391 : vector<16xi32> to vector<16x1xi32>
      %gather3A_393 = vector.shape_cast %broadcast_in_dim3A_392 : vector<16x1xi32> to vector<16xi32>
      %gather3A_394 = tpu.dynamic_gather %mul3A_387[%gather3A_393] in [0] : vector<16xf32>, vector<16xi32> -> vector<16xf32>
      %add3A_395 = arith.addf %mul3A_387, %gather3A_394 : vector<16xf32>
      %iota3A_396 = tpu.iota {dimensions = array<i32: 0>} : vector<16xi32>
      %xor3A_397 = arith.constant 4 : i32
      %xor3A_398 = vector.broadcast %xor3A_397 : i32 to vector<16xi32>
      %xor3A_399 = arith.xori %iota3A_396, %xor3A_398 : vector<16xi32>
      %broadcast_in_dim3A_400 = vector.shape_cast %xor3A_399 : vector<16xi32> to vector<16x1xi32>
      %gather3A_401 = vector.shape_cast %broadcast_in_dim3A_400 : vector<16x1xi32> to vector<16xi32>
      %gather3A_402 = tpu.dynamic_gather %add3A_395[%gather3A_401] in [0] : vector<16xf32>, vector<16xi32> -> vector<16xf32>
      %add3A_403 = arith.addf %add3A_395, %gather3A_402 : vector<16xf32>
      %iota3A_404 = tpu.iota {dimensions = array<i32: 0>} : vector<16xi32>
      %xor3A_405 = arith.constant 2 : i32
      %xor3A_406 = vector.broadcast %xor3A_405 : i32 to vector<16xi32>
      %xor3A_407 = arith.xori %iota3A_404, %xor3A_406 : vector<16xi32>
      %broadcast_in_dim3A_408 = vector.shape_cast %xor3A_407 : vector<16xi32> to vector<16x1xi32>
      %gather3A_409 = vector.shape_cast %broadcast_in_dim3A_408 : vector<16x1xi32> to vector<16xi32>
      %gather3A_410 = tpu.dynamic_gather %add3A_403[%gather3A_409] in [0] : vector<16xf32>, vector<16xi32> -> vector<16xf32>
      %add3A_411 = arith.addf %add3A_403, %gather3A_410 : vector<16xf32>
      %iota3A_412 = tpu.iota {dimensions = array<i32: 0>} : vector<16xi32>
      %xor3A_413 = arith.constant 1 : i32
      %xor3A_414 = vector.broadcast %xor3A_413 : i32 to vector<16xi32>
      %xor3A_415 = arith.xori %iota3A_412, %xor3A_414 : vector<16xi32>
      %broadcast_in_dim3A_416 = vector.shape_cast %xor3A_415 : vector<16xi32> to vector<16x1xi32>
      %gather3A_417 = vector.shape_cast %broadcast_in_dim3A_416 : vector<16x1xi32> to vector<16xi32>
      %gather3A_418 = tpu.dynamic_gather %add3A_411[%gather3A_417] in [0] : vector<16xf32>, vector<16xi32> -> vector<16xf32>
      %add3A_419 = arith.addf %add3A_411, %gather3A_418 : vector<16xf32>
      %get3A_420 = arith.index_cast %scan3A_329 : i32 to index
      %get3A_421 = arith.constant 16 : index
      %get3A_422 = tpu.vector_load %arg17[%get3A_420, %get3A_421] {strides = array<i32>} : memref<40x128xf32, #tpu.memory_space<vmem>>, vector<1x16xf32>,
      %get3A_423 = vector.shape_cast %get3A_422 : vector<1x16xf32> to vector<16xf32>
      %mul3A_424 = arith.mulf %get3A_423, %add3A_419 : vector<16xf32>
      %swap3A_425 = arith.index_cast %scan3A_329 : i32 to index
      %swap3A_426 = arith.constant 16 : index
      %swap3A_427 = tpu.vector_load %arg21[%swap3A_425, %swap3A_426] {strides = array<i32>} : memref<40x128xf32, #tpu.memory_space<vmem>>, vector<1x16xf32>,
      %swap3A_428 = vector.shape_cast %swap3A_427 : vector<1x16xf32> to vector<16xf32>
      %swap3A_429 = vector.shape_cast %mul3A_424 : vector<16xf32> to vector<1x16xf32>
      tpu.vector_store %arg21[%swap3A_425, %swap3A_426], %swap3A_429 {strides = array<i32>} : memref<40x128xf32, #tpu.memory_space<vmem>>, vector<1x16xf32>,
      %get3A_430 = arith.index_cast %scan3A_329 : i32 to index
      %get3A_431 = arith.constant 32 : index
      %get3A_432 = tpu.vector_load %arg15[%get3A_430, %get3A_431] {strides = array<i32>} : memref<40x128xf32, #tpu.memory_space<vmem>>, vector<1x16xf32>,
      %get3A_433 = vector.shape_cast %get3A_432 : vector<1x16xf32> to vector<16xf32>
      %get3A_434 = arith.index_cast %scan3A_329 : i32 to index
      %get3A_435 = arith.constant 32 : index
      %get3A_436 = tpu.vector_load %arg19[%get3A_434, %get3A_435] {strides = array<i32>} : memref<40x128xf32, #tpu.memory_space<vmem>>, vector<1x16xf32>,
      %get3A_437 = vector.shape_cast %get3A_436 : vector<1x16xf32> to vector<16xf32>
      %mul3A_438 = arith.mulf %get3A_433, %get3A_437 : vector<16xf32>
      %iota3A_439 = tpu.iota {dimensions = array<i32: 0>} : vector<16xi32>
      %xor3A_440 = arith.constant 8 : i32
      %xor3A_441 = vector.broadcast %xor3A_440 : i32 to vector<16xi32>
      %xor3A_442 = arith.xori %iota3A_439, %xor3A_441 : vector<16xi32>
      %broadcast_in_dim3A_443 = vector.shape_cast %xor3A_442 : vector<16xi32> to vector<16x1xi32>
      %gather3A_444 = vector.shape_cast %broadcast_in_dim3A_443 : vector<16x1xi32> to vector<16xi32>
      %gather3A_445 = tpu.dynamic_gather %mul3A_438[%gather3A_444] in [0] : vector<16xf32>, vector<16xi32> -> vector<16xf32>
      %add3A_446 = arith.addf %mul3A_438, %gather3A_445 : vector<16xf32>
      %iota3A_447 = tpu.iota {dimensions = array<i32: 0>} : vector<16xi32>
      %xor3A_448 = arith.constant 4 : i32
      %xor3A_449 = vector.broadcast %xor3A_448 : i32 to vector<16xi32>
      %xor3A_450 = arith.xori %iota3A_447, %xor3A_449 : vector<16xi32>
      %broadcast_in_dim3A_451 = vector.shape_cast %xor3A_450 : vector<16xi32> to vector<16x1xi32>
      %gather3A_452 = vector.shape_cast %broadcast_in_dim3A_451 : vector<16x1xi32> to vector<16xi32>
      %gather3A_453 = tpu.dynamic_gather %add3A_446[%gather3A_452] in [0] : vector<16xf32>, vector<16xi32> -> vector<16xf32>
      %add3A_454 = arith.addf %add3A_446, %gather3A_453 : vector<16xf32>
      %iota3A_455 = tpu.iota {dimensions = array<i32: 0>} : vector<16xi32>
      %xor3A_456 = arith.constant 2 : i32
      %xor3A_457 = vector.broadcast %xor3A_456 : i32 to vector<16xi32>
      %xor3A_458 = arith.xori %iota3A_455, %xor3A_457 : vector<16xi32>
      %broadcast_in_dim3A_459 = vector.shape_cast %xor3A_458 : vector<16xi32> to vector<16x1xi32>
      %gather3A_460 = vector.shape_cast %broadcast_in_dim3A_459 : vector<16x1xi32> to vector<16xi32>
      %gather3A_461 = tpu.dynamic_gather %add3A_454[%gather3A_460] in [0] : vector<16xf32>, vector<16xi32> -> vector<16xf32>
      %add3A_462 = arith.addf %add3A_454, %gather3A_461 : vector<16xf32>
      %iota3A_463 = tpu.iota {dimensions = array<i32: 0>} : vector<16xi32>
      %xor3A_464 = arith.constant 1 : i32
      %xor3A_465 = vector.broadcast %xor3A_464 : i32 to vector<16xi32>
      %xor3A_466 = arith.xori %iota3A_463, %xor3A_465 : vector<16xi32>
      %broadcast_in_dim3A_467 = vector.shape_cast %xor3A_466 : vector<16xi32> to vector<16x1xi32>
      %gather3A_468 = vector.shape_cast %broadcast_in_dim3A_467 : vector<16x1xi32> to vector<16xi32>
      %gather3A_469 = tpu.dynamic_gather %add3A_462[%gather3A_468] in [0] : vector<16xf32>, vector<16xi32> -> vector<16xf32>
      %add3A_470 = arith.addf %add3A_462, %gather3A_469 : vector<16xf32>
      %get3A_471 = arith.index_cast %scan3A_329 : i32 to index
      %get3A_472 = arith.constant 32 : index
      %get3A_473 = tpu.vector_load %arg17[%get3A_471, %get3A_472] {strides = array<i32>} : memref<40x128xf32, #tpu.memory_space<vmem>>, vector<1x16xf32>,
      %get3A_474 = vector.shape_cast %get3A_473 : vector<1x16xf32> to vector<16xf32>
      %mul3A_475 = arith.mulf %get3A_474, %add3A_470 : vector<16xf32>
      %swap3A_476 = arith.index_cast %scan3A_329 : i32 to index
      %swap3A_477 = arith.constant 32 : index
      %swap3A_478 = tpu.vector_load %arg21[%swap3A_476, %swap3A_477] {strides = array<i32>} : memref<40x128xf32, #tpu.memory_space<vmem>>, vector<1x16xf32>,
      %swap3A_479 = vector.shape_cast %swap3A_478 : vector<1x16xf32> to vector<16xf32>
      %swap3A_480 = vector.shape_cast %mul3A_475 : vector<16xf32> to vector<1x16xf32>
      tpu.vector_store %arg21[%swap3A_476, %swap3A_477], %swap3A_480 {strides = array<i32>} : memref<40x128xf32, #tpu.memory_space<vmem>>, vector<1x16xf32>,
      %get3A_481 = arith.index_cast %scan3A_329 : i32 to index
      %get3A_482 = arith.constant 48 : index
      %get3A_483 = tpu.vector_load %arg15[%get3A_481, %get3A_482] {strides = array<i32>} : memref<40x128xf32, #tpu.memory_space<vmem>>, vector<1x16xf32>,
      %get3A_484 = vector.shape_cast %get3A_483 : vector<1x16xf32> to vector<16xf32>
      %get3A_485 = arith.index_cast %scan3A_329 : i32 to index
      %get3A_486 = arith.constant 48 : index
      %get3A_487 = tpu.vector_load %arg19[%get3A_485, %get3A_486] {strides = array<i32>} : memref<40x128xf32, #tpu.memory_space<vmem>>, vector<1x16xf32>,
      %get3A_488 = vector.shape_cast %get3A_487 : vector<1x16xf32> to vector<16xf32>
      %mul3A_489 = arith.mulf %get3A_484, %get3A_488 : vector<16xf32>
      %iota3A_490 = tpu.iota {dimensions = array<i32: 0>} : vector<16xi32>
      %xor3A_491 = arith.constant 8 : i32
      %xor3A_492 = vector.broadcast %xor3A_491 : i32 to vector<16xi32>
      %xor3A_493 = arith.xori %iota3A_490, %xor3A_492 : vector<16xi32>
      %broadcast_in_dim3A_494 = vector.shape_cast %xor3A_493 : vector<16xi32> to vector<16x1xi32>
      %gather3A_495 = vector.shape_cast %broadcast_in_dim3A_494 : vector<16x1xi32> to vector<16xi32>
      %gather3A_496 = tpu.dynamic_gather %mul3A_489[%gather3A_495] in [0] : vector<16xf32>, vector<16xi32> -> vector<16xf32>
      %add3A_497 = arith.addf %mul3A_489, %gather3A_496 : vector<16xf32>
      %iota3A_498 = tpu.iota {dimensions = array<i32: 0>} : vector<16xi32>
      %xor3A_499 = arith.constant 4 : i32
      %xor3A_500 = vector.broadcast %xor3A_499 : i32 to vector<16xi32>
      %xor3A_501 = arith.xori %iota3A_498, %xor3A_500 : vector<16xi32>
      %broadcast_in_dim3A_502 = vector.shape_cast %xor3A_501 : vector<16xi32> to vector<16x1xi32>
      %gather3A_503 = vector.shape_cast %broadcast_in_dim3A_502 : vector<16x1xi32> to vector<16xi32>
      %gather3A_504 = tpu.dynamic_gather %add3A_497[%gather3A_503] in [0] : vector<16xf32>, vector<16xi32> -> vector<16xf32>
      %add3A_505 = arith.addf %add3A_497, %gather3A_504 : vector<16xf32>
      %iota3A_506 = tpu.iota {dimensions = array<i32: 0>} : vector<16xi32>
      %xor3A_507 = arith.constant 2 : i32
      %xor3A_508 = vector.broadcast %xor3A_507 : i32 to vector<16xi32>
      %xor3A_509 = arith.xori %iota3A_506, %xor3A_508 : vector<16xi32>
      %broadcast_in_dim3A_510 = vector.shape_cast %xor3A_509 : vector<16xi32> to vector<16x1xi32>
      %gather3A_511 = vector.shape_cast %broadcast_in_dim3A_510 : vector<16x1xi32> to vector<16xi32>
      %gather3A_512 = tpu.dynamic_gather %add3A_505[%gather3A_511] in [0] : vector<16xf32>, vector<16xi32> -> vector<16xf32>
      %add3A_513 = arith.addf %add3A_505, %gather3A_512 : vector<16xf32>
      %iota3A_514 = tpu.iota {dimensions = array<i32: 0>} : vector<16xi32>
      %xor3A_515 = arith.constant 1 : i32
      %xor3A_516 = vector.broadcast %xor3A_515 : i32 to vector<16xi32>
      %xor3A_517 = arith.xori %iota3A_514, %xor3A_516 : vector<16xi32>
      %broadcast_in_dim3A_518 = vector.shape_cast %xor3A_517 : vector<16xi32> to vector<16x1xi32>
      %gather3A_519 = vector.shape_cast %broadcast_in_dim3A_518 : vector<16x1xi32> to vector<16xi32>
      %gather3A_520 = tpu.dynamic_gather %add3A_513[%gather3A_519] in [0] : vector<16xf32>, vector<16xi32> -> vector<16xf32>
      %add3A_521 = arith.addf %add3A_513, %gather3A_520 : vector<16xf32>
      %get3A_522 = arith.index_cast %scan3A_329 : i32 to index
      %get3A_523 = arith.constant 48 : index
      %get3A_524 = tpu.vector_load %arg17[%get3A_522, %get3A_523] {strides = array<i32>} : memref<40x128xf32, #tpu.memory_space<vmem>>, vector<1x16xf32>,
      %get3A_525 = vector.shape_cast %get3A_524 : vector<1x16xf32> to vector<16xf32>
      %mul3A_526 = arith.mulf %get3A_525, %add3A_521 : vector<16xf32>
      %swap3A_527 = arith.index_cast %scan3A_329 : i32 to index
      %swap3A_528 = arith.constant 48 : index
      %swap3A_529 = tpu.vector_load %arg21[%swap3A_527, %swap3A_528] {strides = array<i32>} : memref<40x128xf32, #tpu.memory_space<vmem>>, vector<1x16xf32>,
      %swap3A_530 = vector.shape_cast %swap3A_529 : vector<1x16xf32> to vector<16xf32>
      %swap3A_531 = vector.shape_cast %mul3A_526 : vector<16xf32> to vector<1x16xf32>
      tpu.vector_store %arg21[%swap3A_527, %swap3A_528], %swap3A_531 {strides = array<i32>} : memref<40x128xf32, #tpu.memory_space<vmem>>, vector<1x16xf32>,
      %get3A_532 = arith.index_cast %scan3A_329 : i32 to index
      %get3A_533 = arith.constant 64 : index
      %get3A_534 = tpu.vector_load %arg15[%get3A_532, %get3A_533] {strides = array<i32>} : memref<40x128xf32, #tpu.memory_space<vmem>>, vector<1x16xf32>,
      %get3A_535 = vector.shape_cast %get3A_534 : vector<1x16xf32> to vector<16xf32>
      %get3A_536 = arith.index_cast %scan3A_329 : i32 to index
      %get3A_537 = arith.constant 64 : index
      %get3A_538 = tpu.vector_load %arg19[%get3A_536, %get3A_537] {strides = array<i32>} : memref<40x128xf32, #tpu.memory_space<vmem>>, vector<1x16xf32>,
      %get3A_539 = vector.shape_cast %get3A_538 : vector<1x16xf32> to vector<16xf32>
      %mul3A_540 = arith.mulf %get3A_535, %get3A_539 : vector<16xf32>
      %iota3A_541 = tpu.iota {dimensions = array<i32: 0>} : vector<16xi32>
      %xor3A_542 = arith.constant 8 : i32
      %xor3A_543 = vector.broadcast %xor3A_542 : i32 to vector<16xi32>
      %xor3A_544 = arith.xori %iota3A_541, %xor3A_543 : vector<16xi32>
      %broadcast_in_dim3A_545 = vector.shape_cast %xor3A_544 : vector<16xi32> to vector<16x1xi32>
      %gather3A_546 = vector.shape_cast %broadcast_in_dim3A_545 : vector<16x1xi32> to vector<16xi32>
      %gather3A_547 = tpu.dynamic_gather %mul3A_540[%gather3A_546] in [0] : vector<16xf32>, vector<16xi32> -> vector<16xf32>
      %add3A_548 = arith.addf %mul3A_540, %gather3A_547 : vector<16xf32>
      %iota3A_549 = tpu.iota {dimensions = array<i32: 0>} : vector<16xi32>
      %xor3A_550 = arith.constant 4 : i32
      %xor3A_551 = vector.broadcast %xor3A_550 : i32 to vector<16xi32>
      %xor3A_552 = arith.xori %iota3A_549, %xor3A_551 : vector<16xi32>
      %broadcast_in_dim3A_553 = vector.shape_cast %xor3A_552 : vector<16xi32> to vector<16x1xi32>
      %gather3A_554 = vector.shape_cast %broadcast_in_dim3A_553 : vector<16x1xi32> to vector<16xi32>
      %gather3A_555 = tpu.dynamic_gather %add3A_548[%gather3A_554] in [0] : vector<16xf32>, vector<16xi32> -> vector<16xf32>
      %add3A_556 = arith.addf %add3A_548, %gather3A_555 : vector<16xf32>
      %iota3A_557 = tpu.iota {dimensions = array<i32: 0>} : vector<16xi32>
      %xor3A_558 = arith.constant 2 : i32
      %xor3A_559 = vector.broadcast %xor3A_558 : i32 to vector<16xi32>
      %xor3A_560 = arith.xori %iota3A_557, %xor3A_559 : vector<16xi32>
      %broadcast_in_dim3A_561 = vector.shape_cast %xor3A_560 : vector<16xi32> to vector<16x1xi32>
      %gather3A_562 = vector.shape_cast %broadcast_in_dim3A_561 : vector<16x1xi32> to vector<16xi32>
      %gather3A_563 = tpu.dynamic_gather %add3A_556[%gather3A_562] in [0] : vector<16xf32>, vector<16xi32> -> vector<16xf32>
      %add3A_564 = arith.addf %add3A_556, %gather3A_563 : vector<16xf32>
      %iota3A_565 = tpu.iota {dimensions = array<i32: 0>} : vector<16xi32>
      %xor3A_566 = arith.constant 1 : i32
      %xor3A_567 = vector.broadcast %xor3A_566 : i32 to vector<16xi32>
      %xor3A_568 = arith.xori %iota3A_565, %xor3A_567 : vector<16xi32>
      %broadcast_in_dim3A_569 = vector.shape_cast %xor3A_568 : vector<16xi32> to vector<16x1xi32>
      %gather3A_570 = vector.shape_cast %broadcast_in_dim3A_569 : vector<16x1xi32> to vector<16xi32>
      %gather3A_571 = tpu.dynamic_gather %add3A_564[%gather3A_570] in [0] : vector<16xf32>, vector<16xi32> -> vector<16xf32>
      %add3A_572 = arith.addf %add3A_564, %gather3A_571 : vector<16xf32>
      %get3A_573 = arith.index_cast %scan3A_329 : i32 to index
      %get3A_574 = arith.constant 64 : index
      %get3A_575 = tpu.vector_load %arg17[%get3A_573, %get3A_574] {strides = array<i32>} : memref<40x128xf32, #tpu.memory_space<vmem>>, vector<1x16xf32>,
      %get3A_576 = vector.shape_cast %get3A_575 : vector<1x16xf32> to vector<16xf32>
      %mul3A_577 = arith.mulf %get3A_576, %add3A_572 : vector<16xf32>
      %swap3A_578 = arith.index_cast %scan3A_329 : i32 to index
      %swap3A_579 = arith.constant 64 : index
      %swap3A_580 = tpu.vector_load %arg21[%swap3A_578, %swap3A_579] {strides = array<i32>} : memref<40x128xf32, #tpu.memory_space<vmem>>, vector<1x16xf32>,
      %swap3A_581 = vector.shape_cast %swap3A_580 : vector<1x16xf32> to vector<16xf32>
      %swap3A_582 = vector.shape_cast %mul3A_577 : vector<16xf32> to vector<1x16xf32>
      tpu.vector_store %arg21[%swap3A_578, %swap3A_579], %swap3A_582 {strides = array<i32>} : memref<40x128xf32, #tpu.memory_space<vmem>>, vector<1x16xf32>,
      %get3A_583 = arith.index_cast %scan3A_329 : i32 to index
      %get3A_584 = arith.constant 80 : index
      %get3A_585 = tpu.vector_load %arg15[%get3A_583, %get3A_584] {strides = array<i32>} : memref<40x128xf32, #tpu.memory_space<vmem>>, vector<1x16xf32>,
      %get3A_586 = vector.shape_cast %get3A_585 : vector<1x16xf32> to vector<16xf32>
      %get3A_587 = arith.index_cast %scan3A_329 : i32 to index
      %get3A_588 = arith.constant 80 : index
      %get3A_589 = tpu.vector_load %arg19[%get3A_587, %get3A_588] {strides = array<i32>} : memref<40x128xf32, #tpu.memory_space<vmem>>, vector<1x16xf32>,
      %get3A_590 = vector.shape_cast %get3A_589 : vector<1x16xf32> to vector<16xf32>
      %mul3A_591 = arith.mulf %get3A_586, %get3A_590 : vector<16xf32>
      %iota3A_592 = tpu.iota {dimensions = array<i32: 0>} : vector<16xi32>
      %xor3A_593 = arith.constant 8 : i32
      %xor3A_594 = vector.broadcast %xor3A_593 : i32 to vector<16xi32>
      %xor3A_595 = arith.xori %iota3A_592, %xor3A_594 : vector<16xi32>
      %broadcast_in_dim3A_596 = vector.shape_cast %xor3A_595 : vector<16xi32> to vector<16x1xi32>
      %gather3A_597 = vector.shape_cast %broadcast_in_dim3A_596 : vector<16x1xi32> to vector<16xi32>
      %gather3A_598 = tpu.dynamic_gather %mul3A_591[%gather3A_597] in [0] : vector<16xf32>, vector<16xi32> -> vector<16xf32>
      %add3A_599 = arith.addf %mul3A_591, %gather3A_598 : vector<16xf32>
      %iota3A_600 = tpu.iota {dimensions = array<i32: 0>} : vector<16xi32>
      %xor3A_601 = arith.constant 4 : i32
      %xor3A_602 = vector.broadcast %xor3A_601 : i32 to vector<16xi32>
      %xor3A_603 = arith.xori %iota3A_600, %xor3A_602 : vector<16xi32>
      %broadcast_in_dim3A_604 = vector.shape_cast %xor3A_603 : vector<16xi32> to vector<16x1xi32>
      %gather3A_605 = vector.shape_cast %broadcast_in_dim3A_604 : vector<16x1xi32> to vector<16xi32>
      %gather3A_606 = tpu.dynamic_gather %add3A_599[%gather3A_605] in [0] : vector<16xf32>, vector<16xi32> -> vector<16xf32>
      %add3A_607 = arith.addf %add3A_599, %gather3A_606 : vector<16xf32>
      %iota3A_608 = tpu.iota {dimensions = array<i32: 0>} : vector<16xi32>
      %xor3A_609 = arith.constant 2 : i32
      %xor3A_610 = vector.broadcast %xor3A_609 : i32 to vector<16xi32>
      %xor3A_611 = arith.xori %iota3A_608, %xor3A_610 : vector<16xi32>
      %broadcast_in_dim3A_612 = vector.shape_cast %xor3A_611 : vector<16xi32> to vector<16x1xi32>
      %gather3A_613 = vector.shape_cast %broadcast_in_dim3A_612 : vector<16x1xi32> to vector<16xi32>
      %gather3A_614 = tpu.dynamic_gather %add3A_607[%gather3A_613] in [0] : vector<16xf32>, vector<16xi32> -> vector<16xf32>
      %add3A_615 = arith.addf %add3A_607, %gather3A_614 : vector<16xf32>
      %iota3A_616 = tpu.iota {dimensions = array<i32: 0>} : vector<16xi32>
      %xor3A_617 = arith.constant 1 : i32
      %xor3A_618 = vector.broadcast %xor3A_617 : i32 to vector<16xi32>
      %xor3A_619 = arith.xori %iota3A_616, %xor3A_618 : vector<16xi32>
      %broadcast_in_dim3A_620 = vector.shape_cast %xor3A_619 : vector<16xi32> to vector<16x1xi32>
      %gather3A_621 = vector.shape_cast %broadcast_in_dim3A_620 : vector<16x1xi32> to vector<16xi32>
      %gather3A_622 = tpu.dynamic_gather %add3A_615[%gather3A_621] in [0] : vector<16xf32>, vector<16xi32> -> vector<16xf32>
      %add3A_623 = arith.addf %add3A_615, %gather3A_622 : vector<16xf32>
      %get3A_624 = arith.index_cast %scan3A_329 : i32 to index
      %get3A_625 = arith.constant 80 : index
      %get3A_626 = tpu.vector_load %arg17[%get3A_624, %get3A_625] {strides = array<i32>} : memref<40x128xf32, #tpu.memory_space<vmem>>, vector<1x16xf32>,
      %get3A_627 = vector.shape_cast %get3A_626 : vector<1x16xf32> to vector<16xf32>
      %mul3A_628 = arith.mulf %get3A_627, %add3A_623 : vector<16xf32>
      %swap3A_629 = arith.index_cast %scan3A_329 : i32 to index
      %swap3A_630 = arith.constant 80 : index
      %swap3A_631 = tpu.vector_load %arg21[%swap3A_629, %swap3A_630] {strides = array<i32>} : memref<40x128xf32, #tpu.memory_space<vmem>>, vector<1x16xf32>,
      %swap3A_632 = vector.shape_cast %swap3A_631 : vector<1x16xf32> to vector<16xf32>
      %swap3A_633 = vector.shape_cast %mul3A_628 : vector<16xf32> to vector<1x16xf32>
      tpu.vector_store %arg21[%swap3A_629, %swap3A_630], %swap3A_633 {strides = array<i32>} : memref<40x128xf32, #tpu.memory_space<vmem>>, vector<1x16xf32>,
      %get3A_634 = arith.index_cast %scan3A_329 : i32 to index
      %get3A_635 = arith.constant 96 : index
      %get3A_636 = tpu.vector_load %arg15[%get3A_634, %get3A_635] {strides = array<i32>} : memref<40x128xf32, #tpu.memory_space<vmem>>, vector<1x16xf32>,
      %get3A_637 = vector.shape_cast %get3A_636 : vector<1x16xf32> to vector<16xf32>
      %get3A_638 = arith.index_cast %scan3A_329 : i32 to index
      %get3A_639 = arith.constant 96 : index
      %get3A_640 = tpu.vector_load %arg19[%get3A_638, %get3A_639] {strides = array<i32>} : memref<40x128xf32, #tpu.memory_space<vmem>>, vector<1x16xf32>,
      %get3A_641 = vector.shape_cast %get3A_640 : vector<1x16xf32> to vector<16xf32>
      %mul3A_642 = arith.mulf %get3A_637, %get3A_641 : vector<16xf32>
      %iota3A_643 = tpu.iota {dimensions = array<i32: 0>} : vector<16xi32>
      %xor3A_644 = arith.constant 8 : i32
      %xor3A_645 = vector.broadcast %xor3A_644 : i32 to vector<16xi32>
      %xor3A_646 = arith.xori %iota3A_643, %xor3A_645 : vector<16xi32>
      %broadcast_in_dim3A_647 = vector.shape_cast %xor3A_646 : vector<16xi32> to vector<16x1xi32>
      %gather3A_648 = vector.shape_cast %broadcast_in_dim3A_647 : vector<16x1xi32> to vector<16xi32>
      %gather3A_649 = tpu.dynamic_gather %mul3A_642[%gather3A_648] in [0] : vector<16xf32>, vector<16xi32> -> vector<16xf32>
      %add3A_650 = arith.addf %mul3A_642, %gather3A_649 : vector<16xf32>
      %iota3A_651 = tpu.iota {dimensions = array<i32: 0>} : vector<16xi32>
      %xor3A_652 = arith.constant 4 : i32
      %xor3A_653 = vector.broadcast %xor3A_652 : i32 to vector<16xi32>
      %xor3A_654 = arith.xori %iota3A_651, %xor3A_653 : vector<16xi32>
      %broadcast_in_dim3A_655 = vector.shape_cast %xor3A_654 : vector<16xi32> to vector<16x1xi32>
      %gather3A_656 = vector.shape_cast %broadcast_in_dim3A_655 : vector<16x1xi32> to vector<16xi32>
      %gather3A_657 = tpu.dynamic_gather %add3A_650[%gather3A_656] in [0] : vector<16xf32>, vector<16xi32> -> vector<16xf32>
      %add3A_658 = arith.addf %add3A_650, %gather3A_657 : vector<16xf32>
      %iota3A_659 = tpu.iota {dimensions = array<i32: 0>} : vector<16xi32>
      %xor3A_660 = arith.constant 2 : i32
      %xor3A_661 = vector.broadcast %xor3A_660 : i32 to vector<16xi32>
      %xor3A_662 = arith.xori %iota3A_659, %xor3A_661 : vector<16xi32>
      %broadcast_in_dim3A_663 = vector.shape_cast %xor3A_662 : vector<16xi32> to vector<16x1xi32>
      %gather3A_664 = vector.shape_cast %broadcast_in_dim3A_663 : vector<16x1xi32> to vector<16xi32>
      %gather3A_665 = tpu.dynamic_gather %add3A_658[%gather3A_664] in [0] : vector<16xf32>, vector<16xi32> -> vector<16xf32>
      %add3A_666 = arith.addf %add3A_658, %gather3A_665 : vector<16xf32>
      %iota3A_667 = tpu.iota {dimensions = array<i32: 0>} : vector<16xi32>
      %xor3A_668 = arith.constant 1 : i32
      %xor3A_669 = vector.broadcast %xor3A_668 : i32 to vector<16xi32>
      %xor3A_670 = arith.xori %iota3A_667, %xor3A_669 : vector<16xi32>
      %broadcast_in_dim3A_671 = vector.shape_cast %xor3A_670 : vector<16xi32> to vector<16x1xi32>
      %gather3A_672 = vector.shape_cast %broadcast_in_dim3A_671 : vector<16x1xi32> to vector<16xi32>
      %gather3A_673 = tpu.dynamic_gather %add3A_666[%gather3A_672] in [0] : vector<16xf32>, vector<16xi32> -> vector<16xf32>
      %add3A_674 = arith.addf %add3A_666, %gather3A_673 : vector<16xf32>
      %get3A_675 = arith.index_cast %scan3A_329 : i32 to index
      %get3A_676 = arith.constant 96 : index
      %get3A_677 = tpu.vector_load %arg17[%get3A_675, %get3A_676] {strides = array<i32>} : memref<40x128xf32, #tpu.memory_space<vmem>>, vector<1x16xf32>,
      %get3A_678 = vector.shape_cast %get3A_677 : vector<1x16xf32> to vector<16xf32>
      %mul3A_679 = arith.mulf %get3A_678, %add3A_674 : vector<16xf32>
      %swap3A_680 = arith.index_cast %scan3A_329 : i32 to index
      %swap3A_681 = arith.constant 96 : index
      %swap3A_682 = tpu.vector_load %arg21[%swap3A_680, %swap3A_681] {strides = array<i32>} : memref<40x128xf32, #tpu.memory_space<vmem>>, vector<1x16xf32>,
      %swap3A_683 = vector.shape_cast %swap3A_682 : vector<1x16xf32> to vector<16xf32>
      %swap3A_684 = vector.shape_cast %mul3A_679 : vector<16xf32> to vector<1x16xf32>
      tpu.vector_store %arg21[%swap3A_680, %swap3A_681], %swap3A_684 {strides = array<i32>} : memref<40x128xf32, #tpu.memory_space<vmem>>, vector<1x16xf32>,
      %get3A_685 = arith.index_cast %scan3A_329 : i32 to index
      %get3A_686 = arith.constant 112 : index
      %get3A_687 = tpu.vector_load %arg15[%get3A_685, %get3A_686] {strides = array<i32>} : memref<40x128xf32, #tpu.memory_space<vmem>>, vector<1x16xf32>,
      %get3A_688 = vector.shape_cast %get3A_687 : vector<1x16xf32> to vector<16xf32>
      %get3A_689 = arith.index_cast %scan3A_329 : i32 to index
      %get3A_690 = arith.constant 112 : index
      %get3A_691 = tpu.vector_load %arg19[%get3A_689, %get3A_690] {strides = array<i32>} : memref<40x128xf32, #tpu.memory_space<vmem>>, vector<1x16xf32>,
      %get3A_692 = vector.shape_cast %get3A_691 : vector<1x16xf32> to vector<16xf32>
      %mul3A_693 = arith.mulf %get3A_688, %get3A_692 : vector<16xf32>
      %iota3A_694 = tpu.iota {dimensions = array<i32: 0>} : vector<16xi32>
      %xor3A_695 = arith.constant 8 : i32
      %xor3A_696 = vector.broadcast %xor3A_695 : i32 to vector<16xi32>
      %xor3A_697 = arith.xori %iota3A_694, %xor3A_696 : vector<16xi32>
      %broadcast_in_dim3A_698 = vector.shape_cast %xor3A_697 : vector<16xi32> to vector<16x1xi32>
      %gather3A_699 = vector.shape_cast %broadcast_in_dim3A_698 : vector<16x1xi32> to vector<16xi32>
      %gather3A_700 = tpu.dynamic_gather %mul3A_693[%gather3A_699] in [0] : vector<16xf32>, vector<16xi32> -> vector<16xf32>
      %add3A_701 = arith.addf %mul3A_693, %gather3A_700 : vector<16xf32>
      %iota3A_702 = tpu.iota {dimensions = array<i32: 0>} : vector<16xi32>
      %xor3A_703 = arith.constant 4 : i32
      %xor3A_704 = vector.broadcast %xor3A_703 : i32 to vector<16xi32>
      %xor3A_705 = arith.xori %iota3A_702, %xor3A_704 : vector<16xi32>
      %broadcast_in_dim3A_706 = vector.shape_cast %xor3A_705 : vector<16xi32> to vector<16x1xi32>
      %gather3A_707 = vector.shape_cast %broadcast_in_dim3A_706 : vector<16x1xi32> to vector<16xi32>
      %gather3A_708 = tpu.dynamic_gather %add3A_701[%gather3A_707] in [0] : vector<16xf32>, vector<16xi32> -> vector<16xf32>
      %add3A_709 = arith.addf %add3A_701, %gather3A_708 : vector<16xf32>
      %iota3A_710 = tpu.iota {dimensions = array<i32: 0>} : vector<16xi32>
      %xor3A_711 = arith.constant 2 : i32
      %xor3A_712 = vector.broadcast %xor3A_711 : i32 to vector<16xi32>
      %xor3A_713 = arith.xori %iota3A_710, %xor3A_712 : vector<16xi32>
      %broadcast_in_dim3A_714 = vector.shape_cast %xor3A_713 : vector<16xi32> to vector<16x1xi32>
      %gather3A_715 = vector.shape_cast %broadcast_in_dim3A_714 : vector<16x1xi32> to vector<16xi32>
      %gather3A_716 = tpu.dynamic_gather %add3A_709[%gather3A_715] in [0] : vector<16xf32>, vector<16xi32> -> vector<16xf32>
      %add3A_717 = arith.addf %add3A_709, %gather3A_716 : vector<16xf32>
      %iota3A_718 = tpu.iota {dimensions = array<i32: 0>} : vector<16xi32>
      %xor3A_719 = arith.constant 1 : i32
      %xor3A_720 = vector.broadcast %xor3A_719 : i32 to vector<16xi32>
      %xor3A_721 = arith.xori %iota3A_718, %xor3A_720 : vector<16xi32>
      %broadcast_in_dim3A_722 = vector.shape_cast %xor3A_721 : vector<16xi32> to vector<16x1xi32>
      %gather3A_723 = vector.shape_cast %broadcast_in_dim3A_722 : vector<16x1xi32> to vector<16xi32>
      %gather3A_724 = tpu.dynamic_gather %add3A_717[%gather3A_723] in [0] : vector<16xf32>, vector<16xi32> -> vector<16xf32>
      %add3A_725 = arith.addf %add3A_717, %gather3A_724 : vector<16xf32>
      %get3A_726 = arith.index_cast %scan3A_329 : i32 to index
      %get3A_727 = arith.constant 112 : index
      %get3A_728 = tpu.vector_load %arg17[%get3A_726, %get3A_727] {strides = array<i32>} : memref<40x128xf32, #tpu.memory_space<vmem>>, vector<1x16xf32>,
      %get3A_729 = vector.shape_cast %get3A_728 : vector<1x16xf32> to vector<16xf32>
      %mul3A_730 = arith.mulf %get3A_729, %add3A_725 : vector<16xf32>
      %swap3A_731 = arith.index_cast %scan3A_329 : i32 to index
      %swap3A_732 = arith.constant 112 : index
      %swap3A_733 = tpu.vector_load %arg21[%swap3A_731, %swap3A_732] {strides = array<i32>} : memref<40x128xf32, #tpu.memory_space<vmem>>, vector<1x16xf32>,
      %swap3A_734 = vector.shape_cast %swap3A_733 : vector<1x16xf32> to vector<16xf32>
      %swap3A_735 = vector.shape_cast %mul3A_730 : vector<16xf32> to vector<1x16xf32>
      tpu.vector_store %arg21[%swap3A_731, %swap3A_732], %swap3A_735 {strides = array<i32>} : memref<40x128xf32, #tpu.memory_space<vmem>>, vector<1x16xf32>,
      %scan3A_736 = arith.constant 0 : i32
      scf.yield %scan3A_736 : i32
    }
    %scan3A_196 = arith.constant 40 : i32
    %dma_start3A_197 = arith.constant 0 : i32
    %dma_start3A_198 = arith.constant 0 : i32
    %dma_start3A_199 = tpu.memref_slice %arg22[%dma_start3A_197, %dma_start3A_198] : memref<10000x128xf32, #tpu.memory_space<vmem_shared>> -> memref<10000x128xf32, #tpu.memory_space<vmem_shared>>
    tpu.enqueue_indirect_dma source(%arg21 : memref<40x128xf32, #tpu.memory_space<vmem>>) target(%dma_start3A_199 : memref<10000x128xf32, #tpu.memory_space<vmem_shared>>) offsets(%arg13 : memref<40xi32, #tpu.memory_space<vmem>>) semaphore(%arg28 : memref<!tpu.dma_semaphore, #tpu.memory_space<semaphore_mem>>) {add = true}
    %scan3A_200 = arith.constant 0 : i32
    %scan3A_201 = arith.constant 1 : i32
    %scan3A_202 = arith.constant 123 : i32
    %scan3A_203 = arith.addi %scan3A_201, %scan3A_202 : i32
    %scan3A_204 = arith.constant 1 : i32
    %scan3A_205 = scf.for %scan3A_329 = %scan3A_201 to %scan3A_203 step %scan3A_204 iter_args(%scan3A_330 = %scan3A_200) -> (i32)  : i32 {
      %mul3A_331 = arith.constant 2 : i32
      %mul3A_332 = arith.muli %mul3A_331, %scan3A_329 : i32
      %dma_wait3A_333 = arith.constant 0 : i32
      %dma_wait3A_334 = arith.constant 0 : i32
      %dma_wait3A_335 = tpu.memref_slice %arg5[%dma_wait3A_333, %dma_wait3A_334] : memref<10000x128xf32, #tpu.memory_space<hbm>> -> memref<10000x128xf32, #tpu.memory_space<hbm>>
      tpu.wait_indirect_dma semaphore(%arg25 : memref<!tpu.dma_semaphore, #tpu.memory_space<semaphore_mem>>) src(%dma_wait3A_335 : memref<10000x128xf32, #tpu.memory_space<hbm>>) dst(%arg14 : memref<40x128xf32, #tpu.memory_space<vmem>>)
      %dma_wait3A_336 = arith.constant 0 : i32
      %dma_wait3A_337 = arith.constant 0 : i32
      %dma_wait3A_338 = tpu.memref_slice %arg6[%dma_wait3A_336, %dma_wait3A_337] : memref<10000x128xf32, #tpu.memory_space<hbm>> -> memref<10000x128xf32, #tpu.memory_space<hbm>>
      tpu.wait_indirect_dma semaphore(%arg25 : memref<!tpu.dma_semaphore, #tpu.memory_space<semaphore_mem>>) src(%dma_wait3A_338 : memref<10000x128xf32, #tpu.memory_space<hbm>>) dst(%arg16 : memref<40x128xf32, #tpu.memory_space<vmem>>)
      %dma_wait3A_339 = arith.constant 0 : i32
      %dma_wait3A_340 = arith.constant 0 : i32
      %dma_wait3A_341 = tpu.memref_slice %arg4[%dma_wait3A_339, %dma_wait3A_340] : memref<10000x128xf32, #tpu.memory_space<hbm>> -> memref<10000x128xf32, #tpu.memory_space<hbm>>
      tpu.wait_indirect_dma semaphore(%arg25 : memref<!tpu.dma_semaphore, #tpu.memory_space<semaphore_mem>>) src(%dma_wait3A_341 : memref<10000x128xf32, #tpu.memory_space<hbm>>) dst(%arg18 : memref<40x128xf32, #tpu.memory_space<vmem>>)
      %dma_wait3A_342 = arith.constant 0 : i32
      %dma_wait3A_343 = arith.constant 0 : i32
      %dma_wait3A_344 = tpu.memref_slice %arg22[%dma_wait3A_342, %dma_wait3A_343] : memref<10000x128xf32, #tpu.memory_space<vmem_shared>> -> memref<10000x128xf32, #tpu.memory_space<vmem_shared>>
      tpu.wait_indirect_dma semaphore(%arg27 : memref<!tpu.dma_semaphore, #tpu.memory_space<semaphore_mem>>) src(%arg20 : memref<40x128xf32, #tpu.memory_space<vmem>>) dst(%dma_wait3A_344 : memref<10000x128xf32, #tpu.memory_space<vmem_shared>>)
      %get3A_345 = arith.constant 0 : index
      %get3A_346 = tpu.vector_load %arg10[%get3A_345] {strides = array<i32>} : memref<40xi32, #tpu.memory_space<vmem>>, vector<16xi32>,
      %get3A_347 = vector.shape_cast %get3A_346 : vector<16xi32> to vector<16xi32>
      %swap3A_348 = arith.constant 0 : index
      %swap3A_349 = tpu.vector_load %arg12[%swap3A_348] {strides = array<i32>} : memref<40xi32, #tpu.memory_space<vmem>>, vector<16xi32>,
      %swap3A_350 = vector.shape_cast %swap3A_349 : vector<16xi32> to vector<16xi32>
      %swap3A_351 = vector.shape_cast %get3A_347 : vector<16xi32> to vector<16xi32>
      tpu.vector_store %arg12[%swap3A_348], %swap3A_351 {strides = array<i32>} : memref<40xi32, #tpu.memory_space<vmem>>, vector<16xi32>,
      %get3A_352 = arith.constant 16 : index
      %get3A_353 = tpu.vector_load %arg10[%get3A_352] {strides = array<i32>} : memref<40xi32, #tpu.memory_space<vmem>>, vector<16xi32>,
      %get3A_354 = vector.shape_cast %get3A_353 : vector<16xi32> to vector<16xi32>
      %swap3A_355 = arith.constant 16 : index
      %swap3A_356 = tpu.vector_load %arg12[%swap3A_355] {strides = array<i32>} : memref<40xi32, #tpu.memory_space<vmem>>, vector<16xi32>,
      %swap3A_357 = vector.shape_cast %swap3A_356 : vector<16xi32> to vector<16xi32>
      %swap3A_358 = vector.shape_cast %get3A_354 : vector<16xi32> to vector<16xi32>
      tpu.vector_store %arg12[%swap3A_355], %swap3A_358 {strides = array<i32>} : memref<40xi32, #tpu.memory_space<vmem>>, vector<16xi32>,
      %get3A_359 = arith.constant 24 : index
      %get3A_360 = tpu.vector_load %arg10[%get3A_359] {strides = array<i32>} : memref<40xi32, #tpu.memory_space<vmem>>, vector<16xi32>,
      %get3A_361 = vector.shape_cast %get3A_360 : vector<16xi32> to vector<16xi32>
      %swap3A_362 = arith.constant 24 : index
      %swap3A_363 = tpu.vector_load %arg12[%swap3A_362] {strides = array<i32>} : memref<40xi32, #tpu.memory_space<vmem>>, vector<16xi32>,
      %swap3A_364 = vector.shape_cast %swap3A_363 : vector<16xi32> to vector<16xi32>
      %swap3A_365 = vector.shape_cast %get3A_361 : vector<16xi32> to vector<16xi32>
      tpu.vector_store %arg12[%swap3A_362], %swap3A_365 {strides = array<i32>} : memref<40xi32, #tpu.memory_space<vmem>>, vector<16xi32>,
      %add3A_366 = arith.constant 2 : i32
      %add3A_367 = arith.addi %mul3A_332, %add3A_366 : i32
      %mul3A_368 = arith.constant 40 : i32
      %mul3A_369 = arith.muli %add3A_367, %mul3A_368 : i32
      %add3A_370 = arith.addi %mul3A_2, %mul3A_369 : i32
      %dma_start3A_371 = tpu.memref_slice %arg2[%add3A_370] : memref<320000xi32, #tpu.memory_space<hbm>> -> memref<40xi32, #tpu.memory_space<hbm>>
      %dma_start3A_372 = tpu.memref_slice %arg2[%add3A_370] : memref<320000xi32, #tpu.memory_space<hbm>> -> memref<40xi32, #tpu.memory_space<hbm>>
      tpu.enqueue_dma source(%dma_start3A_372 : memref<40xi32, #tpu.memory_space<hbm>>) target(%arg8 : memref<40xi32, #tpu.memory_space<vmem>>) target_semaphore(%arg23 : memref<!tpu.dma_semaphore, #tpu.memory_space<semaphore_mem>>)
      %mul3A_373 = arith.constant 40 : i32
      %mul3A_374 = arith.muli %add3A_367, %mul3A_373 : i32
      %add3A_375 = arith.addi %mul3A_2, %mul3A_374 : i32
      %dma_start3A_376 = tpu.memref_slice %arg3[%add3A_375] : memref<320000xi32, #tpu.memory_space<hbm>> -> memref<40xi32, #tpu.memory_space<hbm>>
      %dma_start3A_377 = tpu.memref_slice %arg3[%add3A_375] : memref<320000xi32, #tpu.memory_space<hbm>> -> memref<40xi32, #tpu.memory_space<hbm>>
      tpu.enqueue_dma source(%dma_start3A_377 : memref<40xi32, #tpu.memory_space<hbm>>) target(%arg10 : memref<40xi32, #tpu.memory_space<vmem>>) target_semaphore(%arg23 : memref<!tpu.dma_semaphore, #tpu.memory_space<semaphore_mem>>)
      %add3A_378 = arith.constant 1 : i32
      %add3A_379 = arith.addi %mul3A_332, %add3A_378 : i32
      %mul3A_380 = arith.constant 40 : i32
      %mul3A_381 = arith.muli %add3A_379, %mul3A_380 : i32
      %add3A_382 = arith.addi %mul3A_2, %mul3A_381 : i32
      %dma_wait3A_383 = tpu.memref_slice %arg2[%add3A_382] : memref<320000xi32, #tpu.memory_space<hbm>> -> memref<40xi32, #tpu.memory_space<hbm>>
      %dma_wait3A_384 = tpu.memref_slice %arg2[%add3A_382] : memref<320000xi32, #tpu.memory_space<hbm>> -> memref<40xi32, #tpu.memory_space<hbm>>
      tpu.wait_dma2 semaphore(%arg24 : memref<!tpu.dma_semaphore, #tpu.memory_space<semaphore_mem>>) src(%dma_wait3A_384 : memref<40xi32, #tpu.memory_space<hbm>>) dst(%arg9 : memref<40xi32, #tpu.memory_space<vmem>>)
      %mul3A_385 = arith.constant 40 : i32
      %mul3A_386 = arith.muli %add3A_379, %mul3A_385 : i32
      %add3A_387 = arith.addi %mul3A_2, %mul3A_386 : i32
      %dma_wait3A_388 = tpu.memref_slice %arg3[%add3A_387] : memref<320000xi32, #tpu.memory_space<hbm>> -> memref<40xi32, #tpu.memory_space<hbm>>
      %dma_wait3A_389 = tpu.memref_slice %arg3[%add3A_387] : memref<320000xi32, #tpu.memory_space<hbm>> -> memref<40xi32, #tpu.memory_space<hbm>>
      tpu.wait_dma2 semaphore(%arg24 : memref<!tpu.dma_semaphore, #tpu.memory_space<semaphore_mem>>) src(%dma_wait3A_389 : memref<40xi32, #tpu.memory_space<hbm>>) dst(%arg11 : memref<40xi32, #tpu.memory_space<vmem>>)
      %dma_start3A_390 = arith.constant 0 : i32
      %dma_start3A_391 = arith.constant 0 : i32
      %dma_start3A_392 = tpu.memref_slice %arg5[%dma_start3A_390, %dma_start3A_391] : memref<10000x128xf32, #tpu.memory_space<hbm>> -> memref<10000x128xf32, #tpu.memory_space<hbm>>
      tpu.enqueue_indirect_dma source(%dma_start3A_392 : memref<10000x128xf32, #tpu.memory_space<hbm>>) target(%arg15 : memref<40x128xf32, #tpu.memory_space<vmem>>) offsets(%arg9 : memref<40xi32, #tpu.memory_space<vmem>>) semaphore(%arg26 : memref<!tpu.dma_semaphore, #tpu.memory_space<semaphore_mem>>)
      %dma_start3A_393 = arith.constant 0 : i32
      %dma_start3A_394 = arith.constant 0 : i32
      %dma_start3A_395 = tpu.memref_slice %arg6[%dma_start3A_393, %dma_start3A_394] : memref<10000x128xf32, #tpu.memory_space<hbm>> -> memref<10000x128xf32, #tpu.memory_space<hbm>>
      tpu.enqueue_indirect_dma source(%dma_start3A_395 : memref<10000x128xf32, #tpu.memory_space<hbm>>) target(%arg17 : memref<40x128xf32, #tpu.memory_space<vmem>>) offsets(%arg9 : memref<40xi32, #tpu.memory_space<vmem>>) semaphore(%arg26 : memref<!tpu.dma_semaphore, #tpu.memory_space<semaphore_mem>>)
      %dma_start3A_396 = arith.constant 0 : i32
      %dma_start3A_397 = arith.constant 0 : i32
      %dma_start3A_398 = tpu.memref_slice %arg4[%dma_start3A_396, %dma_start3A_397] : memref<10000x128xf32, #tpu.memory_space<hbm>> -> memref<10000x128xf32, #tpu.memory_space<hbm>>
      tpu.enqueue_indirect_dma source(%dma_start3A_398 : memref<10000x128xf32, #tpu.memory_space<hbm>>) target(%arg19 : memref<40x128xf32, #tpu.memory_space<vmem>>) offsets(%arg11 : memref<40xi32, #tpu.memory_space<vmem>>) semaphore(%arg26 : memref<!tpu.dma_semaphore, #tpu.memory_space<semaphore_mem>>)
      %scan3A_399 = arith.constant 0 : i32
      %scan3A_400 = arith.constant 0 : i32
      %scan3A_401 = arith.constant 40 : i32
      %scan3A_402 = arith.addi %scan3A_400, %scan3A_401 : i32
      %scan3A_403 = arith.constant 1 : i32
      %scan3A_404 = scf.for %scan3A_490 = %scan3A_400 to %scan3A_402 step %scan3A_403 iter_args(%scan3A_491 = %scan3A_399) -> (i32)  : i32 {
        %get3A_492 = arith.index_cast %scan3A_490 : i32 to index
        %get3A_493 = arith.constant 0 : index
        %get3A_494 = tpu.vector_load %arg14[%get3A_492, %get3A_493] {strides = array<i32>} : memref<40x128xf32, #tpu.memory_space<vmem>>, vector<1x16xf32>,
        %get3A_495 = vector.shape_cast %get3A_494 : vector<1x16xf32> to vector<16xf32>
        %get3A_496 = arith.index_cast %scan3A_490 : i32 to index
        %get3A_497 = arith.constant 0 : index
        %get3A_498 = tpu.vector_load %arg18[%get3A_496, %get3A_497] {strides = array<i32>} : memref<40x128xf32, #tpu.memory_space<vmem>>, vector<1x16xf32>,
        %get3A_499 = vector.shape_cast %get3A_498 : vector<1x16xf32> to vector<16xf32>
        %mul3A_500 = arith.mulf %get3A_495, %get3A_499 : vector<16xf32>
        %iota3A = tpu.iota {dimensions = array<i32: 0>} : vector<16xi32>
        %xor3A = arith.constant 8 : i32
        %xor3A_501 = vector.broadcast %xor3A : i32 to vector<16xi32>
        %xor3A_502 = arith.xori %iota3A, %xor3A_501 : vector<16xi32>
        %broadcast_in_dim3A_503 = vector.shape_cast %xor3A_502 : vector<16xi32> to vector<16x1xi32>
        %gather3A = vector.shape_cast %broadcast_in_dim3A_503 : vector<16x1xi32> to vector<16xi32>
        %gather3A_504 = tpu.dynamic_gather %mul3A_500[%gather3A] in [0] : vector<16xf32>, vector<16xi32> -> vector<16xf32>
        %add3A_505 = arith.addf %mul3A_500, %gather3A_504 : vector<16xf32>
        %iota3A_506 = tpu.iota {dimensions = array<i32: 0>} : vector<16xi32>
        %xor3A_507 = arith.constant 4 : i32
        %xor3A_508 = vector.broadcast %xor3A_507 : i32 to vector<16xi32>
        %xor3A_509 = arith.xori %iota3A_506, %xor3A_508 : vector<16xi32>
        %broadcast_in_dim3A_510 = vector.shape_cast %xor3A_509 : vector<16xi32> to vector<16x1xi32>
        %gather3A_511 = vector.shape_cast %broadcast_in_dim3A_510 : vector<16x1xi32> to vector<16xi32>
        %gather3A_512 = tpu.dynamic_gather %add3A_505[%gather3A_511] in [0] : vector<16xf32>, vector<16xi32> -> vector<16xf32>
        %add3A_513 = arith.addf %add3A_505, %gather3A_512 : vector<16xf32>
        %iota3A_514 = tpu.iota {dimensions = array<i32: 0>} : vector<16xi32>
        %xor3A_515 = arith.constant 2 : i32
        %xor3A_516 = vector.broadcast %xor3A_515 : i32 to vector<16xi32>
        %xor3A_517 = arith.xori %iota3A_514, %xor3A_516 : vector<16xi32>
        %broadcast_in_dim3A_518 = vector.shape_cast %xor3A_517 : vector<16xi32> to vector<16x1xi32>
        %gather3A_519 = vector.shape_cast %broadcast_in_dim3A_518 : vector<16x1xi32> to vector<16xi32>
        %gather3A_520 = tpu.dynamic_gather %add3A_513[%gather3A_519] in [0] : vector<16xf32>, vector<16xi32> -> vector<16xf32>
        %add3A_521 = arith.addf %add3A_513, %gather3A_520 : vector<16xf32>
        %iota3A_522 = tpu.iota {dimensions = array<i32: 0>} : vector<16xi32>
        %xor3A_523 = arith.constant 1 : i32
        %xor3A_524 = vector.broadcast %xor3A_523 : i32 to vector<16xi32>
        %xor3A_525 = arith.xori %iota3A_522, %xor3A_524 : vector<16xi32>
        %broadcast_in_dim3A_526 = vector.shape_cast %xor3A_525 : vector<16xi32> to vector<16x1xi32>
        %gather3A_527 = vector.shape_cast %broadcast_in_dim3A_526 : vector<16x1xi32> to vector<16xi32>
        %gather3A_528 = tpu.dynamic_gather %add3A_521[%gather3A_527] in [0] : vector<16xf32>, vector<16xi32> -> vector<16xf32>
        %add3A_529 = arith.addf %add3A_521, %gather3A_528 : vector<16xf32>
        %get3A_530 = arith.index_cast %scan3A_490 : i32 to index
        %get3A_531 = arith.constant 0 : index
        %get3A_532 = tpu.vector_load %arg16[%get3A_530, %get3A_531] {strides = array<i32>} : memref<40x128xf32, #tpu.memory_space<vmem>>, vector<1x16xf32>,
        %get3A_533 = vector.shape_cast %get3A_532 : vector<1x16xf32> to vector<16xf32>
        %mul3A_534 = arith.mulf %get3A_533, %add3A_529 : vector<16xf32>
        %swap3A_535 = arith.index_cast %scan3A_490 : i32 to index
        %swap3A_536 = arith.constant 0 : index
        %swap3A_537 = tpu.vector_load %arg20[%swap3A_535, %swap3A_536] {strides = array<i32>} : memref<40x128xf32, #tpu.memory_space<vmem>>, vector<1x16xf32>,
        %swap3A_538 = vector.shape_cast %swap3A_537 : vector<1x16xf32> to vector<16xf32>
        %swap3A_539 = vector.shape_cast %mul3A_534 : vector<16xf32> to vector<1x16xf32>
        tpu.vector_store %arg20[%swap3A_535, %swap3A_536], %swap3A_539 {strides = array<i32>} : memref<40x128xf32, #tpu.memory_space<vmem>>, vector<1x16xf32>,
        %get3A_540 = arith.index_cast %scan3A_490 : i32 to index
        %get3A_541 = arith.constant 16 : index
        %get3A_542 = tpu.vector_load %arg14[%get3A_540, %get3A_541] {strides = array<i32>} : memref<40x128xf32, #tpu.memory_space<vmem>>, vector<1x16xf32>,
        %get3A_543 = vector.shape_cast %get3A_542 : vector<1x16xf32> to vector<16xf32>
        %get3A_544 = arith.index_cast %scan3A_490 : i32 to index
        %get3A_545 = arith.constant 16 : index
        %get3A_546 = tpu.vector_load %arg18[%get3A_544, %get3A_545] {strides = array<i32>} : memref<40x128xf32, #tpu.memory_space<vmem>>, vector<1x16xf32>,
        %get3A_547 = vector.shape_cast %get3A_546 : vector<1x16xf32> to vector<16xf32>
        %mul3A_548 = arith.mulf %get3A_543, %get3A_547 : vector<16xf32>
        %iota3A_549 = tpu.iota {dimensions = array<i32: 0>} : vector<16xi32>
        %xor3A_550 = arith.constant 8 : i32
        %xor3A_551 = vector.broadcast %xor3A_550 : i32 to vector<16xi32>
        %xor3A_552 = arith.xori %iota3A_549, %xor3A_551 : vector<16xi32>
        %broadcast_in_dim3A_553 = vector.shape_cast %xor3A_552 : vector<16xi32> to vector<16x1xi32>
        %gather3A_554 = vector.shape_cast %broadcast_in_dim3A_553 : vector<16x1xi32> to vector<16xi32>
        %gather3A_555 = tpu.dynamic_gather %mul3A_548[%gather3A_554] in [0] : vector<16xf32>, vector<16xi32> -> vector<16xf32>
        %add3A_556 = arith.addf %mul3A_548, %gather3A_555 : vector<16xf32>
        %iota3A_557 = tpu.iota {dimensions = array<i32: 0>} : vector<16xi32>
        %xor3A_558 = arith.constant 4 : i32
        %xor3A_559 = vector.broadcast %xor3A_558 : i32 to vector<16xi32>
        %xor3A_560 = arith.xori %iota3A_557, %xor3A_559 : vector<16xi32>
        %broadcast_in_dim3A_561 = vector.shape_cast %xor3A_560 : vector<16xi32> to vector<16x1xi32>
        %gather3A_562 = vector.shape_cast %broadcast_in_dim3A_561 : vector<16x1xi32> to vector<16xi32>
        %gather3A_563 = tpu.dynamic_gather %add3A_556[%gather3A_562] in [0] : vector<16xf32>, vector<16xi32> -> vector<16xf32>
        %add3A_564 = arith.addf %add3A_556, %gather3A_563 : vector<16xf32>
        %iota3A_565 = tpu.iota {dimensions = array<i32: 0>} : vector<16xi32>
        %xor3A_566 = arith.constant 2 : i32
        %xor3A_567 = vector.broadcast %xor3A_566 : i32 to vector<16xi32>
        %xor3A_568 = arith.xori %iota3A_565, %xor3A_567 : vector<16xi32>
        %broadcast_in_dim3A_569 = vector.shape_cast %xor3A_568 : vector<16xi32> to vector<16x1xi32>
        %gather3A_570 = vector.shape_cast %broadcast_in_dim3A_569 : vector<16x1xi32> to vector<16xi32>
        %gather3A_571 = tpu.dynamic_gather %add3A_564[%gather3A_570] in [0] : vector<16xf32>, vector<16xi32> -> vector<16xf32>
        %add3A_572 = arith.addf %add3A_564, %gather3A_571 : vector<16xf32>
        %iota3A_573 = tpu.iota {dimensions = array<i32: 0>} : vector<16xi32>
        %xor3A_574 = arith.constant 1 : i32
        %xor3A_575 = vector.broadcast %xor3A_574 : i32 to vector<16xi32>
        %xor3A_576 = arith.xori %iota3A_573, %xor3A_575 : vector<16xi32>
        %broadcast_in_dim3A_577 = vector.shape_cast %xor3A_576 : vector<16xi32> to vector<16x1xi32>
        %gather3A_578 = vector.shape_cast %broadcast_in_dim3A_577 : vector<16x1xi32> to vector<16xi32>
        %gather3A_579 = tpu.dynamic_gather %add3A_572[%gather3A_578] in [0] : vector<16xf32>, vector<16xi32> -> vector<16xf32>
        %add3A_580 = arith.addf %add3A_572, %gather3A_579 : vector<16xf32>
        %get3A_581 = arith.index_cast %scan3A_490 : i32 to index
        %get3A_582 = arith.constant 16 : index
        %get3A_583 = tpu.vector_load %arg16[%get3A_581, %get3A_582] {strides = array<i32>} : memref<40x128xf32, #tpu.memory_space<vmem>>, vector<1x16xf32>,
        %get3A_584 = vector.shape_cast %get3A_583 : vector<1x16xf32> to vector<16xf32>
        %mul3A_585 = arith.mulf %get3A_584, %add3A_580 : vector<16xf32>
        %swap3A_586 = arith.index_cast %scan3A_490 : i32 to index
        %swap3A_587 = arith.constant 16 : index
        %swap3A_588 = tpu.vector_load %arg20[%swap3A_586, %swap3A_587] {strides = array<i32>} : memref<40x128xf32, #tpu.memory_space<vmem>>, vector<1x16xf32>,
        %swap3A_589 = vector.shape_cast %swap3A_588 : vector<1x16xf32> to vector<16xf32>
        %swap3A_590 = vector.shape_cast %mul3A_585 : vector<16xf32> to vector<1x16xf32>
        tpu.vector_store %arg20[%swap3A_586, %swap3A_587], %swap3A_590 {strides = array<i32>} : memref<40x128xf32, #tpu.memory_space<vmem>>, vector<1x16xf32>,
        %get3A_591 = arith.index_cast %scan3A_490 : i32 to index
        %get3A_592 = arith.constant 32 : index
        %get3A_593 = tpu.vector_load %arg14[%get3A_591, %get3A_592] {strides = array<i32>} : memref<40x128xf32, #tpu.memory_space<vmem>>, vector<1x16xf32>,
        %get3A_594 = vector.shape_cast %get3A_593 : vector<1x16xf32> to vector<16xf32>
        %get3A_595 = arith.index_cast %scan3A_490 : i32 to index
        %get3A_596 = arith.constant 32 : index
        %get3A_597 = tpu.vector_load %arg18[%get3A_595, %get3A_596] {strides = array<i32>} : memref<40x128xf32, #tpu.memory_space<vmem>>, vector<1x16xf32>,
        %get3A_598 = vector.shape_cast %get3A_597 : vector<1x16xf32> to vector<16xf32>
        %mul3A_599 = arith.mulf %get3A_594, %get3A_598 : vector<16xf32>
        %iota3A_600 = tpu.iota {dimensions = array<i32: 0>} : vector<16xi32>
        %xor3A_601 = arith.constant 8 : i32
        %xor3A_602 = vector.broadcast %xor3A_601 : i32 to vector<16xi32>
        %xor3A_603 = arith.xori %iota3A_600, %xor3A_602 : vector<16xi32>
        %broadcast_in_dim3A_604 = vector.shape_cast %xor3A_603 : vector<16xi32> to vector<16x1xi32>
        %gather3A_605 = vector.shape_cast %broadcast_in_dim3A_604 : vector<16x1xi32> to vector<16xi32>
        %gather3A_606 = tpu.dynamic_gather %mul3A_599[%gather3A_605] in [0] : vector<16xf32>, vector<16xi32> -> vector<16xf32>
        %add3A_607 = arith.addf %mul3A_599, %gather3A_606 : vector<16xf32>
        %iota3A_608 = tpu.iota {dimensions = array<i32: 0>} : vector<16xi32>
        %xor3A_609 = arith.constant 4 : i32
        %xor3A_610 = vector.broadcast %xor3A_609 : i32 to vector<16xi32>
        %xor3A_611 = arith.xori %iota3A_608, %xor3A_610 : vector<16xi32>
        %broadcast_in_dim3A_612 = vector.shape_cast %xor3A_611 : vector<16xi32> to vector<16x1xi32>
        %gather3A_613 = vector.shape_cast %broadcast_in_dim3A_612 : vector<16x1xi32> to vector<16xi32>
        %gather3A_614 = tpu.dynamic_gather %add3A_607[%gather3A_613] in [0] : vector<16xf32>, vector<16xi32> -> vector<16xf32>
        %add3A_615 = arith.addf %add3A_607, %gather3A_614 : vector<16xf32>
        %iota3A_616 = tpu.iota {dimensions = array<i32: 0>} : vector<16xi32>
        %xor3A_617 = arith.constant 2 : i32
        %xor3A_618 = vector.broadcast %xor3A_617 : i32 to vector<16xi32>
        %xor3A_619 = arith.xori %iota3A_616, %xor3A_618 : vector<16xi32>
        %broadcast_in_dim3A_620 = vector.shape_cast %xor3A_619 : vector<16xi32> to vector<16x1xi32>
        %gather3A_621 = vector.shape_cast %broadcast_in_dim3A_620 : vector<16x1xi32> to vector<16xi32>
        %gather3A_622 = tpu.dynamic_gather %add3A_615[%gather3A_621] in [0] : vector<16xf32>, vector<16xi32> -> vector<16xf32>
        %add3A_623 = arith.addf %add3A_615, %gather3A_622 : vector<16xf32>
        %iota3A_624 = tpu.iota {dimensions = array<i32: 0>} : vector<16xi32>
        %xor3A_625 = arith.constant 1 : i32
        %xor3A_626 = vector.broadcast %xor3A_625 : i32 to vector<16xi32>
        %xor3A_627 = arith.xori %iota3A_624, %xor3A_626 : vector<16xi32>
        %broadcast_in_dim3A_628 = vector.shape_cast %xor3A_627 : vector<16xi32> to vector<16x1xi32>
        %gather3A_629 = vector.shape_cast %broadcast_in_dim3A_628 : vector<16x1xi32> to vector<16xi32>
        %gather3A_630 = tpu.dynamic_gather %add3A_623[%gather3A_629] in [0] : vector<16xf32>, vector<16xi32> -> vector<16xf32>
        %add3A_631 = arith.addf %add3A_623, %gather3A_630 : vector<16xf32>
        %get3A_632 = arith.index_cast %scan3A_490 : i32 to index
        %get3A_633 = arith.constant 32 : index
        %get3A_634 = tpu.vector_load %arg16[%get3A_632, %get3A_633] {strides = array<i32>} : memref<40x128xf32, #tpu.memory_space<vmem>>, vector<1x16xf32>,
        %get3A_635 = vector.shape_cast %get3A_634 : vector<1x16xf32> to vector<16xf32>
        %mul3A_636 = arith.mulf %get3A_635, %add3A_631 : vector<16xf32>
        %swap3A_637 = arith.index_cast %scan3A_490 : i32 to index
        %swap3A_638 = arith.constant 32 : index
        %swap3A_639 = tpu.vector_load %arg20[%swap3A_637, %swap3A_638] {strides = array<i32>} : memref<40x128xf32, #tpu.memory_space<vmem>>, vector<1x16xf32>,
        %swap3A_640 = vector.shape_cast %swap3A_639 : vector<1x16xf32> to vector<16xf32>
        %swap3A_641 = vector.shape_cast %mul3A_636 : vector<16xf32> to vector<1x16xf32>
        tpu.vector_store %arg20[%swap3A_637, %swap3A_638], %swap3A_641 {strides = array<i32>} : memref<40x128xf32, #tpu.memory_space<vmem>>, vector<1x16xf32>,
        %get3A_642 = arith.index_cast %scan3A_490 : i32 to index
        %get3A_643 = arith.constant 48 : index
        %get3A_644 = tpu.vector_load %arg14[%get3A_642, %get3A_643] {strides = array<i32>} : memref<40x128xf32, #tpu.memory_space<vmem>>, vector<1x16xf32>,
        %get3A_645 = vector.shape_cast %get3A_644 : vector<1x16xf32> to vector<16xf32>
        %get3A_646 = arith.index_cast %scan3A_490 : i32 to index
        %get3A_647 = arith.constant 48 : index
        %get3A_648 = tpu.vector_load %arg18[%get3A_646, %get3A_647] {strides = array<i32>} : memref<40x128xf32, #tpu.memory_space<vmem>>, vector<1x16xf32>,
        %get3A_649 = vector.shape_cast %get3A_648 : vector<1x16xf32> to vector<16xf32>
        %mul3A_650 = arith.mulf %get3A_645, %get3A_649 : vector<16xf32>
        %iota3A_651 = tpu.iota {dimensions = array<i32: 0>} : vector<16xi32>
        %xor3A_652 = arith.constant 8 : i32
        %xor3A_653 = vector.broadcast %xor3A_652 : i32 to vector<16xi32>
        %xor3A_654 = arith.xori %iota3A_651, %xor3A_653 : vector<16xi32>
        %broadcast_in_dim3A_655 = vector.shape_cast %xor3A_654 : vector<16xi32> to vector<16x1xi32>
        %gather3A_656 = vector.shape_cast %broadcast_in_dim3A_655 : vector<16x1xi32> to vector<16xi32>
        %gather3A_657 = tpu.dynamic_gather %mul3A_650[%gather3A_656] in [0] : vector<16xf32>, vector<16xi32> -> vector<16xf32>
        %add3A_658 = arith.addf %mul3A_650, %gather3A_657 : vector<16xf32>
        %iota3A_659 = tpu.iota {dimensions = array<i32: 0>} : vector<16xi32>
        %xor3A_660 = arith.constant 4 : i32
        %xor3A_661 = vector.broadcast %xor3A_660 : i32 to vector<16xi32>
        %xor3A_662 = arith.xori %iota3A_659, %xor3A_661 : vector<16xi32>
        %broadcast_in_dim3A_663 = vector.shape_cast %xor3A_662 : vector<16xi32> to vector<16x1xi32>
        %gather3A_664 = vector.shape_cast %broadcast_in_dim3A_663 : vector<16x1xi32> to vector<16xi32>
        %gather3A_665 = tpu.dynamic_gather %add3A_658[%gather3A_664] in [0] : vector<16xf32>, vector<16xi32> -> vector<16xf32>
        %add3A_666 = arith.addf %add3A_658, %gather3A_665 : vector<16xf32>
        %iota3A_667 = tpu.iota {dimensions = array<i32: 0>} : vector<16xi32>
        %xor3A_668 = arith.constant 2 : i32
        %xor3A_669 = vector.broadcast %xor3A_668 : i32 to vector<16xi32>
        %xor3A_670 = arith.xori %iota3A_667, %xor3A_669 : vector<16xi32>
        %broadcast_in_dim3A_671 = vector.shape_cast %xor3A_670 : vector<16xi32> to vector<16x1xi32>
        %gather3A_672 = vector.shape_cast %broadcast_in_dim3A_671 : vector<16x1xi32> to vector<16xi32>
        %gather3A_673 = tpu.dynamic_gather %add3A_666[%gather3A_672] in [0] : vector<16xf32>, vector<16xi32> -> vector<16xf32>
        %add3A_674 = arith.addf %add3A_666, %gather3A_673 : vector<16xf32>
        %iota3A_675 = tpu.iota {dimensions = array<i32: 0>} : vector<16xi32>
        %xor3A_676 = arith.constant 1 : i32
        %xor3A_677 = vector.broadcast %xor3A_676 : i32 to vector<16xi32>
        %xor3A_678 = arith.xori %iota3A_675, %xor3A_677 : vector<16xi32>
        %broadcast_in_dim3A_679 = vector.shape_cast %xor3A_678 : vector<16xi32> to vector<16x1xi32>
        %gather3A_680 = vector.shape_cast %broadcast_in_dim3A_679 : vector<16x1xi32> to vector<16xi32>
        %gather3A_681 = tpu.dynamic_gather %add3A_674[%gather3A_680] in [0] : vector<16xf32>, vector<16xi32> -> vector<16xf32>
        %add3A_682 = arith.addf %add3A_674, %gather3A_681 : vector<16xf32>
        %get3A_683 = arith.index_cast %scan3A_490 : i32 to index
        %get3A_684 = arith.constant 48 : index
        %get3A_685 = tpu.vector_load %arg16[%get3A_683, %get3A_684] {strides = array<i32>} : memref<40x128xf32, #tpu.memory_space<vmem>>, vector<1x16xf32>,
        %get3A_686 = vector.shape_cast %get3A_685 : vector<1x16xf32> to vector<16xf32>
        %mul3A_687 = arith.mulf %get3A_686, %add3A_682 : vector<16xf32>
        %swap3A_688 = arith.index_cast %scan3A_490 : i32 to index
        %swap3A_689 = arith.constant 48 : index
        %swap3A_690 = tpu.vector_load %arg20[%swap3A_688, %swap3A_689] {strides = array<i32>} : memref<40x128xf32, #tpu.memory_space<vmem>>, vector<1x16xf32>,
        %swap3A_691 = vector.shape_cast %swap3A_690 : vector<1x16xf32> to vector<16xf32>
        %swap3A_692 = vector.shape_cast %mul3A_687 : vector<16xf32> to vector<1x16xf32>
        tpu.vector_store %arg20[%swap3A_688, %swap3A_689], %swap3A_692 {strides = array<i32>} : memref<40x128xf32, #tpu.memory_space<vmem>>, vector<1x16xf32>,
        %get3A_693 = arith.index_cast %scan3A_490 : i32 to index
        %get3A_694 = arith.constant 64 : index
        %get3A_695 = tpu.vector_load %arg14[%get3A_693, %get3A_694] {strides = array<i32>} : memref<40x128xf32, #tpu.memory_space<vmem>>, vector<1x16xf32>,
        %get3A_696 = vector.shape_cast %get3A_695 : vector<1x16xf32> to vector<16xf32>
        %get3A_697 = arith.index_cast %scan3A_490 : i32 to index
        %get3A_698 = arith.constant 64 : index
        %get3A_699 = tpu.vector_load %arg18[%get3A_697, %get3A_698] {strides = array<i32>} : memref<40x128xf32, #tpu.memory_space<vmem>>, vector<1x16xf32>,
        %get3A_700 = vector.shape_cast %get3A_699 : vector<1x16xf32> to vector<16xf32>
        %mul3A_701 = arith.mulf %get3A_696, %get3A_700 : vector<16xf32>
        %iota3A_702 = tpu.iota {dimensions = array<i32: 0>} : vector<16xi32>
        %xor3A_703 = arith.constant 8 : i32
        %xor3A_704 = vector.broadcast %xor3A_703 : i32 to vector<16xi32>
        %xor3A_705 = arith.xori %iota3A_702, %xor3A_704 : vector<16xi32>
        %broadcast_in_dim3A_706 = vector.shape_cast %xor3A_705 : vector<16xi32> to vector<16x1xi32>
        %gather3A_707 = vector.shape_cast %broadcast_in_dim3A_706 : vector<16x1xi32> to vector<16xi32>
        %gather3A_708 = tpu.dynamic_gather %mul3A_701[%gather3A_707] in [0] : vector<16xf32>, vector<16xi32> -> vector<16xf32>
        %add3A_709 = arith.addf %mul3A_701, %gather3A_708 : vector<16xf32>
        %iota3A_710 = tpu.iota {dimensions = array<i32: 0>} : vector<16xi32>
        %xor3A_711 = arith.constant 4 : i32
        %xor3A_712 = vector.broadcast %xor3A_711 : i32 to vector<16xi32>
        %xor3A_713 = arith.xori %iota3A_710, %xor3A_712 : vector<16xi32>
        %broadcast_in_dim3A_714 = vector.shape_cast %xor3A_713 : vector<16xi32> to vector<16x1xi32>
        %gather3A_715 = vector.shape_cast %broadcast_in_dim3A_714 : vector<16x1xi32> to vector<16xi32>
        %gather3A_716 = tpu.dynamic_gather %add3A_709[%gather3A_715] in [0] : vector<16xf32>, vector<16xi32> -> vector<16xf32>
        %add3A_717 = arith.addf %add3A_709, %gather3A_716 : vector<16xf32>
        %iota3A_718 = tpu.iota {dimensions = array<i32: 0>} : vector<16xi32>
        %xor3A_719 = arith.constant 2 : i32
        %xor3A_720 = vector.broadcast %xor3A_719 : i32 to vector<16xi32>
        %xor3A_721 = arith.xori %iota3A_718, %xor3A_720 : vector<16xi32>
        %broadcast_in_dim3A_722 = vector.shape_cast %xor3A_721 : vector<16xi32> to vector<16x1xi32>
        %gather3A_723 = vector.shape_cast %broadcast_in_dim3A_722 : vector<16x1xi32> to vector<16xi32>
        %gather3A_724 = tpu.dynamic_gather %add3A_717[%gather3A_723] in [0] : vector<16xf32>, vector<16xi32> -> vector<16xf32>
        %add3A_725 = arith.addf %add3A_717, %gather3A_724 : vector<16xf32>
        %iota3A_726 = tpu.iota {dimensions = array<i32: 0>} : vector<16xi32>
        %xor3A_727 = arith.constant 1 : i32
        %xor3A_728 = vector.broadcast %xor3A_727 : i32 to vector<16xi32>
        %xor3A_729 = arith.xori %iota3A_726, %xor3A_728 : vector<16xi32>
        %broadcast_in_dim3A_730 = vector.shape_cast %xor3A_729 : vector<16xi32> to vector<16x1xi32>
        %gather3A_731 = vector.shape_cast %broadcast_in_dim3A_730 : vector<16x1xi32> to vector<16xi32>
        %gather3A_732 = tpu.dynamic_gather %add3A_725[%gather3A_731] in [0] : vector<16xf32>, vector<16xi32> -> vector<16xf32>
        %add3A_733 = arith.addf %add3A_725, %gather3A_732 : vector<16xf32>
        %get3A_734 = arith.index_cast %scan3A_490 : i32 to index
        %get3A_735 = arith.constant 64 : index
        %get3A_736 = tpu.vector_load %arg16[%get3A_734, %get3A_735] {strides = array<i32>} : memref<40x128xf32, #tpu.memory_space<vmem>>, vector<1x16xf32>,
        %get3A_737 = vector.shape_cast %get3A_736 : vector<1x16xf32> to vector<16xf32>
        %mul3A_738 = arith.mulf %get3A_737, %add3A_733 : vector<16xf32>
        %swap3A_739 = arith.index_cast %scan3A_490 : i32 to index
        %swap3A_740 = arith.constant 64 : index
        %swap3A_741 = tpu.vector_load %arg20[%swap3A_739, %swap3A_740] {strides = array<i32>} : memref<40x128xf32, #tpu.memory_space<vmem>>, vector<1x16xf32>,
        %swap3A_742 = vector.shape_cast %swap3A_741 : vector<1x16xf32> to vector<16xf32>
        %swap3A_743 = vector.shape_cast %mul3A_738 : vector<16xf32> to vector<1x16xf32>
        tpu.vector_store %arg20[%swap3A_739, %swap3A_740], %swap3A_743 {strides = array<i32>} : memref<40x128xf32, #tpu.memory_space<vmem>>, vector<1x16xf32>,
        %get3A_744 = arith.index_cast %scan3A_490 : i32 to index
        %get3A_745 = arith.constant 80 : index
        %get3A_746 = tpu.vector_load %arg14[%get3A_744, %get3A_745] {strides = array<i32>} : memref<40x128xf32, #tpu.memory_space<vmem>>, vector<1x16xf32>,
        %get3A_747 = vector.shape_cast %get3A_746 : vector<1x16xf32> to vector<16xf32>
        %get3A_748 = arith.index_cast %scan3A_490 : i32 to index
        %get3A_749 = arith.constant 80 : index
        %get3A_750 = tpu.vector_load %arg18[%get3A_748, %get3A_749] {strides = array<i32>} : memref<40x128xf32, #tpu.memory_space<vmem>>, vector<1x16xf32>,
        %get3A_751 = vector.shape_cast %get3A_750 : vector<1x16xf32> to vector<16xf32>
        %mul3A_752 = arith.mulf %get3A_747, %get3A_751 : vector<16xf32>
        %iota3A_753 = tpu.iota {dimensions = array<i32: 0>} : vector<16xi32>
        %xor3A_754 = arith.constant 8 : i32
        %xor3A_755 = vector.broadcast %xor3A_754 : i32 to vector<16xi32>
        %xor3A_756 = arith.xori %iota3A_753, %xor3A_755 : vector<16xi32>
        %broadcast_in_dim3A_757 = vector.shape_cast %xor3A_756 : vector<16xi32> to vector<16x1xi32>
        %gather3A_758 = vector.shape_cast %broadcast_in_dim3A_757 : vector<16x1xi32> to vector<16xi32>
        %gather3A_759 = tpu.dynamic_gather %mul3A_752[%gather3A_758] in [0] : vector<16xf32>, vector<16xi32> -> vector<16xf32>
        %add3A_760 = arith.addf %mul3A_752, %gather3A_759 : vector<16xf32>
        %iota3A_761 = tpu.iota {dimensions = array<i32: 0>} : vector<16xi32>
        %xor3A_762 = arith.constant 4 : i32
        %xor3A_763 = vector.broadcast %xor3A_762 : i32 to vector<16xi32>
        %xor3A_764 = arith.xori %iota3A_761, %xor3A_763 : vector<16xi32>
        %broadcast_in_dim3A_765 = vector.shape_cast %xor3A_764 : vector<16xi32> to vector<16x1xi32>
        %gather3A_766 = vector.shape_cast %broadcast_in_dim3A_765 : vector<16x1xi32> to vector<16xi32>
        %gather3A_767 = tpu.dynamic_gather %add3A_760[%gather3A_766] in [0] : vector<16xf32>, vector<16xi32> -> vector<16xf32>
        %add3A_768 = arith.addf %add3A_760, %gather3A_767 : vector<16xf32>
        %iota3A_769 = tpu.iota {dimensions = array<i32: 0>} : vector<16xi32>
        %xor3A_770 = arith.constant 2 : i32
        %xor3A_771 = vector.broadcast %xor3A_770 : i32 to vector<16xi32>
        %xor3A_772 = arith.xori %iota3A_769, %xor3A_771 : vector<16xi32>
        %broadcast_in_dim3A_773 = vector.shape_cast %xor3A_772 : vector<16xi32> to vector<16x1xi32>
        %gather3A_774 = vector.shape_cast %broadcast_in_dim3A_773 : vector<16x1xi32> to vector<16xi32>
        %gather3A_775 = tpu.dynamic_gather %add3A_768[%gather3A_774] in [0] : vector<16xf32>, vector<16xi32> -> vector<16xf32>
        %add3A_776 = arith.addf %add3A_768, %gather3A_775 : vector<16xf32>
        %iota3A_777 = tpu.iota {dimensions = array<i32: 0>} : vector<16xi32>
        %xor3A_778 = arith.constant 1 : i32
        %xor3A_779 = vector.broadcast %xor3A_778 : i32 to vector<16xi32>
        %xor3A_780 = arith.xori %iota3A_777, %xor3A_779 : vector<16xi32>
        %broadcast_in_dim3A_781 = vector.shape_cast %xor3A_780 : vector<16xi32> to vector<16x1xi32>
        %gather3A_782 = vector.shape_cast %broadcast_in_dim3A_781 : vector<16x1xi32> to vector<16xi32>
        %gather3A_783 = tpu.dynamic_gather %add3A_776[%gather3A_782] in [0] : vector<16xf32>, vector<16xi32> -> vector<16xf32>
        %add3A_784 = arith.addf %add3A_776, %gather3A_783 : vector<16xf32>
        %get3A_785 = arith.index_cast %scan3A_490 : i32 to index
        %get3A_786 = arith.constant 80 : index
        %get3A_787 = tpu.vector_load %arg16[%get3A_785, %get3A_786] {strides = array<i32>} : memref<40x128xf32, #tpu.memory_space<vmem>>, vector<1x16xf32>,
        %get3A_788 = vector.shape_cast %get3A_787 : vector<1x16xf32> to vector<16xf32>
        %mul3A_789 = arith.mulf %get3A_788, %add3A_784 : vector<16xf32>
        %swap3A_790 = arith.index_cast %scan3A_490 : i32 to index
        %swap3A_791 = arith.constant 80 : index
        %swap3A_792 = tpu.vector_load %arg20[%swap3A_790, %swap3A_791] {strides = array<i32>} : memref<40x128xf32, #tpu.memory_space<vmem>>, vector<1x16xf32>,
        %swap3A_793 = vector.shape_cast %swap3A_792 : vector<1x16xf32> to vector<16xf32>
        %swap3A_794 = vector.shape_cast %mul3A_789 : vector<16xf32> to vector<1x16xf32>
        tpu.vector_store %arg20[%swap3A_790, %swap3A_791], %swap3A_794 {strides = array<i32>} : memref<40x128xf32, #tpu.memory_space<vmem>>, vector<1x16xf32>,
        %get3A_795 = arith.index_cast %scan3A_490 : i32 to index
        %get3A_796 = arith.constant 96 : index
        %get3A_797 = tpu.vector_load %arg14[%get3A_795, %get3A_796] {strides = array<i32>} : memref<40x128xf32, #tpu.memory_space<vmem>>, vector<1x16xf32>,
        %get3A_798 = vector.shape_cast %get3A_797 : vector<1x16xf32> to vector<16xf32>
        %get3A_799 = arith.index_cast %scan3A_490 : i32 to index
        %get3A_800 = arith.constant 96 : index
        %get3A_801 = tpu.vector_load %arg18[%get3A_799, %get3A_800] {strides = array<i32>} : memref<40x128xf32, #tpu.memory_space<vmem>>, vector<1x16xf32>,
        %get3A_802 = vector.shape_cast %get3A_801 : vector<1x16xf32> to vector<16xf32>
        %mul3A_803 = arith.mulf %get3A_798, %get3A_802 : vector<16xf32>
        %iota3A_804 = tpu.iota {dimensions = array<i32: 0>} : vector<16xi32>
        %xor3A_805 = arith.constant 8 : i32
        %xor3A_806 = vector.broadcast %xor3A_805 : i32 to vector<16xi32>
        %xor3A_807 = arith.xori %iota3A_804, %xor3A_806 : vector<16xi32>
        %broadcast_in_dim3A_808 = vector.shape_cast %xor3A_807 : vector<16xi32> to vector<16x1xi32>
        %gather3A_809 = vector.shape_cast %broadcast_in_dim3A_808 : vector<16x1xi32> to vector<16xi32>
        %gather3A_810 = tpu.dynamic_gather %mul3A_803[%gather3A_809] in [0] : vector<16xf32>, vector<16xi32> -> vector<16xf32>
        %add3A_811 = arith.addf %mul3A_803, %gather3A_810 : vector<16xf32>
        %iota3A_812 = tpu.iota {dimensions = array<i32: 0>} : vector<16xi32>
        %xor3A_813 = arith.constant 4 : i32
        %xor3A_814 = vector.broadcast %xor3A_813 : i32 to vector<16xi32>
        %xor3A_815 = arith.xori %iota3A_812, %xor3A_814 : vector<16xi32>
        %broadcast_in_dim3A_816 = vector.shape_cast %xor3A_815 : vector<16xi32> to vector<16x1xi32>
        %gather3A_817 = vector.shape_cast %broadcast_in_dim3A_816 : vector<16x1xi32> to vector<16xi32>
        %gather3A_818 = tpu.dynamic_gather %add3A_811[%gather3A_817] in [0] : vector<16xf32>, vector<16xi32> -> vector<16xf32>
        %add3A_819 = arith.addf %add3A_811, %gather3A_818 : vector<16xf32>
        %iota3A_820 = tpu.iota {dimensions = array<i32: 0>} : vector<16xi32>
        %xor3A_821 = arith.constant 2 : i32
        %xor3A_822 = vector.broadcast %xor3A_821 : i32 to vector<16xi32>
        %xor3A_823 = arith.xori %iota3A_820, %xor3A_822 : vector<16xi32>
        %broadcast_in_dim3A_824 = vector.shape_cast %xor3A_823 : vector<16xi32> to vector<16x1xi32>
        %gather3A_825 = vector.shape_cast %broadcast_in_dim3A_824 : vector<16x1xi32> to vector<16xi32>
        %gather3A_826 = tpu.dynamic_gather %add3A_819[%gather3A_825] in [0] : vector<16xf32>, vector<16xi32> -> vector<16xf32>
        %add3A_827 = arith.addf %add3A_819, %gather3A_826 : vector<16xf32>
        %iota3A_828 = tpu.iota {dimensions = array<i32: 0>} : vector<16xi32>
        %xor3A_829 = arith.constant 1 : i32
        %xor3A_830 = vector.broadcast %xor3A_829 : i32 to vector<16xi32>
        %xor3A_831 = arith.xori %iota3A_828, %xor3A_830 : vector<16xi32>
        %broadcast_in_dim3A_832 = vector.shape_cast %xor3A_831 : vector<16xi32> to vector<16x1xi32>
        %gather3A_833 = vector.shape_cast %broadcast_in_dim3A_832 : vector<16x1xi32> to vector<16xi32>
        %gather3A_834 = tpu.dynamic_gather %add3A_827[%gather3A_833] in [0] : vector<16xf32>, vector<16xi32> -> vector<16xf32>
        %add3A_835 = arith.addf %add3A_827, %gather3A_834 : vector<16xf32>
        %get3A_836 = arith.index_cast %scan3A_490 : i32 to index
        %get3A_837 = arith.constant 96 : index
        %get3A_838 = tpu.vector_load %arg16[%get3A_836, %get3A_837] {strides = array<i32>} : memref<40x128xf32, #tpu.memory_space<vmem>>, vector<1x16xf32>,
        %get3A_839 = vector.shape_cast %get3A_838 : vector<1x16xf32> to vector<16xf32>
        %mul3A_840 = arith.mulf %get3A_839, %add3A_835 : vector<16xf32>
        %swap3A_841 = arith.index_cast %scan3A_490 : i32 to index
        %swap3A_842 = arith.constant 96 : index
        %swap3A_843 = tpu.vector_load %arg20[%swap3A_841, %swap3A_842] {strides = array<i32>} : memref<40x128xf32, #tpu.memory_space<vmem>>, vector<1x16xf32>,
        %swap3A_844 = vector.shape_cast %swap3A_843 : vector<1x16xf32> to vector<16xf32>
        %swap3A_845 = vector.shape_cast %mul3A_840 : vector<16xf32> to vector<1x16xf32>
        tpu.vector_store %arg20[%swap3A_841, %swap3A_842], %swap3A_845 {strides = array<i32>} : memref<40x128xf32, #tpu.memory_space<vmem>>, vector<1x16xf32>,
        %get3A_846 = arith.index_cast %scan3A_490 : i32 to index
        %get3A_847 = arith.constant 112 : index
        %get3A_848 = tpu.vector_load %arg14[%get3A_846, %get3A_847] {strides = array<i32>} : memref<40x128xf32, #tpu.memory_space<vmem>>, vector<1x16xf32>,
        %get3A_849 = vector.shape_cast %get3A_848 : vector<1x16xf32> to vector<16xf32>
        %get3A_850 = arith.index_cast %scan3A_490 : i32 to index
        %get3A_851 = arith.constant 112 : index
        %get3A_852 = tpu.vector_load %arg18[%get3A_850, %get3A_851] {strides = array<i32>} : memref<40x128xf32, #tpu.memory_space<vmem>>, vector<1x16xf32>,
        %get3A_853 = vector.shape_cast %get3A_852 : vector<1x16xf32> to vector<16xf32>
        %mul3A_854 = arith.mulf %get3A_849, %get3A_853 : vector<16xf32>
        %iota3A_855 = tpu.iota {dimensions = array<i32: 0>} : vector<16xi32>
        %xor3A_856 = arith.constant 8 : i32
        %xor3A_857 = vector.broadcast %xor3A_856 : i32 to vector<16xi32>
        %xor3A_858 = arith.xori %iota3A_855, %xor3A_857 : vector<16xi32>
        %broadcast_in_dim3A_859 = vector.shape_cast %xor3A_858 : vector<16xi32> to vector<16x1xi32>
        %gather3A_860 = vector.shape_cast %broadcast_in_dim3A_859 : vector<16x1xi32> to vector<16xi32>
        %gather3A_861 = tpu.dynamic_gather %mul3A_854[%gather3A_860] in [0] : vector<16xf32>, vector<16xi32> -> vector<16xf32>
        %add3A_862 = arith.addf %mul3A_854, %gather3A_861 : vector<16xf32>
        %iota3A_863 = tpu.iota {dimensions = array<i32: 0>} : vector<16xi32>
        %xor3A_864 = arith.constant 4 : i32
        %xor3A_865 = vector.broadcast %xor3A_864 : i32 to vector<16xi32>
        %xor3A_866 = arith.xori %iota3A_863, %xor3A_865 : vector<16xi32>
        %broadcast_in_dim3A_867 = vector.shape_cast %xor3A_866 : vector<16xi32> to vector<16x1xi32>
        %gather3A_868 = vector.shape_cast %broadcast_in_dim3A_867 : vector<16x1xi32> to vector<16xi32>
        %gather3A_869 = tpu.dynamic_gather %add3A_862[%gather3A_868] in [0] : vector<16xf32>, vector<16xi32> -> vector<16xf32>
        %add3A_870 = arith.addf %add3A_862, %gather3A_869 : vector<16xf32>
        %iota3A_871 = tpu.iota {dimensions = array<i32: 0>} : vector<16xi32>
        %xor3A_872 = arith.constant 2 : i32
        %xor3A_873 = vector.broadcast %xor3A_872 : i32 to vector<16xi32>
        %xor3A_874 = arith.xori %iota3A_871, %xor3A_873 : vector<16xi32>
        %broadcast_in_dim3A_875 = vector.shape_cast %xor3A_874 : vector<16xi32> to vector<16x1xi32>
        %gather3A_876 = vector.shape_cast %broadcast_in_dim3A_875 : vector<16x1xi32> to vector<16xi32>
        %gather3A_877 = tpu.dynamic_gather %add3A_870[%gather3A_876] in [0] : vector<16xf32>, vector<16xi32> -> vector<16xf32>
        %add3A_878 = arith.addf %add3A_870, %gather3A_877 : vector<16xf32>
        %iota3A_879 = tpu.iota {dimensions = array<i32: 0>} : vector<16xi32>
        %xor3A_880 = arith.constant 1 : i32
        %xor3A_881 = vector.broadcast %xor3A_880 : i32 to vector<16xi32>
        %xor3A_882 = arith.xori %iota3A_879, %xor3A_881 : vector<16xi32>
        %broadcast_in_dim3A_883 = vector.shape_cast %xor3A_882 : vector<16xi32> to vector<16x1xi32>
        %gather3A_884 = vector.shape_cast %broadcast_in_dim3A_883 : vector<16x1xi32> to vector<16xi32>
        %gather3A_885 = tpu.dynamic_gather %add3A_878[%gather3A_884] in [0] : vector<16xf32>, vector<16xi32> -> vector<16xf32>
        %add3A_886 = arith.addf %add3A_878, %gather3A_885 : vector<16xf32>
        %get3A_887 = arith.index_cast %scan3A_490 : i32 to index
        %get3A_888 = arith.constant 112 : index
        %get3A_889 = tpu.vector_load %arg16[%get3A_887, %get3A_888] {strides = array<i32>} : memref<40x128xf32, #tpu.memory_space<vmem>>, vector<1x16xf32>,
        %get3A_890 = vector.shape_cast %get3A_889 : vector<1x16xf32> to vector<16xf32>
        %mul3A_891 = arith.mulf %get3A_890, %add3A_886 : vector<16xf32>
        %swap3A_892 = arith.index_cast %scan3A_490 : i32 to index
        %swap3A_893 = arith.constant 112 : index
        %swap3A_894 = tpu.vector_load %arg20[%swap3A_892, %swap3A_893] {strides = array<i32>} : memref<40x128xf32, #tpu.memory_space<vmem>>, vector<1x16xf32>,
        %swap3A_895 = vector.shape_cast %swap3A_894 : vector<1x16xf32> to vector<16xf32>
        %swap3A_896 = vector.shape_cast %mul3A_891 : vector<16xf32> to vector<1x16xf32>
        tpu.vector_store %arg20[%swap3A_892, %swap3A_893], %swap3A_896 {strides = array<i32>} : memref<40x128xf32, #tpu.memory_space<vmem>>, vector<1x16xf32>,
        %scan3A_897 = arith.constant 0 : i32
        scf.yield %scan3A_897 : i32
      }
      %scan3A_405 = arith.constant 40 : i32
      %dma_start3A_406 = arith.constant 0 : i32
      %dma_start3A_407 = arith.constant 0 : i32
      %dma_start3A_408 = tpu.memref_slice %arg22[%dma_start3A_406, %dma_start3A_407] : memref<10000x128xf32, #tpu.memory_space<vmem_shared>> -> memref<10000x128xf32, #tpu.memory_space<vmem_shared>>
      tpu.enqueue_indirect_dma source(%arg20 : memref<40x128xf32, #tpu.memory_space<vmem>>) target(%dma_start3A_408 : memref<10000x128xf32, #tpu.memory_space<vmem_shared>>) offsets(%arg12 : memref<40xi32, #tpu.memory_space<vmem>>) semaphore(%arg27 : memref<!tpu.dma_semaphore, #tpu.memory_space<semaphore_mem>>) {add = true}
      %mul3A_409 = arith.constant 2 : i32
      %mul3A_410 = arith.muli %mul3A_409, %scan3A_329 : i32
      %add3A_411 = arith.constant 1 : i32
      %add3A_412 = arith.addi %mul3A_410, %add3A_411 : i32
      %dma_wait3A_413 = arith.constant 0 : i32
      %dma_wait3A_414 = arith.constant 0 : i32
      %dma_wait3A_415 = tpu.memref_slice %arg5[%dma_wait3A_413, %dma_wait3A_414] : memref<10000x128xf32, #tpu.memory_space<hbm>> -> memref<10000x128xf32, #tpu.memory_space<hbm>>
      tpu.wait_indirect_dma semaphore(%arg26 : memref<!tpu.dma_semaphore, #tpu.memory_space<semaphore_mem>>) src(%dma_wait3A_415 : memref<10000x128xf32, #tpu.memory_space<hbm>>) dst(%arg15 : memref<40x128xf32, #tpu.memory_space<vmem>>)
      %dma_wait3A_416 = arith.constant 0 : i32
      %dma_wait3A_417 = arith.constant 0 : i32
      %dma_wait3A_418 = tpu.memref_slice %arg6[%dma_wait3A_416, %dma_wait3A_417] : memref<10000x128xf32, #tpu.memory_space<hbm>> -> memref<10000x128xf32, #tpu.memory_space<hbm>>
      tpu.wait_indirect_dma semaphore(%arg26 : memref<!tpu.dma_semaphore, #tpu.memory_space<semaphore_mem>>) src(%dma_wait3A_418 : memref<10000x128xf32, #tpu.memory_space<hbm>>) dst(%arg17 : memref<40x128xf32, #tpu.memory_space<vmem>>)
      %dma_wait3A_419 = arith.constant 0 : i32
      %dma_wait3A_420 = arith.constant 0 : i32
      %dma_wait3A_421 = tpu.memref_slice %arg4[%dma_wait3A_419, %dma_wait3A_420] : memref<10000x128xf32, #tpu.memory_space<hbm>> -> memref<10000x128xf32, #tpu.memory_space<hbm>>
      tpu.wait_indirect_dma semaphore(%arg26 : memref<!tpu.dma_semaphore, #tpu.memory_space<semaphore_mem>>) src(%dma_wait3A_421 : memref<10000x128xf32, #tpu.memory_space<hbm>>) dst(%arg19 : memref<40x128xf32, #tpu.memory_space<vmem>>)
      %dma_wait3A_422 = arith.constant 0 : i32
      %dma_wait3A_423 = arith.constant 0 : i32
      %dma_wait3A_424 = tpu.memref_slice %arg22[%dma_wait3A_422, %dma_wait3A_423] : memref<10000x128xf32, #tpu.memory_space<vmem_shared>> -> memref<10000x128xf32, #tpu.memory_space<vmem_shared>>
      tpu.wait_indirect_dma semaphore(%arg28 : memref<!tpu.dma_semaphore, #tpu.memory_space<semaphore_mem>>) src(%arg21 : memref<40x128xf32, #tpu.memory_space<vmem>>) dst(%dma_wait3A_424 : memref<10000x128xf32, #tpu.memory_space<vmem_shared>>)
      %get3A_425 = arith.constant 0 : index
      %get3A_426 = tpu.vector_load %arg11[%get3A_425] {strides = array<i32>} : memref<40xi32, #tpu.memory_space<vmem>>, vector<16xi32>,
      %get3A_427 = vector.shape_cast %get3A_426 : vector<16xi32> to vector<16xi32>
      %swap3A_428 = arith.constant 0 : index
      %swap3A_429 = tpu.vector_load %arg13[%swap3A_428] {strides = array<i32>} : memref<40xi32, #tpu.memory_space<vmem>>, vector<16xi32>,
      %swap3A_430 = vector.shape_cast %swap3A_429 : vector<16xi32> to vector<16xi32>
      %swap3A_431 = vector.shape_cast %get3A_427 : vector<16xi32> to vector<16xi32>
      tpu.vector_store %arg13[%swap3A_428], %swap3A_431 {strides = array<i32>} : memref<40xi32, #tpu.memory_space<vmem>>, vector<16xi32>,
      %get3A_432 = arith.constant 16 : index
      %get3A_433 = tpu.vector_load %arg11[%get3A_432] {strides = array<i32>} : memref<40xi32, #tpu.memory_space<vmem>>, vector<16xi32>,
      %get3A_434 = vector.shape_cast %get3A_433 : vector<16xi32> to vector<16xi32>
      %swap3A_435 = arith.constant 16 : index
      %swap3A_436 = tpu.vector_load %arg13[%swap3A_435] {strides = array<i32>} : memref<40xi32, #tpu.memory_space<vmem>>, vector<16xi32>,
      %swap3A_437 = vector.shape_cast %swap3A_436 : vector<16xi32> to vector<16xi32>
      %swap3A_438 = vector.shape_cast %get3A_434 : vector<16xi32> to vector<16xi32>
      tpu.vector_store %arg13[%swap3A_435], %swap3A_438 {strides = array<i32>} : memref<40xi32, #tpu.memory_space<vmem>>, vector<16xi32>,
      %get3A_439 = arith.constant 24 : index
      %get3A_440 = tpu.vector_load %arg11[%get3A_439] {strides = array<i32>} : memref<40xi32, #tpu.memory_space<vmem>>, vector<16xi32>,
      %get3A_441 = vector.shape_cast %get3A_440 : vector<16xi32> to vector<16xi32>
      %swap3A_442 = arith.constant 24 : index
      %swap3A_443 = tpu.vector_load %arg13[%swap3A_442] {strides = array<i32>} : memref<40xi32, #tpu.memory_space<vmem>>, vector<16xi32>,
      %swap3A_444 = vector.shape_cast %swap3A_443 : vector<16xi32> to vector<16xi32>
      %swap3A_445 = vector.shape_cast %get3A_441 : vector<16xi32> to vector<16xi32>
      tpu.vector_store %arg13[%swap3A_442], %swap3A_445 {strides = array<i32>} : memref<40xi32, #tpu.memory_space<vmem>>, vector<16xi32>,
      %add3A_446 = arith.constant 2 : i32
      %add3A_447 = arith.addi %add3A_412, %add3A_446 : i32
      %mul3A_448 = arith.constant 40 : i32
      %mul3A_449 = arith.muli %add3A_447, %mul3A_448 : i32
      %add3A_450 = arith.addi %mul3A_2, %mul3A_449 : i32
      %dma_start3A_451 = tpu.memref_slice %arg2[%add3A_450] : memref<320000xi32, #tpu.memory_space<hbm>> -> memref<40xi32, #tpu.memory_space<hbm>>
      %dma_start3A_452 = tpu.memref_slice %arg2[%add3A_450] : memref<320000xi32, #tpu.memory_space<hbm>> -> memref<40xi32, #tpu.memory_space<hbm>>
      tpu.enqueue_dma source(%dma_start3A_452 : memref<40xi32, #tpu.memory_space<hbm>>) target(%arg9 : memref<40xi32, #tpu.memory_space<vmem>>) target_semaphore(%arg24 : memref<!tpu.dma_semaphore, #tpu.memory_space<semaphore_mem>>)
      %mul3A_453 = arith.constant 40 : i32
      %mul3A_454 = arith.muli %add3A_447, %mul3A_453 : i32
      %add3A_455 = arith.addi %mul3A_2, %mul3A_454 : i32
      %dma_start3A_456 = tpu.memref_slice %arg3[%add3A_455] : memref<320000xi32, #tpu.memory_space<hbm>> -> memref<40xi32, #tpu.memory_space<hbm>>
      %dma_start3A_457 = tpu.memref_slice %arg3[%add3A_455] : memref<320000xi32, #tpu.memory_space<hbm>> -> memref<40xi32, #tpu.memory_space<hbm>>
      tpu.enqueue_dma source(%dma_start3A_457 : memref<40xi32, #tpu.memory_space<hbm>>) target(%arg11 : memref<40xi32, #tpu.memory_space<vmem>>) target_semaphore(%arg24 : memref<!tpu.dma_semaphore, #tpu.memory_space<semaphore_mem>>)
      %add3A_458 = arith.constant 1 : i32
      %add3A_459 = arith.addi %add3A_412, %add3A_458 : i32
      %mul3A_460 = arith.constant 40 : i32
      %mul3A_461 = arith.muli %add3A_459, %mul3A_460 : i32
      %add3A_462 = arith.addi %mul3A_2, %mul3A_461 : i32
      %dma_wait3A_463 = tpu.memref_slice %arg2[%add3A_462] : memref<320000xi32, #tpu.memory_space<hbm>> -> memref<40xi32, #tpu.memory_space<hbm>>
      %dma_wait3A_464 = tpu.memref_slice %arg2[%add3A_462] : memref<320000xi32, #tpu.memory_space<hbm>> -> memref<40xi32, #tpu.memory_space<hbm>>
      tpu.wait_dma2 semaphore(%arg23 : memref<!tpu.dma_semaphore, #tpu.memory_space<semaphore_mem>>) src(%dma_wait3A_464 : memref<40xi32, #tpu.memory_space<hbm>>) dst(%arg8 : memref<40xi32, #tpu.memory_space<vmem>>)
      %mul3A_465 = arith.constant 40 : i32
      %mul3A_466 = arith.muli %add3A_459, %mul3A_465 : i32
      %add3A_467 = arith.addi %mul3A_2, %mul3A_466 : i32
      %dma_wait3A_468 = tpu.memref_slice %arg3[%add3A_467] : memref<320000xi32, #tpu.memory_space<hbm>> -> memref<40xi32, #tpu.memory_space<hbm>>
      %dma_wait3A_469 = tpu.memref_slice %arg3[%add3A_467] : memref<320000xi32, #tpu.memory_space<hbm>> -> memref<40xi32, #tpu.memory_space<hbm>>
      tpu.wait_dma2 semaphore(%arg23 : memref<!tpu.dma_semaphore, #tpu.memory_space<semaphore_mem>>) src(%dma_wait3A_469 : memref<40xi32, #tpu.memory_space<hbm>>) dst(%arg10 : memref<40xi32, #tpu.memory_space<vmem>>)
      %dma_start3A_470 = arith.constant 0 : i32
      %dma_start3A_471 = arith.constant 0 : i32
      %dma_start3A_472 = tpu.memref_slice %arg5[%dma_start3A_470, %dma_start3A_471] : memref<10000x128xf32, #tpu.memory_space<hbm>> -> memref<10000x128xf32, #tpu.memory_space<hbm>>
      tpu.enqueue_indirect_dma source(%dma_start3A_472 : memref<10000x128xf32, #tpu.memory_space<hbm>>) target(%arg14 : memref<40x128xf32, #tpu.memory_space<vmem>>) offsets(%arg8 : memref<40xi32, #tpu.memory_space<vmem>>) semaphore(%arg25 : memref<!tpu.dma_semaphore, #tpu.memory_space<semaphore_mem>>)
      %dma_start3A_473 = arith.constant 0 : i32
      %dma_start3A_474 = arith.constant 0 : i32
      %dma_start3A_475 = tpu.memref_slice %arg6[%dma_start3A_473, %dma_start3A_474] : memref<10000x128xf32, #tpu.memory_space<hbm>> -> memref<10000x128xf32, #tpu.memory_space<hbm>>
      tpu.enqueue_indirect_dma source(%dma_start3A_475 : memref<10000x128xf32, #tpu.memory_space<hbm>>) target(%arg16 : memref<40x128xf32, #tpu.memory_space<vmem>>) offsets(%arg8 : memref<40xi32, #tpu.memory_space<vmem>>) semaphore(%arg25 : memref<!tpu.dma_semaphore, #tpu.memory_space<semaphore_mem>>)
      %dma_start3A_476 = arith.constant 0 : i32
      %dma_start3A_477 = arith.constant 0 : i32
      %dma_start3A_478 = tpu.memref_slice %arg4[%dma_start3A_476, %dma_start3A_477] : memref<10000x128xf32, #tpu.memory_space<hbm>> -> memref<10000x128xf32, #tpu.memory_space<hbm>>
      tpu.enqueue_indirect_dma source(%dma_start3A_478 : memref<10000x128xf32, #tpu.memory_space<hbm>>) target(%arg18 : memref<40x128xf32, #tpu.memory_space<vmem>>) offsets(%arg10 : memref<40xi32, #tpu.memory_space<vmem>>) semaphore(%arg25 : memref<!tpu.dma_semaphore, #tpu.memory_space<semaphore_mem>>)
      %scan3A_479 = arith.constant 0 : i32
      %scan3A_480 = arith.constant 0 : i32
      %scan3A_481 = arith.constant 40 : i32
      %scan3A_482 = arith.addi %scan3A_480, %scan3A_481 : i32
      %scan3A_483 = arith.constant 1 : i32
      %scan3A_484 = scf.for %scan3A_490 = %scan3A_480 to %scan3A_482 step %scan3A_483 iter_args(%scan3A_491 = %scan3A_479) -> (i32)  : i32 {
        %get3A_492 = arith.index_cast %scan3A_490 : i32 to index
        %get3A_493 = arith.constant 0 : index
        %get3A_494 = tpu.vector_load %arg15[%get3A_492, %get3A_493] {strides = array<i32>} : memref<40x128xf32, #tpu.memory_space<vmem>>, vector<1x16xf32>,
        %get3A_495 = vector.shape_cast %get3A_494 : vector<1x16xf32> to vector<16xf32>
        %get3A_496 = arith.index_cast %scan3A_490 : i32 to index
        %get3A_497 = arith.constant 0 : index
        %get3A_498 = tpu.vector_load %arg19[%get3A_496, %get3A_497] {strides = array<i32>} : memref<40x128xf32, #tpu.memory_space<vmem>>, vector<1x16xf32>,
        %get3A_499 = vector.shape_cast %get3A_498 : vector<1x16xf32> to vector<16xf32>
        %mul3A_500 = arith.mulf %get3A_495, %get3A_499 : vector<16xf32>
        %iota3A = tpu.iota {dimensions = array<i32: 0>} : vector<16xi32>
        %xor3A = arith.constant 8 : i32
        %xor3A_501 = vector.broadcast %xor3A : i32 to vector<16xi32>
        %xor3A_502 = arith.xori %iota3A, %xor3A_501 : vector<16xi32>
        %broadcast_in_dim3A_503 = vector.shape_cast %xor3A_502 : vector<16xi32> to vector<16x1xi32>
        %gather3A = vector.shape_cast %broadcast_in_dim3A_503 : vector<16x1xi32> to vector<16xi32>
        %gather3A_504 = tpu.dynamic_gather %mul3A_500[%gather3A] in [0] : vector<16xf32>, vector<16xi32> -> vector<16xf32>
        %add3A_505 = arith.addf %mul3A_500, %gather3A_504 : vector<16xf32>
        %iota3A_506 = tpu.iota {dimensions = array<i32: 0>} : vector<16xi32>
        %xor3A_507 = arith.constant 4 : i32
        %xor3A_508 = vector.broadcast %xor3A_507 : i32 to vector<16xi32>
        %xor3A_509 = arith.xori %iota3A_506, %xor3A_508 : vector<16xi32>
        %broadcast_in_dim3A_510 = vector.shape_cast %xor3A_509 : vector<16xi32> to vector<16x1xi32>
        %gather3A_511 = vector.shape_cast %broadcast_in_dim3A_510 : vector<16x1xi32> to vector<16xi32>
        %gather3A_512 = tpu.dynamic_gather %add3A_505[%gather3A_511] in [0] : vector<16xf32>, vector<16xi32> -> vector<16xf32>
        %add3A_513 = arith.addf %add3A_505, %gather3A_512 : vector<16xf32>
        %iota3A_514 = tpu.iota {dimensions = array<i32: 0>} : vector<16xi32>
        %xor3A_515 = arith.constant 2 : i32
        %xor3A_516 = vector.broadcast %xor3A_515 : i32 to vector<16xi32>
        %xor3A_517 = arith.xori %iota3A_514, %xor3A_516 : vector<16xi32>
        %broadcast_in_dim3A_518 = vector.shape_cast %xor3A_517 : vector<16xi32> to vector<16x1xi32>
        %gather3A_519 = vector.shape_cast %broadcast_in_dim3A_518 : vector<16x1xi32> to vector<16xi32>
        %gather3A_520 = tpu.dynamic_gather %add3A_513[%gather3A_519] in [0] : vector<16xf32>, vector<16xi32> -> vector<16xf32>
        %add3A_521 = arith.addf %add3A_513, %gather3A_520 : vector<16xf32>
        %iota3A_522 = tpu.iota {dimensions = array<i32: 0>} : vector<16xi32>
        %xor3A_523 = arith.constant 1 : i32
        %xor3A_524 = vector.broadcast %xor3A_523 : i32 to vector<16xi32>
        %xor3A_525 = arith.xori %iota3A_522, %xor3A_524 : vector<16xi32>
        %broadcast_in_dim3A_526 = vector.shape_cast %xor3A_525 : vector<16xi32> to vector<16x1xi32>
        %gather3A_527 = vector.shape_cast %broadcast_in_dim3A_526 : vector<16x1xi32> to vector<16xi32>
        %gather3A_528 = tpu.dynamic_gather %add3A_521[%gather3A_527] in [0] : vector<16xf32>, vector<16xi32> -> vector<16xf32>
        %add3A_529 = arith.addf %add3A_521, %gather3A_528 : vector<16xf32>
        %get3A_530 = arith.index_cast %scan3A_490 : i32 to index
        %get3A_531 = arith.constant 0 : index
        %get3A_532 = tpu.vector_load %arg17[%get3A_530, %get3A_531] {strides = array<i32>} : memref<40x128xf32, #tpu.memory_space<vmem>>, vector<1x16xf32>,
        %get3A_533 = vector.shape_cast %get3A_532 : vector<1x16xf32> to vector<16xf32>
        %mul3A_534 = arith.mulf %get3A_533, %add3A_529 : vector<16xf32>
        %swap3A_535 = arith.index_cast %scan3A_490 : i32 to index
        %swap3A_536 = arith.constant 0 : index
        %swap3A_537 = tpu.vector_load %arg21[%swap3A_535, %swap3A_536] {strides = array<i32>} : memref<40x128xf32, #tpu.memory_space<vmem>>, vector<1x16xf32>,
        %swap3A_538 = vector.shape_cast %swap3A_537 : vector<1x16xf32> to vector<16xf32>
        %swap3A_539 = vector.shape_cast %mul3A_534 : vector<16xf32> to vector<1x16xf32>
        tpu.vector_store %arg21[%swap3A_535, %swap3A_536], %swap3A_539 {strides = array<i32>} : memref<40x128xf32, #tpu.memory_space<vmem>>, vector<1x16xf32>,
        %get3A_540 = arith.index_cast %scan3A_490 : i32 to index
        %get3A_541 = arith.constant 16 : index
        %get3A_542 = tpu.vector_load %arg15[%get3A_540, %get3A_541] {strides = array<i32>} : memref<40x128xf32, #tpu.memory_space<vmem>>, vector<1x16xf32>,
        %get3A_543 = vector.shape_cast %get3A_542 : vector<1x16xf32> to vector<16xf32>
        %get3A_544 = arith.index_cast %scan3A_490 : i32 to index
        %get3A_545 = arith.constant 16 : index
        %get3A_546 = tpu.vector_load %arg19[%get3A_544, %get3A_545] {strides = array<i32>} : memref<40x128xf32, #tpu.memory_space<vmem>>, vector<1x16xf32>,
        %get3A_547 = vector.shape_cast %get3A_546 : vector<1x16xf32> to vector<16xf32>
        %mul3A_548 = arith.mulf %get3A_543, %get3A_547 : vector<16xf32>
        %iota3A_549 = tpu.iota {dimensions = array<i32: 0>} : vector<16xi32>
        %xor3A_550 = arith.constant 8 : i32
        %xor3A_551 = vector.broadcast %xor3A_550 : i32 to vector<16xi32>
        %xor3A_552 = arith.xori %iota3A_549, %xor3A_551 : vector<16xi32>
        %broadcast_in_dim3A_553 = vector.shape_cast %xor3A_552 : vector<16xi32> to vector<16x1xi32>
        %gather3A_554 = vector.shape_cast %broadcast_in_dim3A_553 : vector<16x1xi32> to vector<16xi32>
        %gather3A_555 = tpu.dynamic_gather %mul3A_548[%gather3A_554] in [0] : vector<16xf32>, vector<16xi32> -> vector<16xf32>
        %add3A_556 = arith.addf %mul3A_548, %gather3A_555 : vector<16xf32>
        %iota3A_557 = tpu.iota {dimensions = array<i32: 0>} : vector<16xi32>
        %xor3A_558 = arith.constant 4 : i32
        %xor3A_559 = vector.broadcast %xor3A_558 : i32 to vector<16xi32>
        %xor3A_560 = arith.xori %iota3A_557, %xor3A_559 : vector<16xi32>
        %broadcast_in_dim3A_561 = vector.shape_cast %xor3A_560 : vector<16xi32> to vector<16x1xi32>
        %gather3A_562 = vector.shape_cast %broadcast_in_dim3A_561 : vector<16x1xi32> to vector<16xi32>
        %gather3A_563 = tpu.dynamic_gather %add3A_556[%gather3A_562] in [0] : vector<16xf32>, vector<16xi32> -> vector<16xf32>
        %add3A_564 = arith.addf %add3A_556, %gather3A_563 : vector<16xf32>
        %iota3A_565 = tpu.iota {dimensions = array<i32: 0>} : vector<16xi32>
        %xor3A_566 = arith.constant 2 : i32
        %xor3A_567 = vector.broadcast %xor3A_566 : i32 to vector<16xi32>
        %xor3A_568 = arith.xori %iota3A_565, %xor3A_567 : vector<16xi32>
        %broadcast_in_dim3A_569 = vector.shape_cast %xor3A_568 : vector<16xi32> to vector<16x1xi32>
        %gather3A_570 = vector.shape_cast %broadcast_in_dim3A_569 : vector<16x1xi32> to vector<16xi32>
        %gather3A_571 = tpu.dynamic_gather %add3A_564[%gather3A_570] in [0] : vector<16xf32>, vector<16xi32> -> vector<16xf32>
        %add3A_572 = arith.addf %add3A_564, %gather3A_571 : vector<16xf32>
        %iota3A_573 = tpu.iota {dimensions = array<i32: 0>} : vector<16xi32>
        %xor3A_574 = arith.constant 1 : i32
        %xor3A_575 = vector.broadcast %xor3A_574 : i32 to vector<16xi32>
        %xor3A_576 = arith.xori %iota3A_573, %xor3A_575 : vector<16xi32>
        %broadcast_in_dim3A_577 = vector.shape_cast %xor3A_576 : vector<16xi32> to vector<16x1xi32>
        %gather3A_578 = vector.shape_cast %broadcast_in_dim3A_577 : vector<16x1xi32> to vector<16xi32>
        %gather3A_579 = tpu.dynamic_gather %add3A_572[%gather3A_578] in [0] : vector<16xf32>, vector<16xi32> -> vector<16xf32>
        %add3A_580 = arith.addf %add3A_572, %gather3A_579 : vector<16xf32>
        %get3A_581 = arith.index_cast %scan3A_490 : i32 to index
        %get3A_582 = arith.constant 16 : index
        %get3A_583 = tpu.vector_load %arg17[%get3A_581, %get3A_582] {strides = array<i32>} : memref<40x128xf32, #tpu.memory_space<vmem>>, vector<1x16xf32>,
        %get3A_584 = vector.shape_cast %get3A_583 : vector<1x16xf32> to vector<16xf32>
        %mul3A_585 = arith.mulf %get3A_584, %add3A_580 : vector<16xf32>
        %swap3A_586 = arith.index_cast %scan3A_490 : i32 to index
        %swap3A_587 = arith.constant 16 : index
        %swap3A_588 = tpu.vector_load %arg21[%swap3A_586, %swap3A_587] {strides = array<i32>} : memref<40x128xf32, #tpu.memory_space<vmem>>, vector<1x16xf32>,
        %swap3A_589 = vector.shape_cast %swap3A_588 : vector<1x16xf32> to vector<16xf32>
        %swap3A_590 = vector.shape_cast %mul3A_585 : vector<16xf32> to vector<1x16xf32>
        tpu.vector_store %arg21[%swap3A_586, %swap3A_587], %swap3A_590 {strides = array<i32>} : memref<40x128xf32, #tpu.memory_space<vmem>>, vector<1x16xf32>,
        %get3A_591 = arith.index_cast %scan3A_490 : i32 to index
        %get3A_592 = arith.constant 32 : index
        %get3A_593 = tpu.vector_load %arg15[%get3A_591, %get3A_592] {strides = array<i32>} : memref<40x128xf32, #tpu.memory_space<vmem>>, vector<1x16xf32>,
        %get3A_594 = vector.shape_cast %get3A_593 : vector<1x16xf32> to vector<16xf32>
        %get3A_595 = arith.index_cast %scan3A_490 : i32 to index
        %get3A_596 = arith.constant 32 : index
        %get3A_597 = tpu.vector_load %arg19[%get3A_595, %get3A_596] {strides = array<i32>} : memref<40x128xf32, #tpu.memory_space<vmem>>, vector<1x16xf32>,
        %get3A_598 = vector.shape_cast %get3A_597 : vector<1x16xf32> to vector<16xf32>
        %mul3A_599 = arith.mulf %get3A_594, %get3A_598 : vector<16xf32>
        %iota3A_600 = tpu.iota {dimensions = array<i32: 0>} : vector<16xi32>
        %xor3A_601 = arith.constant 8 : i32
        %xor3A_602 = vector.broadcast %xor3A_601 : i32 to vector<16xi32>
        %xor3A_603 = arith.xori %iota3A_600, %xor3A_602 : vector<16xi32>
        %broadcast_in_dim3A_604 = vector.shape_cast %xor3A_603 : vector<16xi32> to vector<16x1xi32>
        %gather3A_605 = vector.shape_cast %broadcast_in_dim3A_604 : vector<16x1xi32> to vector<16xi32>
        %gather3A_606 = tpu.dynamic_gather %mul3A_599[%gather3A_605] in [0] : vector<16xf32>, vector<16xi32> -> vector<16xf32>
        %add3A_607 = arith.addf %mul3A_599, %gather3A_606 : vector<16xf32>
        %iota3A_608 = tpu.iota {dimensions = array<i32: 0>} : vector<16xi32>
        %xor3A_609 = arith.constant 4 : i32
        %xor3A_610 = vector.broadcast %xor3A_609 : i32 to vector<16xi32>
        %xor3A_611 = arith.xori %iota3A_608, %xor3A_610 : vector<16xi32>
        %broadcast_in_dim3A_612 = vector.shape_cast %xor3A_611 : vector<16xi32> to vector<16x1xi32>
        %gather3A_613 = vector.shape_cast %broadcast_in_dim3A_612 : vector<16x1xi32> to vector<16xi32>
        %gather3A_614 = tpu.dynamic_gather %add3A_607[%gather3A_613] in [0] : vector<16xf32>, vector<16xi32> -> vector<16xf32>
        %add3A_615 = arith.addf %add3A_607, %gather3A_614 : vector<16xf32>
        %iota3A_616 = tpu.iota {dimensions = array<i32: 0>} : vector<16xi32>
        %xor3A_617 = arith.constant 2 : i32
        %xor3A_618 = vector.broadcast %xor3A_617 : i32 to vector<16xi32>
        %xor3A_619 = arith.xori %iota3A_616, %xor3A_618 : vector<16xi32>
        %broadcast_in_dim3A_620 = vector.shape_cast %xor3A_619 : vector<16xi32> to vector<16x1xi32>
        %gather3A_621 = vector.shape_cast %broadcast_in_dim3A_620 : vector<16x1xi32> to vector<16xi32>
        %gather3A_622 = tpu.dynamic_gather %add3A_615[%gather3A_621] in [0] : vector<16xf32>, vector<16xi32> -> vector<16xf32>
        %add3A_623 = arith.addf %add3A_615, %gather3A_622 : vector<16xf32>
        %iota3A_624 = tpu.iota {dimensions = array<i32: 0>} : vector<16xi32>
        %xor3A_625 = arith.constant 1 : i32
        %xor3A_626 = vector.broadcast %xor3A_625 : i32 to vector<16xi32>
        %xor3A_627 = arith.xori %iota3A_624, %xor3A_626 : vector<16xi32>
        %broadcast_in_dim3A_628 = vector.shape_cast %xor3A_627 : vector<16xi32> to vector<16x1xi32>
        %gather3A_629 = vector.shape_cast %broadcast_in_dim3A_628 : vector<16x1xi32> to vector<16xi32>
        %gather3A_630 = tpu.dynamic_gather %add3A_623[%gather3A_629] in [0] : vector<16xf32>, vector<16xi32> -> vector<16xf32>
        %add3A_631 = arith.addf %add3A_623, %gather3A_630 : vector<16xf32>
        %get3A_632 = arith.index_cast %scan3A_490 : i32 to index
        %get3A_633 = arith.constant 32 : index
        %get3A_634 = tpu.vector_load %arg17[%get3A_632, %get3A_633] {strides = array<i32>} : memref<40x128xf32, #tpu.memory_space<vmem>>, vector<1x16xf32>,
        %get3A_635 = vector.shape_cast %get3A_634 : vector<1x16xf32> to vector<16xf32>
        %mul3A_636 = arith.mulf %get3A_635, %add3A_631 : vector<16xf32>
        %swap3A_637 = arith.index_cast %scan3A_490 : i32 to index
        %swap3A_638 = arith.constant 32 : index
        %swap3A_639 = tpu.vector_load %arg21[%swap3A_637, %swap3A_638] {strides = array<i32>} : memref<40x128xf32, #tpu.memory_space<vmem>>, vector<1x16xf32>,
        %swap3A_640 = vector.shape_cast %swap3A_639 : vector<1x16xf32> to vector<16xf32>
        %swap3A_641 = vector.shape_cast %mul3A_636 : vector<16xf32> to vector<1x16xf32>
        tpu.vector_store %arg21[%swap3A_637, %swap3A_638], %swap3A_641 {strides = array<i32>} : memref<40x128xf32, #tpu.memory_space<vmem>>, vector<1x16xf32>,
        %get3A_642 = arith.index_cast %scan3A_490 : i32 to index
        %get3A_643 = arith.constant 48 : index
        %get3A_644 = tpu.vector_load %arg15[%get3A_642, %get3A_643] {strides = array<i32>} : memref<40x128xf32, #tpu.memory_space<vmem>>, vector<1x16xf32>,
        %get3A_645 = vector.shape_cast %get3A_644 : vector<1x16xf32> to vector<16xf32>
        %get3A_646 = arith.index_cast %scan3A_490 : i32 to index
        %get3A_647 = arith.constant 48 : index
        %get3A_648 = tpu.vector_load %arg19[%get3A_646, %get3A_647] {strides = array<i32>} : memref<40x128xf32, #tpu.memory_space<vmem>>, vector<1x16xf32>,
        %get3A_649 = vector.shape_cast %get3A_648 : vector<1x16xf32> to vector<16xf32>
        %mul3A_650 = arith.mulf %get3A_645, %get3A_649 : vector<16xf32>
        %iota3A_651 = tpu.iota {dimensions = array<i32: 0>} : vector<16xi32>
        %xor3A_652 = arith.constant 8 : i32
        %xor3A_653 = vector.broadcast %xor3A_652 : i32 to vector<16xi32>
        %xor3A_654 = arith.xori %iota3A_651, %xor3A_653 : vector<16xi32>
        %broadcast_in_dim3A_655 = vector.shape_cast %xor3A_654 : vector<16xi32> to vector<16x1xi32>
        %gather3A_656 = vector.shape_cast %broadcast_in_dim3A_655 : vector<16x1xi32> to vector<16xi32>
        %gather3A_657 = tpu.dynamic_gather %mul3A_650[%gather3A_656] in [0] : vector<16xf32>, vector<16xi32> -> vector<16xf32>
        %add3A_658 = arith.addf %mul3A_650, %gather3A_657 : vector<16xf32>
        %iota3A_659 = tpu.iota {dimensions = array<i32: 0>} : vector<16xi32>
        %xor3A_660 = arith.constant 4 : i32
        %xor3A_661 = vector.broadcast %xor3A_660 : i32 to vector<16xi32>
        %xor3A_662 = arith.xori %iota3A_659, %xor3A_661 : vector<16xi32>
        %broadcast_in_dim3A_663 = vector.shape_cast %xor3A_662 : vector<16xi32> to vector<16x1xi32>
        %gather3A_664 = vector.shape_cast %broadcast_in_dim3A_663 : vector<16x1xi32> to vector<16xi32>
        %gather3A_665 = tpu.dynamic_gather %add3A_658[%gather3A_664] in [0] : vector<16xf32>, vector<16xi32> -> vector<16xf32>
        %add3A_666 = arith.addf %add3A_658, %gather3A_665 : vector<16xf32>
        %iota3A_667 = tpu.iota {dimensions = array<i32: 0>} : vector<16xi32>
        %xor3A_668 = arith.constant 2 : i32
        %xor3A_669 = vector.broadcast %xor3A_668 : i32 to vector<16xi32>
        %xor3A_670 = arith.xori %iota3A_667, %xor3A_669 : vector<16xi32>
        %broadcast_in_dim3A_671 = vector.shape_cast %xor3A_670 : vector<16xi32> to vector<16x1xi32>
        %gather3A_672 = vector.shape_cast %broadcast_in_dim3A_671 : vector<16x1xi32> to vector<16xi32>
        %gather3A_673 = tpu.dynamic_gather %add3A_666[%gather3A_672] in [0] : vector<16xf32>, vector<16xi32> -> vector<16xf32>
        %add3A_674 = arith.addf %add3A_666, %gather3A_673 : vector<16xf32>
        %iota3A_675 = tpu.iota {dimensions = array<i32: 0>} : vector<16xi32>
        %xor3A_676 = arith.constant 1 : i32
        %xor3A_677 = vector.broadcast %xor3A_676 : i32 to vector<16xi32>
        %xor3A_678 = arith.xori %iota3A_675, %xor3A_677 : vector<16xi32>
        %broadcast_in_dim3A_679 = vector.shape_cast %xor3A_678 : vector<16xi32> to vector<16x1xi32>
        %gather3A_680 = vector.shape_cast %broadcast_in_dim3A_679 : vector<16x1xi32> to vector<16xi32>
        %gather3A_681 = tpu.dynamic_gather %add3A_674[%gather3A_680] in [0] : vector<16xf32>, vector<16xi32> -> vector<16xf32>
        %add3A_682 = arith.addf %add3A_674, %gather3A_681 : vector<16xf32>
        %get3A_683 = arith.index_cast %scan3A_490 : i32 to index
        %get3A_684 = arith.constant 48 : index
        %get3A_685 = tpu.vector_load %arg17[%get3A_683, %get3A_684] {strides = array<i32>} : memref<40x128xf32, #tpu.memory_space<vmem>>, vector<1x16xf32>,
        %get3A_686 = vector.shape_cast %get3A_685 : vector<1x16xf32> to vector<16xf32>
        %mul3A_687 = arith.mulf %get3A_686, %add3A_682 : vector<16xf32>
        %swap3A_688 = arith.index_cast %scan3A_490 : i32 to index
        %swap3A_689 = arith.constant 48 : index
        %swap3A_690 = tpu.vector_load %arg21[%swap3A_688, %swap3A_689] {strides = array<i32>} : memref<40x128xf32, #tpu.memory_space<vmem>>, vector<1x16xf32>,
        %swap3A_691 = vector.shape_cast %swap3A_690 : vector<1x16xf32> to vector<16xf32>
        %swap3A_692 = vector.shape_cast %mul3A_687 : vector<16xf32> to vector<1x16xf32>
        tpu.vector_store %arg21[%swap3A_688, %swap3A_689], %swap3A_692 {strides = array<i32>} : memref<40x128xf32, #tpu.memory_space<vmem>>, vector<1x16xf32>,
        %get3A_693 = arith.index_cast %scan3A_490 : i32 to index
        %get3A_694 = arith.constant 64 : index
        %get3A_695 = tpu.vector_load %arg15[%get3A_693, %get3A_694] {strides = array<i32>} : memref<40x128xf32, #tpu.memory_space<vmem>>, vector<1x16xf32>,
        %get3A_696 = vector.shape_cast %get3A_695 : vector<1x16xf32> to vector<16xf32>
        %get3A_697 = arith.index_cast %scan3A_490 : i32 to index
        %get3A_698 = arith.constant 64 : index
        %get3A_699 = tpu.vector_load %arg19[%get3A_697, %get3A_698] {strides = array<i32>} : memref<40x128xf32, #tpu.memory_space<vmem>>, vector<1x16xf32>,
        %get3A_700 = vector.shape_cast %get3A_699 : vector<1x16xf32> to vector<16xf32>
        %mul3A_701 = arith.mulf %get3A_696, %get3A_700 : vector<16xf32>
        %iota3A_702 = tpu.iota {dimensions = array<i32: 0>} : vector<16xi32>
        %xor3A_703 = arith.constant 8 : i32
        %xor3A_704 = vector.broadcast %xor3A_703 : i32 to vector<16xi32>
        %xor3A_705 = arith.xori %iota3A_702, %xor3A_704 : vector<16xi32>
        %broadcast_in_dim3A_706 = vector.shape_cast %xor3A_705 : vector<16xi32> to vector<16x1xi32>
        %gather3A_707 = vector.shape_cast %broadcast_in_dim3A_706 : vector<16x1xi32> to vector<16xi32>
        %gather3A_708 = tpu.dynamic_gather %mul3A_701[%gather3A_707] in [0] : vector<16xf32>, vector<16xi32> -> vector<16xf32>
        %add3A_709 = arith.addf %mul3A_701, %gather3A_708 : vector<16xf32>
        %iota3A_710 = tpu.iota {dimensions = array<i32: 0>} : vector<16xi32>
        %xor3A_711 = arith.constant 4 : i32
        %xor3A_712 = vector.broadcast %xor3A_711 : i32 to vector<16xi32>
        %xor3A_713 = arith.xori %iota3A_710, %xor3A_712 : vector<16xi32>
        %broadcast_in_dim3A_714 = vector.shape_cast %xor3A_713 : vector<16xi32> to vector<16x1xi32>
        %gather3A_715 = vector.shape_cast %broadcast_in_dim3A_714 : vector<16x1xi32> to vector<16xi32>
        %gather3A_716 = tpu.dynamic_gather %add3A_709[%gather3A_715] in [0] : vector<16xf32>, vector<16xi32> -> vector<16xf32>
        %add3A_717 = arith.addf %add3A_709, %gather3A_716 : vector<16xf32>
        %iota3A_718 = tpu.iota {dimensions = array<i32: 0>} : vector<16xi32>
        %xor3A_719 = arith.constant 2 : i32
        %xor3A_720 = vector.broadcast %xor3A_719 : i32 to vector<16xi32>
        %xor3A_721 = arith.xori %iota3A_718, %xor3A_720 : vector<16xi32>
        %broadcast_in_dim3A_722 = vector.shape_cast %xor3A_721 : vector<16xi32> to vector<16x1xi32>
        %gather3A_723 = vector.shape_cast %broadcast_in_dim3A_722 : vector<16x1xi32> to vector<16xi32>
        %gather3A_724 = tpu.dynamic_gather %add3A_717[%gather3A_723] in [0] : vector<16xf32>, vector<16xi32> -> vector<16xf32>
        %add3A_725 = arith.addf %add3A_717, %gather3A_724 : vector<16xf32>
        %iota3A_726 = tpu.iota {dimensions = array<i32: 0>} : vector<16xi32>
        %xor3A_727 = arith.constant 1 : i32
        %xor3A_728 = vector.broadcast %xor3A_727 : i32 to vector<16xi32>
        %xor3A_729 = arith.xori %iota3A_726, %xor3A_728 : vector<16xi32>
        %broadcast_in_dim3A_730 = vector.shape_cast %xor3A_729 : vector<16xi32> to vector<16x1xi32>
        %gather3A_731 = vector.shape_cast %broadcast_in_dim3A_730 : vector<16x1xi32> to vector<16xi32>
        %gather3A_732 = tpu.dynamic_gather %add3A_725[%gather3A_731] in [0] : vector<16xf32>, vector<16xi32> -> vector<16xf32>
        %add3A_733 = arith.addf %add3A_725, %gather3A_732 : vector<16xf32>
        %get3A_734 = arith.index_cast %scan3A_490 : i32 to index
        %get3A_735 = arith.constant 64 : index
        %get3A_736 = tpu.vector_load %arg17[%get3A_734, %get3A_735] {strides = array<i32>} : memref<40x128xf32, #tpu.memory_space<vmem>>, vector<1x16xf32>,
        %get3A_737 = vector.shape_cast %get3A_736 : vector<1x16xf32> to vector<16xf32>
        %mul3A_738 = arith.mulf %get3A_737, %add3A_733 : vector<16xf32>
        %swap3A_739 = arith.index_cast %scan3A_490 : i32 to index
        %swap3A_740 = arith.constant 64 : index
        %swap3A_741 = tpu.vector_load %arg21[%swap3A_739, %swap3A_740] {strides = array<i32>} : memref<40x128xf32, #tpu.memory_space<vmem>>, vector<1x16xf32>,
        %swap3A_742 = vector.shape_cast %swap3A_741 : vector<1x16xf32> to vector<16xf32>
        %swap3A_743 = vector.shape_cast %mul3A_738 : vector<16xf32> to vector<1x16xf32>
        tpu.vector_store %arg21[%swap3A_739, %swap3A_740], %swap3A_743 {strides = array<i32>} : memref<40x128xf32, #tpu.memory_space<vmem>>, vector<1x16xf32>,
        %get3A_744 = arith.index_cast %scan3A_490 : i32 to index
        %get3A_745 = arith.constant 80 : index
        %get3A_746 = tpu.vector_load %arg15[%get3A_744, %get3A_745] {strides = array<i32>} : memref<40x128xf32, #tpu.memory_space<vmem>>, vector<1x16xf32>,
        %get3A_747 = vector.shape_cast %get3A_746 : vector<1x16xf32> to vector<16xf32>
        %get3A_748 = arith.index_cast %scan3A_490 : i32 to index
        %get3A_749 = arith.constant 80 : index
        %get3A_750 = tpu.vector_load %arg19[%get3A_748, %get3A_749] {strides = array<i32>} : memref<40x128xf32, #tpu.memory_space<vmem>>, vector<1x16xf32>,
        %get3A_751 = vector.shape_cast %get3A_750 : vector<1x16xf32> to vector<16xf32>
        %mul3A_752 = arith.mulf %get3A_747, %get3A_751 : vector<16xf32>
        %iota3A_753 = tpu.iota {dimensions = array<i32: 0>} : vector<16xi32>
        %xor3A_754 = arith.constant 8 : i32
        %xor3A_755 = vector.broadcast %xor3A_754 : i32 to vector<16xi32>
        %xor3A_756 = arith.xori %iota3A_753, %xor3A_755 : vector<16xi32>
        %broadcast_in_dim3A_757 = vector.shape_cast %xor3A_756 : vector<16xi32> to vector<16x1xi32>
        %gather3A_758 = vector.shape_cast %broadcast_in_dim3A_757 : vector<16x1xi32> to vector<16xi32>
        %gather3A_759 = tpu.dynamic_gather %mul3A_752[%gather3A_758] in [0] : vector<16xf32>, vector<16xi32> -> vector<16xf32>
        %add3A_760 = arith.addf %mul3A_752, %gather3A_759 : vector<16xf32>
        %iota3A_761 = tpu.iota {dimensions = array<i32: 0>} : vector<16xi32>
        %xor3A_762 = arith.constant 4 : i32
        %xor3A_763 = vector.broadcast %xor3A_762 : i32 to vector<16xi32>
        %xor3A_764 = arith.xori %iota3A_761, %xor3A_763 : vector<16xi32>
        %broadcast_in_dim3A_765 = vector.shape_cast %xor3A_764 : vector<16xi32> to vector<16x1xi32>
        %gather3A_766 = vector.shape_cast %broadcast_in_dim3A_765 : vector<16x1xi32> to vector<16xi32>
        %gather3A_767 = tpu.dynamic_gather %add3A_760[%gather3A_766] in [0] : vector<16xf32>, vector<16xi32> -> vector<16xf32>
        %add3A_768 = arith.addf %add3A_760, %gather3A_767 : vector<16xf32>
        %iota3A_769 = tpu.iota {dimensions = array<i32: 0>} : vector<16xi32>
        %xor3A_770 = arith.constant 2 : i32
        %xor3A_771 = vector.broadcast %xor3A_770 : i32 to vector<16xi32>
        %xor3A_772 = arith.xori %iota3A_769, %xor3A_771 : vector<16xi32>
        %broadcast_in_dim3A_773 = vector.shape_cast %xor3A_772 : vector<16xi32> to vector<16x1xi32>
        %gather3A_774 = vector.shape_cast %broadcast_in_dim3A_773 : vector<16x1xi32> to vector<16xi32>
        %gather3A_775 = tpu.dynamic_gather %add3A_768[%gather3A_774] in [0] : vector<16xf32>, vector<16xi32> -> vector<16xf32>
        %add3A_776 = arith.addf %add3A_768, %gather3A_775 : vector<16xf32>
        %iota3A_777 = tpu.iota {dimensions = array<i32: 0>} : vector<16xi32>
        %xor3A_778 = arith.constant 1 : i32
        %xor3A_779 = vector.broadcast %xor3A_778 : i32 to vector<16xi32>
        %xor3A_780 = arith.xori %iota3A_777, %xor3A_779 : vector<16xi32>
        %broadcast_in_dim3A_781 = vector.shape_cast %xor3A_780 : vector<16xi32> to vector<16x1xi32>
        %gather3A_782 = vector.shape_cast %broadcast_in_dim3A_781 : vector<16x1xi32> to vector<16xi32>
        %gather3A_783 = tpu.dynamic_gather %add3A_776[%gather3A_782] in [0] : vector<16xf32>, vector<16xi32> -> vector<16xf32>
        %add3A_784 = arith.addf %add3A_776, %gather3A_783 : vector<16xf32>
        %get3A_785 = arith.index_cast %scan3A_490 : i32 to index
        %get3A_786 = arith.constant 80 : index
        %get3A_787 = tpu.vector_load %arg17[%get3A_785, %get3A_786] {strides = array<i32>} : memref<40x128xf32, #tpu.memory_space<vmem>>, vector<1x16xf32>,
        %get3A_788 = vector.shape_cast %get3A_787 : vector<1x16xf32> to vector<16xf32>
        %mul3A_789 = arith.mulf %get3A_788, %add3A_784 : vector<16xf32>
        %swap3A_790 = arith.index_cast %scan3A_490 : i32 to index
        %swap3A_791 = arith.constant 80 : index
        %swap3A_792 = tpu.vector_load %arg21[%swap3A_790, %swap3A_791] {strides = array<i32>} : memref<40x128xf32, #tpu.memory_space<vmem>>, vector<1x16xf32>,
        %swap3A_793 = vector.shape_cast %swap3A_792 : vector<1x16xf32> to vector<16xf32>
        %swap3A_794 = vector.shape_cast %mul3A_789 : vector<16xf32> to vector<1x16xf32>
        tpu.vector_store %arg21[%swap3A_790, %swap3A_791], %swap3A_794 {strides = array<i32>} : memref<40x128xf32, #tpu.memory_space<vmem>>, vector<1x16xf32>,
        %get3A_795 = arith.index_cast %scan3A_490 : i32 to index
        %get3A_796 = arith.constant 96 : index
        %get3A_797 = tpu.vector_load %arg15[%get3A_795, %get3A_796] {strides = array<i32>} : memref<40x128xf32, #tpu.memory_space<vmem>>, vector<1x16xf32>,
        %get3A_798 = vector.shape_cast %get3A_797 : vector<1x16xf32> to vector<16xf32>
        %get3A_799 = arith.index_cast %scan3A_490 : i32 to index
        %get3A_800 = arith.constant 96 : index
        %get3A_801 = tpu.vector_load %arg19[%get3A_799, %get3A_800] {strides = array<i32>} : memref<40x128xf32, #tpu.memory_space<vmem>>, vector<1x16xf32>,
        %get3A_802 = vector.shape_cast %get3A_801 : vector<1x16xf32> to vector<16xf32>
        %mul3A_803 = arith.mulf %get3A_798, %get3A_802 : vector<16xf32>
        %iota3A_804 = tpu.iota {dimensions = array<i32: 0>} : vector<16xi32>
        %xor3A_805 = arith.constant 8 : i32
        %xor3A_806 = vector.broadcast %xor3A_805 : i32 to vector<16xi32>
        %xor3A_807 = arith.xori %iota3A_804, %xor3A_806 : vector<16xi32>
        %broadcast_in_dim3A_808 = vector.shape_cast %xor3A_807 : vector<16xi32> to vector<16x1xi32>
        %gather3A_809 = vector.shape_cast %broadcast_in_dim3A_808 : vector<16x1xi32> to vector<16xi32>
        %gather3A_810 = tpu.dynamic_gather %mul3A_803[%gather3A_809] in [0] : vector<16xf32>, vector<16xi32> -> vector<16xf32>
        %add3A_811 = arith.addf %mul3A_803, %gather3A_810 : vector<16xf32>
        %iota3A_812 = tpu.iota {dimensions = array<i32: 0>} : vector<16xi32>
        %xor3A_813 = arith.constant 4 : i32
        %xor3A_814 = vector.broadcast %xor3A_813 : i32 to vector<16xi32>
        %xor3A_815 = arith.xori %iota3A_812, %xor3A_814 : vector<16xi32>
        %broadcast_in_dim3A_816 = vector.shape_cast %xor3A_815 : vector<16xi32> to vector<16x1xi32>
        %gather3A_817 = vector.shape_cast %broadcast_in_dim3A_816 : vector<16x1xi32> to vector<16xi32>
        %gather3A_818 = tpu.dynamic_gather %add3A_811[%gather3A_817] in [0] : vector<16xf32>, vector<16xi32> -> vector<16xf32>
        %add3A_819 = arith.addf %add3A_811, %gather3A_818 : vector<16xf32>
        %iota3A_820 = tpu.iota {dimensions = array<i32: 0>} : vector<16xi32>
        %xor3A_821 = arith.constant 2 : i32
        %xor3A_822 = vector.broadcast %xor3A_821 : i32 to vector<16xi32>
        %xor3A_823 = arith.xori %iota3A_820, %xor3A_822 : vector<16xi32>
        %broadcast_in_dim3A_824 = vector.shape_cast %xor3A_823 : vector<16xi32> to vector<16x1xi32>
        %gather3A_825 = vector.shape_cast %broadcast_in_dim3A_824 : vector<16x1xi32> to vector<16xi32>
        %gather3A_826 = tpu.dynamic_gather %add3A_819[%gather3A_825] in [0] : vector<16xf32>, vector<16xi32> -> vector<16xf32>
        %add3A_827 = arith.addf %add3A_819, %gather3A_826 : vector<16xf32>
        %iota3A_828 = tpu.iota {dimensions = array<i32: 0>} : vector<16xi32>
        %xor3A_829 = arith.constant 1 : i32
        %xor3A_830 = vector.broadcast %xor3A_829 : i32 to vector<16xi32>
        %xor3A_831 = arith.xori %iota3A_828, %xor3A_830 : vector<16xi32>
        %broadcast_in_dim3A_832 = vector.shape_cast %xor3A_831 : vector<16xi32> to vector<16x1xi32>
        %gather3A_833 = vector.shape_cast %broadcast_in_dim3A_832 : vector<16x1xi32> to vector<16xi32>
        %gather3A_834 = tpu.dynamic_gather %add3A_827[%gather3A_833] in [0] : vector<16xf32>, vector<16xi32> -> vector<16xf32>
        %add3A_835 = arith.addf %add3A_827, %gather3A_834 : vector<16xf32>
        %get3A_836 = arith.index_cast %scan3A_490 : i32 to index
        %get3A_837 = arith.constant 96 : index
        %get3A_838 = tpu.vector_load %arg17[%get3A_836, %get3A_837] {strides = array<i32>} : memref<40x128xf32, #tpu.memory_space<vmem>>, vector<1x16xf32>,
        %get3A_839 = vector.shape_cast %get3A_838 : vector<1x16xf32> to vector<16xf32>
        %mul3A_840 = arith.mulf %get3A_839, %add3A_835 : vector<16xf32>
        %swap3A_841 = arith.index_cast %scan3A_490 : i32 to index
        %swap3A_842 = arith.constant 96 : index
        %swap3A_843 = tpu.vector_load %arg21[%swap3A_841, %swap3A_842] {strides = array<i32>} : memref<40x128xf32, #tpu.memory_space<vmem>>, vector<1x16xf32>,
        %swap3A_844 = vector.shape_cast %swap3A_843 : vector<1x16xf32> to vector<16xf32>
        %swap3A_845 = vector.shape_cast %mul3A_840 : vector<16xf32> to vector<1x16xf32>
        tpu.vector_store %arg21[%swap3A_841, %swap3A_842], %swap3A_845 {strides = array<i32>} : memref<40x128xf32, #tpu.memory_space<vmem>>, vector<1x16xf32>,
        %get3A_846 = arith.index_cast %scan3A_490 : i32 to index
        %get3A_847 = arith.constant 112 : index
        %get3A_848 = tpu.vector_load %arg15[%get3A_846, %get3A_847] {strides = array<i32>} : memref<40x128xf32, #tpu.memory_space<vmem>>, vector<1x16xf32>,
        %get3A_849 = vector.shape_cast %get3A_848 : vector<1x16xf32> to vector<16xf32>
        %get3A_850 = arith.index_cast %scan3A_490 : i32 to index
        %get3A_851 = arith.constant 112 : index
        %get3A_852 = tpu.vector_load %arg19[%get3A_850, %get3A_851] {strides = array<i32>} : memref<40x128xf32, #tpu.memory_space<vmem>>, vector<1x16xf32>,
        %get3A_853 = vector.shape_cast %get3A_852 : vector<1x16xf32> to vector<16xf32>
        %mul3A_854 = arith.mulf %get3A_849, %get3A_853 : vector<16xf32>
        %iota3A_855 = tpu.iota {dimensions = array<i32: 0>} : vector<16xi32>
        %xor3A_856 = arith.constant 8 : i32
        %xor3A_857 = vector.broadcast %xor3A_856 : i32 to vector<16xi32>
        %xor3A_858 = arith.xori %iota3A_855, %xor3A_857 : vector<16xi32>
        %broadcast_in_dim3A_859 = vector.shape_cast %xor3A_858 : vector<16xi32> to vector<16x1xi32>
        %gather3A_860 = vector.shape_cast %broadcast_in_dim3A_859 : vector<16x1xi32> to vector<16xi32>
        %gather3A_861 = tpu.dynamic_gather %mul3A_854[%gather3A_860] in [0] : vector<16xf32>, vector<16xi32> -> vector<16xf32>
        %add3A_862 = arith.addf %mul3A_854, %gather3A_861 : vector<16xf32>
        %iota3A_863 = tpu.iota {dimensions = array<i32: 0>} : vector<16xi32>
        %xor3A_864 = arith.constant 4 : i32
        %xor3A_865 = vector.broadcast %xor3A_864 : i32 to vector<16xi32>
        %xor3A_866 = arith.xori %iota3A_863, %xor3A_865 : vector<16xi32>
        %broadcast_in_dim3A_867 = vector.shape_cast %xor3A_866 : vector<16xi32> to vector<16x1xi32>
        %gather3A_868 = vector.shape_cast %broadcast_in_dim3A_867 : vector<16x1xi32> to vector<16xi32>
        %gather3A_869 = tpu.dynamic_gather %add3A_862[%gather3A_868] in [0] : vector<16xf32>, vector<16xi32> -> vector<16xf32>
        %add3A_870 = arith.addf %add3A_862, %gather3A_869 : vector<16xf32>
        %iota3A_871 = tpu.iota {dimensions = array<i32: 0>} : vector<16xi32>
        %xor3A_872 = arith.constant 2 : i32
        %xor3A_873 = vector.broadcast %xor3A_872 : i32 to vector<16xi32>
        %xor3A_874 = arith.xori %iota3A_871, %xor3A_873 : vector<16xi32>
        %broadcast_in_dim3A_875 = vector.shape_cast %xor3A_874 : vector<16xi32> to vector<16x1xi32>
        %gather3A_876 = vector.shape_cast %broadcast_in_dim3A_875 : vector<16x1xi32> to vector<16xi32>
        %gather3A_877 = tpu.dynamic_gather %add3A_870[%gather3A_876] in [0] : vector<16xf32>, vector<16xi32> -> vector<16xf32>
        %add3A_878 = arith.addf %add3A_870, %gather3A_877 : vector<16xf32>
        %iota3A_879 = tpu.iota {dimensions = array<i32: 0>} : vector<16xi32>
        %xor3A_880 = arith.constant 1 : i32
        %xor3A_881 = vector.broadcast %xor3A_880 : i32 to vector<16xi32>
        %xor3A_882 = arith.xori %iota3A_879, %xor3A_881 : vector<16xi32>
        %broadcast_in_dim3A_883 = vector.shape_cast %xor3A_882 : vector<16xi32> to vector<16x1xi32>
        %gather3A_884 = vector.shape_cast %broadcast_in_dim3A_883 : vector<16x1xi32> to vector<16xi32>
        %gather3A_885 = tpu.dynamic_gather %add3A_878[%gather3A_884] in [0] : vector<16xf32>, vector<16xi32> -> vector<16xf32>
        %add3A_886 = arith.addf %add3A_878, %gather3A_885 : vector<16xf32>
        %get3A_887 = arith.index_cast %scan3A_490 : i32 to index
        %get3A_888 = arith.constant 112 : index
        %get3A_889 = tpu.vector_load %arg17[%get3A_887, %get3A_888] {strides = array<i32>} : memref<40x128xf32, #tpu.memory_space<vmem>>, vector<1x16xf32>,
        %get3A_890 = vector.shape_cast %get3A_889 : vector<1x16xf32> to vector<16xf32>
        %mul3A_891 = arith.mulf %get3A_890, %add3A_886 : vector<16xf32>
        %swap3A_892 = arith.index_cast %scan3A_490 : i32 to index
        %swap3A_893 = arith.constant 112 : index
        %swap3A_894 = tpu.vector_load %arg21[%swap3A_892, %swap3A_893] {strides = array<i32>} : memref<40x128xf32, #tpu.memory_space<vmem>>, vector<1x16xf32>,
        %swap3A_895 = vector.shape_cast %swap3A_894 : vector<1x16xf32> to vector<16xf32>
        %swap3A_896 = vector.shape_cast %mul3A_891 : vector<16xf32> to vector<1x16xf32>
        tpu.vector_store %arg21[%swap3A_892, %swap3A_893], %swap3A_896 {strides = array<i32>} : memref<40x128xf32, #tpu.memory_space<vmem>>, vector<1x16xf32>,
        %scan3A_897 = arith.constant 0 : i32
        scf.yield %scan3A_897 : i32
      }
      %scan3A_485 = arith.constant 40 : i32
      %dma_start3A_486 = arith.constant 0 : i32
      %dma_start3A_487 = arith.constant 0 : i32
      %dma_start3A_488 = tpu.memref_slice %arg22[%dma_start3A_486, %dma_start3A_487] : memref<10000x128xf32, #tpu.memory_space<vmem_shared>> -> memref<10000x128xf32, #tpu.memory_space<vmem_shared>>
      tpu.enqueue_indirect_dma source(%arg21 : memref<40x128xf32, #tpu.memory_space<vmem>>) target(%dma_start3A_488 : memref<10000x128xf32, #tpu.memory_space<vmem_shared>>) offsets(%arg13 : memref<40xi32, #tpu.memory_space<vmem>>) semaphore(%arg28 : memref<!tpu.dma_semaphore, #tpu.memory_space<semaphore_mem>>) {add = true}
      %scan3A_489 = arith.constant 0 : i32
      scf.yield %scan3A_489 : i32
    }
    %scan3A_206 = arith.constant 123 : i32
    %dma_wait3A_207 = arith.constant 0 : i32
    %dma_wait3A_208 = arith.constant 0 : i32
    %dma_wait3A_209 = tpu.memref_slice %arg5[%dma_wait3A_207, %dma_wait3A_208] : memref<10000x128xf32, #tpu.memory_space<hbm>> -> memref<10000x128xf32, #tpu.memory_space<hbm>>
    tpu.wait_indirect_dma semaphore(%arg25 : memref<!tpu.dma_semaphore, #tpu.memory_space<semaphore_mem>>) src(%dma_wait3A_209 : memref<10000x128xf32, #tpu.memory_space<hbm>>) dst(%arg14 : memref<40x128xf32, #tpu.memory_space<vmem>>)
    %dma_wait3A_210 = arith.constant 0 : i32
    %dma_wait3A_211 = arith.constant 0 : i32
    %dma_wait3A_212 = tpu.memref_slice %arg6[%dma_wait3A_210, %dma_wait3A_211] : memref<10000x128xf32, #tpu.memory_space<hbm>> -> memref<10000x128xf32, #tpu.memory_space<hbm>>
    tpu.wait_indirect_dma semaphore(%arg25 : memref<!tpu.dma_semaphore, #tpu.memory_space<semaphore_mem>>) src(%dma_wait3A_212 : memref<10000x128xf32, #tpu.memory_space<hbm>>) dst(%arg16 : memref<40x128xf32, #tpu.memory_space<vmem>>)
    %dma_wait3A_213 = arith.constant 0 : i32
    %dma_wait3A_214 = arith.constant 0 : i32
    %dma_wait3A_215 = tpu.memref_slice %arg4[%dma_wait3A_213, %dma_wait3A_214] : memref<10000x128xf32, #tpu.memory_space<hbm>> -> memref<10000x128xf32, #tpu.memory_space<hbm>>
    tpu.wait_indirect_dma semaphore(%arg25 : memref<!tpu.dma_semaphore, #tpu.memory_space<semaphore_mem>>) src(%dma_wait3A_215 : memref<10000x128xf32, #tpu.memory_space<hbm>>) dst(%arg18 : memref<40x128xf32, #tpu.memory_space<vmem>>)
    %dma_wait3A_216 = arith.constant 0 : i32
    %dma_wait3A_217 = arith.constant 0 : i32
    %dma_wait3A_218 = tpu.memref_slice %arg22[%dma_wait3A_216, %dma_wait3A_217] : memref<10000x128xf32, #tpu.memory_space<vmem_shared>> -> memref<10000x128xf32, #tpu.memory_space<vmem_shared>>
    tpu.wait_indirect_dma semaphore(%arg27 : memref<!tpu.dma_semaphore, #tpu.memory_space<semaphore_mem>>) src(%arg20 : memref<40x128xf32, #tpu.memory_space<vmem>>) dst(%dma_wait3A_218 : memref<10000x128xf32, #tpu.memory_space<vmem_shared>>)
    %get3A_219 = arith.constant 0 : index
    %get3A_220 = tpu.vector_load %arg10[%get3A_219] {strides = array<i32>} : memref<40xi32, #tpu.memory_space<vmem>>, vector<16xi32>,
    %get3A_221 = vector.shape_cast %get3A_220 : vector<16xi32> to vector<16xi32>
    %swap3A_222 = arith.constant 0 : index
    %swap3A_223 = tpu.vector_load %arg12[%swap3A_222] {strides = array<i32>} : memref<40xi32, #tpu.memory_space<vmem>>, vector<16xi32>,
    %swap3A_224 = vector.shape_cast %swap3A_223 : vector<16xi32> to vector<16xi32>
    %swap3A_225 = vector.shape_cast %get3A_221 : vector<16xi32> to vector<16xi32>
    tpu.vector_store %arg12[%swap3A_222], %swap3A_225 {strides = array<i32>} : memref<40xi32, #tpu.memory_space<vmem>>, vector<16xi32>,
    %get3A_226 = arith.constant 16 : index
    %get3A_227 = tpu.vector_load %arg10[%get3A_226] {strides = array<i32>} : memref<40xi32, #tpu.memory_space<vmem>>, vector<16xi32>,
    %get3A_228 = vector.shape_cast %get3A_227 : vector<16xi32> to vector<16xi32>
    %swap3A_229 = arith.constant 16 : index
    %swap3A_230 = tpu.vector_load %arg12[%swap3A_229] {strides = array<i32>} : memref<40xi32, #tpu.memory_space<vmem>>, vector<16xi32>,
    %swap3A_231 = vector.shape_cast %swap3A_230 : vector<16xi32> to vector<16xi32>
    %swap3A_232 = vector.shape_cast %get3A_228 : vector<16xi32> to vector<16xi32>
    tpu.vector_store %arg12[%swap3A_229], %swap3A_232 {strides = array<i32>} : memref<40xi32, #tpu.memory_space<vmem>>, vector<16xi32>,
    %get3A_233 = arith.constant 24 : index
    %get3A_234 = tpu.vector_load %arg10[%get3A_233] {strides = array<i32>} : memref<40xi32, #tpu.memory_space<vmem>>, vector<16xi32>,
    %get3A_235 = vector.shape_cast %get3A_234 : vector<16xi32> to vector<16xi32>
    %swap3A_236 = arith.constant 24 : index
    %swap3A_237 = tpu.vector_load %arg12[%swap3A_236] {strides = array<i32>} : memref<40xi32, #tpu.memory_space<vmem>>, vector<16xi32>,
    %swap3A_238 = vector.shape_cast %swap3A_237 : vector<16xi32> to vector<16xi32>
    %swap3A_239 = vector.shape_cast %get3A_235 : vector<16xi32> to vector<16xi32>
    tpu.vector_store %arg12[%swap3A_236], %swap3A_239 {strides = array<i32>} : memref<40xi32, #tpu.memory_space<vmem>>, vector<16xi32>,
    %add3A_240 = arith.constant 9960 : i32
    %add3A_241 = arith.addi %mul3A_2, %add3A_240 : i32
    %dma_wait3A_242 = tpu.memref_slice %arg2[%add3A_241] : memref<320000xi32, #tpu.memory_space<hbm>> -> memref<40xi32, #tpu.memory_space<hbm>>
    %dma_wait3A_243 = tpu.memref_slice %arg2[%add3A_241] : memref<320000xi32, #tpu.memory_space<hbm>> -> memref<40xi32, #tpu.memory_space<hbm>>
    tpu.wait_dma2 semaphore(%arg24 : memref<!tpu.dma_semaphore, #tpu.memory_space<semaphore_mem>>) src(%dma_wait3A_243 : memref<40xi32, #tpu.memory_space<hbm>>) dst(%arg9 : memref<40xi32, #tpu.memory_space<vmem>>)
    %add3A_244 = arith.constant 9960 : i32
    %add3A_245 = arith.addi %mul3A_2, %add3A_244 : i32
    %dma_wait3A_246 = tpu.memref_slice %arg3[%add3A_245] : memref<320000xi32, #tpu.memory_space<hbm>> -> memref<40xi32, #tpu.memory_space<hbm>>
    %dma_wait3A_247 = tpu.memref_slice %arg3[%add3A_245] : memref<320000xi32, #tpu.memory_space<hbm>> -> memref<40xi32, #tpu.memory_space<hbm>>
    tpu.wait_dma2 semaphore(%arg24 : memref<!tpu.dma_semaphore, #tpu.memory_space<semaphore_mem>>) src(%dma_wait3A_247 : memref<40xi32, #tpu.memory_space<hbm>>) dst(%arg11 : memref<40xi32, #tpu.memory_space<vmem>>)
    %dma_start3A_248 = arith.constant 0 : i32
    %dma_start3A_249 = arith.constant 0 : i32
    %dma_start3A_250 = tpu.memref_slice %arg5[%dma_start3A_248, %dma_start3A_249] : memref<10000x128xf32, #tpu.memory_space<hbm>> -> memref<10000x128xf32, #tpu.memory_space<hbm>>
    tpu.enqueue_indirect_dma source(%dma_start3A_250 : memref<10000x128xf32, #tpu.memory_space<hbm>>) target(%arg15 : memref<40x128xf32, #tpu.memory_space<vmem>>) offsets(%arg9 : memref<40xi32, #tpu.memory_space<vmem>>) semaphore(%arg26 : memref<!tpu.dma_semaphore, #tpu.memory_space<semaphore_mem>>)
    %dma_start3A_251 = arith.constant 0 : i32
    %dma_start3A_252 = arith.constant 0 : i32
    %dma_start3A_253 = tpu.memref_slice %arg6[%dma_start3A_251, %dma_start3A_252] : memref<10000x128xf32, #tpu.memory_space<hbm>> -> memref<10000x128xf32, #tpu.memory_space<hbm>>
    tpu.enqueue_indirect_dma source(%dma_start3A_253 : memref<10000x128xf32, #tpu.memory_space<hbm>>) target(%arg17 : memref<40x128xf32, #tpu.memory_space<vmem>>) offsets(%arg9 : memref<40xi32, #tpu.memory_space<vmem>>) semaphore(%arg26 : memref<!tpu.dma_semaphore, #tpu.memory_space<semaphore_mem>>)
    %dma_start3A_254 = arith.constant 0 : i32
    %dma_start3A_255 = arith.constant 0 : i32
    %dma_start3A_256 = tpu.memref_slice %arg4[%dma_start3A_254, %dma_start3A_255] : memref<10000x128xf32, #tpu.memory_space<hbm>> -> memref<10000x128xf32, #tpu.memory_space<hbm>>
    tpu.enqueue_indirect_dma source(%dma_start3A_256 : memref<10000x128xf32, #tpu.memory_space<hbm>>) target(%arg19 : memref<40x128xf32, #tpu.memory_space<vmem>>) offsets(%arg11 : memref<40xi32, #tpu.memory_space<vmem>>) semaphore(%arg26 : memref<!tpu.dma_semaphore, #tpu.memory_space<semaphore_mem>>)
    %scan3A_257 = arith.constant 0 : i32
    %scan3A_258 = arith.constant 0 : i32
    %scan3A_259 = arith.constant 40 : i32
    %scan3A_260 = arith.addi %scan3A_258, %scan3A_259 : i32
    %scan3A_261 = arith.constant 1 : i32
    %scan3A_262 = scf.for %scan3A_329 = %scan3A_258 to %scan3A_260 step %scan3A_261 iter_args(%scan3A_330 = %scan3A_257) -> (i32)  : i32 {
      %get3A_331 = arith.index_cast %scan3A_329 : i32 to index
      %get3A_332 = arith.constant 0 : index
      %get3A_333 = tpu.vector_load %arg14[%get3A_331, %get3A_332] {strides = array<i32>} : memref<40x128xf32, #tpu.memory_space<vmem>>, vector<1x16xf32>,
      %get3A_334 = vector.shape_cast %get3A_333 : vector<1x16xf32> to vector<16xf32>
      %get3A_335 = arith.index_cast %scan3A_329 : i32 to index
      %get3A_336 = arith.constant 0 : index
      %get3A_337 = tpu.vector_load %arg18[%get3A_335, %get3A_336] {strides = array<i32>} : memref<40x128xf32, #tpu.memory_space<vmem>>, vector<1x16xf32>,
      %get3A_338 = vector.shape_cast %get3A_337 : vector<1x16xf32> to vector<16xf32>
      %mul3A_339 = arith.mulf %get3A_334, %get3A_338 : vector<16xf32>
      %iota3A = tpu.iota {dimensions = array<i32: 0>} : vector<16xi32>
      %xor3A = arith.constant 8 : i32
      %xor3A_340 = vector.broadcast %xor3A : i32 to vector<16xi32>
      %xor3A_341 = arith.xori %iota3A, %xor3A_340 : vector<16xi32>
      %broadcast_in_dim3A_342 = vector.shape_cast %xor3A_341 : vector<16xi32> to vector<16x1xi32>
      %gather3A = vector.shape_cast %broadcast_in_dim3A_342 : vector<16x1xi32> to vector<16xi32>
      %gather3A_343 = tpu.dynamic_gather %mul3A_339[%gather3A] in [0] : vector<16xf32>, vector<16xi32> -> vector<16xf32>
      %add3A_344 = arith.addf %mul3A_339, %gather3A_343 : vector<16xf32>
      %iota3A_345 = tpu.iota {dimensions = array<i32: 0>} : vector<16xi32>
      %xor3A_346 = arith.constant 4 : i32
      %xor3A_347 = vector.broadcast %xor3A_346 : i32 to vector<16xi32>
      %xor3A_348 = arith.xori %iota3A_345, %xor3A_347 : vector<16xi32>
      %broadcast_in_dim3A_349 = vector.shape_cast %xor3A_348 : vector<16xi32> to vector<16x1xi32>
      %gather3A_350 = vector.shape_cast %broadcast_in_dim3A_349 : vector<16x1xi32> to vector<16xi32>
      %gather3A_351 = tpu.dynamic_gather %add3A_344[%gather3A_350] in [0] : vector<16xf32>, vector<16xi32> -> vector<16xf32>
      %add3A_352 = arith.addf %add3A_344, %gather3A_351 : vector<16xf32>
      %iota3A_353 = tpu.iota {dimensions = array<i32: 0>} : vector<16xi32>
      %xor3A_354 = arith.constant 2 : i32
      %xor3A_355 = vector.broadcast %xor3A_354 : i32 to vector<16xi32>
      %xor3A_356 = arith.xori %iota3A_353, %xor3A_355 : vector<16xi32>
      %broadcast_in_dim3A_357 = vector.shape_cast %xor3A_356 : vector<16xi32> to vector<16x1xi32>
      %gather3A_358 = vector.shape_cast %broadcast_in_dim3A_357 : vector<16x1xi32> to vector<16xi32>
      %gather3A_359 = tpu.dynamic_gather %add3A_352[%gather3A_358] in [0] : vector<16xf32>, vector<16xi32> -> vector<16xf32>
      %add3A_360 = arith.addf %add3A_352, %gather3A_359 : vector<16xf32>
      %iota3A_361 = tpu.iota {dimensions = array<i32: 0>} : vector<16xi32>
      %xor3A_362 = arith.constant 1 : i32
      %xor3A_363 = vector.broadcast %xor3A_362 : i32 to vector<16xi32>
      %xor3A_364 = arith.xori %iota3A_361, %xor3A_363 : vector<16xi32>
      %broadcast_in_dim3A_365 = vector.shape_cast %xor3A_364 : vector<16xi32> to vector<16x1xi32>
      %gather3A_366 = vector.shape_cast %broadcast_in_dim3A_365 : vector<16x1xi32> to vector<16xi32>
      %gather3A_367 = tpu.dynamic_gather %add3A_360[%gather3A_366] in [0] : vector<16xf32>, vector<16xi32> -> vector<16xf32>
      %add3A_368 = arith.addf %add3A_360, %gather3A_367 : vector<16xf32>
      %get3A_369 = arith.index_cast %scan3A_329 : i32 to index
      %get3A_370 = arith.constant 0 : index
      %get3A_371 = tpu.vector_load %arg16[%get3A_369, %get3A_370] {strides = array<i32>} : memref<40x128xf32, #tpu.memory_space<vmem>>, vector<1x16xf32>,
      %get3A_372 = vector.shape_cast %get3A_371 : vector<1x16xf32> to vector<16xf32>
      %mul3A_373 = arith.mulf %get3A_372, %add3A_368 : vector<16xf32>
      %swap3A_374 = arith.index_cast %scan3A_329 : i32 to index
      %swap3A_375 = arith.constant 0 : index
      %swap3A_376 = tpu.vector_load %arg20[%swap3A_374, %swap3A_375] {strides = array<i32>} : memref<40x128xf32, #tpu.memory_space<vmem>>, vector<1x16xf32>,
      %swap3A_377 = vector.shape_cast %swap3A_376 : vector<1x16xf32> to vector<16xf32>
      %swap3A_378 = vector.shape_cast %mul3A_373 : vector<16xf32> to vector<1x16xf32>
      tpu.vector_store %arg20[%swap3A_374, %swap3A_375], %swap3A_378 {strides = array<i32>} : memref<40x128xf32, #tpu.memory_space<vmem>>, vector<1x16xf32>,
      %get3A_379 = arith.index_cast %scan3A_329 : i32 to index
      %get3A_380 = arith.constant 16 : index
      %get3A_381 = tpu.vector_load %arg14[%get3A_379, %get3A_380] {strides = array<i32>} : memref<40x128xf32, #tpu.memory_space<vmem>>, vector<1x16xf32>,
      %get3A_382 = vector.shape_cast %get3A_381 : vector<1x16xf32> to vector<16xf32>
      %get3A_383 = arith.index_cast %scan3A_329 : i32 to index
      %get3A_384 = arith.constant 16 : index
      %get3A_385 = tpu.vector_load %arg18[%get3A_383, %get3A_384] {strides = array<i32>} : memref<40x128xf32, #tpu.memory_space<vmem>>, vector<1x16xf32>,
      %get3A_386 = vector.shape_cast %get3A_385 : vector<1x16xf32> to vector<16xf32>
      %mul3A_387 = arith.mulf %get3A_382, %get3A_386 : vector<16xf32>
      %iota3A_388 = tpu.iota {dimensions = array<i32: 0>} : vector<16xi32>
      %xor3A_389 = arith.constant 8 : i32
      %xor3A_390 = vector.broadcast %xor3A_389 : i32 to vector<16xi32>
      %xor3A_391 = arith.xori %iota3A_388, %xor3A_390 : vector<16xi32>
      %broadcast_in_dim3A_392 = vector.shape_cast %xor3A_391 : vector<16xi32> to vector<16x1xi32>
      %gather3A_393 = vector.shape_cast %broadcast_in_dim3A_392 : vector<16x1xi32> to vector<16xi32>
      %gather3A_394 = tpu.dynamic_gather %mul3A_387[%gather3A_393] in [0] : vector<16xf32>, vector<16xi32> -> vector<16xf32>
      %add3A_395 = arith.addf %mul3A_387, %gather3A_394 : vector<16xf32>
      %iota3A_396 = tpu.iota {dimensions = array<i32: 0>} : vector<16xi32>
      %xor3A_397 = arith.constant 4 : i32
      %xor3A_398 = vector.broadcast %xor3A_397 : i32 to vector<16xi32>
      %xor3A_399 = arith.xori %iota3A_396, %xor3A_398 : vector<16xi32>
      %broadcast_in_dim3A_400 = vector.shape_cast %xor3A_399 : vector<16xi32> to vector<16x1xi32>
      %gather3A_401 = vector.shape_cast %broadcast_in_dim3A_400 : vector<16x1xi32> to vector<16xi32>
      %gather3A_402 = tpu.dynamic_gather %add3A_395[%gather3A_401] in [0] : vector<16xf32>, vector<16xi32> -> vector<16xf32>
      %add3A_403 = arith.addf %add3A_395, %gather3A_402 : vector<16xf32>
      %iota3A_404 = tpu.iota {dimensions = array<i32: 0>} : vector<16xi32>
      %xor3A_405 = arith.constant 2 : i32
      %xor3A_406 = vector.broadcast %xor3A_405 : i32 to vector<16xi32>
      %xor3A_407 = arith.xori %iota3A_404, %xor3A_406 : vector<16xi32>
      %broadcast_in_dim3A_408 = vector.shape_cast %xor3A_407 : vector<16xi32> to vector<16x1xi32>
      %gather3A_409 = vector.shape_cast %broadcast_in_dim3A_408 : vector<16x1xi32> to vector<16xi32>
      %gather3A_410 = tpu.dynamic_gather %add3A_403[%gather3A_409] in [0] : vector<16xf32>, vector<16xi32> -> vector<16xf32>
      %add3A_411 = arith.addf %add3A_403, %gather3A_410 : vector<16xf32>
      %iota3A_412 = tpu.iota {dimensions = array<i32: 0>} : vector<16xi32>
      %xor3A_413 = arith.constant 1 : i32
      %xor3A_414 = vector.broadcast %xor3A_413 : i32 to vector<16xi32>
      %xor3A_415 = arith.xori %iota3A_412, %xor3A_414 : vector<16xi32>
      %broadcast_in_dim3A_416 = vector.shape_cast %xor3A_415 : vector<16xi32> to vector<16x1xi32>
      %gather3A_417 = vector.shape_cast %broadcast_in_dim3A_416 : vector<16x1xi32> to vector<16xi32>
      %gather3A_418 = tpu.dynamic_gather %add3A_411[%gather3A_417] in [0] : vector<16xf32>, vector<16xi32> -> vector<16xf32>
      %add3A_419 = arith.addf %add3A_411, %gather3A_418 : vector<16xf32>
      %get3A_420 = arith.index_cast %scan3A_329 : i32 to index
      %get3A_421 = arith.constant 16 : index
      %get3A_422 = tpu.vector_load %arg16[%get3A_420, %get3A_421] {strides = array<i32>} : memref<40x128xf32, #tpu.memory_space<vmem>>, vector<1x16xf32>,
      %get3A_423 = vector.shape_cast %get3A_422 : vector<1x16xf32> to vector<16xf32>
      %mul3A_424 = arith.mulf %get3A_423, %add3A_419 : vector<16xf32>
      %swap3A_425 = arith.index_cast %scan3A_329 : i32 to index
      %swap3A_426 = arith.constant 16 : index
      %swap3A_427 = tpu.vector_load %arg20[%swap3A_425, %swap3A_426] {strides = array<i32>} : memref<40x128xf32, #tpu.memory_space<vmem>>, vector<1x16xf32>,
      %swap3A_428 = vector.shape_cast %swap3A_427 : vector<1x16xf32> to vector<16xf32>
      %swap3A_429 = vector.shape_cast %mul3A_424 : vector<16xf32> to vector<1x16xf32>
      tpu.vector_store %arg20[%swap3A_425, %swap3A_426], %swap3A_429 {strides = array<i32>} : memref<40x128xf32, #tpu.memory_space<vmem>>, vector<1x16xf32>,
      %get3A_430 = arith.index_cast %scan3A_329 : i32 to index
      %get3A_431 = arith.constant 32 : index
      %get3A_432 = tpu.vector_load %arg14[%get3A_430, %get3A_431] {strides = array<i32>} : memref<40x128xf32, #tpu.memory_space<vmem>>, vector<1x16xf32>,
      %get3A_433 = vector.shape_cast %get3A_432 : vector<1x16xf32> to vector<16xf32>
      %get3A_434 = arith.index_cast %scan3A_329 : i32 to index
      %get3A_435 = arith.constant 32 : index
      %get3A_436 = tpu.vector_load %arg18[%get3A_434, %get3A_435] {strides = array<i32>} : memref<40x128xf32, #tpu.memory_space<vmem>>, vector<1x16xf32>,
      %get3A_437 = vector.shape_cast %get3A_436 : vector<1x16xf32> to vector<16xf32>
      %mul3A_438 = arith.mulf %get3A_433, %get3A_437 : vector<16xf32>
      %iota3A_439 = tpu.iota {dimensions = array<i32: 0>} : vector<16xi32>
      %xor3A_440 = arith.constant 8 : i32
      %xor3A_441 = vector.broadcast %xor3A_440 : i32 to vector<16xi32>
      %xor3A_442 = arith.xori %iota3A_439, %xor3A_441 : vector<16xi32>
      %broadcast_in_dim3A_443 = vector.shape_cast %xor3A_442 : vector<16xi32> to vector<16x1xi32>
      %gather3A_444 = vector.shape_cast %broadcast_in_dim3A_443 : vector<16x1xi32> to vector<16xi32>
      %gather3A_445 = tpu.dynamic_gather %mul3A_438[%gather3A_444] in [0] : vector<16xf32>, vector<16xi32> -> vector<16xf32>
      %add3A_446 = arith.addf %mul3A_438, %gather3A_445 : vector<16xf32>
      %iota3A_447 = tpu.iota {dimensions = array<i32: 0>} : vector<16xi32>
      %xor3A_448 = arith.constant 4 : i32
      %xor3A_449 = vector.broadcast %xor3A_448 : i32 to vector<16xi32>
      %xor3A_450 = arith.xori %iota3A_447, %xor3A_449 : vector<16xi32>
      %broadcast_in_dim3A_451 = vector.shape_cast %xor3A_450 : vector<16xi32> to vector<16x1xi32>
      %gather3A_452 = vector.shape_cast %broadcast_in_dim3A_451 : vector<16x1xi32> to vector<16xi32>
      %gather3A_453 = tpu.dynamic_gather %add3A_446[%gather3A_452] in [0] : vector<16xf32>, vector<16xi32> -> vector<16xf32>
      %add3A_454 = arith.addf %add3A_446, %gather3A_453 : vector<16xf32>
      %iota3A_455 = tpu.iota {dimensions = array<i32: 0>} : vector<16xi32>
      %xor3A_456 = arith.constant 2 : i32
      %xor3A_457 = vector.broadcast %xor3A_456 : i32 to vector<16xi32>
      %xor3A_458 = arith.xori %iota3A_455, %xor3A_457 : vector<16xi32>
      %broadcast_in_dim3A_459 = vector.shape_cast %xor3A_458 : vector<16xi32> to vector<16x1xi32>
      %gather3A_460 = vector.shape_cast %broadcast_in_dim3A_459 : vector<16x1xi32> to vector<16xi32>
      %gather3A_461 = tpu.dynamic_gather %add3A_454[%gather3A_460] in [0] : vector<16xf32>, vector<16xi32> -> vector<16xf32>
      %add3A_462 = arith.addf %add3A_454, %gather3A_461 : vector<16xf32>
      %iota3A_463 = tpu.iota {dimensions = array<i32: 0>} : vector<16xi32>
      %xor3A_464 = arith.constant 1 : i32
      %xor3A_465 = vector.broadcast %xor3A_464 : i32 to vector<16xi32>
      %xor3A_466 = arith.xori %iota3A_463, %xor3A_465 : vector<16xi32>
      %broadcast_in_dim3A_467 = vector.shape_cast %xor3A_466 : vector<16xi32> to vector<16x1xi32>
      %gather3A_468 = vector.shape_cast %broadcast_in_dim3A_467 : vector<16x1xi32> to vector<16xi32>
      %gather3A_469 = tpu.dynamic_gather %add3A_462[%gather3A_468] in [0] : vector<16xf32>, vector<16xi32> -> vector<16xf32>
      %add3A_470 = arith.addf %add3A_462, %gather3A_469 : vector<16xf32>
      %get3A_471 = arith.index_cast %scan3A_329 : i32 to index
      %get3A_472 = arith.constant 32 : index
      %get3A_473 = tpu.vector_load %arg16[%get3A_471, %get3A_472] {strides = array<i32>} : memref<40x128xf32, #tpu.memory_space<vmem>>, vector<1x16xf32>,
      %get3A_474 = vector.shape_cast %get3A_473 : vector<1x16xf32> to vector<16xf32>
      %mul3A_475 = arith.mulf %get3A_474, %add3A_470 : vector<16xf32>
      %swap3A_476 = arith.index_cast %scan3A_329 : i32 to index
      %swap3A_477 = arith.constant 32 : index
      %swap3A_478 = tpu.vector_load %arg20[%swap3A_476, %swap3A_477] {strides = array<i32>} : memref<40x128xf32, #tpu.memory_space<vmem>>, vector<1x16xf32>,
      %swap3A_479 = vector.shape_cast %swap3A_478 : vector<1x16xf32> to vector<16xf32>
      %swap3A_480 = vector.shape_cast %mul3A_475 : vector<16xf32> to vector<1x16xf32>
      tpu.vector_store %arg20[%swap3A_476, %swap3A_477], %swap3A_480 {strides = array<i32>} : memref<40x128xf32, #tpu.memory_space<vmem>>, vector<1x16xf32>,
      %get3A_481 = arith.index_cast %scan3A_329 : i32 to index
      %get3A_482 = arith.constant 48 : index
      %get3A_483 = tpu.vector_load %arg14[%get3A_481, %get3A_482] {strides = array<i32>} : memref<40x128xf32, #tpu.memory_space<vmem>>, vector<1x16xf32>,
      %get3A_484 = vector.shape_cast %get3A_483 : vector<1x16xf32> to vector<16xf32>
      %get3A_485 = arith.index_cast %scan3A_329 : i32 to index
      %get3A_486 = arith.constant 48 : index
      %get3A_487 = tpu.vector_load %arg18[%get3A_485, %get3A_486] {strides = array<i32>} : memref<40x128xf32, #tpu.memory_space<vmem>>, vector<1x16xf32>,
      %get3A_488 = vector.shape_cast %get3A_487 : vector<1x16xf32> to vector<16xf32>
      %mul3A_489 = arith.mulf %get3A_484, %get3A_488 : vector<16xf32>
      %iota3A_490 = tpu.iota {dimensions = array<i32: 0>} : vector<16xi32>
      %xor3A_491 = arith.constant 8 : i32
      %xor3A_492 = vector.broadcast %xor3A_491 : i32 to vector<16xi32>
      %xor3A_493 = arith.xori %iota3A_490, %xor3A_492 : vector<16xi32>
      %broadcast_in_dim3A_494 = vector.shape_cast %xor3A_493 : vector<16xi32> to vector<16x1xi32>
      %gather3A_495 = vector.shape_cast %broadcast_in_dim3A_494 : vector<16x1xi32> to vector<16xi32>
      %gather3A_496 = tpu.dynamic_gather %mul3A_489[%gather3A_495] in [0] : vector<16xf32>, vector<16xi32> -> vector<16xf32>
      %add3A_497 = arith.addf %mul3A_489, %gather3A_496 : vector<16xf32>
      %iota3A_498 = tpu.iota {dimensions = array<i32: 0>} : vector<16xi32>
      %xor3A_499 = arith.constant 4 : i32
      %xor3A_500 = vector.broadcast %xor3A_499 : i32 to vector<16xi32>
      %xor3A_501 = arith.xori %iota3A_498, %xor3A_500 : vector<16xi32>
      %broadcast_in_dim3A_502 = vector.shape_cast %xor3A_501 : vector<16xi32> to vector<16x1xi32>
      %gather3A_503 = vector.shape_cast %broadcast_in_dim3A_502 : vector<16x1xi32> to vector<16xi32>
      %gather3A_504 = tpu.dynamic_gather %add3A_497[%gather3A_503] in [0] : vector<16xf32>, vector<16xi32> -> vector<16xf32>
      %add3A_505 = arith.addf %add3A_497, %gather3A_504 : vector<16xf32>
      %iota3A_506 = tpu.iota {dimensions = array<i32: 0>} : vector<16xi32>
      %xor3A_507 = arith.constant 2 : i32
      %xor3A_508 = vector.broadcast %xor3A_507 : i32 to vector<16xi32>
      %xor3A_509 = arith.xori %iota3A_506, %xor3A_508 : vector<16xi32>
      %broadcast_in_dim3A_510 = vector.shape_cast %xor3A_509 : vector<16xi32> to vector<16x1xi32>
      %gather3A_511 = vector.shape_cast %broadcast_in_dim3A_510 : vector<16x1xi32> to vector<16xi32>
      %gather3A_512 = tpu.dynamic_gather %add3A_505[%gather3A_511] in [0] : vector<16xf32>, vector<16xi32> -> vector<16xf32>
      %add3A_513 = arith.addf %add3A_505, %gather3A_512 : vector<16xf32>
      %iota3A_514 = tpu.iota {dimensions = array<i32: 0>} : vector<16xi32>
      %xor3A_515 = arith.constant 1 : i32
      %xor3A_516 = vector.broadcast %xor3A_515 : i32 to vector<16xi32>
      %xor3A_517 = arith.xori %iota3A_514, %xor3A_516 : vector<16xi32>
      %broadcast_in_dim3A_518 = vector.shape_cast %xor3A_517 : vector<16xi32> to vector<16x1xi32>
      %gather3A_519 = vector.shape_cast %broadcast_in_dim3A_518 : vector<16x1xi32> to vector<16xi32>
      %gather3A_520 = tpu.dynamic_gather %add3A_513[%gather3A_519] in [0] : vector<16xf32>, vector<16xi32> -> vector<16xf32>
      %add3A_521 = arith.addf %add3A_513, %gather3A_520 : vector<16xf32>
      %get3A_522 = arith.index_cast %scan3A_329 : i32 to index
      %get3A_523 = arith.constant 48 : index
      %get3A_524 = tpu.vector_load %arg16[%get3A_522, %get3A_523] {strides = array<i32>} : memref<40x128xf32, #tpu.memory_space<vmem>>, vector<1x16xf32>,
      %get3A_525 = vector.shape_cast %get3A_524 : vector<1x16xf32> to vector<16xf32>
      %mul3A_526 = arith.mulf %get3A_525, %add3A_521 : vector<16xf32>
      %swap3A_527 = arith.index_cast %scan3A_329 : i32 to index
      %swap3A_528 = arith.constant 48 : index
      %swap3A_529 = tpu.vector_load %arg20[%swap3A_527, %swap3A_528] {strides = array<i32>} : memref<40x128xf32, #tpu.memory_space<vmem>>, vector<1x16xf32>,
      %swap3A_530 = vector.shape_cast %swap3A_529 : vector<1x16xf32> to vector<16xf32>
      %swap3A_531 = vector.shape_cast %mul3A_526 : vector<16xf32> to vector<1x16xf32>
      tpu.vector_store %arg20[%swap3A_527, %swap3A_528], %swap3A_531 {strides = array<i32>} : memref<40x128xf32, #tpu.memory_space<vmem>>, vector<1x16xf32>,
      %get3A_532 = arith.index_cast %scan3A_329 : i32 to index
      %get3A_533 = arith.constant 64 : index
      %get3A_534 = tpu.vector_load %arg14[%get3A_532, %get3A_533] {strides = array<i32>} : memref<40x128xf32, #tpu.memory_space<vmem>>, vector<1x16xf32>,
      %get3A_535 = vector.shape_cast %get3A_534 : vector<1x16xf32> to vector<16xf32>
      %get3A_536 = arith.index_cast %scan3A_329 : i32 to index
      %get3A_537 = arith.constant 64 : index
      %get3A_538 = tpu.vector_load %arg18[%get3A_536, %get3A_537] {strides = array<i32>} : memref<40x128xf32, #tpu.memory_space<vmem>>, vector<1x16xf32>,
      %get3A_539 = vector.shape_cast %get3A_538 : vector<1x16xf32> to vector<16xf32>
      %mul3A_540 = arith.mulf %get3A_535, %get3A_539 : vector<16xf32>
      %iota3A_541 = tpu.iota {dimensions = array<i32: 0>} : vector<16xi32>
      %xor3A_542 = arith.constant 8 : i32
      %xor3A_543 = vector.broadcast %xor3A_542 : i32 to vector<16xi32>
      %xor3A_544 = arith.xori %iota3A_541, %xor3A_543 : vector<16xi32>
      %broadcast_in_dim3A_545 = vector.shape_cast %xor3A_544 : vector<16xi32> to vector<16x1xi32>
      %gather3A_546 = vector.shape_cast %broadcast_in_dim3A_545 : vector<16x1xi32> to vector<16xi32>
      %gather3A_547 = tpu.dynamic_gather %mul3A_540[%gather3A_546] in [0] : vector<16xf32>, vector<16xi32> -> vector<16xf32>
      %add3A_548 = arith.addf %mul3A_540, %gather3A_547 : vector<16xf32>
      %iota3A_549 = tpu.iota {dimensions = array<i32: 0>} : vector<16xi32>
      %xor3A_550 = arith.constant 4 : i32
      %xor3A_551 = vector.broadcast %xor3A_550 : i32 to vector<16xi32>
      %xor3A_552 = arith.xori %iota3A_549, %xor3A_551 : vector<16xi32>
      %broadcast_in_dim3A_553 = vector.shape_cast %xor3A_552 : vector<16xi32> to vector<16x1xi32>
      %gather3A_554 = vector.shape_cast %broadcast_in_dim3A_553 : vector<16x1xi32> to vector<16xi32>
      %gather3A_555 = tpu.dynamic_gather %add3A_548[%gather3A_554] in [0] : vector<16xf32>, vector<16xi32> -> vector<16xf32>
      %add3A_556 = arith.addf %add3A_548, %gather3A_555 : vector<16xf32>
      %iota3A_557 = tpu.iota {dimensions = array<i32: 0>} : vector<16xi32>
      %xor3A_558 = arith.constant 2 : i32
      %xor3A_559 = vector.broadcast %xor3A_558 : i32 to vector<16xi32>
      %xor3A_560 = arith.xori %iota3A_557, %xor3A_559 : vector<16xi32>
      %broadcast_in_dim3A_561 = vector.shape_cast %xor3A_560 : vector<16xi32> to vector<16x1xi32>
      %gather3A_562 = vector.shape_cast %broadcast_in_dim3A_561 : vector<16x1xi32> to vector<16xi32>
      %gather3A_563 = tpu.dynamic_gather %add3A_556[%gather3A_562] in [0] : vector<16xf32>, vector<16xi32> -> vector<16xf32>
      %add3A_564 = arith.addf %add3A_556, %gather3A_563 : vector<16xf32>
      %iota3A_565 = tpu.iota {dimensions = array<i32: 0>} : vector<16xi32>
      %xor3A_566 = arith.constant 1 : i32
      %xor3A_567 = vector.broadcast %xor3A_566 : i32 to vector<16xi32>
      %xor3A_568 = arith.xori %iota3A_565, %xor3A_567 : vector<16xi32>
      %broadcast_in_dim3A_569 = vector.shape_cast %xor3A_568 : vector<16xi32> to vector<16x1xi32>
      %gather3A_570 = vector.shape_cast %broadcast_in_dim3A_569 : vector<16x1xi32> to vector<16xi32>
      %gather3A_571 = tpu.dynamic_gather %add3A_564[%gather3A_570] in [0] : vector<16xf32>, vector<16xi32> -> vector<16xf32>
      %add3A_572 = arith.addf %add3A_564, %gather3A_571 : vector<16xf32>
      %get3A_573 = arith.index_cast %scan3A_329 : i32 to index
      %get3A_574 = arith.constant 64 : index
      %get3A_575 = tpu.vector_load %arg16[%get3A_573, %get3A_574] {strides = array<i32>} : memref<40x128xf32, #tpu.memory_space<vmem>>, vector<1x16xf32>,
      %get3A_576 = vector.shape_cast %get3A_575 : vector<1x16xf32> to vector<16xf32>
      %mul3A_577 = arith.mulf %get3A_576, %add3A_572 : vector<16xf32>
      %swap3A_578 = arith.index_cast %scan3A_329 : i32 to index
      %swap3A_579 = arith.constant 64 : index
      %swap3A_580 = tpu.vector_load %arg20[%swap3A_578, %swap3A_579] {strides = array<i32>} : memref<40x128xf32, #tpu.memory_space<vmem>>, vector<1x16xf32>,
      %swap3A_581 = vector.shape_cast %swap3A_580 : vector<1x16xf32> to vector<16xf32>
      %swap3A_582 = vector.shape_cast %mul3A_577 : vector<16xf32> to vector<1x16xf32>
      tpu.vector_store %arg20[%swap3A_578, %swap3A_579], %swap3A_582 {strides = array<i32>} : memref<40x128xf32, #tpu.memory_space<vmem>>, vector<1x16xf32>,
      %get3A_583 = arith.index_cast %scan3A_329 : i32 to index
      %get3A_584 = arith.constant 80 : index
      %get3A_585 = tpu.vector_load %arg14[%get3A_583, %get3A_584] {strides = array<i32>} : memref<40x128xf32, #tpu.memory_space<vmem>>, vector<1x16xf32>,
      %get3A_586 = vector.shape_cast %get3A_585 : vector<1x16xf32> to vector<16xf32>
      %get3A_587 = arith.index_cast %scan3A_329 : i32 to index
      %get3A_588 = arith.constant 80 : index
      %get3A_589 = tpu.vector_load %arg18[%get3A_587, %get3A_588] {strides = array<i32>} : memref<40x128xf32, #tpu.memory_space<vmem>>, vector<1x16xf32>,
      %get3A_590 = vector.shape_cast %get3A_589 : vector<1x16xf32> to vector<16xf32>
      %mul3A_591 = arith.mulf %get3A_586, %get3A_590 : vector<16xf32>
      %iota3A_592 = tpu.iota {dimensions = array<i32: 0>} : vector<16xi32>
      %xor3A_593 = arith.constant 8 : i32
      %xor3A_594 = vector.broadcast %xor3A_593 : i32 to vector<16xi32>
      %xor3A_595 = arith.xori %iota3A_592, %xor3A_594 : vector<16xi32>
      %broadcast_in_dim3A_596 = vector.shape_cast %xor3A_595 : vector<16xi32> to vector<16x1xi32>
      %gather3A_597 = vector.shape_cast %broadcast_in_dim3A_596 : vector<16x1xi32> to vector<16xi32>
      %gather3A_598 = tpu.dynamic_gather %mul3A_591[%gather3A_597] in [0] : vector<16xf32>, vector<16xi32> -> vector<16xf32>
      %add3A_599 = arith.addf %mul3A_591, %gather3A_598 : vector<16xf32>
      %iota3A_600 = tpu.iota {dimensions = array<i32: 0>} : vector<16xi32>
      %xor3A_601 = arith.constant 4 : i32
      %xor3A_602 = vector.broadcast %xor3A_601 : i32 to vector<16xi32>
      %xor3A_603 = arith.xori %iota3A_600, %xor3A_602 : vector<16xi32>
      %broadcast_in_dim3A_604 = vector.shape_cast %xor3A_603 : vector<16xi32> to vector<16x1xi32>
      %gather3A_605 = vector.shape_cast %broadcast_in_dim3A_604 : vector<16x1xi32> to vector<16xi32>
      %gather3A_606 = tpu.dynamic_gather %add3A_599[%gather3A_605] in [0] : vector<16xf32>, vector<16xi32> -> vector<16xf32>
      %add3A_607 = arith.addf %add3A_599, %gather3A_606 : vector<16xf32>
      %iota3A_608 = tpu.iota {dimensions = array<i32: 0>} : vector<16xi32>
      %xor3A_609 = arith.constant 2 : i32
      %xor3A_610 = vector.broadcast %xor3A_609 : i32 to vector<16xi32>
      %xor3A_611 = arith.xori %iota3A_608, %xor3A_610 : vector<16xi32>
      %broadcast_in_dim3A_612 = vector.shape_cast %xor3A_611 : vector<16xi32> to vector<16x1xi32>
      %gather3A_613 = vector.shape_cast %broadcast_in_dim3A_612 : vector<16x1xi32> to vector<16xi32>
      %gather3A_614 = tpu.dynamic_gather %add3A_607[%gather3A_613] in [0] : vector<16xf32>, vector<16xi32> -> vector<16xf32>
      %add3A_615 = arith.addf %add3A_607, %gather3A_614 : vector<16xf32>
      %iota3A_616 = tpu.iota {dimensions = array<i32: 0>} : vector<16xi32>
      %xor3A_617 = arith.constant 1 : i32
      %xor3A_618 = vector.broadcast %xor3A_617 : i32 to vector<16xi32>
      %xor3A_619 = arith.xori %iota3A_616, %xor3A_618 : vector<16xi32>
      %broadcast_in_dim3A_620 = vector.shape_cast %xor3A_619 : vector<16xi32> to vector<16x1xi32>
      %gather3A_621 = vector.shape_cast %broadcast_in_dim3A_620 : vector<16x1xi32> to vector<16xi32>
      %gather3A_622 = tpu.dynamic_gather %add3A_615[%gather3A_621] in [0] : vector<16xf32>, vector<16xi32> -> vector<16xf32>
      %add3A_623 = arith.addf %add3A_615, %gather3A_622 : vector<16xf32>
      %get3A_624 = arith.index_cast %scan3A_329 : i32 to index
      %get3A_625 = arith.constant 80 : index
      %get3A_626 = tpu.vector_load %arg16[%get3A_624, %get3A_625] {strides = array<i32>} : memref<40x128xf32, #tpu.memory_space<vmem>>, vector<1x16xf32>,
      %get3A_627 = vector.shape_cast %get3A_626 : vector<1x16xf32> to vector<16xf32>
      %mul3A_628 = arith.mulf %get3A_627, %add3A_623 : vector<16xf32>
      %swap3A_629 = arith.index_cast %scan3A_329 : i32 to index
      %swap3A_630 = arith.constant 80 : index
      %swap3A_631 = tpu.vector_load %arg20[%swap3A_629, %swap3A_630] {strides = array<i32>} : memref<40x128xf32, #tpu.memory_space<vmem>>, vector<1x16xf32>,
      %swap3A_632 = vector.shape_cast %swap3A_631 : vector<1x16xf32> to vector<16xf32>
      %swap3A_633 = vector.shape_cast %mul3A_628 : vector<16xf32> to vector<1x16xf32>
      tpu.vector_store %arg20[%swap3A_629, %swap3A_630], %swap3A_633 {strides = array<i32>} : memref<40x128xf32, #tpu.memory_space<vmem>>, vector<1x16xf32>,
      %get3A_634 = arith.index_cast %scan3A_329 : i32 to index
      %get3A_635 = arith.constant 96 : index
      %get3A_636 = tpu.vector_load %arg14[%get3A_634, %get3A_635] {strides = array<i32>} : memref<40x128xf32, #tpu.memory_space<vmem>>, vector<1x16xf32>,
      %get3A_637 = vector.shape_cast %get3A_636 : vector<1x16xf32> to vector<16xf32>
      %get3A_638 = arith.index_cast %scan3A_329 : i32 to index
      %get3A_639 = arith.constant 96 : index
      %get3A_640 = tpu.vector_load %arg18[%get3A_638, %get3A_639] {strides = array<i32>} : memref<40x128xf32, #tpu.memory_space<vmem>>, vector<1x16xf32>,
      %get3A_641 = vector.shape_cast %get3A_640 : vector<1x16xf32> to vector<16xf32>
      %mul3A_642 = arith.mulf %get3A_637, %get3A_641 : vector<16xf32>
      %iota3A_643 = tpu.iota {dimensions = array<i32: 0>} : vector<16xi32>
      %xor3A_644 = arith.constant 8 : i32
      %xor3A_645 = vector.broadcast %xor3A_644 : i32 to vector<16xi32>
      %xor3A_646 = arith.xori %iota3A_643, %xor3A_645 : vector<16xi32>
      %broadcast_in_dim3A_647 = vector.shape_cast %xor3A_646 : vector<16xi32> to vector<16x1xi32>
      %gather3A_648 = vector.shape_cast %broadcast_in_dim3A_647 : vector<16x1xi32> to vector<16xi32>
      %gather3A_649 = tpu.dynamic_gather %mul3A_642[%gather3A_648] in [0] : vector<16xf32>, vector<16xi32> -> vector<16xf32>
      %add3A_650 = arith.addf %mul3A_642, %gather3A_649 : vector<16xf32>
      %iota3A_651 = tpu.iota {dimensions = array<i32: 0>} : vector<16xi32>
      %xor3A_652 = arith.constant 4 : i32
      %xor3A_653 = vector.broadcast %xor3A_652 : i32 to vector<16xi32>
      %xor3A_654 = arith.xori %iota3A_651, %xor3A_653 : vector<16xi32>
      %broadcast_in_dim3A_655 = vector.shape_cast %xor3A_654 : vector<16xi32> to vector<16x1xi32>
      %gather3A_656 = vector.shape_cast %broadcast_in_dim3A_655 : vector<16x1xi32> to vector<16xi32>
      %gather3A_657 = tpu.dynamic_gather %add3A_650[%gather3A_656] in [0] : vector<16xf32>, vector<16xi32> -> vector<16xf32>
      %add3A_658 = arith.addf %add3A_650, %gather3A_657 : vector<16xf32>
      %iota3A_659 = tpu.iota {dimensions = array<i32: 0>} : vector<16xi32>
      %xor3A_660 = arith.constant 2 : i32
      %xor3A_661 = vector.broadcast %xor3A_660 : i32 to vector<16xi32>
      %xor3A_662 = arith.xori %iota3A_659, %xor3A_661 : vector<16xi32>
      %broadcast_in_dim3A_663 = vector.shape_cast %xor3A_662 : vector<16xi32> to vector<16x1xi32>
      %gather3A_664 = vector.shape_cast %broadcast_in_dim3A_663 : vector<16x1xi32> to vector<16xi32>
      %gather3A_665 = tpu.dynamic_gather %add3A_658[%gather3A_664] in [0] : vector<16xf32>, vector<16xi32> -> vector<16xf32>
      %add3A_666 = arith.addf %add3A_658, %gather3A_665 : vector<16xf32>
      %iota3A_667 = tpu.iota {dimensions = array<i32: 0>} : vector<16xi32>
      %xor3A_668 = arith.constant 1 : i32
      %xor3A_669 = vector.broadcast %xor3A_668 : i32 to vector<16xi32>
      %xor3A_670 = arith.xori %iota3A_667, %xor3A_669 : vector<16xi32>
      %broadcast_in_dim3A_671 = vector.shape_cast %xor3A_670 : vector<16xi32> to vector<16x1xi32>
      %gather3A_672 = vector.shape_cast %broadcast_in_dim3A_671 : vector<16x1xi32> to vector<16xi32>
      %gather3A_673 = tpu.dynamic_gather %add3A_666[%gather3A_672] in [0] : vector<16xf32>, vector<16xi32> -> vector<16xf32>
      %add3A_674 = arith.addf %add3A_666, %gather3A_673 : vector<16xf32>
      %get3A_675 = arith.index_cast %scan3A_329 : i32 to index
      %get3A_676 = arith.constant 96 : index
      %get3A_677 = tpu.vector_load %arg16[%get3A_675, %get3A_676] {strides = array<i32>} : memref<40x128xf32, #tpu.memory_space<vmem>>, vector<1x16xf32>,
      %get3A_678 = vector.shape_cast %get3A_677 : vector<1x16xf32> to vector<16xf32>
      %mul3A_679 = arith.mulf %get3A_678, %add3A_674 : vector<16xf32>
      %swap3A_680 = arith.index_cast %scan3A_329 : i32 to index
      %swap3A_681 = arith.constant 96 : index
      %swap3A_682 = tpu.vector_load %arg20[%swap3A_680, %swap3A_681] {strides = array<i32>} : memref<40x128xf32, #tpu.memory_space<vmem>>, vector<1x16xf32>,
      %swap3A_683 = vector.shape_cast %swap3A_682 : vector<1x16xf32> to vector<16xf32>
      %swap3A_684 = vector.shape_cast %mul3A_679 : vector<16xf32> to vector<1x16xf32>
      tpu.vector_store %arg20[%swap3A_680, %swap3A_681], %swap3A_684 {strides = array<i32>} : memref<40x128xf32, #tpu.memory_space<vmem>>, vector<1x16xf32>,
      %get3A_685 = arith.index_cast %scan3A_329 : i32 to index
      %get3A_686 = arith.constant 112 : index
      %get3A_687 = tpu.vector_load %arg14[%get3A_685, %get3A_686] {strides = array<i32>} : memref<40x128xf32, #tpu.memory_space<vmem>>, vector<1x16xf32>,
      %get3A_688 = vector.shape_cast %get3A_687 : vector<1x16xf32> to vector<16xf32>
      %get3A_689 = arith.index_cast %scan3A_329 : i32 to index
      %get3A_690 = arith.constant 112 : index
      %get3A_691 = tpu.vector_load %arg18[%get3A_689, %get3A_690] {strides = array<i32>} : memref<40x128xf32, #tpu.memory_space<vmem>>, vector<1x16xf32>,
      %get3A_692 = vector.shape_cast %get3A_691 : vector<1x16xf32> to vector<16xf32>
      %mul3A_693 = arith.mulf %get3A_688, %get3A_692 : vector<16xf32>
      %iota3A_694 = tpu.iota {dimensions = array<i32: 0>} : vector<16xi32>
      %xor3A_695 = arith.constant 8 : i32
      %xor3A_696 = vector.broadcast %xor3A_695 : i32 to vector<16xi32>
      %xor3A_697 = arith.xori %iota3A_694, %xor3A_696 : vector<16xi32>
      %broadcast_in_dim3A_698 = vector.shape_cast %xor3A_697 : vector<16xi32> to vector<16x1xi32>
      %gather3A_699 = vector.shape_cast %broadcast_in_dim3A_698 : vector<16x1xi32> to vector<16xi32>
      %gather3A_700 = tpu.dynamic_gather %mul3A_693[%gather3A_699] in [0] : vector<16xf32>, vector<16xi32> -> vector<16xf32>
      %add3A_701 = arith.addf %mul3A_693, %gather3A_700 : vector<16xf32>
      %iota3A_702 = tpu.iota {dimensions = array<i32: 0>} : vector<16xi32>
      %xor3A_703 = arith.constant 4 : i32
      %xor3A_704 = vector.broadcast %xor3A_703 : i32 to vector<16xi32>
      %xor3A_705 = arith.xori %iota3A_702, %xor3A_704 : vector<16xi32>
      %broadcast_in_dim3A_706 = vector.shape_cast %xor3A_705 : vector<16xi32> to vector<16x1xi32>
      %gather3A_707 = vector.shape_cast %broadcast_in_dim3A_706 : vector<16x1xi32> to vector<16xi32>
      %gather3A_708 = tpu.dynamic_gather %add3A_701[%gather3A_707] in [0] : vector<16xf32>, vector<16xi32> -> vector<16xf32>
      %add3A_709 = arith.addf %add3A_701, %gather3A_708 : vector<16xf32>
      %iota3A_710 = tpu.iota {dimensions = array<i32: 0>} : vector<16xi32>
      %xor3A_711 = arith.constant 2 : i32
      %xor3A_712 = vector.broadcast %xor3A_711 : i32 to vector<16xi32>
      %xor3A_713 = arith.xori %iota3A_710, %xor3A_712 : vector<16xi32>
      %broadcast_in_dim3A_714 = vector.shape_cast %xor3A_713 : vector<16xi32> to vector<16x1xi32>
      %gather3A_715 = vector.shape_cast %broadcast_in_dim3A_714 : vector<16x1xi32> to vector<16xi32>
      %gather3A_716 = tpu.dynamic_gather %add3A_709[%gather3A_715] in [0] : vector<16xf32>, vector<16xi32> -> vector<16xf32>
      %add3A_717 = arith.addf %add3A_709, %gather3A_716 : vector<16xf32>
      %iota3A_718 = tpu.iota {dimensions = array<i32: 0>} : vector<16xi32>
      %xor3A_719 = arith.constant 1 : i32
      %xor3A_720 = vector.broadcast %xor3A_719 : i32 to vector<16xi32>
      %xor3A_721 = arith.xori %iota3A_718, %xor3A_720 : vector<16xi32>
      %broadcast_in_dim3A_722 = vector.shape_cast %xor3A_721 : vector<16xi32> to vector<16x1xi32>
      %gather3A_723 = vector.shape_cast %broadcast_in_dim3A_722 : vector<16x1xi32> to vector<16xi32>
      %gather3A_724 = tpu.dynamic_gather %add3A_717[%gather3A_723] in [0] : vector<16xf32>, vector<16xi32> -> vector<16xf32>
      %add3A_725 = arith.addf %add3A_717, %gather3A_724 : vector<16xf32>
      %get3A_726 = arith.index_cast %scan3A_329 : i32 to index
      %get3A_727 = arith.constant 112 : index
      %get3A_728 = tpu.vector_load %arg16[%get3A_726, %get3A_727] {strides = array<i32>} : memref<40x128xf32, #tpu.memory_space<vmem>>, vector<1x16xf32>,
      %get3A_729 = vector.shape_cast %get3A_728 : vector<1x16xf32> to vector<16xf32>
      %mul3A_730 = arith.mulf %get3A_729, %add3A_725 : vector<16xf32>
      %swap3A_731 = arith.index_cast %scan3A_329 : i32 to index
      %swap3A_732 = arith.constant 112 : index
      %swap3A_733 = tpu.vector_load %arg20[%swap3A_731, %swap3A_732] {strides = array<i32>} : memref<40x128xf32, #tpu.memory_space<vmem>>, vector<1x16xf32>,
      %swap3A_734 = vector.shape_cast %swap3A_733 : vector<1x16xf32> to vector<16xf32>
      %swap3A_735 = vector.shape_cast %mul3A_730 : vector<16xf32> to vector<1x16xf32>
      tpu.vector_store %arg20[%swap3A_731, %swap3A_732], %swap3A_735 {strides = array<i32>} : memref<40x128xf32, #tpu.memory_space<vmem>>, vector<1x16xf32>,
      %scan3A_736 = arith.constant 0 : i32
      scf.yield %scan3A_736 : i32
    }
    %scan3A_263 = arith.constant 40 : i32
    %dma_start3A_264 = arith.constant 0 : i32
    %dma_start3A_265 = arith.constant 0 : i32
    %dma_start3A_266 = tpu.memref_slice %arg22[%dma_start3A_264, %dma_start3A_265] : memref<10000x128xf32, #tpu.memory_space<vmem_shared>> -> memref<10000x128xf32, #tpu.memory_space<vmem_shared>>
    tpu.enqueue_indirect_dma source(%arg20 : memref<40x128xf32, #tpu.memory_space<vmem>>) target(%dma_start3A_266 : memref<10000x128xf32, #tpu.memory_space<vmem_shared>>) offsets(%arg12 : memref<40xi32, #tpu.memory_space<vmem>>) semaphore(%arg27 : memref<!tpu.dma_semaphore, #tpu.memory_space<semaphore_mem>>) {add = true}
    %dma_wait3A_267 = arith.constant 0 : i32
    %dma_wait3A_268 = arith.constant 0 : i32
    %dma_wait3A_269 = tpu.memref_slice %arg5[%dma_wait3A_267, %dma_wait3A_268] : memref<10000x128xf32, #tpu.memory_space<hbm>> -> memref<10000x128xf32, #tpu.memory_space<hbm>>
    tpu.wait_indirect_dma semaphore(%arg26 : memref<!tpu.dma_semaphore, #tpu.memory_space<semaphore_mem>>) src(%dma_wait3A_269 : memref<10000x128xf32, #tpu.memory_space<hbm>>) dst(%arg15 : memref<40x128xf32, #tpu.memory_space<vmem>>)
    %dma_wait3A_270 = arith.constant 0 : i32
    %dma_wait3A_271 = arith.constant 0 : i32
    %dma_wait3A_272 = tpu.memref_slice %arg6[%dma_wait3A_270, %dma_wait3A_271] : memref<10000x128xf32, #tpu.memory_space<hbm>> -> memref<10000x128xf32, #tpu.memory_space<hbm>>
    tpu.wait_indirect_dma semaphore(%arg26 : memref<!tpu.dma_semaphore, #tpu.memory_space<semaphore_mem>>) src(%dma_wait3A_272 : memref<10000x128xf32, #tpu.memory_space<hbm>>) dst(%arg17 : memref<40x128xf32, #tpu.memory_space<vmem>>)
    %dma_wait3A_273 = arith.constant 0 : i32
    %dma_wait3A_274 = arith.constant 0 : i32
    %dma_wait3A_275 = tpu.memref_slice %arg4[%dma_wait3A_273, %dma_wait3A_274] : memref<10000x128xf32, #tpu.memory_space<hbm>> -> memref<10000x128xf32, #tpu.memory_space<hbm>>
    tpu.wait_indirect_dma semaphore(%arg26 : memref<!tpu.dma_semaphore, #tpu.memory_space<semaphore_mem>>) src(%dma_wait3A_275 : memref<10000x128xf32, #tpu.memory_space<hbm>>) dst(%arg19 : memref<40x128xf32, #tpu.memory_space<vmem>>)
    %dma_wait3A_276 = arith.constant 0 : i32
    %dma_wait3A_277 = arith.constant 0 : i32
    %dma_wait3A_278 = tpu.memref_slice %arg22[%dma_wait3A_276, %dma_wait3A_277] : memref<10000x128xf32, #tpu.memory_space<vmem_shared>> -> memref<10000x128xf32, #tpu.memory_space<vmem_shared>>
    tpu.wait_indirect_dma semaphore(%arg28 : memref<!tpu.dma_semaphore, #tpu.memory_space<semaphore_mem>>) src(%arg21 : memref<40x128xf32, #tpu.memory_space<vmem>>) dst(%dma_wait3A_278 : memref<10000x128xf32, #tpu.memory_space<vmem_shared>>)
    %get3A_279 = arith.constant 0 : index
    %get3A_280 = tpu.vector_load %arg11[%get3A_279] {strides = array<i32>} : memref<40xi32, #tpu.memory_space<vmem>>, vector<16xi32>,
    %get3A_281 = vector.shape_cast %get3A_280 : vector<16xi32> to vector<16xi32>
    %swap3A_282 = arith.constant 0 : index
    %swap3A_283 = tpu.vector_load %arg13[%swap3A_282] {strides = array<i32>} : memref<40xi32, #tpu.memory_space<vmem>>, vector<16xi32>,
    %swap3A_284 = vector.shape_cast %swap3A_283 : vector<16xi32> to vector<16xi32>
    %swap3A_285 = vector.shape_cast %get3A_281 : vector<16xi32> to vector<16xi32>
    tpu.vector_store %arg13[%swap3A_282], %swap3A_285 {strides = array<i32>} : memref<40xi32, #tpu.memory_space<vmem>>, vector<16xi32>,
    %get3A_286 = arith.constant 16 : index
    %get3A_287 = tpu.vector_load %arg11[%get3A_286] {strides = array<i32>} : memref<40xi32, #tpu.memory_space<vmem>>, vector<16xi32>,
    %get3A_288 = vector.shape_cast %get3A_287 : vector<16xi32> to vector<16xi32>
    %swap3A_289 = arith.constant 16 : index
    %swap3A_290 = tpu.vector_load %arg13[%swap3A_289] {strides = array<i32>} : memref<40xi32, #tpu.memory_space<vmem>>, vector<16xi32>,
    %swap3A_291 = vector.shape_cast %swap3A_290 : vector<16xi32> to vector<16xi32>
    %swap3A_292 = vector.shape_cast %get3A_288 : vector<16xi32> to vector<16xi32>
    tpu.vector_store %arg13[%swap3A_289], %swap3A_292 {strides = array<i32>} : memref<40xi32, #tpu.memory_space<vmem>>, vector<16xi32>,
    %get3A_293 = arith.constant 24 : index
    %get3A_294 = tpu.vector_load %arg11[%get3A_293] {strides = array<i32>} : memref<40xi32, #tpu.memory_space<vmem>>, vector<16xi32>,
    %get3A_295 = vector.shape_cast %get3A_294 : vector<16xi32> to vector<16xi32>
    %swap3A_296 = arith.constant 24 : index
    %swap3A_297 = tpu.vector_load %arg13[%swap3A_296] {strides = array<i32>} : memref<40xi32, #tpu.memory_space<vmem>>, vector<16xi32>,
    %swap3A_298 = vector.shape_cast %swap3A_297 : vector<16xi32> to vector<16xi32>
    %swap3A_299 = vector.shape_cast %get3A_295 : vector<16xi32> to vector<16xi32>
    tpu.vector_store %arg13[%swap3A_296], %swap3A_299 {strides = array<i32>} : memref<40xi32, #tpu.memory_space<vmem>>, vector<16xi32>,
    %scan3A_300 = arith.constant 0 : i32
    %scan3A_301 = arith.constant 0 : i32
    %scan3A_302 = arith.constant 40 : i32
    %scan3A_303 = arith.addi %scan3A_301, %scan3A_302 : i32
    %scan3A_304 = arith.constant 1 : i32
    %scan3A_305 = scf.for %scan3A_329 = %scan3A_301 to %scan3A_303 step %scan3A_304 iter_args(%scan3A_330 = %scan3A_300) -> (i32)  : i32 {
      %get3A_331 = arith.index_cast %scan3A_329 : i32 to index
      %get3A_332 = arith.constant 0 : index
      %get3A_333 = tpu.vector_load %arg15[%get3A_331, %get3A_332] {strides = array<i32>} : memref<40x128xf32, #tpu.memory_space<vmem>>, vector<1x16xf32>,
      %get3A_334 = vector.shape_cast %get3A_333 : vector<1x16xf32> to vector<16xf32>
      %get3A_335 = arith.index_cast %scan3A_329 : i32 to index
      %get3A_336 = arith.constant 0 : index
      %get3A_337 = tpu.vector_load %arg19[%get3A_335, %get3A_336] {strides = array<i32>} : memref<40x128xf32, #tpu.memory_space<vmem>>, vector<1x16xf32>,
      %get3A_338 = vector.shape_cast %get3A_337 : vector<1x16xf32> to vector<16xf32>
      %mul3A_339 = arith.mulf %get3A_334, %get3A_338 : vector<16xf32>
      %iota3A = tpu.iota {dimensions = array<i32: 0>} : vector<16xi32>
      %xor3A = arith.constant 8 : i32
      %xor3A_340 = vector.broadcast %xor3A : i32 to vector<16xi32>
      %xor3A_341 = arith.xori %iota3A, %xor3A_340 : vector<16xi32>
      %broadcast_in_dim3A_342 = vector.shape_cast %xor3A_341 : vector<16xi32> to vector<16x1xi32>
      %gather3A = vector.shape_cast %broadcast_in_dim3A_342 : vector<16x1xi32> to vector<16xi32>
      %gather3A_343 = tpu.dynamic_gather %mul3A_339[%gather3A] in [0] : vector<16xf32>, vector<16xi32> -> vector<16xf32>
      %add3A_344 = arith.addf %mul3A_339, %gather3A_343 : vector<16xf32>
      %iota3A_345 = tpu.iota {dimensions = array<i32: 0>} : vector<16xi32>
      %xor3A_346 = arith.constant 4 : i32
      %xor3A_347 = vector.broadcast %xor3A_346 : i32 to vector<16xi32>
      %xor3A_348 = arith.xori %iota3A_345, %xor3A_347 : vector<16xi32>
      %broadcast_in_dim3A_349 = vector.shape_cast %xor3A_348 : vector<16xi32> to vector<16x1xi32>
      %gather3A_350 = vector.shape_cast %broadcast_in_dim3A_349 : vector<16x1xi32> to vector<16xi32>
      %gather3A_351 = tpu.dynamic_gather %add3A_344[%gather3A_350] in [0] : vector<16xf32>, vector<16xi32> -> vector<16xf32>
      %add3A_352 = arith.addf %add3A_344, %gather3A_351 : vector<16xf32>
      %iota3A_353 = tpu.iota {dimensions = array<i32: 0>} : vector<16xi32>
      %xor3A_354 = arith.constant 2 : i32
      %xor3A_355 = vector.broadcast %xor3A_354 : i32 to vector<16xi32>
      %xor3A_356 = arith.xori %iota3A_353, %xor3A_355 : vector<16xi32>
      %broadcast_in_dim3A_357 = vector.shape_cast %xor3A_356 : vector<16xi32> to vector<16x1xi32>
      %gather3A_358 = vector.shape_cast %broadcast_in_dim3A_357 : vector<16x1xi32> to vector<16xi32>
      %gather3A_359 = tpu.dynamic_gather %add3A_352[%gather3A_358] in [0] : vector<16xf32>, vector<16xi32> -> vector<16xf32>
      %add3A_360 = arith.addf %add3A_352, %gather3A_359 : vector<16xf32>
      %iota3A_361 = tpu.iota {dimensions = array<i32: 0>} : vector<16xi32>
      %xor3A_362 = arith.constant 1 : i32
      %xor3A_363 = vector.broadcast %xor3A_362 : i32 to vector<16xi32>
      %xor3A_364 = arith.xori %iota3A_361, %xor3A_363 : vector<16xi32>
      %broadcast_in_dim3A_365 = vector.shape_cast %xor3A_364 : vector<16xi32> to vector<16x1xi32>
      %gather3A_366 = vector.shape_cast %broadcast_in_dim3A_365 : vector<16x1xi32> to vector<16xi32>
      %gather3A_367 = tpu.dynamic_gather %add3A_360[%gather3A_366] in [0] : vector<16xf32>, vector<16xi32> -> vector<16xf32>
      %add3A_368 = arith.addf %add3A_360, %gather3A_367 : vector<16xf32>
      %get3A_369 = arith.index_cast %scan3A_329 : i32 to index
      %get3A_370 = arith.constant 0 : index
      %get3A_371 = tpu.vector_load %arg17[%get3A_369, %get3A_370] {strides = array<i32>} : memref<40x128xf32, #tpu.memory_space<vmem>>, vector<1x16xf32>,
      %get3A_372 = vector.shape_cast %get3A_371 : vector<1x16xf32> to vector<16xf32>
      %mul3A_373 = arith.mulf %get3A_372, %add3A_368 : vector<16xf32>
      %swap3A_374 = arith.index_cast %scan3A_329 : i32 to index
      %swap3A_375 = arith.constant 0 : index
      %swap3A_376 = tpu.vector_load %arg21[%swap3A_374, %swap3A_375] {strides = array<i32>} : memref<40x128xf32, #tpu.memory_space<vmem>>, vector<1x16xf32>,
      %swap3A_377 = vector.shape_cast %swap3A_376 : vector<1x16xf32> to vector<16xf32>
      %swap3A_378 = vector.shape_cast %mul3A_373 : vector<16xf32> to vector<1x16xf32>
      tpu.vector_store %arg21[%swap3A_374, %swap3A_375], %swap3A_378 {strides = array<i32>} : memref<40x128xf32, #tpu.memory_space<vmem>>, vector<1x16xf32>,
      %get3A_379 = arith.index_cast %scan3A_329 : i32 to index
      %get3A_380 = arith.constant 16 : index
      %get3A_381 = tpu.vector_load %arg15[%get3A_379, %get3A_380] {strides = array<i32>} : memref<40x128xf32, #tpu.memory_space<vmem>>, vector<1x16xf32>,
      %get3A_382 = vector.shape_cast %get3A_381 : vector<1x16xf32> to vector<16xf32>
      %get3A_383 = arith.index_cast %scan3A_329 : i32 to index
      %get3A_384 = arith.constant 16 : index
      %get3A_385 = tpu.vector_load %arg19[%get3A_383, %get3A_384] {strides = array<i32>} : memref<40x128xf32, #tpu.memory_space<vmem>>, vector<1x16xf32>,
      %get3A_386 = vector.shape_cast %get3A_385 : vector<1x16xf32> to vector<16xf32>
      %mul3A_387 = arith.mulf %get3A_382, %get3A_386 : vector<16xf32>
      %iota3A_388 = tpu.iota {dimensions = array<i32: 0>} : vector<16xi32>
      %xor3A_389 = arith.constant 8 : i32
      %xor3A_390 = vector.broadcast %xor3A_389 : i32 to vector<16xi32>
      %xor3A_391 = arith.xori %iota3A_388, %xor3A_390 : vector<16xi32>
      %broadcast_in_dim3A_392 = vector.shape_cast %xor3A_391 : vector<16xi32> to vector<16x1xi32>
      %gather3A_393 = vector.shape_cast %broadcast_in_dim3A_392 : vector<16x1xi32> to vector<16xi32>
      %gather3A_394 = tpu.dynamic_gather %mul3A_387[%gather3A_393] in [0] : vector<16xf32>, vector<16xi32> -> vector<16xf32>
      %add3A_395 = arith.addf %mul3A_387, %gather3A_394 : vector<16xf32>
      %iota3A_396 = tpu.iota {dimensions = array<i32: 0>} : vector<16xi32>
      %xor3A_397 = arith.constant 4 : i32
      %xor3A_398 = vector.broadcast %xor3A_397 : i32 to vector<16xi32>
      %xor3A_399 = arith.xori %iota3A_396, %xor3A_398 : vector<16xi32>
      %broadcast_in_dim3A_400 = vector.shape_cast %xor3A_399 : vector<16xi32> to vector<16x1xi32>
      %gather3A_401 = vector.shape_cast %broadcast_in_dim3A_400 : vector<16x1xi32> to vector<16xi32>
      %gather3A_402 = tpu.dynamic_gather %add3A_395[%gather3A_401] in [0] : vector<16xf32>, vector<16xi32> -> vector<16xf32>
      %add3A_403 = arith.addf %add3A_395, %gather3A_402 : vector<16xf32>
      %iota3A_404 = tpu.iota {dimensions = array<i32: 0>} : vector<16xi32>
      %xor3A_405 = arith.constant 2 : i32
      %xor3A_406 = vector.broadcast %xor3A_405 : i32 to vector<16xi32>
      %xor3A_407 = arith.xori %iota3A_404, %xor3A_406 : vector<16xi32>
      %broadcast_in_dim3A_408 = vector.shape_cast %xor3A_407 : vector<16xi32> to vector<16x1xi32>
      %gather3A_409 = vector.shape_cast %broadcast_in_dim3A_408 : vector<16x1xi32> to vector<16xi32>
      %gather3A_410 = tpu.dynamic_gather %add3A_403[%gather3A_409] in [0] : vector<16xf32>, vector<16xi32> -> vector<16xf32>
      %add3A_411 = arith.addf %add3A_403, %gather3A_410 : vector<16xf32>
      %iota3A_412 = tpu.iota {dimensions = array<i32: 0>} : vector<16xi32>
      %xor3A_413 = arith.constant 1 : i32
      %xor3A_414 = vector.broadcast %xor3A_413 : i32 to vector<16xi32>
      %xor3A_415 = arith.xori %iota3A_412, %xor3A_414 : vector<16xi32>
      %broadcast_in_dim3A_416 = vector.shape_cast %xor3A_415 : vector<16xi32> to vector<16x1xi32>
      %gather3A_417 = vector.shape_cast %broadcast_in_dim3A_416 : vector<16x1xi32> to vector<16xi32>
      %gather3A_418 = tpu.dynamic_gather %add3A_411[%gather3A_417] in [0] : vector<16xf32>, vector<16xi32> -> vector<16xf32>
      %add3A_419 = arith.addf %add3A_411, %gather3A_418 : vector<16xf32>
      %get3A_420 = arith.index_cast %scan3A_329 : i32 to index
      %get3A_421 = arith.constant 16 : index
      %get3A_422 = tpu.vector_load %arg17[%get3A_420, %get3A_421] {strides = array<i32>} : memref<40x128xf32, #tpu.memory_space<vmem>>, vector<1x16xf32>,
      %get3A_423 = vector.shape_cast %get3A_422 : vector<1x16xf32> to vector<16xf32>
      %mul3A_424 = arith.mulf %get3A_423, %add3A_419 : vector<16xf32>
      %swap3A_425 = arith.index_cast %scan3A_329 : i32 to index
      %swap3A_426 = arith.constant 16 : index
      %swap3A_427 = tpu.vector_load %arg21[%swap3A_425, %swap3A_426] {strides = array<i32>} : memref<40x128xf32, #tpu.memory_space<vmem>>, vector<1x16xf32>,
      %swap3A_428 = vector.shape_cast %swap3A_427 : vector<1x16xf32> to vector<16xf32>
      %swap3A_429 = vector.shape_cast %mul3A_424 : vector<16xf32> to vector<1x16xf32>
      tpu.vector_store %arg21[%swap3A_425, %swap3A_426], %swap3A_429 {strides = array<i32>} : memref<40x128xf32, #tpu.memory_space<vmem>>, vector<1x16xf32>,
      %get3A_430 = arith.index_cast %scan3A_329 : i32 to index
      %get3A_431 = arith.constant 32 : index
      %get3A_432 = tpu.vector_load %arg15[%get3A_430, %get3A_431] {strides = array<i32>} : memref<40x128xf32, #tpu.memory_space<vmem>>, vector<1x16xf32>,
      %get3A_433 = vector.shape_cast %get3A_432 : vector<1x16xf32> to vector<16xf32>
      %get3A_434 = arith.index_cast %scan3A_329 : i32 to index
      %get3A_435 = arith.constant 32 : index
      %get3A_436 = tpu.vector_load %arg19[%get3A_434, %get3A_435] {strides = array<i32>} : memref<40x128xf32, #tpu.memory_space<vmem>>, vector<1x16xf32>,
      %get3A_437 = vector.shape_cast %get3A_436 : vector<1x16xf32> to vector<16xf32>
      %mul3A_438 = arith.mulf %get3A_433, %get3A_437 : vector<16xf32>
      %iota3A_439 = tpu.iota {dimensions = array<i32: 0>} : vector<16xi32>
      %xor3A_440 = arith.constant 8 : i32
      %xor3A_441 = vector.broadcast %xor3A_440 : i32 to vector<16xi32>
      %xor3A_442 = arith.xori %iota3A_439, %xor3A_441 : vector<16xi32>
      %broadcast_in_dim3A_443 = vector.shape_cast %xor3A_442 : vector<16xi32> to vector<16x1xi32>
      %gather3A_444 = vector.shape_cast %broadcast_in_dim3A_443 : vector<16x1xi32> to vector<16xi32>
      %gather3A_445 = tpu.dynamic_gather %mul3A_438[%gather3A_444] in [0] : vector<16xf32>, vector<16xi32> -> vector<16xf32>
      %add3A_446 = arith.addf %mul3A_438, %gather3A_445 : vector<16xf32>
      %iota3A_447 = tpu.iota {dimensions = array<i32: 0>} : vector<16xi32>
      %xor3A_448 = arith.constant 4 : i32
      %xor3A_449 = vector.broadcast %xor3A_448 : i32 to vector<16xi32>
      %xor3A_450 = arith.xori %iota3A_447, %xor3A_449 : vector<16xi32>
      %broadcast_in_dim3A_451 = vector.shape_cast %xor3A_450 : vector<16xi32> to vector<16x1xi32>
      %gather3A_452 = vector.shape_cast %broadcast_in_dim3A_451 : vector<16x1xi32> to vector<16xi32>
      %gather3A_453 = tpu.dynamic_gather %add3A_446[%gather3A_452] in [0] : vector<16xf32>, vector<16xi32> -> vector<16xf32>
      %add3A_454 = arith.addf %add3A_446, %gather3A_453 : vector<16xf32>
      %iota3A_455 = tpu.iota {dimensions = array<i32: 0>} : vector<16xi32>
      %xor3A_456 = arith.constant 2 : i32
      %xor3A_457 = vector.broadcast %xor3A_456 : i32 to vector<16xi32>
      %xor3A_458 = arith.xori %iota3A_455, %xor3A_457 : vector<16xi32>
      %broadcast_in_dim3A_459 = vector.shape_cast %xor3A_458 : vector<16xi32> to vector<16x1xi32>
      %gather3A_460 = vector.shape_cast %broadcast_in_dim3A_459 : vector<16x1xi32> to vector<16xi32>
      %gather3A_461 = tpu.dynamic_gather %add3A_454[%gather3A_460] in [0] : vector<16xf32>, vector<16xi32> -> vector<16xf32>
      %add3A_462 = arith.addf %add3A_454, %gather3A_461 : vector<16xf32>
      %iota3A_463 = tpu.iota {dimensions = array<i32: 0>} : vector<16xi32>
      %xor3A_464 = arith.constant 1 : i32
      %xor3A_465 = vector.broadcast %xor3A_464 : i32 to vector<16xi32>
      %xor3A_466 = arith.xori %iota3A_463, %xor3A_465 : vector<16xi32>
      %broadcast_in_dim3A_467 = vector.shape_cast %xor3A_466 : vector<16xi32> to vector<16x1xi32>
      %gather3A_468 = vector.shape_cast %broadcast_in_dim3A_467 : vector<16x1xi32> to vector<16xi32>
      %gather3A_469 = tpu.dynamic_gather %add3A_462[%gather3A_468] in [0] : vector<16xf32>, vector<16xi32> -> vector<16xf32>
      %add3A_470 = arith.addf %add3A_462, %gather3A_469 : vector<16xf32>
      %get3A_471 = arith.index_cast %scan3A_329 : i32 to index
      %get3A_472 = arith.constant 32 : index
      %get3A_473 = tpu.vector_load %arg17[%get3A_471, %get3A_472] {strides = array<i32>} : memref<40x128xf32, #tpu.memory_space<vmem>>, vector<1x16xf32>,
      %get3A_474 = vector.shape_cast %get3A_473 : vector<1x16xf32> to vector<16xf32>
      %mul3A_475 = arith.mulf %get3A_474, %add3A_470 : vector<16xf32>
      %swap3A_476 = arith.index_cast %scan3A_329 : i32 to index
      %swap3A_477 = arith.constant 32 : index
      %swap3A_478 = tpu.vector_load %arg21[%swap3A_476, %swap3A_477] {strides = array<i32>} : memref<40x128xf32, #tpu.memory_space<vmem>>, vector<1x16xf32>,
      %swap3A_479 = vector.shape_cast %swap3A_478 : vector<1x16xf32> to vector<16xf32>
      %swap3A_480 = vector.shape_cast %mul3A_475 : vector<16xf32> to vector<1x16xf32>
      tpu.vector_store %arg21[%swap3A_476, %swap3A_477], %swap3A_480 {strides = array<i32>} : memref<40x128xf32, #tpu.memory_space<vmem>>, vector<1x16xf32>,
      %get3A_481 = arith.index_cast %scan3A_329 : i32 to index
      %get3A_482 = arith.constant 48 : index
      %get3A_483 = tpu.vector_load %arg15[%get3A_481, %get3A_482] {strides = array<i32>} : memref<40x128xf32, #tpu.memory_space<vmem>>, vector<1x16xf32>,
      %get3A_484 = vector.shape_cast %get3A_483 : vector<1x16xf32> to vector<16xf32>
      %get3A_485 = arith.index_cast %scan3A_329 : i32 to index
      %get3A_486 = arith.constant 48 : index
      %get3A_487 = tpu.vector_load %arg19[%get3A_485, %get3A_486] {strides = array<i32>} : memref<40x128xf32, #tpu.memory_space<vmem>>, vector<1x16xf32>,
      %get3A_488 = vector.shape_cast %get3A_487 : vector<1x16xf32> to vector<16xf32>
      %mul3A_489 = arith.mulf %get3A_484, %get3A_488 : vector<16xf32>
      %iota3A_490 = tpu.iota {dimensions = array<i32: 0>} : vector<16xi32>
      %xor3A_491 = arith.constant 8 : i32
      %xor3A_492 = vector.broadcast %xor3A_491 : i32 to vector<16xi32>
      %xor3A_493 = arith.xori %iota3A_490, %xor3A_492 : vector<16xi32>
      %broadcast_in_dim3A_494 = vector.shape_cast %xor3A_493 : vector<16xi32> to vector<16x1xi32>
      %gather3A_495 = vector.shape_cast %broadcast_in_dim3A_494 : vector<16x1xi32> to vector<16xi32>
      %gather3A_496 = tpu.dynamic_gather %mul3A_489[%gather3A_495] in [0] : vector<16xf32>, vector<16xi32> -> vector<16xf32>
      %add3A_497 = arith.addf %mul3A_489, %gather3A_496 : vector<16xf32>
      %iota3A_498 = tpu.iota {dimensions = array<i32: 0>} : vector<16xi32>
      %xor3A_499 = arith.constant 4 : i32
      %xor3A_500 = vector.broadcast %xor3A_499 : i32 to vector<16xi32>
      %xor3A_501 = arith.xori %iota3A_498, %xor3A_500 : vector<16xi32>
      %broadcast_in_dim3A_502 = vector.shape_cast %xor3A_501 : vector<16xi32> to vector<16x1xi32>
      %gather3A_503 = vector.shape_cast %broadcast_in_dim3A_502 : vector<16x1xi32> to vector<16xi32>
      %gather3A_504 = tpu.dynamic_gather %add3A_497[%gather3A_503] in [0] : vector<16xf32>, vector<16xi32> -> vector<16xf32>
      %add3A_505 = arith.addf %add3A_497, %gather3A_504 : vector<16xf32>
      %iota3A_506 = tpu.iota {dimensions = array<i32: 0>} : vector<16xi32>
      %xor3A_507 = arith.constant 2 : i32
      %xor3A_508 = vector.broadcast %xor3A_507 : i32 to vector<16xi32>
      %xor3A_509 = arith.xori %iota3A_506, %xor3A_508 : vector<16xi32>
      %broadcast_in_dim3A_510 = vector.shape_cast %xor3A_509 : vector<16xi32> to vector<16x1xi32>
      %gather3A_511 = vector.shape_cast %broadcast_in_dim3A_510 : vector<16x1xi32> to vector<16xi32>
      %gather3A_512 = tpu.dynamic_gather %add3A_505[%gather3A_511] in [0] : vector<16xf32>, vector<16xi32> -> vector<16xf32>
      %add3A_513 = arith.addf %add3A_505, %gather3A_512 : vector<16xf32>
      %iota3A_514 = tpu.iota {dimensions = array<i32: 0>} : vector<16xi32>
      %xor3A_515 = arith.constant 1 : i32
      %xor3A_516 = vector.broadcast %xor3A_515 : i32 to vector<16xi32>
      %xor3A_517 = arith.xori %iota3A_514, %xor3A_516 : vector<16xi32>
      %broadcast_in_dim3A_518 = vector.shape_cast %xor3A_517 : vector<16xi32> to vector<16x1xi32>
      %gather3A_519 = vector.shape_cast %broadcast_in_dim3A_518 : vector<16x1xi32> to vector<16xi32>
      %gather3A_520 = tpu.dynamic_gather %add3A_513[%gather3A_519] in [0] : vector<16xf32>, vector<16xi32> -> vector<16xf32>
      %add3A_521 = arith.addf %add3A_513, %gather3A_520 : vector<16xf32>
      %get3A_522 = arith.index_cast %scan3A_329 : i32 to index
      %get3A_523 = arith.constant 48 : index
      %get3A_524 = tpu.vector_load %arg17[%get3A_522, %get3A_523] {strides = array<i32>} : memref<40x128xf32, #tpu.memory_space<vmem>>, vector<1x16xf32>,
      %get3A_525 = vector.shape_cast %get3A_524 : vector<1x16xf32> to vector<16xf32>
      %mul3A_526 = arith.mulf %get3A_525, %add3A_521 : vector<16xf32>
      %swap3A_527 = arith.index_cast %scan3A_329 : i32 to index
      %swap3A_528 = arith.constant 48 : index
      %swap3A_529 = tpu.vector_load %arg21[%swap3A_527, %swap3A_528] {strides = array<i32>} : memref<40x128xf32, #tpu.memory_space<vmem>>, vector<1x16xf32>,
      %swap3A_530 = vector.shape_cast %swap3A_529 : vector<1x16xf32> to vector<16xf32>
      %swap3A_531 = vector.shape_cast %mul3A_526 : vector<16xf32> to vector<1x16xf32>
      tpu.vector_store %arg21[%swap3A_527, %swap3A_528], %swap3A_531 {strides = array<i32>} : memref<40x128xf32, #tpu.memory_space<vmem>>, vector<1x16xf32>,
      %get3A_532 = arith.index_cast %scan3A_329 : i32 to index
      %get3A_533 = arith.constant 64 : index
      %get3A_534 = tpu.vector_load %arg15[%get3A_532, %get3A_533] {strides = array<i32>} : memref<40x128xf32, #tpu.memory_space<vmem>>, vector<1x16xf32>,
      %get3A_535 = vector.shape_cast %get3A_534 : vector<1x16xf32> to vector<16xf32>
      %get3A_536 = arith.index_cast %scan3A_329 : i32 to index
      %get3A_537 = arith.constant 64 : index
      %get3A_538 = tpu.vector_load %arg19[%get3A_536, %get3A_537] {strides = array<i32>} : memref<40x128xf32, #tpu.memory_space<vmem>>, vector<1x16xf32>,
      %get3A_539 = vector.shape_cast %get3A_538 : vector<1x16xf32> to vector<16xf32>
      %mul3A_540 = arith.mulf %get3A_535, %get3A_539 : vector<16xf32>
      %iota3A_541 = tpu.iota {dimensions = array<i32: 0>} : vector<16xi32>
      %xor3A_542 = arith.constant 8 : i32
      %xor3A_543 = vector.broadcast %xor3A_542 : i32 to vector<16xi32>
      %xor3A_544 = arith.xori %iota3A_541, %xor3A_543 : vector<16xi32>
      %broadcast_in_dim3A_545 = vector.shape_cast %xor3A_544 : vector<16xi32> to vector<16x1xi32>
      %gather3A_546 = vector.shape_cast %broadcast_in_dim3A_545 : vector<16x1xi32> to vector<16xi32>
      %gather3A_547 = tpu.dynamic_gather %mul3A_540[%gather3A_546] in [0] : vector<16xf32>, vector<16xi32> -> vector<16xf32>
      %add3A_548 = arith.addf %mul3A_540, %gather3A_547 : vector<16xf32>
      %iota3A_549 = tpu.iota {dimensions = array<i32: 0>} : vector<16xi32>
      %xor3A_550 = arith.constant 4 : i32
      %xor3A_551 = vector.broadcast %xor3A_550 : i32 to vector<16xi32>
      %xor3A_552 = arith.xori %iota3A_549, %xor3A_551 : vector<16xi32>
      %broadcast_in_dim3A_553 = vector.shape_cast %xor3A_552 : vector<16xi32> to vector<16x1xi32>
      %gather3A_554 = vector.shape_cast %broadcast_in_dim3A_553 : vector<16x1xi32> to vector<16xi32>
      %gather3A_555 = tpu.dynamic_gather %add3A_548[%gather3A_554] in [0] : vector<16xf32>, vector<16xi32> -> vector<16xf32>
      %add3A_556 = arith.addf %add3A_548, %gather3A_555 : vector<16xf32>
      %iota3A_557 = tpu.iota {dimensions = array<i32: 0>} : vector<16xi32>
      %xor3A_558 = arith.constant 2 : i32
      %xor3A_559 = vector.broadcast %xor3A_558 : i32 to vector<16xi32>
      %xor3A_560 = arith.xori %iota3A_557, %xor3A_559 : vector<16xi32>
      %broadcast_in_dim3A_561 = vector.shape_cast %xor3A_560 : vector<16xi32> to vector<16x1xi32>
      %gather3A_562 = vector.shape_cast %broadcast_in_dim3A_561 : vector<16x1xi32> to vector<16xi32>
      %gather3A_563 = tpu.dynamic_gather %add3A_556[%gather3A_562] in [0] : vector<16xf32>, vector<16xi32> -> vector<16xf32>
      %add3A_564 = arith.addf %add3A_556, %gather3A_563 : vector<16xf32>
      %iota3A_565 = tpu.iota {dimensions = array<i32: 0>} : vector<16xi32>
      %xor3A_566 = arith.constant 1 : i32
      %xor3A_567 = vector.broadcast %xor3A_566 : i32 to vector<16xi32>
      %xor3A_568 = arith.xori %iota3A_565, %xor3A_567 : vector<16xi32>
      %broadcast_in_dim3A_569 = vector.shape_cast %xor3A_568 : vector<16xi32> to vector<16x1xi32>
      %gather3A_570 = vector.shape_cast %broadcast_in_dim3A_569 : vector<16x1xi32> to vector<16xi32>
      %gather3A_571 = tpu.dynamic_gather %add3A_564[%gather3A_570] in [0] : vector<16xf32>, vector<16xi32> -> vector<16xf32>
      %add3A_572 = arith.addf %add3A_564, %gather3A_571 : vector<16xf32>
      %get3A_573 = arith.index_cast %scan3A_329 : i32 to index
      %get3A_574 = arith.constant 64 : index
      %get3A_575 = tpu.vector_load %arg17[%get3A_573, %get3A_574] {strides = array<i32>} : memref<40x128xf32, #tpu.memory_space<vmem>>, vector<1x16xf32>,
      %get3A_576 = vector.shape_cast %get3A_575 : vector<1x16xf32> to vector<16xf32>
      %mul3A_577 = arith.mulf %get3A_576, %add3A_572 : vector<16xf32>
      %swap3A_578 = arith.index_cast %scan3A_329 : i32 to index
      %swap3A_579 = arith.constant 64 : index
      %swap3A_580 = tpu.vector_load %arg21[%swap3A_578, %swap3A_579] {strides = array<i32>} : memref<40x128xf32, #tpu.memory_space<vmem>>, vector<1x16xf32>,
      %swap3A_581 = vector.shape_cast %swap3A_580 : vector<1x16xf32> to vector<16xf32>
      %swap3A_582 = vector.shape_cast %mul3A_577 : vector<16xf32> to vector<1x16xf32>
      tpu.vector_store %arg21[%swap3A_578, %swap3A_579], %swap3A_582 {strides = array<i32>} : memref<40x128xf32, #tpu.memory_space<vmem>>, vector<1x16xf32>,
      %get3A_583 = arith.index_cast %scan3A_329 : i32 to index
      %get3A_584 = arith.constant 80 : index
      %get3A_585 = tpu.vector_load %arg15[%get3A_583, %get3A_584] {strides = array<i32>} : memref<40x128xf32, #tpu.memory_space<vmem>>, vector<1x16xf32>,
      %get3A_586 = vector.shape_cast %get3A_585 : vector<1x16xf32> to vector<16xf32>
      %get3A_587 = arith.index_cast %scan3A_329 : i32 to index
      %get3A_588 = arith.constant 80 : index
      %get3A_589 = tpu.vector_load %arg19[%get3A_587, %get3A_588] {strides = array<i32>} : memref<40x128xf32, #tpu.memory_space<vmem>>, vector<1x16xf32>,
      %get3A_590 = vector.shape_cast %get3A_589 : vector<1x16xf32> to vector<16xf32>
      %mul3A_591 = arith.mulf %get3A_586, %get3A_590 : vector<16xf32>
      %iota3A_592 = tpu.iota {dimensions = array<i32: 0>} : vector<16xi32>
      %xor3A_593 = arith.constant 8 : i32
      %xor3A_594 = vector.broadcast %xor3A_593 : i32 to vector<16xi32>
      %xor3A_595 = arith.xori %iota3A_592, %xor3A_594 : vector<16xi32>
      %broadcast_in_dim3A_596 = vector.shape_cast %xor3A_595 : vector<16xi32> to vector<16x1xi32>
      %gather3A_597 = vector.shape_cast %broadcast_in_dim3A_596 : vector<16x1xi32> to vector<16xi32>
      %gather3A_598 = tpu.dynamic_gather %mul3A_591[%gather3A_597] in [0] : vector<16xf32>, vector<16xi32> -> vector<16xf32>
      %add3A_599 = arith.addf %mul3A_591, %gather3A_598 : vector<16xf32>
      %iota3A_600 = tpu.iota {dimensions = array<i32: 0>} : vector<16xi32>
      %xor3A_601 = arith.constant 4 : i32
      %xor3A_602 = vector.broadcast %xor3A_601 : i32 to vector<16xi32>
      %xor3A_603 = arith.xori %iota3A_600, %xor3A_602 : vector<16xi32>
      %broadcast_in_dim3A_604 = vector.shape_cast %xor3A_603 : vector<16xi32> to vector<16x1xi32>
      %gather3A_605 = vector.shape_cast %broadcast_in_dim3A_604 : vector<16x1xi32> to vector<16xi32>
      %gather3A_606 = tpu.dynamic_gather %add3A_599[%gather3A_605] in [0] : vector<16xf32>, vector<16xi32> -> vector<16xf32>
      %add3A_607 = arith.addf %add3A_599, %gather3A_606 : vector<16xf32>
      %iota3A_608 = tpu.iota {dimensions = array<i32: 0>} : vector<16xi32>
      %xor3A_609 = arith.constant 2 : i32
      %xor3A_610 = vector.broadcast %xor3A_609 : i32 to vector<16xi32>
      %xor3A_611 = arith.xori %iota3A_608, %xor3A_610 : vector<16xi32>
      %broadcast_in_dim3A_612 = vector.shape_cast %xor3A_611 : vector<16xi32> to vector<16x1xi32>
      %gather3A_613 = vector.shape_cast %broadcast_in_dim3A_612 : vector<16x1xi32> to vector<16xi32>
      %gather3A_614 = tpu.dynamic_gather %add3A_607[%gather3A_613] in [0] : vector<16xf32>, vector<16xi32> -> vector<16xf32>
      %add3A_615 = arith.addf %add3A_607, %gather3A_614 : vector<16xf32>
      %iota3A_616 = tpu.iota {dimensions = array<i32: 0>} : vector<16xi32>
      %xor3A_617 = arith.constant 1 : i32
      %xor3A_618 = vector.broadcast %xor3A_617 : i32 to vector<16xi32>
      %xor3A_619 = arith.xori %iota3A_616, %xor3A_618 : vector<16xi32>
      %broadcast_in_dim3A_620 = vector.shape_cast %xor3A_619 : vector<16xi32> to vector<16x1xi32>
      %gather3A_621 = vector.shape_cast %broadcast_in_dim3A_620 : vector<16x1xi32> to vector<16xi32>
      %gather3A_622 = tpu.dynamic_gather %add3A_615[%gather3A_621] in [0] : vector<16xf32>, vector<16xi32> -> vector<16xf32>
      %add3A_623 = arith.addf %add3A_615, %gather3A_622 : vector<16xf32>
      %get3A_624 = arith.index_cast %scan3A_329 : i32 to index
      %get3A_625 = arith.constant 80 : index
      %get3A_626 = tpu.vector_load %arg17[%get3A_624, %get3A_625] {strides = array<i32>} : memref<40x128xf32, #tpu.memory_space<vmem>>, vector<1x16xf32>,
      %get3A_627 = vector.shape_cast %get3A_626 : vector<1x16xf32> to vector<16xf32>
      %mul3A_628 = arith.mulf %get3A_627, %add3A_623 : vector<16xf32>
      %swap3A_629 = arith.index_cast %scan3A_329 : i32 to index
      %swap3A_630 = arith.constant 80 : index
      %swap3A_631 = tpu.vector_load %arg21[%swap3A_629, %swap3A_630] {strides = array<i32>} : memref<40x128xf32, #tpu.memory_space<vmem>>, vector<1x16xf32>,
      %swap3A_632 = vector.shape_cast %swap3A_631 : vector<1x16xf32> to vector<16xf32>
      %swap3A_633 = vector.shape_cast %mul3A_628 : vector<16xf32> to vector<1x16xf32>
      tpu.vector_store %arg21[%swap3A_629, %swap3A_630], %swap3A_633 {strides = array<i32>} : memref<40x128xf32, #tpu.memory_space<vmem>>, vector<1x16xf32>,
      %get3A_634 = arith.index_cast %scan3A_329 : i32 to index
      %get3A_635 = arith.constant 96 : index
      %get3A_636 = tpu.vector_load %arg15[%get3A_634, %get3A_635] {strides = array<i32>} : memref<40x128xf32, #tpu.memory_space<vmem>>, vector<1x16xf32>,
      %get3A_637 = vector.shape_cast %get3A_636 : vector<1x16xf32> to vector<16xf32>
      %get3A_638 = arith.index_cast %scan3A_329 : i32 to index
      %get3A_639 = arith.constant 96 : index
      %get3A_640 = tpu.vector_load %arg19[%get3A_638, %get3A_639] {strides = array<i32>} : memref<40x128xf32, #tpu.memory_space<vmem>>, vector<1x16xf32>,
      %get3A_641 = vector.shape_cast %get3A_640 : vector<1x16xf32> to vector<16xf32>
      %mul3A_642 = arith.mulf %get3A_637, %get3A_641 : vector<16xf32>
      %iota3A_643 = tpu.iota {dimensions = array<i32: 0>} : vector<16xi32>
      %xor3A_644 = arith.constant 8 : i32
      %xor3A_645 = vector.broadcast %xor3A_644 : i32 to vector<16xi32>
      %xor3A_646 = arith.xori %iota3A_643, %xor3A_645 : vector<16xi32>
      %broadcast_in_dim3A_647 = vector.shape_cast %xor3A_646 : vector<16xi32> to vector<16x1xi32>
      %gather3A_648 = vector.shape_cast %broadcast_in_dim3A_647 : vector<16x1xi32> to vector<16xi32>
      %gather3A_649 = tpu.dynamic_gather %mul3A_642[%gather3A_648] in [0] : vector<16xf32>, vector<16xi32> -> vector<16xf32>
      %add3A_650 = arith.addf %mul3A_642, %gather3A_649 : vector<16xf32>
      %iota3A_651 = tpu.iota {dimensions = array<i32: 0>} : vector<16xi32>
      %xor3A_652 = arith.constant 4 : i32
      %xor3A_653 = vector.broadcast %xor3A_652 : i32 to vector<16xi32>
      %xor3A_654 = arith.xori %iota3A_651, %xor3A_653 : vector<16xi32>
      %broadcast_in_dim3A_655 = vector.shape_cast %xor3A_654 : vector<16xi32> to vector<16x1xi32>
      %gather3A_656 = vector.shape_cast %broadcast_in_dim3A_655 : vector<16x1xi32> to vector<16xi32>
      %gather3A_657 = tpu.dynamic_gather %add3A_650[%gather3A_656] in [0] : vector<16xf32>, vector<16xi32> -> vector<16xf32>
      %add3A_658 = arith.addf %add3A_650, %gather3A_657 : vector<16xf32>
      %iota3A_659 = tpu.iota {dimensions = array<i32: 0>} : vector<16xi32>
      %xor3A_660 = arith.constant 2 : i32
      %xor3A_661 = vector.broadcast %xor3A_660 : i32 to vector<16xi32>
      %xor3A_662 = arith.xori %iota3A_659, %xor3A_661 : vector<16xi32>
      %broadcast_in_dim3A_663 = vector.shape_cast %xor3A_662 : vector<16xi32> to vector<16x1xi32>
      %gather3A_664 = vector.shape_cast %broadcast_in_dim3A_663 : vector<16x1xi32> to vector<16xi32>
      %gather3A_665 = tpu.dynamic_gather %add3A_658[%gather3A_664] in [0] : vector<16xf32>, vector<16xi32> -> vector<16xf32>
      %add3A_666 = arith.addf %add3A_658, %gather3A_665 : vector<16xf32>
      %iota3A_667 = tpu.iota {dimensions = array<i32: 0>} : vector<16xi32>
      %xor3A_668 = arith.constant 1 : i32
      %xor3A_669 = vector.broadcast %xor3A_668 : i32 to vector<16xi32>
      %xor3A_670 = arith.xori %iota3A_667, %xor3A_669 : vector<16xi32>
      %broadcast_in_dim3A_671 = vector.shape_cast %xor3A_670 : vector<16xi32> to vector<16x1xi32>
      %gather3A_672 = vector.shape_cast %broadcast_in_dim3A_671 : vector<16x1xi32> to vector<16xi32>
      %gather3A_673 = tpu.dynamic_gather %add3A_666[%gather3A_672] in [0] : vector<16xf32>, vector<16xi32> -> vector<16xf32>
      %add3A_674 = arith.addf %add3A_666, %gather3A_673 : vector<16xf32>
      %get3A_675 = arith.index_cast %scan3A_329 : i32 to index
      %get3A_676 = arith.constant 96 : index
      %get3A_677 = tpu.vector_load %arg17[%get3A_675, %get3A_676] {strides = array<i32>} : memref<40x128xf32, #tpu.memory_space<vmem>>, vector<1x16xf32>,
      %get3A_678 = vector.shape_cast %get3A_677 : vector<1x16xf32> to vector<16xf32>
      %mul3A_679 = arith.mulf %get3A_678, %add3A_674 : vector<16xf32>
      %swap3A_680 = arith.index_cast %scan3A_329 : i32 to index
      %swap3A_681 = arith.constant 96 : index
      %swap3A_682 = tpu.vector_load %arg21[%swap3A_680, %swap3A_681] {strides = array<i32>} : memref<40x128xf32, #tpu.memory_space<vmem>>, vector<1x16xf32>,
      %swap3A_683 = vector.shape_cast %swap3A_682 : vector<1x16xf32> to vector<16xf32>
      %swap3A_684 = vector.shape_cast %mul3A_679 : vector<16xf32> to vector<1x16xf32>
      tpu.vector_store %arg21[%swap3A_680, %swap3A_681], %swap3A_684 {strides = array<i32>} : memref<40x128xf32, #tpu.memory_space<vmem>>, vector<1x16xf32>,
      %get3A_685 = arith.index_cast %scan3A_329 : i32 to index
      %get3A_686 = arith.constant 112 : index
      %get3A_687 = tpu.vector_load %arg15[%get3A_685, %get3A_686] {strides = array<i32>} : memref<40x128xf32, #tpu.memory_space<vmem>>, vector<1x16xf32>,
      %get3A_688 = vector.shape_cast %get3A_687 : vector<1x16xf32> to vector<16xf32>
      %get3A_689 = arith.index_cast %scan3A_329 : i32 to index
      %get3A_690 = arith.constant 112 : index
      %get3A_691 = tpu.vector_load %arg19[%get3A_689, %get3A_690] {strides = array<i32>} : memref<40x128xf32, #tpu.memory_space<vmem>>, vector<1x16xf32>,
      %get3A_692 = vector.shape_cast %get3A_691 : vector<1x16xf32> to vector<16xf32>
      %mul3A_693 = arith.mulf %get3A_688, %get3A_692 : vector<16xf32>
      %iota3A_694 = tpu.iota {dimensions = array<i32: 0>} : vector<16xi32>
      %xor3A_695 = arith.constant 8 : i32
      %xor3A_696 = vector.broadcast %xor3A_695 : i32 to vector<16xi32>
      %xor3A_697 = arith.xori %iota3A_694, %xor3A_696 : vector<16xi32>
      %broadcast_in_dim3A_698 = vector.shape_cast %xor3A_697 : vector<16xi32> to vector<16x1xi32>
      %gather3A_699 = vector.shape_cast %broadcast_in_dim3A_698 : vector<16x1xi32> to vector<16xi32>
      %gather3A_700 = tpu.dynamic_gather %mul3A_693[%gather3A_699] in [0] : vector<16xf32>, vector<16xi32> -> vector<16xf32>
      %add3A_701 = arith.addf %mul3A_693, %gather3A_700 : vector<16xf32>
      %iota3A_702 = tpu.iota {dimensions = array<i32: 0>} : vector<16xi32>
      %xor3A_703 = arith.constant 4 : i32
      %xor3A_704 = vector.broadcast %xor3A_703 : i32 to vector<16xi32>
      %xor3A_705 = arith.xori %iota3A_702, %xor3A_704 : vector<16xi32>
      %broadcast_in_dim3A_706 = vector.shape_cast %xor3A_705 : vector<16xi32> to vector<16x1xi32>
      %gather3A_707 = vector.shape_cast %broadcast_in_dim3A_706 : vector<16x1xi32> to vector<16xi32>
      %gather3A_708 = tpu.dynamic_gather %add3A_701[%gather3A_707] in [0] : vector<16xf32>, vector<16xi32> -> vector<16xf32>
      %add3A_709 = arith.addf %add3A_701, %gather3A_708 : vector<16xf32>
      %iota3A_710 = tpu.iota {dimensions = array<i32: 0>} : vector<16xi32>
      %xor3A_711 = arith.constant 2 : i32
      %xor3A_712 = vector.broadcast %xor3A_711 : i32 to vector<16xi32>
      %xor3A_713 = arith.xori %iota3A_710, %xor3A_712 : vector<16xi32>
      %broadcast_in_dim3A_714 = vector.shape_cast %xor3A_713 : vector<16xi32> to vector<16x1xi32>
      %gather3A_715 = vector.shape_cast %broadcast_in_dim3A_714 : vector<16x1xi32> to vector<16xi32>
      %gather3A_716 = tpu.dynamic_gather %add3A_709[%gather3A_715] in [0] : vector<16xf32>, vector<16xi32> -> vector<16xf32>
      %add3A_717 = arith.addf %add3A_709, %gather3A_716 : vector<16xf32>
      %iota3A_718 = tpu.iota {dimensions = array<i32: 0>} : vector<16xi32>
      %xor3A_719 = arith.constant 1 : i32
      %xor3A_720 = vector.broadcast %xor3A_719 : i32 to vector<16xi32>
      %xor3A_721 = arith.xori %iota3A_718, %xor3A_720 : vector<16xi32>
      %broadcast_in_dim3A_722 = vector.shape_cast %xor3A_721 : vector<16xi32> to vector<16x1xi32>
      %gather3A_723 = vector.shape_cast %broadcast_in_dim3A_722 : vector<16x1xi32> to vector<16xi32>
      %gather3A_724 = tpu.dynamic_gather %add3A_717[%gather3A_723] in [0] : vector<16xf32>, vector<16xi32> -> vector<16xf32>
      %add3A_725 = arith.addf %add3A_717, %gather3A_724 : vector<16xf32>
      %get3A_726 = arith.index_cast %scan3A_329 : i32 to index
      %get3A_727 = arith.constant 112 : index
      %get3A_728 = tpu.vector_load %arg17[%get3A_726, %get3A_727] {strides = array<i32>} : memref<40x128xf32, #tpu.memory_space<vmem>>, vector<1x16xf32>,
      %get3A_729 = vector.shape_cast %get3A_728 : vector<1x16xf32> to vector<16xf32>
      %mul3A_730 = arith.mulf %get3A_729, %add3A_725 : vector<16xf32>
      %swap3A_731 = arith.index_cast %scan3A_329 : i32 to index
      %swap3A_732 = arith.constant 112 : index
      %swap3A_733 = tpu.vector_load %arg21[%swap3A_731, %swap3A_732] {strides = array<i32>} : memref<40x128xf32, #tpu.memory_space<vmem>>, vector<1x16xf32>,
      %swap3A_734 = vector.shape_cast %swap3A_733 : vector<1x16xf32> to vector<16xf32>
      %swap3A_735 = vector.shape_cast %mul3A_730 : vector<16xf32> to vector<1x16xf32>
      tpu.vector_store %arg21[%swap3A_731, %swap3A_732], %swap3A_735 {strides = array<i32>} : memref<40x128xf32, #tpu.memory_space<vmem>>, vector<1x16xf32>,
      %scan3A_736 = arith.constant 0 : i32
      scf.yield %scan3A_736 : i32
    }
    %scan3A_306 = arith.constant 40 : i32
    %dma_start3A_307 = arith.constant 0 : i32
    %dma_start3A_308 = arith.constant 0 : i32
    %dma_start3A_309 = tpu.memref_slice %arg22[%dma_start3A_307, %dma_start3A_308] : memref<10000x128xf32, #tpu.memory_space<vmem_shared>> -> memref<10000x128xf32, #tpu.memory_space<vmem_shared>>
    tpu.enqueue_indirect_dma source(%arg21 : memref<40x128xf32, #tpu.memory_space<vmem>>) target(%dma_start3A_309 : memref<10000x128xf32, #tpu.memory_space<vmem_shared>>) offsets(%arg13 : memref<40xi32, #tpu.memory_space<vmem>>) semaphore(%arg28 : memref<!tpu.dma_semaphore, #tpu.memory_space<semaphore_mem>>) {add = true}
    %dma_wait3A_310 = arith.constant 0 : i32
    %dma_wait3A_311 = arith.constant 0 : i32
    %dma_wait3A_312 = tpu.memref_slice %arg22[%dma_wait3A_310, %dma_wait3A_311] : memref<10000x128xf32, #tpu.memory_space<vmem_shared>> -> memref<10000x128xf32, #tpu.memory_space<vmem_shared>>
    tpu.wait_indirect_dma semaphore(%arg27 : memref<!tpu.dma_semaphore, #tpu.memory_space<semaphore_mem>>) src(%arg20 : memref<40x128xf32, #tpu.memory_space<vmem>>) dst(%dma_wait3A_312 : memref<10000x128xf32, #tpu.memory_space<vmem_shared>>)
    %dma_wait3A_313 = arith.constant 0 : i32
    %dma_wait3A_314 = arith.constant 0 : i32
    %dma_wait3A_315 = tpu.memref_slice %arg22[%dma_wait3A_313, %dma_wait3A_314] : memref<10000x128xf32, #tpu.memory_space<vmem_shared>> -> memref<10000x128xf32, #tpu.memory_space<vmem_shared>>
    tpu.wait_indirect_dma semaphore(%arg28 : memref<!tpu.dma_semaphore, #tpu.memory_space<semaphore_mem>>) src(%arg21 : memref<40x128xf32, #tpu.memory_space<vmem>>) dst(%dma_wait3A_315 : memref<10000x128xf32, #tpu.memory_space<vmem_shared>>)
    %barrier3A_316 = arith.constant 0 : index
    tpu.barrier barrier_id(%barrier3A_316)
    %while3A_317 = arith.constant 0 : i32
    %while3A_318 = arith.constant 0 : i32
    %while3A_319 = arith.subi %add3A_29, %while3A_317 : i32
    %while3A_320 = arith.addi %while3A_317, %while3A_319 : i32
    %while3A_321 = arith.constant 1 : i32
    %while3A_322 = arith.divsi %while3A_319, %while3A_321 : i32
    %while3A_323 = arith.muli %while3A_322, %while3A_321 : i32
    %while3A_324 = arith.addi %while3A_317, %while3A_323 : i32
    %while3A_325 = arith.constant 1 : i32
    %while3A_326 = scf.for %while3A_329 = %while3A_317 to %while3A_324 step %while3A_325 iter_args(%while3A_330 = %while3A_318) -> (i32)  : i32 {
      %mul3A_331 = arith.constant 16 : i32
      %mul3A_332 = arith.muli %while3A_329, %mul3A_331 : i32
      %add3A_333 = arith.addi %arg1, %mul3A_332 : i32
      %mul3A_334 = arith.constant 40 : i32
      %mul3A_335 = arith.muli %add3A_333, %mul3A_334 : i32
      %mul3A_336 = arith.constant 40 : i32
      %mul3A_337 = arith.muli %add3A_333, %mul3A_336 : i32
      "tpu.region"() ({
        %run_scoped3A = tpu.sem_alloc : memref<!tpu.dma_semaphore, #tpu.memory_space<semaphore_mem>>
        %dma_start3A_339 = arith.constant 0 : i32
        %dma_start3A_340 = tpu.memref_slice %arg7[%arg0, %mul3A_337, %dma_start3A_339] : memref<2x10000x128xf32, #tpu.memory_space<hbm>> -> memref<1x40x128xf32, #tpu.memory_space<hbm>>
        %dma_start3A_341 = tpu.memref_squeeze %dma_start3A_340 : memref<1x40x128xf32, #tpu.memory_space<hbm>> -> memref<40x128xf32, #tpu.memory_space<hbm>>
        %dma_start3A_342 = arith.constant 0 : i32
        %dma_start3A_343 = tpu.memref_slice %arg22[%mul3A_335, %dma_start3A_342] : memref<10000x128xf32, #tpu.memory_space<vmem_shared>> -> memref<40x128xf32, #tpu.memory_space<vmem_shared>>
        tpu.enqueue_dma source(%dma_start3A_343 : memref<40x128xf32, #tpu.memory_space<vmem_shared>>) target(%dma_start3A_341 : memref<40x128xf32, #tpu.memory_space<hbm>>) target_semaphore(%run_scoped3A : memref<!tpu.dma_semaphore, #tpu.memory_space<semaphore_mem>>)
        %dma_wait3A_344 = arith.constant 0 : i32
        %dma_wait3A_345 = tpu.memref_slice %arg7[%arg0, %mul3A_337, %dma_wait3A_344] : memref<2x10000x128xf32, #tpu.memory_space<hbm>> -> memref<1x40x128xf32, #tpu.memory_space<hbm>>
        %dma_wait3A_346 = tpu.memref_squeeze %dma_wait3A_345 : memref<1x40x128xf32, #tpu.memory_space<hbm>> -> memref<40x128xf32, #tpu.memory_space<hbm>>
        %dma_wait3A_347 = arith.constant 0 : i32
        %dma_wait3A_348 = tpu.memref_slice %arg22[%mul3A_335, %dma_wait3A_347] : memref<10000x128xf32, #tpu.memory_space<vmem_shared>> -> memref<40x128xf32, #tpu.memory_space<vmem_shared>>
        tpu.wait_dma2 semaphore(%run_scoped3A : memref<!tpu.dma_semaphore, #tpu.memory_space<semaphore_mem>>) src(%dma_wait3A_348 : memref<40x128xf32, #tpu.memory_space<vmem_shared>>) dst(%dma_wait3A_346 : memref<40x128xf32, #tpu.memory_space<hbm>>)
        tpu.yield
      }) : () -> ()
      %while3A_338 = arith.constant 0 : i32
      scf.yield %while3A_338 : i32
    }
    %while3A_327 = arith.constant 1 : i32
    %while3A_328 = scf.for %while3A_329 = %while3A_324 to %while3A_320 step %while3A_327 iter_args(%while3A_330 = %while3A_326) -> (i32)  : i32 {
      %mul3A_331 = arith.constant 16 : i32
      %mul3A_332 = arith.muli %while3A_329, %mul3A_331 : i32
      %add3A_333 = arith.addi %arg1, %mul3A_332 : i32
      %mul3A_334 = arith.constant 40 : i32
      %mul3A_335 = arith.muli %add3A_333, %mul3A_334 : i32
      %mul3A_336 = arith.constant 40 : i32
      %mul3A_337 = arith.muli %add3A_333, %mul3A_336 : i32
      "tpu.region"() ({
        %run_scoped3A = tpu.sem_alloc : memref<!tpu.dma_semaphore, #tpu.memory_space<semaphore_mem>>
        %dma_start3A_339 = arith.constant 0 : i32
        %dma_start3A_340 = tpu.memref_slice %arg7[%arg0, %mul3A_337, %dma_start3A_339] : memref<2x10000x128xf32, #tpu.memory_space<hbm>> -> memref<1x40x128xf32, #tpu.memory_space<hbm>>
        %dma_start3A_341 = tpu.memref_squeeze %dma_start3A_340 : memref<1x40x128xf32, #tpu.memory_space<hbm>> -> memref<40x128xf32, #tpu.memory_space<hbm>>
        %dma_start3A_342 = arith.constant 0 : i32
        %dma_start3A_343 = tpu.memref_slice %arg22[%mul3A_335, %dma_start3A_342] : memref<10000x128xf32, #tpu.memory_space<vmem_shared>> -> memref<40x128xf32, #tpu.memory_space<vmem_shared>>
        tpu.enqueue_dma source(%dma_start3A_343 : memref<40x128xf32, #tpu.memory_space<vmem_shared>>) target(%dma_start3A_341 : memref<40x128xf32, #tpu.memory_space<hbm>>) target_semaphore(%run_scoped3A : memref<!tpu.dma_semaphore, #tpu.memory_space<semaphore_mem>>)
        %dma_wait3A_344 = arith.constant 0 : i32
        %dma_wait3A_345 = tpu.memref_slice %arg7[%arg0, %mul3A_337, %dma_wait3A_344] : memref<2x10000x128xf32, #tpu.memory_space<hbm>> -> memref<1x40x128xf32, #tpu.memory_space<hbm>>
        %dma_wait3A_346 = tpu.memref_squeeze %dma_wait3A_345 : memref<1x40x128xf32, #tpu.memory_space<hbm>> -> memref<40x128xf32, #tpu.memory_space<hbm>>
        %dma_wait3A_347 = arith.constant 0 : i32
        %dma_wait3A_348 = tpu.memref_slice %arg22[%mul3A_335, %dma_wait3A_347] : memref<10000x128xf32, #tpu.memory_space<vmem_shared>> -> memref<40x128xf32, #tpu.memory_space<vmem_shared>>
        tpu.wait_dma2 semaphore(%run_scoped3A : memref<!tpu.dma_semaphore, #tpu.memory_space<semaphore_mem>>) src(%dma_wait3A_348 : memref<40x128xf32, #tpu.memory_space<vmem_shared>>) dst(%dma_wait3A_346 : memref<40x128xf32, #tpu.memory_space<hbm>>)
        tpu.yield
      }) : () -> ()
      %while3A_338 = arith.constant 0 : i32
      scf.yield %while3A_338 : i32
    }
    return
  }
}

module attributes {stable_mosaic.version = 14 : i64} {
  func.func @_combine_body(%arg0: i32, %arg1: memref<2x2000x128xf32, #tpu.memory_space<vmem>>, %arg2: memref<2000x128xf32, #tpu.memory_space<vmem>>) attributes {dimension_semantics = [#tpu.dimension_semantics<arbitrary>], iteration_bounds = array<i64: 5>, scalar_prefetch = 0 : i64, scratch_operands = 0 : i64, tpu.core_type = #tpu.core_type<tc>, window_params = [{transform_indices = @transform_0, window_bounds = array<i64: 2, 2000, 128>}, {transform_indices = @transform_1, window_bounds = array<i64: 2000, 128>}]} {
    %get3A = arith.constant 0 : index
    %get3A_0 = arith.constant 0 : index
    %get3A_1 = arith.constant 0 : index
    %get3A_2 = vector.load %arg1[%get3A, %get3A_0, %get3A_1] : memref<2x2000x128xf32, #tpu.memory_space<vmem>>, vector<1x2000x128xf32>
    %get3A_3 = vector.shape_cast %get3A_2 : vector<1x2000x128xf32> to vector<2000x128xf32>
    %get3A_4 = arith.constant 1 : index
    %get3A_5 = arith.constant 0 : index
    %get3A_6 = arith.constant 0 : index
    %get3A_7 = vector.load %arg1[%get3A_4, %get3A_5, %get3A_6] : memref<2x2000x128xf32, #tpu.memory_space<vmem>>, vector<1x2000x128xf32>
    %get3A_8 = vector.shape_cast %get3A_7 : vector<1x2000x128xf32> to vector<2000x128xf32>
    %add3A = arith.addf %get3A_3, %get3A_8 : vector<2000x128xf32>
    %swap3A = arith.constant 0 : index
    %swap3A_9 = arith.constant 0 : index
    %swap3A_10 = vector.load %arg2[%swap3A, %swap3A_9] : memref<2000x128xf32, #tpu.memory_space<vmem>>, vector<2000x128xf32>
    tpu.vector_store %arg2[%swap3A, %swap3A_9], %add3A {strides = array<i32>} : memref<2000x128xf32, #tpu.memory_space<vmem>>, vector<2000x128xf32>,
    return
  }
  func.func @transform_0(%arg0: i32) -> (i32, i32, i32) {
    %c0_i32 = arith.constant 0 : i32
    %c0_i32_0 = arith.constant 0 : i32
    %c0_i32_1 = arith.constant 0 : i32
    return %c0_i32, %arg0, %c0_i32_0 : i32, i32, i32
  }
  func.func @transform_1(%arg0: i32) -> (i32, i32) {
    %c0_i32 = arith.constant 0 : i32
    %c0_i32_0 = arith.constant 0 : i32
    return %arg0, %c0_i32 : i32, i32
  }
}

module attributes {stable_mosaic.version = 14 : i64} {
  func.func @_qkv_body(%arg0: i32, %arg1: memref<2000x128xf32, #tpu.memory_space<vmem>>, %arg2: memref<2000x128xf32, #tpu.memory_space<vmem>>, %arg3: memref<128x128xf32, #tpu.memory_space<vmem>>, %arg4: memref<128x128xf32, #tpu.memory_space<vmem>>, %arg5: memref<128x128xf32, #tpu.memory_space<vmem>>, %arg6: memref<2000x128xf32, #tpu.memory_space<vmem>>, %arg7: memref<2000x128xf32, #tpu.memory_space<vmem>>, %arg8: memref<2000x128xf32, #tpu.memory_space<vmem>>) attributes {dimension_semantics = [#tpu.dimension_semantics<arbitrary>], iteration_bounds = array<i64: 5>, scalar_prefetch = 0 : i64, scratch_operands = 0 : i64, tpu.core_type = #tpu.core_type<tc>, window_params = [{transform_indices = @transform_0, window_bounds = array<i64: 2000, 128>}, {transform_indices = @transform_1, window_bounds = array<i64: 2000, 128>}, {pipeline_mode = #tpu.pipeline_mode<synchronous>, transform_indices = @transform_2, window_bounds = array<i64: 128, 128>}, {pipeline_mode = #tpu.pipeline_mode<synchronous>, transform_indices = @transform_3, window_bounds = array<i64: 128, 128>}, {pipeline_mode = #tpu.pipeline_mode<synchronous>, transform_indices = @transform_4, window_bounds = array<i64: 128, 128>}, {transform_indices = @transform_5, window_bounds = array<i64: 2000, 128>}, {transform_indices = @transform_6, window_bounds = array<i64: 2000, 128>}, {transform_indices = @transform_7, window_bounds = array<i64: 2000, 128>}]} {
    %get3A = arith.constant 0 : index
    %get3A_0 = arith.constant 0 : index
    %get3A_1 = vector.load %arg2[%get3A, %get3A_0] : memref<2000x128xf32, #tpu.memory_space<vmem>>, vector<2000x128xf32>
    %get3A_2 = arith.constant 0 : index
    %get3A_3 = arith.constant 0 : index
    %get3A_4 = vector.load %arg3[%get3A_2, %get3A_3] : memref<128x128xf32, #tpu.memory_space<vmem>>, vector<128x128xf32>
    %dot_general3A = arith.constant dense<0.000000e+00> : vector<2000x128xf32>
    %dot_general3A_5 = tpu.matmul %get3A_1, %get3A_4, %dot_general3A {dimension_numbers = #tpu.dot_dimension_numbers<[1], [0], [0], [1], [0, 0, 1, 1], [], []>, transpose_lhs_hint = false} : vector<2000x128xf32>, vector<128x128xf32>, vector<2000x128xf32> -> vector<2000x128xf32>
    %swap3A = arith.constant 0 : index
    %swap3A_6 = arith.constant 0 : index
    %swap3A_7 = vector.load %arg6[%swap3A, %swap3A_6] : memref<2000x128xf32, #tpu.memory_space<vmem>>, vector<2000x128xf32>
    tpu.vector_store %arg6[%swap3A, %swap3A_6], %dot_general3A_5 {strides = array<i32>} : memref<2000x128xf32, #tpu.memory_space<vmem>>, vector<2000x128xf32>,
    %get3A_8 = arith.constant 0 : index
    %get3A_9 = arith.constant 0 : index
    %get3A_10 = vector.load %arg1[%get3A_8, %get3A_9] : memref<2000x128xf32, #tpu.memory_space<vmem>>, vector<2000x128xf32>
    %get3A_11 = arith.constant 0 : index
    %get3A_12 = arith.constant 0 : index
    %get3A_13 = vector.load %arg4[%get3A_11, %get3A_12] : memref<128x128xf32, #tpu.memory_space<vmem>>, vector<128x128xf32>
    %dot_general3A_14 = arith.constant dense<0.000000e+00> : vector<2000x128xf32>
    %dot_general3A_15 = tpu.matmul %get3A_10, %get3A_13, %dot_general3A_14 {dimension_numbers = #tpu.dot_dimension_numbers<[1], [0], [0], [1], [0, 0, 1, 1], [], []>, transpose_lhs_hint = false} : vector<2000x128xf32>, vector<128x128xf32>, vector<2000x128xf32> -> vector<2000x128xf32>
    %swap3A_16 = arith.constant 0 : index
    %swap3A_17 = arith.constant 0 : index
    %swap3A_18 = vector.load %arg7[%swap3A_16, %swap3A_17] : memref<2000x128xf32, #tpu.memory_space<vmem>>, vector<2000x128xf32>
    tpu.vector_store %arg7[%swap3A_16, %swap3A_17], %dot_general3A_15 {strides = array<i32>} : memref<2000x128xf32, #tpu.memory_space<vmem>>, vector<2000x128xf32>,
    %get3A_19 = arith.constant 0 : index
    %get3A_20 = arith.constant 0 : index
    %get3A_21 = vector.load %arg1[%get3A_19, %get3A_20] : memref<2000x128xf32, #tpu.memory_space<vmem>>, vector<2000x128xf32>
    %get3A_22 = arith.constant 0 : index
    %get3A_23 = arith.constant 0 : index
    %get3A_24 = vector.load %arg5[%get3A_22, %get3A_23] : memref<128x128xf32, #tpu.memory_space<vmem>>, vector<128x128xf32>
    %dot_general3A_25 = arith.constant dense<0.000000e+00> : vector<2000x128xf32>
    %dot_general3A_26 = tpu.matmul %get3A_21, %get3A_24, %dot_general3A_25 {dimension_numbers = #tpu.dot_dimension_numbers<[1], [0], [0], [1], [0, 0, 1, 1], [], []>, transpose_lhs_hint = false} : vector<2000x128xf32>, vector<128x128xf32>, vector<2000x128xf32> -> vector<2000x128xf32>
    %mul3A = arith.constant 9.99999974E-5 : f32
    %mul3A_27 = vector.broadcast %mul3A : f32 to vector<2000x128xf32>
    %mul3A_28 = arith.mulf %dot_general3A_26, %mul3A_27 : vector<2000x128xf32>
    %swap3A_29 = arith.constant 0 : index
    %swap3A_30 = arith.constant 0 : index
    %swap3A_31 = vector.load %arg8[%swap3A_29, %swap3A_30] : memref<2000x128xf32, #tpu.memory_space<vmem>>, vector<2000x128xf32>
    tpu.vector_store %arg8[%swap3A_29, %swap3A_30], %mul3A_28 {strides = array<i32>} : memref<2000x128xf32, #tpu.memory_space<vmem>>, vector<2000x128xf32>,
    return
  }
  func.func @transform_0(%arg0: i32) -> (i32, i32) {
    %c0_i32 = arith.constant 0 : i32
    %c0_i32_0 = arith.constant 0 : i32
    return %arg0, %c0_i32 : i32, i32
  }
  func.func @transform_1(%arg0: i32) -> (i32, i32) {
    %c0_i32 = arith.constant 0 : i32
    %c0_i32_0 = arith.constant 0 : i32
    return %arg0, %c0_i32 : i32, i32
  }
  func.func @transform_2(%arg0: i32) -> (i32, i32) {
    %c0_i32 = arith.constant 0 : i32
    %c0_i32_0 = arith.constant 0 : i32
    %c0_i32_1 = arith.constant 0 : i32
    return %c0_i32, %c0_i32_0 : i32, i32
  }
  func.func @transform_3(%arg0: i32) -> (i32, i32) {
    %c0_i32 = arith.constant 0 : i32
    %c0_i32_0 = arith.constant 0 : i32
    %c0_i32_1 = arith.constant 0 : i32
    return %c0_i32, %c0_i32_0 : i32, i32
  }
  func.func @transform_4(%arg0: i32) -> (i32, i32) {
    %c0_i32 = arith.constant 0 : i32
    %c0_i32_0 = arith.constant 0 : i32
    %c0_i32_1 = arith.constant 0 : i32
    return %c0_i32, %c0_i32_0 : i32, i32
  }
  func.func @transform_5(%arg0: i32) -> (i32, i32) {
    %c0_i32 = arith.constant 0 : i32
    %c0_i32_0 = arith.constant 0 : i32
    return %arg0, %c0_i32 : i32, i32
  }
  func.func @transform_6(%arg0: i32) -> (i32, i32) {
    %c0_i32 = arith.constant 0 : i32
    %c0_i32_0 = arith.constant 0 : i32
    return %arg0, %c0_i32 : i32, i32
  }
  func.func @transform_7(%arg0: i32) -> (i32, i32) {
    %c0_i32 = arith.constant 0 : i32
    %c0_i32_0 = arith.constant 0 : i32
    return %arg0, %c0_i32 : i32, i32
  }
}

</mosaic_0001>

<sc_bundles>
// kernel: kernel.5.cloned.1.call-start
scs
__scs_entry_jumppad:
0x0: {  	(pc) =	sbr.rel $0x88, $3  }
0x1: {  	(tag) =	ssettag $0x0;
	lr =	simm.s32 $0x1  }
0x2: {  	[smem:$0x3F9B] =	sst lr;
	_ =	strace $0xD0000000  }
0x3: {  	_ = 	snop  }
0x4: {  	_ = 	snop  }
0x5: {  	_ = 	snop  }
0x6: {  	_ = 	snop  }
0x7: {  	_ = 	snop  }
__scs_overlays_trampoline_lowered:
0x8: {  	[smem:$0x3FAA] =	sst s0  }
0x9: {  	[smem:$0x3FAB] =	sst s1  }
0xa: {  	[smem:$0x3FAC] =	sst s2  }
0xb: {  	[smem:$0x3FAD] =	sst s3  }
0xc: {  	[smem:$0x3FAE] =	sst s4  }
0xd: {  	[smem:$0x3FAF] =	sst s5  }
0xe: {  	[smem:$0x3FB0] =	sst s6  }
0xf: {  	[smem:$0x3FB1] =	sst s7  }
0x10: {  	[smem:$0x3FB2] =	sst s8  }
0x11: {  	[smem:$0x3FB3] =	sst s9;
	s0 =	simm.s32 @!p0 $0x0  }
0x12: {  	s1 =	sld [smem:$0x3F99];
	s0 =	simm.s32 @p0 $0x1  }
0x13: {  	[smem:$0x3FB4] =	sst s0;
	s0 =	simm.s32 @!p1 $0x0  }
0x14: {  	s2 =	sld [smem:$0x3F98];
	s0 =	simm.s32 @p1 $0x1  }
0x15: {  	[smem:$0x3FB5] =	sst s0;
	s0 =	simm.s32 @!p2 $0x0  }
0x16: {  	s3 =	sld [smem:$0x3FDB];
	s0 =	simm.s32 @p2 $0x1  }
0x17: {  	s4 =	simm.s32 $0x1BF5;
	[smem:$0x3FB7] =	sst s0  }
0x18: {  	s0 =	sld [smem:$0x3F9A];
	_ =	swait.ge [sflag:s4], $0x0  }
0x19: {  	s7 =	sld [smem:$0x3F9B]  }
0x1a: {  	s8 =	sadd.s32 $0xFFFFE003, lr  }
0x1b: {  	s9 =	sadd.s32 $0xFFFFFEF7, lr;
	s5 =	simm.s32 $0xFFFFFFFF;
	p2 =	slt.u32 s8, $0xFFFFF086  }
0x1c: {  	p1 =	slt.u32 s9, $0xF7A;
	s5 =	simm.s32 @!p2 $0x0  }
0x1d: {  	s5 =	simm.s32 @p1 $0x1;
	p0 =	seq.s32 s7, s2  }
0x1e: {  	s7 =	smul.u32 @!p0 $0xF7A, s2;
	p2 =	seq.s32 @!p0 s5, $0x0  }
0x1f: {  	s9 =	smul.u32 $0xF7A, s1;
	s8 =	simm.s32 @!p0 $0x1BF5;
	p2 =	por !p2, p0  }
0x20: {  	[sflag:s8] =	ssyncset.s32 @!p0 $0xFFFFF086;
	s6 =	sadd.s32 @!p0 s3, s7;
	s7 =	simm.s32 @!p0 $0x108  }
0x21: {  	s3 =	sadd.s32 s3, s9;
	s6 =	sadd.s32 @!p0 $0x88, s6;
	s7 =	simm.s32 @p2 $0x1082  }
0x22: {  	[simem:s7], [sflag:s8] =	dma.local @!p0 [hbm:s6], $0xF7A  }
0x23: {  	s9 =	sor.u32 $0xD0000000, s2;
	s6 =	simm.s32 $0x108;
	_ =	swait.ge @!p0 [sflag:s8], $0x0  }
0x24: {  	s3 =	sadd.s32 $0x88, s3;
	s6 =	simm.s32 @!p1 $0x1082;
	[sflag:s4] =	ssyncset.s32 $0xFFFFF086  }
0x25: {  	[simem:s6], [sflag:s4] =	dma.local [hbm:s3], $0xF7A  }
0x26: {  	[smem:$0x3F9B] =	sst s1;
	(tag) =	ssettag s2;
	_ =	strace s9  }
0x27: {  	s1 =	sld [smem:$0x3FAB]  }
0x28: {  	s2 =	sld [smem:$0x3FAC]  }
0x29: {  	s4 =	sld [smem:$0x3FAE]  }
0x2a: {  	p0 =	seq.s32 s5, $0x0;
	s5 =	sld [smem:$0x3FAF]  }
0x2b: {  	s6 =	sld [smem:$0x3FB0]  }
0x2c: {  	s7 =	sld [smem:$0x3FB1]  }
0x2d: {  	s3 =	simm.s32 $0x108;
	s8 =	sld [smem:$0x3FB2]  }
0x2e: {  	s3 =	simm.s32 @!p0 $0x1082;
	s9 =	sld [smem:$0x3FB3]  }
0x2f: {  	lr =	sadd.s32 s0, s3;
	s0 =	sld [smem:$0x3FAA]  }
0x30: {  	s3 =	sld [smem:$0x3FAD]  }
0x31: {  	[smem:$0x3FB6] =	sst s10  }
0x32: {  	s10 =	sld [smem:$0x3FB4];
	_ =	sdelay $0x3  }
0x33: {  	p0 =	seq.s32 s10, $0x1;
	s10 =	sld [smem:$0x3FB6];
	_ =	sdelay $0x3  }
0x34: {  	[smem:$0x3FB6] =	sst s10  }
0x35: {  	s10 =	sld [smem:$0x3FB5];
	_ =	sdelay $0x3  }
0x36: {  	p1 =	seq.s32 s10, $0x1;
	s10 =	sld [smem:$0x3FB6];
	_ =	sdelay $0x3  }
0x37: {  	[smem:$0x3FB6] =	sst s10  }
0x38: {  	s10 =	sld [smem:$0x3FB7]  }
0x39: {  	_ = 	snop;
	(pc) =	sbr.ind lr, $3  }
0x3a: {  	_ = 	snop  }
0x3b: {  	_ = 	snop  }
0x3c: {  	p2 =	seq.s32 s10, $0x1;
	s10 =	sld [smem:$0x3FB6]  }
0x3d: {  	_ =	shalt  }
0x3e: {  	_ =	shalt  }
0x3f: {  	_ =	shalt  }
0x40: {  	_ =	shalt  }
0x41: {  	_ =	shalt  }
0x42: {  	_ =	shalt  }
0x43: {  	_ =	shalt  }
0x44: {  	_ =	shalt  }
0x45: {  	_ =	shalt  }
0x46: {  	_ =	shalt  }
0x47: {  	_ =	shalt  }
0x48: {  	_ =	shalt  }
0x49: {  	_ =	shalt  }
0x4a: {  	_ =	shalt  }
0x4b: {  	_ =	shalt  }
0x4c: {  	_ =	shalt  }
0x4d: {  	_ =	shalt  }
0x4e: {  	_ =	shalt  }
0x4f: {  	_ =	shalt  }
0x50: {  	_ =	shalt  }
0x51: {  	_ =	shalt  }
0x52: {  	_ =	shalt  }
0x53: {  	_ =	shalt  }
0x54: {  	_ =	shalt  }
0x55: {  	_ =	shalt  }
0x56: {  	_ =	shalt  }
0x57: {  	_ =	shalt  }
0x58: {  	_ =	shalt  }
0x59: {  	_ =	shalt  }
0x5a: {  	_ =	shalt  }
0x5b: {  	_ =	shalt  }
0x5c: {  	_ =	shalt  }
0x5d: {  	_ =	shalt  }
0x5e: {  	_ =	shalt  }
0x5f: {  	_ =	shalt  }
0x60: {  	_ =	shalt  }
0x61: {  	_ =	shalt  }
0x62: {  	_ =	shalt  }
0x63: {  	_ =	shalt  }
0x64: {  	_ =	shalt  }
0x65: {  	_ =	shalt  }
0x66: {  	_ =	shalt  }
0x67: {  	_ =	shalt  }
0x68: {  	_ =	shalt  }
0x69: {  	_ =	shalt  }
0x6a: {  	_ =	shalt  }
0x6b: {  	_ =	shalt  }
0x6c: {  	_ =	shalt  }
0x6d: {  	_ =	shalt  }
0x6e: {  	_ =	shalt  }
0x6f: {  	_ =	shalt  }
0x70: {  	_ =	shalt  }
0x71: {  	_ =	shalt  }
0x72: {  	_ =	shalt  }
0x73: {  	_ =	shalt  }
0x74: {  	_ =	shalt  }
0x75: {  	_ =	shalt  }
0x76: {  	_ =	shalt  }
0x77: {  	_ =	shalt  }
0x78: {  	_ =	shalt  }
0x79: {  	_ =	shalt  }
0x7a: {  	_ =	shalt  }
0x7b: {  	_ =	shalt  }
0x7c: {  	_ =	shalt  }
0x7d: {  	_ =	shalt  }
0x7e: {  	_ =	shalt  }
0x7f: {  	_ =	shalt  }
0x80: {  	_ =	shalt  }
0x81: {  	_ =	shalt  }
0x82: {  	_ =	shalt  }
0x83: {  	_ =	shalt  }
0x84: {  	_ =	shalt  }
0x85: {  	_ =	shalt  }
0x86: {  	_ =	shalt  }
0x87: {  	_ =	shalt  }
.Lfunc_end0:
.L_simem_size_0:
called_computation_lowered:
.L_overlay_start_0:
0x88: {  	s2 =	sld [smem:$0x3FD9]  }
0x89: {  	s3 =	sld [smem:$0x3FFE];
	_ =	sdelay $0x1  }
0x8a: {  	s1 =	srdreg.scid  }
0x8b: {  	s0 =	sand.u32 $0x1, s1  }
0x8c: {  	s17 =	sshll.u32 s0, $0xA;
	s2 =	sadd.s32 s3, s2  }
0x8d: {  	s2 =	sadd.s32 s2, s17  }
0x8e: {  	[smem:$0x3FC2] =	sst s2  }
0x8f: {  	_ = 	snop  }
0x90: {  	s2 =	sld [smem:$0x3FD0];
	(tm) =	ssettm $0x1  }
0x91: {  	s18 =	sld [smem:$0x3FFB];
	_ =	sdelay $0x3  }
0x92: {  	_ =	strace s18  }
0x93: {  	s3 =	sld [smem:$0x3FFC];
	_ =	sdelay $0x3  }
0x94: {  	_ =	strace s3  }
0x95: {  	s3 =	sld [smem:$0x3FFD];
	_ =	sdelay $0x3  }
0x96: {  	_ =	strace s3  }
0x97: {  	_ =	strace $0x8FFFFFFF  }
0x98: {  	s19 =	sld [smem:$0x3FDB];
	_ =	sdelay $0x1  }
0x99: {  	s4 =	simm.s32 $_scs_section_size  }
0x9a: {  	s5 =	simm.s32 $_size__tile_overlayer_lowered;
	s6 =	simm.s32 $_tile_overlayer_lowered  }
0x9b: {  	s22 =	simm.s32 $0x1BFF;
	s21 =	sshll.u32 s6, $0x1;
	s3 =	sadd.s32 s4, s19  }
0x9c: {  	s7 =	simm.s32 $0x0;
	s20 =	sshll.u32 s5, $0x1;
	s5 =	sadd.s32 s21, s3  }
0x9d: {  	[timem:s7], [sflag:s22] =	dma.local [hbm:s5], s20  }
0x9e: {  	_ =	swait.ge [sflag:s22], s20  }
0x9f: {  	s4 =	ssub.s32 $0x0, s20;
	[sflag:s22] =	ssyncset.done $0x0  }
0xa0: {  	[sflag:s22] =	ssyncadd.s32 s4;
	_ =	sdelay $0x1  }
0xa1: {  	s23 =	simm.s32 $0x1B8B  }
0xa2: {  	_ =	swait.ge [sflag:s23], $0x1  }
0xa3: {  	[sflag:s23] =	ssyncset.done $0x0  }
0xa4: {  	s25 =	simm.s32 $0x1B8E;
	s24 =	sld [smem:$0x3FFE];
	[sflag:s23] =	ssyncadd.s32 $0xFFFFFFFF  }
0xa5: {  	s26 =	simm.s32 $execute0_lowered;
	[smem:$0x3FD2] =	sst s25  }
0xa6: {  	s5 =	sshll.u32 s26, $0x1;
	_ =	strace $0x80000046;
	[dreg:$0x1] =	wrdreg $0xFFFFFFFF  }
0xa7: {  	s28 =	simm.s32 $_size_execute0_lowered;
	s3 =	sadd.s32 s3, s5;
	[dreg:$0x0] =	wrdreg $0x0  }
0xa8: {  	s5 =	sshll.u32 s28, $0x1;
	[dreg:$0x2] =	wrdreg s3  }
0xa9: {  	[dreg:$0x3] =	wrdreg s5  }
0xaa: {  	[dreg:$0x4] =	wrdreg $0xC0  }
0xab: {  	_ =	task [dreg:s7], $0x5FFFF  }
0xac: {  	[dreg:$0x1] =	wrdreg $0xFFFFFFFF  }
0xad: {  	[dreg:$0x0] =	wrdreg $0x60  }
0xae: {  	[dreg:$0x2] =	wrdreg s24  }
0xaf: {  	[dreg:$0x3] =	wrdreg s2  }
0xb0: {  	[dreg:$0x4] =	wrdreg $0xA3000  }
0xb1: {  	[dreg:$0x5] =	wrdreg $0x9  }
0xb2: {  	_ =	task.clear_ibuf [dreg:s7], $0x6FFFF;
	_ =	strace $0x90000046  }
0xb3: {  	s29 =	simm.s32 $0x9;
	_ =	strace $0x80000048  }
0xb4: {  	_ =	swait.ge [sflag:s29], $0x1  }
0xb5: {  	[sflag:s29] =	ssyncadd.s32 $0xFFFFFFFF  }
0xb6: {  	_ =	strace $0x90000048  }
0xb7: {  	_ =	sfence  }
0xb8: {  	s30 =	sld [smem:$0x0];
	_ =	sdelay $0x2  }
0xb9: {  	s31 =	sshll.u32 s1, $0xD;
	s1 =	sshrl.u32 s1, $0x2  }
0xba: {  	s3 =	sand.u32 $0x4000, s31;
	s1 =	sadd.s32 s1, s30  }
0xbb: {  	s0 =	sor.u32 s3, s0;
	s1 =	sshll.u32 s1, $0x11  }
0xbc: {  	s0 =	sor.u32 s1, s0  }
0xbd: {  	s0 =	sadd.s32 $0x8F2B, s0  }
0xbe: {  	[sflag:s0] =	ssyncadd.remote.s32 $0x1  }
0xbf: {  	_ =	sfence.sel $0xFFFF  }
0xc0: {  	[dreg:$0x0] =	wrdreg $0xFFFFFFFF;
	(pc) =	sbr.abs _section_cstart, $3  }
0xc1: {  	[dreg:$0x1] =	wrdreg $0xFFFFFFFF  }
0xc2: {  	_ =	task.clear_ibuf [dreg:s7], $0x2FFFF;
	_ =	strace $0x9FFFFFFF  }
0xc3: {  	(tm) =	ssettm $0x7FFFFFFF  }
tec
execute0_lowered:
.L_overlay_start_1:
0x0: {  	(tag) =	ssettag $0x1  }
0x1: {  	s0 =	rddreg [dreg:$0x0]  }
0x2: {  	s1 =	rddreg [dreg:$0x1]  }
0x3: {  	s2 =	rddreg [dreg:$0x2];
	s22 =	simm.s32 $0x0  }
0x4: {  	s3 =	srdreg.scid;
	s12 =	stileid.u32;
	s28 =	simm.s32 $0x180  }
0x5: {  	s29 =	simm.s32 $0x1;
	s30 =	simm.s32 $0x28;
	[smem:$0x7FF] =	sst s22  }
0x6: {  	s3 =	sand.u32 $0x1, s3;
	s8 =	smul.u32 $0x1400, s12;
	s5 =	sadd.s32 $0xAC00, s0  }
0x7: {  	s6 =	sadd.s32 $0xE00, s0;
	s7 =	sadd.s32 $0x14A00, s0;
	s19 =	smul.u32 $0x5000, s12  }
0x8: {  	s15 =	ssub.s32 $0xF9, s12;
	s4 =	smul.u32 $0x138800, s3;
	s9 =	sshll.u32 s3, $0x4  }
0x9: {  	_ =	strace $0x80000047;
	s3 =	ssub.s32 $0x2, s3;
	s13 =	sor.u32 s12, s9  }
0xa: {  	s14 =	sshrl.u32 s3, $0x1;
	s24 =	sshrl.u32 s19, $0x2;
	s12 =	simm.s32 $0x3F00  }
0xb: {  	s19 =	simm.s32 $0x5;
	s4 =	sadd.s32 s8, s4;
	s9 =	smul.u32 $0x2710, s13  }
0xc: {  	s8 =	sadd.s32 $0x3BC00, s0;
	s3 =	ssub.s32 s3, s14;
	s26 =	sadd.s32 s24, s2  }
0xd: {  	s24 =	simm.s32 $0x7;
	s4 =	sshrl.u32 s4, $0x3;
	s25 =	smax.u32 s3, $0x1  }
0xe: {  	[dreg:$0x10] =	wrdreg s26;
	s26 =	simm.s32 $0x80;
	s0 =	sadd.s32 s4, s0  }
0xf: {  	v0 =	vimm.s32 $0xFEDCBA98;
	s10 =	sadd.s32 $0x28, s9;
	s4 =	sshrl.u32 s15, $0x4;
	s11 =	sshrl.u32 s9, $0x3  }
0x10: {  	v1 =	vimm.s32 $0x76543210;
	v2 =	vimm.s32 $0xBA98FEDC;
	s14 =	sadd.s32 $0x78, s9;
	[dreg:$0xe] =	wrdreg s25;
	s13 =	sadd.s32 s5, s11  }
0x11: {  	v3 =	vimm.s32 $0x32107654;
	v4 =	vimm.s32 $0xDCFE98BA;
	v5 =	vimm.s32 $0x54761032;
	s25 =	simm.s32 $0x100;
	s11 =	sadd.s32 s6, s11;
	[dreg:$0x5] =	wrdreg s13  }
0x12: {  	v6 =	vimm.s32 $0xEFCDAB89;
	v7 =	vimm.s32 $0x67452301;
	s15 =	simm.s32 $0x6700;
	s0 =	sadd.s32 $0x62E00, s0;
	[dreg:$0x6] =	wrdreg s11  }
0x13: {  	v0 =	vunpack.c.l.s4.s8 v0;
	v1 =	vunpack.c.l.s4.s8 v1;
	v2 =	vunpack.c.l.s4.s8 v2;
	s10 =	sshrl.u32 s10, $0x3;
	s31 =	sadd.s32 $0x1, s4;
	[dreg:$0xd] =	wrdreg s0  }
0x14: {  	v3 =	vunpack.c.l.s4.s8 v3;
	v4 =	vunpack.c.l.s4.s8 v4;
	v5 =	vunpack.c.l.s4.s8 v5;
	s18 =	sshrl.u32 s14, $0x3;
	s16 =	sadd.s32 s5, s10;
	[dreg:$0xf] =	wrdreg s31  }
0x15: {  	v6 =	vunpack.c.l.s4.s8 v6;
	v7 =	vunpack.c.l.s4.s8 v7;
	v0 =	vunpack.c.0.s8.s32 v0;
	s10 =	sadd.s32 s6, s10;
	s13 =	sadd.s32 $0x50, s9;
	[dreg:$0x7] =	wrdreg s16  }
0x16: {  	v2 =	vunpack.c.0.s8.s32 v2;
	v3 =	vunpack.c.0.s8.s32 v3;
	v4 =	vunpack.c.0.s8.s32 v4;
	s21 =	sadd.s32 s5, s18;
	s23 =	sadd.s32 s6, s18;
	[dreg:$0x8] =	wrdreg s10  }
0x17: {  	v5 =	vunpack.c.0.s8.s32 v5;
	v6 =	vunpack.c.0.s8.s32 v6;
	v7 =	vunpack.c.0.s8.s32 v7;
	s18 =	simm.s32 $0x280;
	s17 =	sshrl.u32 s13, $0x3;
	[dreg:$0xb] =	wrdreg s21  }
0x18: {  	v1 =	vunpack.c.0.s8.s32 v1;
	v2 =	vcombine.low v3, v2;
	[dreg:$0xc] =	wrdreg s23;
	s23 =	simm.s32 $0x7B00;
	s10 =	simm.s32 $0x2  }
0x19: {  	v3 =	vcombine.low v5, v4;
	v4 =	vand.u32 $0xF, v0;
	v5 =	vcombine.low v7, v6;
	s16 =	simm.s32 $0x200;
	s21 =	simm.s32 $0x6;
	s20 =	sadd.s32 s5, s17  }
0x1a: {  	v0 =	vimm.f32 $0.0e+00;
	v1 =	vcombine.low v4, v1;
	s9 =	sadd.s32 s6, s17;
	s17 =	simm.s32 $0x4;
	[dreg:$0x9] =	wrdreg s20  }
0x1b: {  	v2 =	vand.u32 $0xF, v2;
	v3 =	vand.u32 $0xF, v3;
	v4 =	vand.u32 $0xF, v5;
	[dreg:$0xa] =	wrdreg s9;
	s9 =	simm.s32 $0x3;
	s20 =	simm.s32 $0x8F00  }
.LBB2_1:
0x1c: {  	s0 =	simm.s32 $0x0;
	s3 =	simm.s32 $0x200  }
.LBB2_2:
0x1d: {  	p0 =	sne.s32 s3, $0x4E00;
	[tilespmem:s0+$0x7B70] =	vst v0  }
0x1e: {  	[tilespmem:s0+$0x7B00] =	vst v0  }
0x1f: {  	[tilespmem:s0+$0x7B10] =	vst v0  }
.Ltmp0:
0x20: {  	[tilespmem:s0+$0x7B20] =	vst v0;
	(pc) =	sbr.rel @p0 .LBB2_2-.Ltmp0, $4  }
0x21: {  	[tilespmem:s0+$0x7B30] =	vst v0  }
0x22: {  	[tilespmem:s0+$0x7B40] =	vst v0  }
0x23: {  	[tilespmem:s0+$0x7B50] =	vst v0  }
0x24: {  	[tilespmem:s0+$0x7B60] =	vst v0;
	s0 =	sshra.s32 s3, $0x2;
	s3 =	sadd.s32 $0x200, s3  }
0x25: {  	[tilespmem:s0+$0x7B70] =	vst v0  }
0x26: {  	[tilespmem:s0+$0x7B00] =	vst v0  }
0x27: {  	[tilespmem:s0+$0x7B10] =	vst v0  }
0x28: {  	[tilespmem:s0+$0x7B20] =	vst v0  }
0x29: {  	[tilespmem:s0+$0x7B30] =	vst v0  }
0x2a: {  	[tilespmem:s0+$0x7B40] =	vst v0;
	p0 =	sne.s32 s31, $0x1  }
.Ltmp1:
0x2b: {  	[dreg:$0x4] =	wrdreg s22;
	[tilespmem:s0+$0x7B50] =	vst v0;
	(pc) =	sbr.rel @!p0 .LBB2_5-.Ltmp1, $4  }
0x2c: {  	[tilespmem:s0+$0x7B60] =	vst v0;
	s3 =	rddreg [dreg:$0x10]  }
0x2d: {  	[spmem:s3] =	stream.linear.scatter [tilespmem:s23], [sflag:$0x7], $0x1400, $0x38;
	[tilespmem:$0x1DB80] =	vst v63  }
0x2e: {  	_ =	swait.ge [sflag:s24], $0x1400  }
0x2f: {  	s0 =	sadd.s32 $0xFFFFFFFF, s31;
	[sflag:s24] =	ssyncset.done $0x0  }
.LBB2_4:
0x30: {  	p1 =	sne.s32 s0, $0x1;
	[sflag:s24] =	ssyncadd.s32 $0xFFFFEC00;
	s3 =	sadd.s32 $0x14000, s3  }
.Ltmp2:
0x31: {  	s0 =	sadd.s32 $0xFFFFFFFF, s0;
	(pc) =	sbr.rel @p1 .LBB2_4-.Ltmp2, $4  }
0x32: {  	_ = 	snop  }
0x33: {  	[spmem:s3] =	stream.linear.scatter [tilespmem:s23], [sflag:$0x7], $0x1400, $0x38;
	[tilespmem:$0x1DB80] =	vst v63  }
0x34: {  	_ =	swait.ge [sflag:s24], $0x1400  }
0x35: {  	[sflag:s24] =	ssyncset.done $0x0  }
.LBB2_5:
0x36: {  	[sflag:s24] =	ssyncadd.s32 $0xFFFFEC00  }
0x37: {  	[bflag:$0x0] =	sbarrier.arrive $0xFFFF  }
0x38: {  	s0 =	simm.s32 $0x0;
	s3 =	rddreg [dreg:$0x5]  }
0x39: {  	[tilespmem:s0], [sflag:$0x1] =	stream.linear.gather [hbm4b:s3+s0], $0x28, $0x38;
	[tilespmem:$0x1DB80] =	vst v63  }
0x3a: {  	s31 =	rddreg [dreg:$0x6]  }
0x3b: {  	[tilespmem:s25], [sflag:$0x1] =	stream.linear.gather [hbm4b:s31+s0], $0x28, $0x38;
	[tilespmem:$0x1DB80] =	vst v63  }
0x3c: {  	s4 =	rddreg [dreg:$0x7]  }
0x3d: {  	[tilespmem:s26], [sflag:$0x2] =	stream.linear.gather [hbm4b:s4+s0], $0x28, $0x38;
	[tilespmem:$0x1DB80] =	vst v63  }
0x3e: {  	s11 =	rddreg [dreg:$0x8]  }
0x3f: {  	[tilespmem:s28], [sflag:$0x2] =	stream.linear.gather [hbm4b:s11+s0], $0x28, $0x38;
	[tilespmem:$0x1DB80] =	vst v63  }
0x40: {  	_ =	swait.ge [sflag:s29], $0x28  }
0x41: {  	[sflag:s29] =	ssyncset.done $0x0  }
0x42: {  	[sflag:s29] =	ssyncadd.s32 $0xFFFFFFD8  }
0x43: {  	_ =	swait.ge [sflag:s29], $0x28  }
0x44: {  	[sflag:s29] =	ssyncset.done $0x0  }
0x45: {  	s22 =	simm.s32 $0x300;
	[sflag:s29] =	ssyncadd.s32 $0xFFFFFFD8  }
0x46: {  	[tilespmem:s22], [sflag:$0x3] =	stream.indirect.gather [hbm4b:s7+s30], $0x80, s0, s30, $0xb8;
	[tilespmem:$0x1DB80] =	vst v63  }
0x47: {  	s31 =	simm.s32 $0x2B00  }
0x48: {  	[tilespmem:s31], [sflag:$0x3] =	stream.indirect.gather [hbm4b:s8+s30], $0x80, s0, s30, $0xb8;
	[tilespmem:$0x1DB80] =	vst v63  }
0x49: {  	s4 =	simm.s32 $0x5300  }
0x4a: {  	[tilespmem:s4], [sflag:$0x3] =	stream.indirect.gather [hbm4b:s1+s30], $0x80, s25, s30, $0xb8;
	[tilespmem:$0x1DB80] =	vst v63  }
0x4b: {  	_ =	swait.ge [sflag:s9], $0x1400  }
0x4c: {  	[sflag:s9] =	ssyncset.done $0x0  }
0x4d: {  	[sflag:s9] =	ssyncadd.s32 $0xFFFFEC00  }
0x4e: {  	_ =	swait.ge [sflag:s9], $0x1400  }
0x4f: {  	[sflag:s9] =	ssyncset.done $0x0  }
0x50: {  	[sflag:s9] =	ssyncadd.s32 $0xFFFFEC00  }
0x51: {  	_ =	swait.ge [sflag:s9], $0x1400  }
0x52: {  	[sflag:s9] =	ssyncset.done $0x0  }
0x53: {  	[sflag:s9] =	ssyncadd.s32 $0xFFFFEC00  }
0x54: {  	v5 =	vld [tilespmem:$0x100]  }
0x55: {  	v6 =	vld [tilespmem:$0x110]  }
0x56: {  	v7 =	vld [tilespmem:$0x118];
	_ =	sdelay $0x2  }
0x57: {  	[tilespmem:$0x200] =	vst v5  }
0x58: {  	[tilespmem:$0x210] =	vst v6  }
0x59: {  	s11 =	rddreg [dreg:$0x9];
	[tilespmem:$0x218] =	vst v7  }
0x5a: {  	[tilespmem:s0], [sflag:$0x1] =	stream.linear.gather [hbm4b:s11+s0], $0x28, $0x38;
	[tilespmem:$0x1DB80] =	vst v63  }
0x5b: {  	s22 =	rddreg [dreg:$0xa]  }
0x5c: {  	[tilespmem:s25], [sflag:$0x1] =	stream.linear.gather [hbm4b:s22+s0], $0x28, $0x38;
	[tilespmem:$0x1DB80] =	vst v63  }
0x5d: {  	_ =	swait.ge [sflag:s10], $0x28  }
0x5e: {  	[sflag:s10] =	ssyncset.done $0x0  }
0x5f: {  	[sflag:s10] =	ssyncadd.s32 $0xFFFFFFD8  }
0x60: {  	_ =	swait.ge [sflag:s10], $0x28  }
0x61: {  	[sflag:s10] =	ssyncset.done $0x0  }
0x62: {  	s31 =	simm.s32 $0x1700;
	[sflag:s10] =	ssyncadd.s32 $0xFFFFFFD8  }
0x63: {  	[tilespmem:s31], [sflag:$0x4] =	stream.indirect.gather [hbm4b:s7+s30], $0x80, s26, s30, $0xb8;
	[tilespmem:$0x1DB80] =	vst v63  }
0x64: {  	_ = 	snop  }
0x65: {  	[tilespmem:s12], [sflag:$0x4] =	stream.indirect.gather [hbm4b:s8+s30], $0x80, s26, s30, $0xb8;
	[tilespmem:$0x1DB80] =	vst v63  }
0x66: {  	s22 =	simm.s32 $0x0  }
0x67: {  	[tilespmem:s15], [sflag:$0x4] =	stream.indirect.gather [hbm4b:s1+s30], $0x80, s28, s30, $0xb8;
	[tilespmem:$0x1DB80] =	vst v63  }
0x68: {  	v5 =	vld [tilespmem:s22+$0x5320]  }
0x69: {  	v6 =	vld [tilespmem:s22+$0x5340]  }
0x6a: {  	v7 =	vld [tilespmem:s22+$0x5310]  }
0x6b: {  	v8 =	vld [tilespmem:s22+$0x5350]  }
0x6c: {  	v11 =	vld [tilespmem:s22+$0x350]  }
0x6d: {  	v12 =	vld [tilespmem:s22+$0x5330]  }
0x6e: {  	v13 =	vld [tilespmem:s22+$0x330]  }
0x6f: {  	v14 =	vld [tilespmem:s22+$0x320]  }
0x70: {  	v9 =	vld [tilespmem:s22+$0x5370]  }
0x71: {  	v10 =	vld [tilespmem:s22+$0x5360]  }
0x72: {  	v15 =	vld [tilespmem:s22+$0x370];
	v8 =	vmul.f32 v8, v11  }
0x73: {  	v16 =	vld [tilespmem:s22+$0x310];
	v12 =	vmul.f32 v12, v13  }
0x74: {  	v17 =	vld [tilespmem:s22+$0x360];
	v5 =	vmul.f32 v5, v14;
	v14 =	vperm.xlane v8, v1  }
0x75: {  	v11 =	vld [tilespmem:s22+$0x340];
	v18 =	vperm.xlane v12, v1  }
0x76: {  	v13 =	vld [tilespmem:s22+$0x5300];
	v20 =	vperm.xlane v5, v1;
	v8 =	vadd.f32 v14, v8  }
0x77: {  	v9 =	vmul.f32 v9, v15;
	v15 =	vld [tilespmem:s22+$0x300];
	v12 =	vadd.f32 v18, v12  }
0x78: {  	s4 =	simm.s32 $0x80;
	v19 =	vld [tilespmem:s22+$0x2B20];
	v7 =	vmul.f32 v7, v16;
	v5 =	vadd.f32 v20, v5;
	v16 =	vperm.xlane v8, v2  }
0x79: {  	v24 =	vld [tilespmem:s4+$0x5350];
	v10 =	vmul.f32 v10, v17;
	v17 =	vperm.xlane v12, v2  }
0x7a: {  	v27 =	vld [tilespmem:s4+$0x5330];
	v22 =	vperm.xlane v9, v1;
	v21 =	vperm.xlane v5, v2;
	v8 =	vadd.f32 v16, v8  }
0x7b: {  	v30 =	vld [tilespmem:s4+$0x360];
	v28 =	vperm.xlane v10, v1;
	v6 =	vmul.f32 v6, v11;
	v12 =	vadd.f32 v17, v12  }
0x7c: {  	v14 =	vld [tilespmem:s22+$0x2B30];
	v13 =	vmul.f32 v13, v15;
	v5 =	vadd.f32 v21, v5;
	v21 =	vperm.xlane v8, v3  }
0x7d: {  	v18 =	vld [tilespmem:s22+$0x2B50];
	v9 =	vadd.f32 v22, v9;
	v23 =	vperm.xlane v6, v1;
	v25 =	vperm.xlane v12, v3  }
0x7e: {  	v20 =	vld [tilespmem:s4+$0x5320];
	v10 =	vadd.f32 v28, v10;
	v22 =	vperm.xlane v5, v3;
	v8 =	vadd.f32 v21, v8  }
0x7f: {  	v28 =	vld [tilespmem:s4+$0x310];
	v6 =	vadd.f32 v23, v6;
	v23 =	vperm.xlane v13, v1;
	v12 =	vadd.f32 v25, v12  }
0x80: {  	v11 =	vld [tilespmem:s4+$0x5340];
	v16 =	vperm.xlane v7, v1;
	v5 =	vadd.f32 v22, v5;
	v22 =	vperm.xlane v8, v4  }
0x81: {  	v13 =	vadd.f32 v23, v13;
	v23 =	vld [tilespmem:s4+$0x320];
	v29 =	vperm.xlane v12, v4  }
0x82: {  	v15 =	vld [tilespmem:s4+$0x5370];
	v7 =	vadd.f32 v16, v7;
	v16 =	vperm.xlane v5, v4;
	v8 =	vadd.f32 v22, v8  }
0x83: {  	v26 =	vperm.xlane v9, v2;
	v17 =	vld [tilespmem:s4+$0x5310];
	v12 =	vadd.f32 v29, v12;
	v29 =	vperm.xlane v13, v2  }
0x84: {  	v21 =	vld [tilespmem:s4+$0x5360];
	v5 =	vadd.f32 v16, v5;
	v16 =	vperm.xlane v6, v2;
	v8 =	vmul.f32 v8, v18  }
0x85: {  	v22 =	vld [tilespmem:s4+$0x370];
	v18 =	vperm.xlane v7, v2;
	v12 =	vmul.f32 v12, v14;
	v14 =	vadd.f32 v29, v13  }
0x86: {  	v25 =	vld [tilespmem:s4+$0x350];
	v20 =	vmul.f32 v20, v23;
	v13 =	vperm.xlane v10, v2  }
0x87: {  	v29 =	vld [tilespmem:s4+$0x330];
	v5 =	vmul.f32 v5, v19;
	v7 =	vadd.f32 v18, v7;
	v18 =	vperm.xlane v14, v3  }
0x88: {  	v19 =	vld [tilespmem:s4+$0x340];
	v23 =	vadd.f32 v13, v10;
	v13 =	vadd.f32 v16, v6;
	v16 =	vmul.f32 v17, v28  }
0x89: {  	[tilespmem:s22+$0x7B50] =	vst v8;
	v6 =	vmul.f32 v21, v30;
	v8 =	vperm.xlane v7, v3  }
0x8a: {  	v10 =	vld [tilespmem:s4+$0x5300];
	v22 =	vmul.f32 v15, v22;
	[tilespmem:s22+$0x7B20] =	vst v5;
	v5 =	vperm.xlane v20, v1;
	v18 =	vadd.f32 v18, v14  }
0x8b: {  	v14 =	vmul.f32 v24, v25;
	v21 =	vperm.xlane v16, v1;
	v7 =	vadd.f32 v8, v7  }
0x8c: {  	v28 =	vadd.f32 v5, v20;
	v25 =	vmul.f32 v27, v29;
	v27 =	vld [tilespmem:s22+$0x2B10];
	v5 =	vperm.xlane v23, v3  }
0x8d: {  	v20 =	vadd.f32 v26, v9;
	v26 =	vmul.f32 v11, v19;
	v15 =	vperm.xlane v7, v4  }
0x8e: {  	[tilespmem:s22+$0x7B30] =	vst v12;
	v12 =	vld [tilespmem:s22+$0x2B70];
	v24 =	vperm.xlane v14, v1;
	v9 =	vperm.xlane v28, v2  }
0x8f: {  	v19 =	vld [tilespmem:s22+$0x2B00];
	v17 =	vadd.f32 v5, v23;
	v5 =	vperm.xlane v22, v1;
	v7 =	vadd.f32 v15, v7  }
0x90: {  	v11 =	vld [tilespmem:s4+$0x2B20];
	v23 =	vperm.xlane v25, v1;
	v29 =	vperm.xlane v26, v1;
	v30 =	vadd.f32 v24, v14  }
0x91: {  	v8 =	vld [tilespmem:s22+$0x2B40];
	v24 =	vperm.xlane v20, v3;
	v5 =	vadd.f32 v5, v22;
	v31 =	vmul.f32 v7, v27  }
0x92: {  	v14 =	vld [tilespmem:s4+$0x2B30];
	v22 =	vadd.f32 v9, v28;
	v27 =	vadd.f32 v23, v25;
	v23 =	vperm.xlane v30, v2  }
0x93: {  	v9 =	vadd.f32 v29, v26;
	v15 =	vld [tilespmem:s22+$0x2B60];
	v25 =	vperm.xlane v18, v4;
	v7 =	vperm.xlane v5, v2;
	[tilespmem:s22+$0x7B10] =	vst v31  }
0x94: {  	s0 =	simm.s32 $0x400;
	v29 =	vperm.xlane v27, v2;
	v28 =	vadd.f32 v23, v30;
	v23 =	vperm.xlane v17, v4;
	v26 =	vld [tilespmem:s4+$0x300]  }
.LBB2_6:
0x95: {  	s3 =	sshra.s32 s0, $0x2;
	p1 =	sne.s32 s0, $0x4E00;
	s0 =	sadd.s32 $0x200, s0;
	v30 =	vperm.xlane v22, v3;
	v31 =	vld [tilespmem:s4+$0x2B50];
	v32 =	vperm.xlane v6, v1;
	v20 =	vadd.f32 v24, v20  }
0x96: {  	v33 =	vperm.xlane v13, v3;
	v24 =	vld [tilespmem:s3+$0x5320];
	v27 =	vadd.f32 v29, v27;
	v29 =	vperm.xlane v28, v3  }
0x97: {  	v16 =	vadd.f32 v21, v16;
	v18 =	vadd.f32 v25, v18;
	v34 =	vld [tilespmem:s3+$0x5340];
	v21 =	vperm.xlane v20, v4  }
0x98: {  	v13 =	vadd.f32 v33, v13;
	v25 =	vld [tilespmem:s3+$0x5310];
	v35 =	vperm.xlane v27, v3;
	v28 =	vadd.f32 v29, v28  }
0x99: {  	v22 =	vadd.f32 v30, v22;
	v29 =	vld [tilespmem:s3+$0x5350];
	v10 =	vmul.f32 v10, v26;
	v26 =	vperm.xlane v16, v2  }
0x9a: {  	v20 =	vadd.f32 v21, v20;
	v30 =	vld [tilespmem:s3+$0x5370];
	v27 =	vadd.f32 v35, v27;
	v33 =	vperm.xlane v28, v4  }
0x9b: {  	v17 =	vadd.f32 v23, v17;
	v18 =	vmul.f32 v18, v19;
	v21 =	vld [tilespmem:s3+$0x5360];
	v35 =	vperm.xlane v10, v1  }
0x9c: {  	v19 =	vld [tilespmem:s3+$0x350];
	v23 =	vperm.xlane v27, v4;
	v28 =	vadd.f32 v33, v28;
	v33 =	vperm.xlane v13, v4  }
0x9d: {  	v15 =	vmul.f32 v17, v15;
	v36 =	vld [tilespmem:s3+$0x5330];
	v10 =	vadd.f32 v35, v10;
	v35 =	vperm.xlane v22, v4;
	[tilespmem:s22+$0x7B00] =	vst v18  }
0x9e: {  	v17 =	vld [tilespmem:s3+$0x320];
	v18 =	vadd.f32 v23, v27;
	v23 =	vmul.f32 v28, v31;
	v13 =	vadd.f32 v33, v13  }
0x9f: {  	v6 =	vadd.f32 v32, v6;
	v12 =	vmul.f32 v20, v12;
	v27 =	vld [tilespmem:s3+$0x370];
	v28 =	vperm.xlane v10, v2  }
0xa0: {  	v22 =	vadd.f32 v35, v22;
	v20 =	vld [tilespmem:s3+$0x310];
	v14 =	vmul.f32 v18, v14;
	v8 =	vmul.f32 v13, v8;
	[tilespmem:s22+$0x7B60] =	vst v15  }
0xa1: {  	v15 =	vld [tilespmem:s3+$0x360];
	v18 =	vadd.f32 v28, v10;
	v10 =	vperm.xlane v6, v2;
	[tilespmem:s22+$0x7B70] =	vst v12  }
0xa2: {  	v26 =	vadd.f32 v26, v16;
	v13 =	vperm.xlane v9, v2;
	v11 =	vmul.f32 v22, v11;
	v12 =	vld [tilespmem:s3+$0x330];
	[tilespmem:s22+$0x7B40] =	vst v8;
	s22 =	smov.u32 s4;
	s4 =	smov.u32 s3  }
0xa3: {  	v8 =	vmul.f32 v24, v17;
	v17 =	vld [tilespmem:s4+$0x340];
	v22 =	vperm.xlane v18, v3;
	[tilespmem:s22+$0x7B50] =	vst v23;
	v23 =	vadd.f32 v10, v6  }
0xa4: {  	v13 =	vadd.f32 v13, v9;
	v24 =	vperm.xlane v26, v3;
	v10 =	vld [tilespmem:s4+$0x5300];
	v27 =	vmul.f32 v30, v27;
	[tilespmem:s22+$0x7B20] =	vst v11  }
0xa5: {  	v16 =	vmul.f32 v25, v20;
	v9 =	vperm.xlane v8, v1;
	v18 =	vadd.f32 v22, v18;
	[tilespmem:s22+$0x7B30] =	vst v14  }
0xa6: {  	v11 =	vmul.f32 v29, v19;
	v14 =	vadd.f32 v24, v26;
	v6 =	vmul.f32 v21, v15  }
0xa7: {  	v9 =	vadd.f32 v9, v8;
	v22 =	vmul.f32 v36, v12;
	v25 =	vld [tilespmem:s22+$0x2B10];
	v12 =	vperm.xlane v23, v3  }
0xa8: {  	v20 =	vadd.f32 v7, v5;
	v15 =	vperm.xlane v11, v1;
	v19 =	vperm.xlane v14, v4  }
0xa9: {  	v26 =	vmul.f32 v34, v17;
	v7 =	vperm.xlane v9, v2;
	v8 =	vld [tilespmem:s22+$0x2B40];
	v17 =	vadd.f32 v12, v23  }
0xaa: {  	v5 =	vperm.xlane v27, v1;
	v21 =	vperm.xlane v16, v1;
	v14 =	vadd.f32 v19, v14;
	v12 =	vld [tilespmem:s22+$0x2B70]  }
.Ltmp3:
0xab: {  	v24 =	vperm.xlane v20, v3;
	v28 =	vadd.f32 v15, v11;
	v23 =	vperm.xlane v22, v1;
	v15 =	vld [tilespmem:s22+$0x2B60];
	(pc) =	sbr.rel @p1 .LBB2_6-.Ltmp3, $4  }
0xac: {  	v5 =	vadd.f32 v5, v27;
	v29 =	vperm.xlane v26, v1;
	v19 =	vld [tilespmem:s22+$0x2B00];
	v30 =	vmul.f32 v14, v25  }
0xad: {  	v27 =	vadd.f32 v23, v22;
	v23 =	vperm.xlane v28, v2;
	v25 =	vperm.xlane v18, v4;
	v11 =	vld [tilespmem:s4+$0x2B20]  }
0xae: {  	v22 =	vadd.f32 v7, v9;
	v7 =	vperm.xlane v5, v2;
	v9 =	vadd.f32 v29, v26;
	v14 =	vld [tilespmem:s4+$0x2B30];
	[tilespmem:s22+$0x7B10] =	vst v30  }
0xaf: {  	v29 =	vperm.xlane v27, v2;
	v28 =	vadd.f32 v23, v28;
	v23 =	vperm.xlane v17, v4;
	v26 =	vld [tilespmem:s4+$0x300]  }
0xb0: {  	v30 =	vperm.xlane v22, v3;
	v20 =	vadd.f32 v24, v20;
	v16 =	vadd.f32 v21, v16  }
0xb1: {  	v31 =	vperm.xlane v6, v1;
	v18 =	vadd.f32 v25, v18;
	v24 =	vadd.f32 v29, v27  }
0xb2: {  	v27 =	vperm.xlane v28, v3;
	v29 =	vperm.xlane v13, v3;
	v17 =	vadd.f32 v23, v17  }
0xb3: {  	v21 =	vperm.xlane v20, v4;
	v22 =	vadd.f32 v30, v22;
	v18 =	vmul.f32 v18, v19  }
0xb4: {  	v25 =	vperm.xlane v24, v3;
	v13 =	vadd.f32 v29, v13;
	v10 =	vmul.f32 v10, v26  }
0xb5: {  	v27 =	vadd.f32 v27, v28;
	v15 =	vmul.f32 v17, v15;
	v20 =	vadd.f32 v21, v20  }
0xb6: {  	v28 =	vld [tilespmem:s4+$0x2B50];
	v24 =	vadd.f32 v25, v24;
	v19 =	vperm.xlane v13, v4;
	v21 =	vperm.xlane v10, v1  }
0xb7: {  	v6 =	vadd.f32 v31, v6;
	v26 =	vperm.xlane v16, v2;
	v25 =	vperm.xlane v27, v4  }
0xb8: {  	v23 =	vperm.xlane v24, v4;
	v13 =	vadd.f32 v19, v13;
	v10 =	vadd.f32 v21, v10  }
0xb9: {  	[tilespmem:s22+$0x7B00] =	vst v18;
	v12 =	vmul.f32 v20, v12;
	v25 =	vadd.f32 v25, v27;
	v21 =	vperm.xlane v22, v4  }
0xba: {  	[tilespmem:s22+$0x7B60] =	vst v15;
	v17 =	vadd.f32 v23, v24;
	v8 =	vmul.f32 v13, v8;
	v18 =	vperm.xlane v10, v2  }
0xbb: {  	v15 =	vperm.xlane v6, v2;
	[tilespmem:s22+$0x7B70] =	vst v12;
	v12 =	vadd.f32 v26, v16;
	v13 =	vmul.f32 v25, v28  }
0xbc: {  	v19 =	vadd.f32 v21, v22;
	v14 =	vmul.f32 v17, v14;
	[tilespmem:s22+$0x7B40] =	vst v8;
	v10 =	vadd.f32 v18, v10  }
0xbd: {  	v6 =	vadd.f32 v15, v6;
	v8 =	vperm.xlane v9, v2;
	[tilespmem:s4+$0x7B50] =	vst v13;
	v13 =	vperm.xlane v12, v3  }
0xbe: {  	v5 =	vadd.f32 v7, v5;
	v11 =	vmul.f32 v19, v11;
	v15 =	vperm.xlane v10, v3  }
0xbf: {  	v7 =	vadd.f32 v8, v9;
	v9 =	vperm.xlane v6, v3;
	v8 =	vadd.f32 v13, v12  }
0xc0: {  	[tilespmem:s4+$0x7B20] =	vst v11;
	v11 =	vld [tilespmem:s4+$0x2B10];
	v12 =	vperm.xlane v5, v3;
	v10 =	vadd.f32 v15, v10  }
0xc1: {  	[tilespmem:s4+$0x7B30] =	vst v14;
	v6 =	vadd.f32 v9, v6;
	v9 =	vld [tilespmem:s4+$0x2B00];
	v14 =	vperm.xlane v7, v3;
	v13 =	vperm.xlane v8, v4  }
0xc2: {  	v15 =	vld [tilespmem:s4+$0x2B60];
	v5 =	vadd.f32 v12, v5;
	v16 =	vperm.xlane v10, v4  }
0xc3: {  	v12 =	vld [tilespmem:s4+$0x2B70];
	v7 =	vadd.f32 v14, v7;
	v8 =	vadd.f32 v13, v8;
	v13 =	vperm.xlane v6, v4  }
0xc4: {  	v14 =	vld [tilespmem:s4+$0x2B40];
	v10 =	vadd.f32 v16, v10;
	v16 =	vperm.xlane v5, v4  }
0xc5: {  	v8 =	vmul.f32 v8, v11;
	v6 =	vadd.f32 v13, v6;
	v11 =	vperm.xlane v7, v4  }
0xc6: {  	v5 =	vadd.f32 v16, v5;
	v9 =	vmul.f32 v10, v9  }
0xc7: {  	[tilespmem:s4+$0x7B10] =	vst v8;
	v6 =	vmul.f32 v6, v15;
	v7 =	vadd.f32 v11, v7  }
0xc8: {  	[tilespmem:s4+$0x7B00] =	vst v9;
	v5 =	vmul.f32 v5, v12  }
0xc9: {  	v7 =	vmul.f32 v7, v14;
	[tilespmem:s4+$0x7B60] =	vst v6  }
0xca: {  	[tilespmem:s4+$0x7B70] =	vst v5  }
0xcb: {  	[tilespmem:s4+$0x7B40] =	vst v7  }
0xcc: {  	[spmem:s2] =	stream.indirect.scatter.add.f32 [tilespmem:s23], [sflag:$0x5], $0x80, s16, s30, $0xb8;
	[tilespmem:$0x1DB80] =	vst v63  }
0xcd: {  	_ =	swait.ge [sflag:s17], $0x1400  }
0xce: {  	[sflag:s17] =	ssyncset.done $0x0  }
0xcf: {  	[sflag:s17] =	ssyncadd.s32 $0xFFFFEC00  }
0xd0: {  	_ =	swait.ge [sflag:s17], $0x1400  }
0xd1: {  	[sflag:s17] =	ssyncset.done $0x0  }
0xd2: {  	[sflag:s17] =	ssyncadd.s32 $0xFFFFEC00  }
0xd3: {  	_ =	swait.ge [sflag:s17], $0x1400  }
0xd4: {  	[sflag:s17] =	ssyncset.done $0x0  }
0xd5: {  	[sflag:s17] =	ssyncadd.s32 $0xFFFFEC00  }
0xd6: {  	v5 =	vld [tilespmem:$0x180]  }
0xd7: {  	v6 =	vld [tilespmem:$0x190]  }
0xd8: {  	v7 =	vld [tilespmem:$0x198];
	_ =	sdelay $0x2  }
0xd9: {  	[tilespmem:$0x280] =	vst v5  }
0xda: {  	[tilespmem:$0x290] =	vst v6  }
0xdb: {  	s0 =	simm.s32 $0x0;
	s3 =	rddreg [dreg:$0xb];
	[tilespmem:$0x298] =	vst v7  }
0xdc: {  	[tilespmem:s26], [sflag:$0x2] =	stream.linear.gather [hbm4b:s3+s0], $0x28, $0x38;
	[tilespmem:$0x1DB80] =	vst v63  }
0xdd: {  	s4 =	rddreg [dreg:$0xc]  }
0xde: {  	[tilespmem:s28], [sflag:$0x2] =	stream.linear.gather [hbm4b:s4+s0], $0x28, $0x38;
	[tilespmem:$0x1DB80] =	vst v63  }
0xdf: {  	_ =	swait.ge [sflag:s29], $0x28  }
0xe0: {  	[sflag:s29] =	ssyncset.done $0x0  }
0xe1: {  	[sflag:s29] =	ssyncadd.s32 $0xFFFFFFD8  }
0xe2: {  	_ =	swait.ge [sflag:s29], $0x28  }
0xe3: {  	[sflag:s29] =	ssyncset.done $0x0  }
0xe4: {  	s11 =	simm.s32 $0x300;
	[sflag:s29] =	ssyncadd.s32 $0xFFFFFFD8  }
0xe5: {  	[tilespmem:s11], [sflag:$0x3] =	stream.indirect.gather [hbm4b:s7+s30], $0x80, s0, s30, $0xb8;
	[tilespmem:$0x1DB80] =	vst v63  }
0xe6: {  	s22 =	simm.s32 $0x2B00  }
0xe7: {  	[tilespmem:s22], [sflag:$0x3] =	stream.indirect.gather [hbm4b:s8+s30], $0x80, s0, s30, $0xb8;
	[tilespmem:$0x1DB80] =	vst v63  }
0xe8: {  	s31 =	simm.s32 $0x5300;
	s22 =	simm.s32 $0x0  }
0xe9: {  	[tilespmem:s31], [sflag:$0x3] =	stream.indirect.gather [hbm4b:s1+s30], $0x80, s25, s30, $0xb8;
	[tilespmem:$0x1DB80] =	vst v63  }
0xea: {  	v5 =	vld [tilespmem:s22+$0x6720]  }
0xeb: {  	v7 =	vld [tilespmem:s22+$0x6710]  }
0xec: {  	v8 =	vld [tilespmem:s22+$0x6750]  }
0xed: {  	v9 =	vld [tilespmem:s22+$0x6770]  }
0xee: {  	v10 =	vld [tilespmem:s22+$0x6760]  }
0xef: {  	v11 =	vld [tilespmem:s22+$0x1750]  }
0xf0: {  	v12 =	vld [tilespmem:s22+$0x6730]  }
0xf1: {  	v13 =	vld [tilespmem:s22+$0x1730]  }
0xf2: {  	v14 =	vld [tilespmem:s22+$0x1720]  }
0xf3: {  	v15 =	vld [tilespmem:s22+$0x1770]  }
0xf4: {  	v16 =	vld [tilespmem:s22+$0x1710]  }
0xf5: {  	v17 =	vld [tilespmem:s22+$0x1760];
	v8 =	vmul.f32 v8, v11  }
0xf6: {  	v6 =	vld [tilespmem:s22+$0x6740];
	v12 =	vmul.f32 v12, v13  }
0xf7: {  	v11 =	vld [tilespmem:s22+$0x1740];
	v5 =	vmul.f32 v5, v14;
	v14 =	vperm.xlane v8, v1  }
0xf8: {  	v13 =	vld [tilespmem:s22+$0x6700];
	v18 =	vperm.xlane v12, v1  }
0xf9: {  	v9 =	vmul.f32 v9, v15;
	v15 =	vld [tilespmem:s22+$0x1700];
	v20 =	vperm.xlane v5, v1;
	v8 =	vadd.f32 v14, v8  }
0xfa: {  	s4 =	simm.s32 $0x80;
	v19 =	vld [tilespmem:s22+$0x3F20];
	v7 =	vmul.f32 v7, v16;
	v10 =	vmul.f32 v10, v17;
	v12 =	vadd.f32 v18, v12  }
0xfb: {  	v24 =	vld [tilespmem:s4+$0x6750];
	v22 =	vperm.xlane v9, v1;
	v5 =	vadd.f32 v20, v5;
	v16 =	vperm.xlane v8, v2  }
0xfc: {  	v27 =	vld [tilespmem:s4+$0x6730];
	v28 =	vperm.xlane v10, v1;
	v17 =	vperm.xlane v12, v2  }
0xfd: {  	v31 =	vld [tilespmem:s4+$0x1760];
	v6 =	vmul.f32 v6, v11;
	v21 =	vperm.xlane v5, v2;
	v8 =	vadd.f32 v16, v8  }
0xfe: {  	v14 =	vld [tilespmem:s22+$0x3F30];
	v9 =	vadd.f32 v22, v9;
	v13 =	vmul.f32 v13, v15;
	v12 =	vadd.f32 v17, v12  }
0xff: {  	v18 =	vld [tilespmem:s22+$0x3F50];
	v23 =	vperm.xlane v6, v1;
	v5 =	vadd.f32 v21, v5;
	v21 =	vperm.xlane v8, v3  }
0x100: {  	v20 =	vld [tilespmem:s4+$0x6720];
	v10 =	vadd.f32 v28, v10;
	v16 =	vperm.xlane v7, v1;
	v25 =	vperm.xlane v12, v3  }
0x101: {  	v28 =	vld [tilespmem:s4+$0x1710];
	v6 =	vadd.f32 v23, v6;
	v22 =	vperm.xlane v5, v3;
	v8 =	vadd.f32 v21, v8  }
0x102: {  	v11 =	vld [tilespmem:s4+$0x6740];
	v23 =	vperm.xlane v13, v1;
	v7 =	vadd.f32 v16, v7;
	v12 =	vadd.f32 v25, v12  }
0x103: {  	v15 =	vld [tilespmem:s4+$0x6770];
	v5 =	vadd.f32 v22, v5;
	v22 =	vperm.xlane v8, v4  }
0x104: {  	v13 =	vadd.f32 v23, v13;
	v23 =	vld [tilespmem:s4+$0x1720];
	v30 =	vperm.xlane v7, v2;
	v29 =	vperm.xlane v12, v4  }
0x105: {  	v26 =	vperm.xlane v9, v2;
	v17 =	vld [tilespmem:s4+$0x6710];
	v16 =	vperm.xlane v5, v4;
	v8 =	vadd.f32 v22, v8  }
0x106: {  	v21 =	vld [tilespmem:s4+$0x6760];
	v7 =	vadd.f32 v30, v7;
	v12 =	vadd.f32 v29, v12;
	v29 =	vperm.xlane v13, v2  }
0x107: {  	v22 =	vld [tilespmem:s4+$0x1770];
	v5 =	vadd.f32 v16, v5;
	v16 =	vperm.xlane v6, v2;
	v8 =	vmul.f32 v8, v18  }
0x108: {  	v25 =	vld [tilespmem:s4+$0x1750];
	v12 =	vmul.f32 v12, v14;
	v14 =	vadd.f32 v29, v13;
	v13 =	vperm.xlane v10, v2  }
0x109: {  	v20 =	vmul.f32 v20, v23;
	v29 =	vld [tilespmem:s4+$0x1730];
	v5 =	vmul.f32 v5, v19  }
0x10a: {  	v19 =	vld [tilespmem:s4+$0x1740];
	v18 =	vperm.xlane v14, v3;
	[tilespmem:s22+$0x8F50] =	vst v8;
	v23 =	vadd.f32 v13, v10;
	v8 =	vperm.xlane v7, v3  }
0x10b: {  	v13 =	vadd.f32 v16, v6;
	v16 =	vmul.f32 v17, v28;
	v6 =	vmul.f32 v21, v31  }
0x10c: {  	v10 =	vld [tilespmem:s4+$0x6700];
	v22 =	vmul.f32 v15, v22;
	[tilespmem:s22+$0x8F20] =	vst v5;
	v5 =	vperm.xlane v20, v1;
	v18 =	vadd.f32 v18, v14  }
0x10d: {  	v14 =	vmul.f32 v24, v25;
	v7 =	vadd.f32 v8, v7;
	v21 =	vperm.xlane v16, v1  }
0x10e: {  	v28 =	vadd.f32 v5, v20;
	v25 =	vmul.f32 v27, v29;
	v27 =	vld [tilespmem:s22+$0x3F10];
	v5 =	vperm.xlane v23, v3  }
0x10f: {  	v20 =	vadd.f32 v26, v9;
	v26 =	vmul.f32 v11, v19;
	v15 =	vperm.xlane v7, v4  }
0x110: {  	[tilespmem:s22+$0x8F30] =	vst v12;
	v12 =	vld [tilespmem:s22+$0x3F70];
	v24 =	vperm.xlane v14, v1;
	v9 =	vperm.xlane v28, v2  }
0x111: {  	v8 =	vld [tilespmem:s22+$0x3F40];
	v17 =	vadd.f32 v5, v23;
	v5 =	vperm.xlane v22, v1;
	v7 =	vadd.f32 v15, v7  }
0x112: {  	v19 =	vld [tilespmem:s22+$0x3F00];
	v23 =	vperm.xlane v25, v1;
	v29 =	vperm.xlane v26, v1;
	v30 =	vadd.f32 v24, v14  }
0x113: {  	v11 =	vld [tilespmem:s4+$0x3F20];
	v24 =	vperm.xlane v20, v3;
	v5 =	vadd.f32 v5, v22;
	v31 =	vmul.f32 v7, v27  }
0x114: {  	v15 =	vld [tilespmem:s22+$0x3F60];
	v22 =	vadd.f32 v9, v28;
	v27 =	vadd.f32 v23, v25;
	v23 =	vperm.xlane v30, v2  }
0x115: {  	v14 =	vld [tilespmem:s4+$0x3F30];
	v9 =	vadd.f32 v29, v26;
	v25 =	vperm.xlane v18, v4;
	v7 =	vperm.xlane v5, v2;
	[tilespmem:s22+$0x8F10] =	vst v31  }
0x116: {  	s0 =	simm.s32 $0x400;
	v29 =	vperm.xlane v27, v2;
	v28 =	vadd.f32 v23, v30;
	v23 =	vperm.xlane v17, v4;
	v26 =	vld [tilespmem:s4+$0x1700]  }
.LBB2_8:
0x117: {  	s3 =	sshra.s32 s0, $0x2;
	p1 =	sne.s32 s0, $0x4E00;
	s0 =	sadd.s32 $0x200, s0;
	v30 =	vperm.xlane v22, v3;
	v31 =	vld [tilespmem:s4+$0x3F50];
	v32 =	vperm.xlane v6, v1;
	v20 =	vadd.f32 v24, v20  }
0x118: {  	v33 =	vperm.xlane v13, v3;
	v24 =	vld [tilespmem:s3+$0x6720];
	v27 =	vadd.f32 v29, v27;
	v29 =	vperm.xlane v28, v3  }
0x119: {  	v16 =	vadd.f32 v21, v16;
	v18 =	vadd.f32 v25, v18;
	v34 =	vld [tilespmem:s3+$0x6740];
	v21 =	vperm.xlane v20, v4  }
0x11a: {  	v13 =	vadd.f32 v33, v13;
	v25 =	vld [tilespmem:s3+$0x6710];
	v35 =	vperm.xlane v27, v3;
	v28 =	vadd.f32 v29, v28  }
0x11b: {  	v22 =	vadd.f32 v30, v22;
	v29 =	vld [tilespmem:s3+$0x6750];
	v10 =	vmul.f32 v10, v26;
	v26 =	vperm.xlane v16, v2  }
0x11c: {  	v20 =	vadd.f32 v21, v20;
	v30 =	vld [tilespmem:s3+$0x6770];
	v27 =	vadd.f32 v35, v27;
	v33 =	vperm.xlane v28, v4  }
0x11d: {  	v17 =	vadd.f32 v23, v17;
	v18 =	vmul.f32 v18, v19;
	v21 =	vld [tilespmem:s3+$0x6760];
	v35 =	vperm.xlane v10, v1  }
0x11e: {  	v19 =	vld [tilespmem:s3+$0x1750];
	v23 =	vperm.xlane v27, v4;
	v28 =	vadd.f32 v33, v28;
	v33 =	vperm.xlane v13, v4  }
0x11f: {  	v15 =	vmul.f32 v17, v15;
	v36 =	vld [tilespmem:s3+$0x6730];
	v10 =	vadd.f32 v35, v10;
	v35 =	vperm.xlane v22, v4;
	[tilespmem:s22+$0x8F00] =	vst v18  }
0x120: {  	v17 =	vld [tilespmem:s3+$0x1720];
	v18 =	vadd.f32 v23, v27;
	v23 =	vmul.f32 v28, v31;
	v13 =	vadd.f32 v33, v13  }
0x121: {  	v6 =	vadd.f32 v32, v6;
	v12 =	vmul.f32 v20, v12;
	v27 =	vld [tilespmem:s3+$0x1770];
	v28 =	vperm.xlane v10, v2  }
0x122: {  	v22 =	vadd.f32 v35, v22;
	v20 =	vld [tilespmem:s3+$0x1710];
	v14 =	vmul.f32 v18, v14;
	v8 =	vmul.f32 v13, v8;
	[tilespmem:s22+$0x8F60] =	vst v15  }
0x123: {  	v15 =	vld [tilespmem:s3+$0x1760];
	v18 =	vadd.f32 v28, v10;
	v10 =	vperm.xlane v6, v2;
	[tilespmem:s22+$0x8F70] =	vst v12  }
0x124: {  	v26 =	vadd.f32 v26, v16;
	v13 =	vperm.xlane v9, v2;
	v11 =	vmul.f32 v22, v11;
	v12 =	vld [tilespmem:s3+$0x1730];
	[tilespmem:s22+$0x8F40] =	vst v8;
	s22 =	smov.u32 s4;
	s4 =	smov.u32 s3  }
0x125: {  	v8 =	vmul.f32 v24, v17;
	v17 =	vld [tilespmem:s4+$0x1740];
	v22 =	vperm.xlane v18, v3;
	[tilespmem:s22+$0x8F50] =	vst v23;
	v23 =	vadd.f32 v10, v6  }
0x126: {  	v13 =	vadd.f32 v13, v9;
	v24 =	vperm.xlane v26, v3;
	v10 =	vld [tilespmem:s4+$0x6700];
	v27 =	vmul.f32 v30, v27;
	[tilespmem:s22+$0x8F20] =	vst v11  }
0x127: {  	v16 =	vmul.f32 v25, v20;
	v9 =	vperm.xlane v8, v1;
	v18 =	vadd.f32 v22, v18;
	[tilespmem:s22+$0x8F30] =	vst v14  }
0x128: {  	v11 =	vmul.f32 v29, v19;
	v14 =	vadd.f32 v24, v26;
	v6 =	vmul.f32 v21, v15  }
0x129: {  	v9 =	vadd.f32 v9, v8;
	v22 =	vmul.f32 v36, v12;
	v25 =	vld [tilespmem:s22+$0x3F10];
	v12 =	vperm.xlane v23, v3  }
0x12a: {  	v20 =	vadd.f32 v7, v5;
	v15 =	vperm.xlane v11, v1;
	v19 =	vperm.xlane v14, v4  }
0x12b: {  	v26 =	vmul.f32 v34, v17;
	v7 =	vperm.xlane v9, v2;
	v8 =	vld [tilespmem:s22+$0x3F40];
	v17 =	vadd.f32 v12, v23  }
0x12c: {  	v5 =	vperm.xlane v27, v1;
	v21 =	vperm.xlane v16, v1;
	v14 =	vadd.f32 v19, v14;
	v12 =	vld [tilespmem:s22+$0x3F70]  }
.Ltmp4:
0x12d: {  	v24 =	vperm.xlane v20, v3;
	v28 =	vadd.f32 v15, v11;
	v23 =	vperm.xlane v22, v1;
	v15 =	vld [tilespmem:s22+$0x3F60];
	(pc) =	sbr.rel @p1 .LBB2_8-.Ltmp4, $4  }
0x12e: {  	v5 =	vadd.f32 v5, v27;
	v29 =	vperm.xlane v26, v1;
	v19 =	vld [tilespmem:s22+$0x3F00];
	v30 =	vmul.f32 v14, v25  }
0x12f: {  	v27 =	vadd.f32 v23, v22;
	v23 =	vperm.xlane v28, v2;
	v25 =	vperm.xlane v18, v4;
	v11 =	vld [tilespmem:s4+$0x3F20]  }
0x130: {  	v22 =	vadd.f32 v7, v9;
	v7 =	vperm.xlane v5, v2;
	v9 =	vadd.f32 v29, v26;
	v14 =	vld [tilespmem:s4+$0x3F30];
	[tilespmem:s22+$0x8F10] =	vst v30  }
0x131: {  	v29 =	vperm.xlane v27, v2;
	v28 =	vadd.f32 v23, v28;
	v23 =	vperm.xlane v17, v4;
	v26 =	vld [tilespmem:s4+$0x1700]  }
0x132: {  	v30 =	vperm.xlane v22, v3;
	v31 =	vperm.xlane v6, v1;
	v20 =	vadd.f32 v24, v20  }
0x133: {  	v32 =	vperm.xlane v13, v3;
	v16 =	vadd.f32 v21, v16;
	v18 =	vadd.f32 v25, v18  }
0x134: {  	v48 =	vperm.xlane v9, v2;
	v5 =	vadd.f32 v7, v5;
	v62 =	vadd.f32 v29, v27  }
0x135: {  	v63 =	vperm.xlane v28, v3;
	v17 =	vadd.f32 v23, v17;
	v33 =	vperm.xlane v20, v4  }
0x136: {  	v13 =	vadd.f32 v32, v13;
	v35 =	vperm.xlane v16, v2;
	v22 =	vadd.f32 v30, v22  }
0x137: {  	v18 =	vmul.f32 v18, v19;
	v6 =	vadd.f32 v31, v6;
	v54 =	vperm.xlane v5, v3  }
0x138: {  	v7 =	vadd.f32 v48, v9;
	v34 =	vperm.xlane v62, v3;
	v10 =	vmul.f32 v10, v26  }
0x139: {  	v27 =	vadd.f32 v63, v28;
	v15 =	vmul.f32 v17, v15;
	v39 =	vperm.xlane v13, v4  }
0x13a: {  	v20 =	vadd.f32 v33, v20;
	v41 =	vperm.xlane v22, v4;
	v37 =	vperm.xlane v10, v1  }
0x13b: {  	v46 =	vperm.xlane v6, v2;
	v47 =	vadd.f32 v35, v16;
	v5 =	vadd.f32 v54, v5  }
0x13c: {  	v56 =	vperm.xlane v7, v3;
	v13 =	vadd.f32 v39, v13;
	v10 =	vadd.f32 v37, v10  }
0x13d: {  	v38 =	vld [tilespmem:s4+$0x3F50];
	[tilespmem:s22+$0x8F00] =	vst v18;
	v12 =	vmul.f32 v20, v12;
	v6 =	vadd.f32 v46, v6;
	v49 =	vperm.xlane v47, v3  }
0x13e: {  	v24 =	vadd.f32 v34, v62;
	[tilespmem:s22+$0x8F60] =	vst v15;
	v8 =	vmul.f32 v13, v8;
	v43 =	vperm.xlane v10, v2  }
0x13f: {  	v36 =	vperm.xlane v27, v4;
	v44 =	vadd.f32 v41, v22;
	[tilespmem:s22+$0x8F70] =	vst v12;
	v52 =	vperm.xlane v6, v3  }
0x140: {  	v62 =	vperm.xlane v5, v4;
	v51 =	vadd.f32 v49, v47;
	[tilespmem:s22+$0x8F40] =	vst v8;
	v10 =	vadd.f32 v43, v10  }
0x141: {  	v40 =	vperm.xlane v24, v4;
	v25 =	vadd.f32 v36, v27;
	v6 =	vadd.f32 v52, v6;
	v53 =	vld [tilespmem:s4+$0x3F10]  }
0x142: {  	v7 =	vadd.f32 v56, v7;
	v13 =	vperm.xlane v51, v4;
	v57 =	vld [tilespmem:s4+$0x3F60];
	v50 =	vperm.xlane v10, v3  }
0x143: {  	v42 =	vadd.f32 v40, v24;
	v45 =	vmul.f32 v25, v38;
	v59 =	vld [tilespmem:s4+$0x3F70];
	v60 =	vperm.xlane v6, v4  }
0x144: {  	v11 =	vmul.f32 v44, v11;
	v61 =	vld [tilespmem:s4+$0x3F40];
	v8 =	vadd.f32 v13, v51;
	v10 =	vadd.f32 v50, v10  }
0x145: {  	v63 =	vperm.xlane v7, v4;
	v14 =	vmul.f32 v42, v14;
	[tilespmem:s4+$0x8F50] =	vst v45;
	v55 =	vld [tilespmem:s4+$0x3F00];
	v6 =	vadd.f32 v60, v6  }
0x146: {  	v5 =	vadd.f32 v62, v5;
	[tilespmem:s4+$0x8F20] =	vst v11;
	v8 =	vmul.f32 v8, v53;
	v58 =	vperm.xlane v10, v4  }
0x147: {  	v7 =	vadd.f32 v63, v7;
	[tilespmem:s4+$0x8F30] =	vst v14;
	v6 =	vmul.f32 v6, v57  }
0x148: {  	v5 =	vmul.f32 v5, v59;
	[tilespmem:s4+$0x8F10] =	vst v8;
	v10 =	vadd.f32 v58, v10  }
0x149: {  	v7 =	vmul.f32 v7, v61;
	[tilespmem:s4+$0x8F60] =	vst v6  }
0x14a: {  	[tilespmem:s4+$0x8F70] =	vst v5;
	v9 =	vmul.f32 v10, v55  }
0x14b: {  	[tilespmem:s4+$0x8F40] =	vst v7  }
0x14c: {  	s22 =	simm.s32 $0x1;
	[tilespmem:s4+$0x8F00] =	vst v9  }
0x14d: {  	[spmem:s2] =	stream.indirect.scatter.add.f32 [tilespmem:s20], [sflag:$0x6], $0x80, s18, s30, $0xb8;
	[tilespmem:$0x1DB80] =	vst v63  }
.LBB2_10:
0x14e: {  	_ =	swait.ge [sflag:s9], $0x1400  }
0x14f: {  	[sflag:s9] =	ssyncset.done $0x0  }
0x150: {  	[sflag:s9] =	ssyncadd.s32 $0xFFFFEC00  }
0x151: {  	_ =	swait.ge [sflag:s9], $0x1400  }
0x152: {  	[sflag:s9] =	ssyncset.done $0x0  }
0x153: {  	[sflag:s9] =	ssyncadd.s32 $0xFFFFEC00  }
0x154: {  	_ =	swait.ge [sflag:s9], $0x1400  }
0x155: {  	[sflag:s9] =	ssyncset.done $0x0  }
0x156: {  	[sflag:s9] =	ssyncadd.s32 $0xFFFFEC00  }
0x157: {  	_ =	swait.ge [sflag:s19], $0x1400  }
0x158: {  	[sflag:s19] =	ssyncset.done $0x0  }
0x159: {  	[sflag:s19] =	ssyncadd.s32 $0xFFFFEC00  }
0x15a: {  	v5 =	vld [tilespmem:$0x100]  }
0x15b: {  	v6 =	vld [tilespmem:$0x110]  }
0x15c: {  	v7 =	vld [tilespmem:$0x118]  }
0x15d: {  	s4 =	smul.u32 $0x50, s22;
	_ =	sdelay $0x1  }
0x15e: {  	s0 =	sadd.s32 s4, s13;
	[tilespmem:$0x200] =	vst v5  }
0x15f: {  	s0 =	sshrl.u32 s0, $0x3;
	[tilespmem:$0x210] =	vst v6  }
0x160: {  	s11 =	simm.s32 $0x0;
	s3 =	sadd.s32 s5, s0;
	[tilespmem:$0x218] =	vst v7  }
0x161: {  	[tilespmem:s11], [sflag:$0x1] =	stream.linear.gather [hbm4b:s3+s11], $0x28, $0x38;
	[tilespmem:$0x1DB80] =	vst v63  }
0x162: {  	s0 =	sadd.s32 s6, s0  }
0x163: {  	[tilespmem:s25], [sflag:$0x1] =	stream.linear.gather [hbm4b:s0+s11], $0x28, $0x38;
	[tilespmem:$0x1DB80] =	vst v63  }
0x164: {  	_ =	swait.ge [sflag:s10], $0x28  }
0x165: {  	[sflag:s10] =	ssyncset.done $0x0  }
0x166: {  	[sflag:s10] =	ssyncadd.s32 $0xFFFFFFD8  }
0x167: {  	_ =	swait.ge [sflag:s10], $0x28  }
0x168: {  	[sflag:s10] =	ssyncset.done $0x0  }
0x169: {  	s11 =	simm.s32 $0x1700;
	[sflag:s10] =	ssyncadd.s32 $0xFFFFFFD8  }
0x16a: {  	[tilespmem:s11], [sflag:$0x4] =	stream.indirect.gather [hbm4b:s7+s30], $0x80, s26, s30, $0xb8;
	[tilespmem:$0x1DB80] =	vst v63  }
0x16b: {  	_ = 	snop  }
0x16c: {  	[tilespmem:s12], [sflag:$0x4] =	stream.indirect.gather [hbm4b:s8+s30], $0x80, s26, s30, $0xb8;
	[tilespmem:$0x1DB80] =	vst v63  }
0x16d: {  	s0 =	simm.s32 $0x0  }
0x16e: {  	[tilespmem:s15], [sflag:$0x4] =	stream.indirect.gather [hbm4b:s1+s30], $0x80, s28, s30, $0xb8;
	[tilespmem:$0x1DB80] =	vst v63  }
0x16f: {  	v5 =	vld [tilespmem:s0+$0x5320]  }
0x170: {  	v6 =	vld [tilespmem:s0+$0x5340]  }
0x171: {  	v7 =	vld [tilespmem:s0+$0x5310]  }
0x172: {  	v8 =	vld [tilespmem:s0+$0x5350]  }
0x173: {  	v11 =	vld [tilespmem:s0+$0x350]  }
0x174: {  	v12 =	vld [tilespmem:s0+$0x5330]  }
0x175: {  	v13 =	vld [tilespmem:s0+$0x330]  }
0x176: {  	v14 =	vld [tilespmem:s0+$0x320]  }
0x177: {  	v9 =	vld [tilespmem:s0+$0x5370]  }
0x178: {  	v10 =	vld [tilespmem:s0+$0x5360]  }
0x179: {  	v15 =	vld [tilespmem:s0+$0x370];
	v8 =	vmul.f32 v8, v11  }
0x17a: {  	v16 =	vld [tilespmem:s0+$0x310];
	v12 =	vmul.f32 v12, v13  }
0x17b: {  	v17 =	vld [tilespmem:s0+$0x360];
	v5 =	vmul.f32 v5, v14;
	v14 =	vperm.xlane v8, v1  }
0x17c: {  	v11 =	vld [tilespmem:s0+$0x340];
	v18 =	vperm.xlane v12, v1  }
0x17d: {  	v13 =	vld [tilespmem:s0+$0x5300];
	v20 =	vperm.xlane v5, v1;
	v8 =	vadd.f32 v14, v8  }
0x17e: {  	v9 =	vmul.f32 v9, v15;
	v15 =	vld [tilespmem:s0+$0x300];
	v12 =	vadd.f32 v18, v12  }
0x17f: {  	s31 =	simm.s32 $0x80;
	v19 =	vld [tilespmem:s0+$0x2B20];
	v7 =	vmul.f32 v7, v16;
	v5 =	vadd.f32 v20, v5;
	v16 =	vperm.xlane v8, v2  }
0x180: {  	v24 =	vld [tilespmem:s31+$0x5350];
	v10 =	vmul.f32 v10, v17;
	v17 =	vperm.xlane v12, v2  }
0x181: {  	v27 =	vld [tilespmem:s31+$0x5330];
	v22 =	vperm.xlane v9, v1;
	v21 =	vperm.xlane v5, v2;
	v8 =	vadd.f32 v16, v8  }
0x182: {  	v30 =	vld [tilespmem:s31+$0x360];
	v28 =	vperm.xlane v10, v1;
	v6 =	vmul.f32 v6, v11;
	v12 =	vadd.f32 v17, v12  }
0x183: {  	v14 =	vld [tilespmem:s0+$0x2B30];
	v13 =	vmul.f32 v13, v15;
	v5 =	vadd.f32 v21, v5;
	v21 =	vperm.xlane v8, v3  }
0x184: {  	v18 =	vld [tilespmem:s0+$0x2B50];
	v9 =	vadd.f32 v22, v9;
	v23 =	vperm.xlane v6, v1;
	v25 =	vperm.xlane v12, v3  }
0x185: {  	v20 =	vld [tilespmem:s31+$0x5320];
	v10 =	vadd.f32 v28, v10;
	v22 =	vperm.xlane v5, v3;
	v8 =	vadd.f32 v21, v8  }
0x186: {  	v28 =	vld [tilespmem:s31+$0x310];
	v6 =	vadd.f32 v23, v6;
	v23 =	vperm.xlane v13, v1;
	v12 =	vadd.f32 v25, v12  }
0x187: {  	v11 =	vld [tilespmem:s31+$0x5340];
	v16 =	vperm.xlane v7, v1;
	v5 =	vadd.f32 v22, v5;
	v22 =	vperm.xlane v8, v4  }
0x188: {  	v13 =	vadd.f32 v23, v13;
	v23 =	vld [tilespmem:s31+$0x320];
	v29 =	vperm.xlane v12, v4  }
0x189: {  	v15 =	vld [tilespmem:s31+$0x5370];
	v7 =	vadd.f32 v16, v7;
	v16 =	vperm.xlane v5, v4;
	v8 =	vadd.f32 v22, v8  }
0x18a: {  	v26 =	vperm.xlane v9, v2;
	v17 =	vld [tilespmem:s31+$0x5310];
	v12 =	vadd.f32 v29, v12;
	v29 =	vperm.xlane v13, v2  }
0x18b: {  	v21 =	vld [tilespmem:s31+$0x5360];
	v5 =	vadd.f32 v16, v5;
	v16 =	vperm.xlane v6, v2;
	v8 =	vmul.f32 v8, v18  }
0x18c: {  	v22 =	vld [tilespmem:s31+$0x370];
	v18 =	vperm.xlane v7, v2;
	v12 =	vmul.f32 v12, v14;
	v14 =	vadd.f32 v29, v13  }
0x18d: {  	v25 =	vld [tilespmem:s31+$0x350];
	v20 =	vmul.f32 v20, v23;
	v13 =	vperm.xlane v10, v2  }
0x18e: {  	v29 =	vld [tilespmem:s31+$0x330];
	v5 =	vmul.f32 v5, v19;
	v7 =	vadd.f32 v18, v7;
	v18 =	vperm.xlane v14, v3  }
0x18f: {  	v19 =	vld [tilespmem:s31+$0x340];
	v23 =	vadd.f32 v13, v10;
	v13 =	vadd.f32 v16, v6;
	v16 =	vmul.f32 v17, v28  }
0x190: {  	[tilespmem:s0+$0x7B50] =	vst v8;
	v6 =	vmul.f32 v21, v30;
	v8 =	vperm.xlane v7, v3  }
0x191: {  	v10 =	vld [tilespmem:s31+$0x5300];
	v22 =	vmul.f32 v15, v22;
	[tilespmem:s0+$0x7B20] =	vst v5;
	v5 =	vperm.xlane v20, v1;
	v18 =	vadd.f32 v18, v14  }
0x192: {  	v14 =	vmul.f32 v24, v25;
	v21 =	vperm.xlane v16, v1;
	v7 =	vadd.f32 v8, v7  }
0x193: {  	v28 =	vadd.f32 v5, v20;
	v25 =	vmul.f32 v27, v29;
	v27 =	vld [tilespmem:s0+$0x2B10];
	v5 =	vperm.xlane v23, v3  }
0x194: {  	v20 =	vadd.f32 v26, v9;
	v26 =	vmul.f32 v11, v19;
	v15 =	vperm.xlane v7, v4  }
0x195: {  	[tilespmem:s0+$0x7B30] =	vst v12;
	v12 =	vld [tilespmem:s0+$0x2B70];
	v24 =	vperm.xlane v14, v1;
	v9 =	vperm.xlane v28, v2  }
0x196: {  	v19 =	vld [tilespmem:s0+$0x2B00];
	v17 =	vadd.f32 v5, v23;
	v5 =	vperm.xlane v22, v1;
	v7 =	vadd.f32 v15, v7  }
0x197: {  	v11 =	vld [tilespmem:s31+$0x2B20];
	v23 =	vperm.xlane v25, v1;
	v29 =	vperm.xlane v26, v1;
	v30 =	vadd.f32 v24, v14  }
0x198: {  	v8 =	vld [tilespmem:s0+$0x2B40];
	v24 =	vperm.xlane v20, v3;
	v5 =	vadd.f32 v5, v22;
	v31 =	vmul.f32 v7, v27  }
0x199: {  	v14 =	vld [tilespmem:s31+$0x2B30];
	v22 =	vadd.f32 v9, v28;
	v27 =	vadd.f32 v23, v25;
	v23 =	vperm.xlane v30, v2  }
0x19a: {  	v9 =	vadd.f32 v29, v26;
	v15 =	vld [tilespmem:s0+$0x2B60];
	v25 =	vperm.xlane v18, v4;
	v7 =	vperm.xlane v5, v2;
	[tilespmem:s0+$0x7B10] =	vst v31  }
0x19b: {  	s3 =	simm.s32 $0x400;
	v29 =	vperm.xlane v27, v2;
	v28 =	vadd.f32 v23, v30;
	v23 =	vperm.xlane v17, v4;
	v26 =	vld [tilespmem:s31+$0x300]  }
.LBB2_11:
0x19c: {  	s11 =	sshra.s32 s3, $0x2;
	p1 =	sne.s32 s3, $0x4E00;
	s3 =	sadd.s32 $0x200, s3;
	v30 =	vperm.xlane v22, v3;
	v31 =	vld [tilespmem:s31+$0x2B50];
	v32 =	vperm.xlane v6, v1;
	v20 =	vadd.f32 v24, v20  }
0x19d: {  	v33 =	vperm.xlane v13, v3;
	v24 =	vld [tilespmem:s11+$0x5320];
	v27 =	vadd.f32 v29, v27;
	v29 =	vperm.xlane v28, v3  }
0x19e: {  	v16 =	vadd.f32 v21, v16;
	v18 =	vadd.f32 v25, v18;
	v34 =	vld [tilespmem:s11+$0x5340];
	v21 =	vperm.xlane v20, v4  }
0x19f: {  	v13 =	vadd.f32 v33, v13;
	v25 =	vld [tilespmem:s11+$0x5310];
	v35 =	vperm.xlane v27, v3;
	v28 =	vadd.f32 v29, v28  }
0x1a0: {  	v22 =	vadd.f32 v30, v22;
	v29 =	vld [tilespmem:s11+$0x5350];
	v10 =	vmul.f32 v10, v26;
	v26 =	vperm.xlane v16, v2  }
0x1a1: {  	v20 =	vadd.f32 v21, v20;
	v30 =	vld [tilespmem:s11+$0x5370];
	v27 =	vadd.f32 v35, v27;
	v33 =	vperm.xlane v28, v4  }
0x1a2: {  	v17 =	vadd.f32 v23, v17;
	v18 =	vmul.f32 v18, v19;
	v21 =	vld [tilespmem:s11+$0x5360];
	v35 =	vperm.xlane v10, v1  }
0x1a3: {  	v19 =	vld [tilespmem:s11+$0x350];
	v23 =	vperm.xlane v27, v4;
	v28 =	vadd.f32 v33, v28;
	v33 =	vperm.xlane v13, v4  }
0x1a4: {  	v15 =	vmul.f32 v17, v15;
	v36 =	vld [tilespmem:s11+$0x5330];
	v10 =	vadd.f32 v35, v10;
	v35 =	vperm.xlane v22, v4;
	[tilespmem:s0+$0x7B00] =	vst v18  }
0x1a5: {  	v17 =	vld [tilespmem:s11+$0x320];
	v18 =	vadd.f32 v23, v27;
	v23 =	vmul.f32 v28, v31;
	v13 =	vadd.f32 v33, v13  }
0x1a6: {  	v6 =	vadd.f32 v32, v6;
	v12 =	vmul.f32 v20, v12;
	v27 =	vld [tilespmem:s11+$0x370];
	v28 =	vperm.xlane v10, v2  }
0x1a7: {  	v22 =	vadd.f32 v35, v22;
	v20 =	vld [tilespmem:s11+$0x310];
	v14 =	vmul.f32 v18, v14;
	v8 =	vmul.f32 v13, v8;
	[tilespmem:s0+$0x7B60] =	vst v15  }
0x1a8: {  	v15 =	vld [tilespmem:s11+$0x360];
	v18 =	vadd.f32 v28, v10;
	v10 =	vperm.xlane v6, v2;
	[tilespmem:s0+$0x7B70] =	vst v12  }
0x1a9: {  	v26 =	vadd.f32 v26, v16;
	v13 =	vperm.xlane v9, v2;
	v11 =	vmul.f32 v22, v11;
	v12 =	vld [tilespmem:s11+$0x330];
	[tilespmem:s0+$0x7B40] =	vst v8;
	s0 =	smov.u32 s31;
	s31 =	smov.u32 s11  }
0x1aa: {  	v8 =	vmul.f32 v24, v17;
	v17 =	vld [tilespmem:s31+$0x340];
	v22 =	vperm.xlane v18, v3;
	[tilespmem:s0+$0x7B50] =	vst v23;
	v23 =	vadd.f32 v10, v6  }
0x1ab: {  	v13 =	vadd.f32 v13, v9;
	v24 =	vperm.xlane v26, v3;
	v10 =	vld [tilespmem:s31+$0x5300];
	v27 =	vmul.f32 v30, v27;
	[tilespmem:s0+$0x7B20] =	vst v11  }
0x1ac: {  	v16 =	vmul.f32 v25, v20;
	v9 =	vperm.xlane v8, v1;
	v18 =	vadd.f32 v22, v18;
	[tilespmem:s0+$0x7B30] =	vst v14  }
0x1ad: {  	v11 =	vmul.f32 v29, v19;
	v14 =	vadd.f32 v24, v26;
	v6 =	vmul.f32 v21, v15  }
0x1ae: {  	v9 =	vadd.f32 v9, v8;
	v22 =	vmul.f32 v36, v12;
	v25 =	vld [tilespmem:s0+$0x2B10];
	v12 =	vperm.xlane v23, v3  }
0x1af: {  	v20 =	vadd.f32 v7, v5;
	v15 =	vperm.xlane v11, v1;
	v19 =	vperm.xlane v14, v4  }
0x1b0: {  	v26 =	vmul.f32 v34, v17;
	v7 =	vperm.xlane v9, v2;
	v8 =	vld [tilespmem:s0+$0x2B40];
	v17 =	vadd.f32 v12, v23  }
0x1b1: {  	v5 =	vperm.xlane v27, v1;
	v21 =	vperm.xlane v16, v1;
	v14 =	vadd.f32 v19, v14;
	v12 =	vld [tilespmem:s0+$0x2B70]  }
.Ltmp5:
0x1b2: {  	v24 =	vperm.xlane v20, v3;
	v28 =	vadd.f32 v15, v11;
	v23 =	vperm.xlane v22, v1;
	v15 =	vld [tilespmem:s0+$0x2B60];
	(pc) =	sbr.rel @p1 .LBB2_11-.Ltmp5, $4  }
0x1b3: {  	v5 =	vadd.f32 v5, v27;
	v29 =	vperm.xlane v26, v1;
	v19 =	vld [tilespmem:s0+$0x2B00];
	v30 =	vmul.f32 v14, v25  }
0x1b4: {  	v27 =	vadd.f32 v23, v22;
	v23 =	vperm.xlane v28, v2;
	v25 =	vperm.xlane v18, v4;
	v11 =	vld [tilespmem:s31+$0x2B20]  }
0x1b5: {  	v22 =	vadd.f32 v7, v9;
	v7 =	vperm.xlane v5, v2;
	v9 =	vadd.f32 v29, v26;
	v14 =	vld [tilespmem:s31+$0x2B30];
	[tilespmem:s0+$0x7B10] =	vst v30  }
0x1b6: {  	v29 =	vperm.xlane v27, v2;
	v28 =	vadd.f32 v23, v28;
	v23 =	vperm.xlane v17, v4;
	v26 =	vld [tilespmem:s31+$0x300]  }
0x1b7: {  	v30 =	vperm.xlane v22, v3;
	v20 =	vadd.f32 v24, v20;
	v16 =	vadd.f32 v21, v16  }
0x1b8: {  	v31 =	vperm.xlane v6, v1;
	v18 =	vadd.f32 v25, v18;
	v24 =	vadd.f32 v29, v27  }
0x1b9: {  	v27 =	vperm.xlane v28, v3;
	v29 =	vperm.xlane v13, v3;
	v17 =	vadd.f32 v23, v17  }
0x1ba: {  	v21 =	vperm.xlane v20, v4;
	v22 =	vadd.f32 v30, v22;
	v18 =	vmul.f32 v18, v19  }
0x1bb: {  	v25 =	vperm.xlane v24, v3;
	v13 =	vadd.f32 v29, v13;
	v10 =	vmul.f32 v10, v26  }
0x1bc: {  	v27 =	vadd.f32 v27, v28;
	v15 =	vmul.f32 v17, v15;
	v20 =	vadd.f32 v21, v20  }
0x1bd: {  	v28 =	vld [tilespmem:s31+$0x2B50];
	v24 =	vadd.f32 v25, v24;
	v19 =	vperm.xlane v13, v4;
	v21 =	vperm.xlane v10, v1  }
0x1be: {  	v6 =	vadd.f32 v31, v6;
	v26 =	vperm.xlane v16, v2;
	v25 =	vperm.xlane v27, v4  }
0x1bf: {  	v23 =	vperm.xlane v24, v4;
	v13 =	vadd.f32 v19, v13;
	v10 =	vadd.f32 v21, v10  }
0x1c0: {  	[tilespmem:s0+$0x7B00] =	vst v18;
	v12 =	vmul.f32 v20, v12;
	v25 =	vadd.f32 v25, v27;
	v21 =	vperm.xlane v22, v4  }
0x1c1: {  	[tilespmem:s0+$0x7B60] =	vst v15;
	v17 =	vadd.f32 v23, v24;
	v8 =	vmul.f32 v13, v8;
	v18 =	vperm.xlane v10, v2  }
0x1c2: {  	v15 =	vperm.xlane v6, v2;
	[tilespmem:s0+$0x7B70] =	vst v12;
	v12 =	vadd.f32 v26, v16;
	v13 =	vmul.f32 v25, v28  }
0x1c3: {  	v19 =	vadd.f32 v21, v22;
	v14 =	vmul.f32 v17, v14;
	[tilespmem:s0+$0x7B40] =	vst v8;
	v10 =	vadd.f32 v18, v10  }
0x1c4: {  	v6 =	vadd.f32 v15, v6;
	v8 =	vperm.xlane v9, v2;
	[tilespmem:s31+$0x7B50] =	vst v13;
	v13 =	vperm.xlane v12, v3  }
0x1c5: {  	v5 =	vadd.f32 v7, v5;
	v11 =	vmul.f32 v19, v11;
	v15 =	vperm.xlane v10, v3  }
0x1c6: {  	v7 =	vadd.f32 v8, v9;
	v9 =	vperm.xlane v6, v3;
	v8 =	vadd.f32 v13, v12  }
0x1c7: {  	[tilespmem:s31+$0x7B20] =	vst v11;
	v11 =	vld [tilespmem:s31+$0x2B10];
	v12 =	vperm.xlane v5, v3;
	v10 =	vadd.f32 v15, v10  }
0x1c8: {  	[tilespmem:s31+$0x7B30] =	vst v14;
	v6 =	vadd.f32 v9, v6;
	v9 =	vld [tilespmem:s31+$0x2B00];
	v14 =	vperm.xlane v7, v3;
	v13 =	vperm.xlane v8, v4  }
0x1c9: {  	v15 =	vld [tilespmem:s31+$0x2B60];
	v5 =	vadd.f32 v12, v5;
	v16 =	vperm.xlane v10, v4  }
0x1ca: {  	v12 =	vld [tilespmem:s31+$0x2B70];
	v7 =	vadd.f32 v14, v7;
	v8 =	vadd.f32 v13, v8;
	v13 =	vperm.xlane v6, v4  }
0x1cb: {  	v14 =	vld [tilespmem:s31+$0x2B40];
	v10 =	vadd.f32 v16, v10;
	v16 =	vperm.xlane v5, v4  }
0x1cc: {  	v8 =	vmul.f32 v8, v11;
	v6 =	vadd.f32 v13, v6;
	v11 =	vperm.xlane v7, v4  }
0x1cd: {  	v5 =	vadd.f32 v16, v5;
	v9 =	vmul.f32 v10, v9  }
0x1ce: {  	[tilespmem:s31+$0x7B10] =	vst v8;
	v6 =	vmul.f32 v6, v15;
	v7 =	vadd.f32 v11, v7  }
0x1cf: {  	[tilespmem:s31+$0x7B00] =	vst v9;
	v5 =	vmul.f32 v5, v12  }
0x1d0: {  	v7 =	vmul.f32 v7, v14;
	[tilespmem:s31+$0x7B60] =	vst v6  }
0x1d1: {  	[tilespmem:s31+$0x7B70] =	vst v5  }
0x1d2: {  	[tilespmem:s31+$0x7B40] =	vst v7  }
0x1d3: {  	[spmem:s2] =	stream.indirect.scatter.add.f32 [tilespmem:s23], [sflag:$0x5], $0x80, s16, s30, $0xb8;
	[tilespmem:$0x1DB80] =	vst v63  }
0x1d4: {  	_ =	swait.ge [sflag:s17], $0x1400  }
0x1d5: {  	[sflag:s17] =	ssyncset.done $0x0  }
0x1d6: {  	[sflag:s17] =	ssyncadd.s32 $0xFFFFEC00  }
0x1d7: {  	_ =	swait.ge [sflag:s17], $0x1400  }
0x1d8: {  	[sflag:s17] =	ssyncset.done $0x0  }
0x1d9: {  	[sflag:s17] =	ssyncadd.s32 $0xFFFFEC00  }
0x1da: {  	_ =	swait.ge [sflag:s17], $0x1400  }
0x1db: {  	[sflag:s17] =	ssyncset.done $0x0  }
0x1dc: {  	[sflag:s17] =	ssyncadd.s32 $0xFFFFEC00  }
0x1dd: {  	_ =	swait.ge [sflag:s21], $0x1400  }
0x1de: {  	[sflag:s21] =	ssyncset.done $0x0  }
0x1df: {  	[sflag:s21] =	ssyncadd.s32 $0xFFFFEC00  }
0x1e0: {  	v5 =	vld [tilespmem:$0x180]  }
0x1e1: {  	v6 =	vld [tilespmem:$0x190]  }
0x1e2: {  	v7 =	vld [tilespmem:$0x198];
	_ =	sdelay $0x2  }
0x1e3: {  	s11 =	sadd.s32 s4, s14;
	[tilespmem:$0x280] =	vst v5  }
0x1e4: {  	s0 =	sshrl.u32 s11, $0x3;
	[tilespmem:$0x290] =	vst v6  }
0x1e5: {  	s3 =	sadd.s32 s5, s0;
	s31 =	simm.s32 $0x0;
	[tilespmem:$0x298] =	vst v7  }
0x1e6: {  	[tilespmem:s26], [sflag:$0x2] =	stream.linear.gather [hbm4b:s3+s31], $0x28, $0x38;
	[tilespmem:$0x1DB80] =	vst v63  }
0x1e7: {  	s0 =	sadd.s32 s6, s0  }
0x1e8: {  	[tilespmem:s28], [sflag:$0x2] =	stream.linear.gather [hbm4b:s0+s31], $0x28, $0x38;
	[tilespmem:$0x1DB80] =	vst v63  }
0x1e9: {  	_ =	swait.ge [sflag:s29], $0x28  }
0x1ea: {  	[sflag:s29] =	ssyncset.done $0x0  }
0x1eb: {  	[sflag:s29] =	ssyncadd.s32 $0xFFFFFFD8  }
0x1ec: {  	_ =	swait.ge [sflag:s29], $0x28  }
0x1ed: {  	[sflag:s29] =	ssyncset.done $0x0  }
0x1ee: {  	s3 =	simm.s32 $0x300;
	[sflag:s29] =	ssyncadd.s32 $0xFFFFFFD8  }
0x1ef: {  	[tilespmem:s3], [sflag:$0x3] =	stream.indirect.gather [hbm4b:s7+s30], $0x80, s31, s30, $0xb8;
	[tilespmem:$0x1DB80] =	vst v63  }
0x1f0: {  	s11 =	simm.s32 $0x2B00  }
0x1f1: {  	[tilespmem:s11], [sflag:$0x3] =	stream.indirect.gather [hbm4b:s8+s30], $0x80, s31, s30, $0xb8;
	[tilespmem:$0x1DB80] =	vst v63  }
0x1f2: {  	s0 =	simm.s32 $0x0;
	s31 =	simm.s32 $0x5300  }
0x1f3: {  	[tilespmem:s31], [sflag:$0x3] =	stream.indirect.gather [hbm4b:s1+s30], $0x80, s25, s30, $0xb8;
	[tilespmem:$0x1DB80] =	vst v63  }
0x1f4: {  	v5 =	vld [tilespmem:s0+$0x6720]  }
0x1f5: {  	v7 =	vld [tilespmem:s0+$0x6710]  }
0x1f6: {  	v8 =	vld [tilespmem:s0+$0x6750]  }
0x1f7: {  	v9 =	vld [tilespmem:s0+$0x6770]  }
0x1f8: {  	v10 =	vld [tilespmem:s0+$0x6760]  }
0x1f9: {  	v11 =	vld [tilespmem:s0+$0x1750]  }
0x1fa: {  	v12 =	vld [tilespmem:s0+$0x6730]  }
0x1fb: {  	v13 =	vld [tilespmem:s0+$0x1730]  }
0x1fc: {  	v14 =	vld [tilespmem:s0+$0x1720]  }
0x1fd: {  	v15 =	vld [tilespmem:s0+$0x1770]  }
0x1fe: {  	v16 =	vld [tilespmem:s0+$0x1710]  }
0x1ff: {  	v17 =	vld [tilespmem:s0+$0x1760];
	v8 =	vmul.f32 v8, v11  }
0x200: {  	v6 =	vld [tilespmem:s0+$0x6740];
	v12 =	vmul.f32 v12, v13  }
0x201: {  	v11 =	vld [tilespmem:s0+$0x1740];
	v5 =	vmul.f32 v5, v14;
	v14 =	vperm.xlane v8, v1  }
0x202: {  	v13 =	vld [tilespmem:s0+$0x6700];
	v18 =	vperm.xlane v12, v1  }
0x203: {  	v9 =	vmul.f32 v9, v15;
	v15 =	vld [tilespmem:s0+$0x1700];
	v20 =	vperm.xlane v5, v1;
	v8 =	vadd.f32 v14, v8  }
0x204: {  	s4 =	simm.s32 $0x80;
	v19 =	vld [tilespmem:s0+$0x3F20];
	v7 =	vmul.f32 v7, v16;
	v10 =	vmul.f32 v10, v17;
	v12 =	vadd.f32 v18, v12  }
0x205: {  	v24 =	vld [tilespmem:s4+$0x6750];
	v22 =	vperm.xlane v9, v1;
	v5 =	vadd.f32 v20, v5;
	v16 =	vperm.xlane v8, v2  }
0x206: {  	v27 =	vld [tilespmem:s4+$0x6730];
	v28 =	vperm.xlane v10, v1;
	v17 =	vperm.xlane v12, v2  }
0x207: {  	v31 =	vld [tilespmem:s4+$0x1760];
	v6 =	vmul.f32 v6, v11;
	v21 =	vperm.xlane v5, v2;
	v8 =	vadd.f32 v16, v8  }
0x208: {  	v14 =	vld [tilespmem:s0+$0x3F30];
	v9 =	vadd.f32 v22, v9;
	v13 =	vmul.f32 v13, v15;
	v12 =	vadd.f32 v17, v12  }
0x209: {  	v18 =	vld [tilespmem:s0+$0x3F50];
	v23 =	vperm.xlane v6, v1;
	v5 =	vadd.f32 v21, v5;
	v21 =	vperm.xlane v8, v3  }
0x20a: {  	v20 =	vld [tilespmem:s4+$0x6720];
	v10 =	vadd.f32 v28, v10;
	v16 =	vperm.xlane v7, v1;
	v25 =	vperm.xlane v12, v3  }
0x20b: {  	v28 =	vld [tilespmem:s4+$0x1710];
	v6 =	vadd.f32 v23, v6;
	v22 =	vperm.xlane v5, v3;
	v8 =	vadd.f32 v21, v8  }
0x20c: {  	v11 =	vld [tilespmem:s4+$0x6740];
	v23 =	vperm.xlane v13, v1;
	v7 =	vadd.f32 v16, v7;
	v12 =	vadd.f32 v25, v12  }
0x20d: {  	v15 =	vld [tilespmem:s4+$0x6770];
	v5 =	vadd.f32 v22, v5;
	v22 =	vperm.xlane v8, v4  }
0x20e: {  	v13 =	vadd.f32 v23, v13;
	v23 =	vld [tilespmem:s4+$0x1720];
	v30 =	vperm.xlane v7, v2;
	v29 =	vperm.xlane v12, v4  }
0x20f: {  	v26 =	vperm.xlane v9, v2;
	v17 =	vld [tilespmem:s4+$0x6710];
	v16 =	vperm.xlane v5, v4;
	v8 =	vadd.f32 v22, v8  }
0x210: {  	v21 =	vld [tilespmem:s4+$0x6760];
	v7 =	vadd.f32 v30, v7;
	v12 =	vadd.f32 v29, v12;
	v29 =	vperm.xlane v13, v2  }
0x211: {  	v22 =	vld [tilespmem:s4+$0x1770];
	v5 =	vadd.f32 v16, v5;
	v16 =	vperm.xlane v6, v2;
	v8 =	vmul.f32 v8, v18  }
0x212: {  	v25 =	vld [tilespmem:s4+$0x1750];
	v12 =	vmul.f32 v12, v14;
	v14 =	vadd.f32 v29, v13;
	v13 =	vperm.xlane v10, v2  }
0x213: {  	v20 =	vmul.f32 v20, v23;
	v29 =	vld [tilespmem:s4+$0x1730];
	v5 =	vmul.f32 v5, v19  }
0x214: {  	v19 =	vld [tilespmem:s4+$0x1740];
	v18 =	vperm.xlane v14, v3;
	[tilespmem:s0+$0x8F50] =	vst v8;
	v23 =	vadd.f32 v13, v10;
	v8 =	vperm.xlane v7, v3  }
0x215: {  	v13 =	vadd.f32 v16, v6;
	v16 =	vmul.f32 v17, v28;
	v6 =	vmul.f32 v21, v31  }
0x216: {  	v10 =	vld [tilespmem:s4+$0x6700];
	v22 =	vmul.f32 v15, v22;
	[tilespmem:s0+$0x8F20] =	vst v5;
	v5 =	vperm.xlane v20, v1;
	v18 =	vadd.f32 v18, v14  }
0x217: {  	v14 =	vmul.f32 v24, v25;
	v7 =	vadd.f32 v8, v7;
	v21 =	vperm.xlane v16, v1  }
0x218: {  	v28 =	vadd.f32 v5, v20;
	v25 =	vmul.f32 v27, v29;
	v27 =	vld [tilespmem:s0+$0x3F10];
	v5 =	vperm.xlane v23, v3  }
0x219: {  	v20 =	vadd.f32 v26, v9;
	v26 =	vmul.f32 v11, v19;
	v15 =	vperm.xlane v7, v4  }
0x21a: {  	[tilespmem:s0+$0x8F30] =	vst v12;
	v12 =	vld [tilespmem:s0+$0x3F70];
	v24 =	vperm.xlane v14, v1;
	v9 =	vperm.xlane v28, v2  }
0x21b: {  	v8 =	vld [tilespmem:s0+$0x3F40];
	v17 =	vadd.f32 v5, v23;
	v5 =	vperm.xlane v22, v1;
	v7 =	vadd.f32 v15, v7  }
0x21c: {  	v19 =	vld [tilespmem:s0+$0x3F00];
	v23 =	vperm.xlane v25, v1;
	v29 =	vperm.xlane v26, v1;
	v30 =	vadd.f32 v24, v14  }
0x21d: {  	v11 =	vld [tilespmem:s4+$0x3F20];
	v24 =	vperm.xlane v20, v3;
	v5 =	vadd.f32 v5, v22;
	v31 =	vmul.f32 v7, v27  }
0x21e: {  	v15 =	vld [tilespmem:s0+$0x3F60];
	v22 =	vadd.f32 v9, v28;
	v27 =	vadd.f32 v23, v25;
	v23 =	vperm.xlane v30, v2  }
0x21f: {  	v14 =	vld [tilespmem:s4+$0x3F30];
	v9 =	vadd.f32 v29, v26;
	v25 =	vperm.xlane v18, v4;
	v7 =	vperm.xlane v5, v2;
	[tilespmem:s0+$0x8F10] =	vst v31  }
0x220: {  	s3 =	simm.s32 $0x400;
	v29 =	vperm.xlane v27, v2;
	v28 =	vadd.f32 v23, v30;
	v23 =	vperm.xlane v17, v4;
	v26 =	vld [tilespmem:s4+$0x1700]  }
.LBB2_13:
0x221: {  	s11 =	sshra.s32 s3, $0x2;
	p1 =	sne.s32 s3, $0x4E00;
	s3 =	sadd.s32 $0x200, s3;
	v30 =	vperm.xlane v22, v3;
	v31 =	vld [tilespmem:s4+$0x3F50];
	v32 =	vperm.xlane v6, v1;
	v20 =	vadd.f32 v24, v20  }
0x222: {  	v33 =	vperm.xlane v13, v3;
	v24 =	vld [tilespmem:s11+$0x6720];
	v27 =	vadd.f32 v29, v27;
	v29 =	vperm.xlane v28, v3  }
0x223: {  	v16 =	vadd.f32 v21, v16;
	v18 =	vadd.f32 v25, v18;
	v34 =	vld [tilespmem:s11+$0x6740];
	v21 =	vperm.xlane v20, v4  }
0x224: {  	v13 =	vadd.f32 v33, v13;
	v25 =	vld [tilespmem:s11+$0x6710];
	v35 =	vperm.xlane v27, v3;
	v28 =	vadd.f32 v29, v28  }
0x225: {  	v22 =	vadd.f32 v30, v22;
	v29 =	vld [tilespmem:s11+$0x6750];
	v10 =	vmul.f32 v10, v26;
	v26 =	vperm.xlane v16, v2  }
0x226: {  	v20 =	vadd.f32 v21, v20;
	v30 =	vld [tilespmem:s11+$0x6770];
	v27 =	vadd.f32 v35, v27;
	v33 =	vperm.xlane v28, v4  }
0x227: {  	v17 =	vadd.f32 v23, v17;
	v18 =	vmul.f32 v18, v19;
	v21 =	vld [tilespmem:s11+$0x6760];
	v35 =	vperm.xlane v10, v1  }
0x228: {  	v19 =	vld [tilespmem:s11+$0x1750];
	v23 =	vperm.xlane v27, v4;
	v28 =	vadd.f32 v33, v28;
	v33 =	vperm.xlane v13, v4  }
0x229: {  	v15 =	vmul.f32 v17, v15;
	v36 =	vld [tilespmem:s11+$0x6730];
	v10 =	vadd.f32 v35, v10;
	v35 =	vperm.xlane v22, v4;
	[tilespmem:s0+$0x8F00] =	vst v18  }
0x22a: {  	v17 =	vld [tilespmem:s11+$0x1720];
	v18 =	vadd.f32 v23, v27;
	v23 =	vmul.f32 v28, v31;
	v13 =	vadd.f32 v33, v13  }
0x22b: {  	v6 =	vadd.f32 v32, v6;
	v12 =	vmul.f32 v20, v12;
	v27 =	vld [tilespmem:s11+$0x1770];
	v28 =	vperm.xlane v10, v2  }
0x22c: {  	v22 =	vadd.f32 v35, v22;
	v20 =	vld [tilespmem:s11+$0x1710];
	v14 =	vmul.f32 v18, v14;
	v8 =	vmul.f32 v13, v8;
	[tilespmem:s0+$0x8F60] =	vst v15  }
0x22d: {  	v15 =	vld [tilespmem:s11+$0x1760];
	v18 =	vadd.f32 v28, v10;
	v10 =	vperm.xlane v6, v2;
	[tilespmem:s0+$0x8F70] =	vst v12  }
0x22e: {  	v26 =	vadd.f32 v26, v16;
	v13 =	vperm.xlane v9, v2;
	v11 =	vmul.f32 v22, v11;
	v12 =	vld [tilespmem:s11+$0x1730];
	[tilespmem:s0+$0x8F40] =	vst v8;
	s0 =	smov.u32 s4;
	s4 =	smov.u32 s11  }
0x22f: {  	v8 =	vmul.f32 v24, v17;
	v17 =	vld [tilespmem:s4+$0x1740];
	v22 =	vperm.xlane v18, v3;
	[tilespmem:s0+$0x8F50] =	vst v23;
	v23 =	vadd.f32 v10, v6  }
0x230: {  	v13 =	vadd.f32 v13, v9;
	v24 =	vperm.xlane v26, v3;
	v10 =	vld [tilespmem:s4+$0x6700];
	v27 =	vmul.f32 v30, v27;
	[tilespmem:s0+$0x8F20] =	vst v11  }
0x231: {  	v16 =	vmul.f32 v25, v20;
	v9 =	vperm.xlane v8, v1;
	v18 =	vadd.f32 v22, v18;
	[tilespmem:s0+$0x8F30] =	vst v14  }
0x232: {  	v11 =	vmul.f32 v29, v19;
	v14 =	vadd.f32 v24, v26;
	v6 =	vmul.f32 v21, v15  }
0x233: {  	v9 =	vadd.f32 v9, v8;
	v22 =	vmul.f32 v36, v12;
	v25 =	vld [tilespmem:s0+$0x3F10];
	v12 =	vperm.xlane v23, v3  }
0x234: {  	v20 =	vadd.f32 v7, v5;
	v15 =	vperm.xlane v11, v1;
	v19 =	vperm.xlane v14, v4  }
0x235: {  	v26 =	vmul.f32 v34, v17;
	v7 =	vperm.xlane v9, v2;
	v8 =	vld [tilespmem:s0+$0x3F40];
	v17 =	vadd.f32 v12, v23  }
0x236: {  	v5 =	vperm.xlane v27, v1;
	v21 =	vperm.xlane v16, v1;
	v14 =	vadd.f32 v19, v14;
	v12 =	vld [tilespmem:s0+$0x3F70]  }
.Ltmp6:
0x237: {  	v24 =	vperm.xlane v20, v3;
	v28 =	vadd.f32 v15, v11;
	v23 =	vperm.xlane v22, v1;
	v15 =	vld [tilespmem:s0+$0x3F60];
	(pc) =	sbr.rel @p1 .LBB2_13-.Ltmp6, $4  }
0x238: {  	v5 =	vadd.f32 v5, v27;
	v29 =	vperm.xlane v26, v1;
	v19 =	vld [tilespmem:s0+$0x3F00];
	v30 =	vmul.f32 v14, v25  }
0x239: {  	v27 =	vadd.f32 v23, v22;
	v23 =	vperm.xlane v28, v2;
	v25 =	vperm.xlane v18, v4;
	v11 =	vld [tilespmem:s4+$0x3F20]  }
0x23a: {  	v22 =	vadd.f32 v7, v9;
	v7 =	vperm.xlane v5, v2;
	v9 =	vadd.f32 v29, v26;
	v14 =	vld [tilespmem:s4+$0x3F30];
	[tilespmem:s0+$0x8F10] =	vst v30  }
0x23b: {  	v29 =	vperm.xlane v27, v2;
	v28 =	vadd.f32 v23, v28;
	v23 =	vperm.xlane v17, v4;
	v26 =	vld [tilespmem:s4+$0x1700]  }
0x23c: {  	v30 =	vperm.xlane v22, v3;
	v31 =	vperm.xlane v6, v1;
	v20 =	vadd.f32 v24, v20  }
0x23d: {  	v32 =	vperm.xlane v13, v3;
	v16 =	vadd.f32 v21, v16;
	v18 =	vadd.f32 v25, v18  }
0x23e: {  	v48 =	vperm.xlane v9, v2;
	v5 =	vadd.f32 v7, v5;
	v62 =	vadd.f32 v29, v27  }
0x23f: {  	v63 =	vperm.xlane v28, v3;
	v17 =	vadd.f32 v23, v17;
	v33 =	vperm.xlane v20, v4  }
0x240: {  	v13 =	vadd.f32 v32, v13;
	v35 =	vperm.xlane v16, v2;
	v22 =	vadd.f32 v30, v22  }
0x241: {  	v18 =	vmul.f32 v18, v19;
	v6 =	vadd.f32 v31, v6;
	v54 =	vperm.xlane v5, v3  }
0x242: {  	v7 =	vadd.f32 v48, v9;
	v34 =	vperm.xlane v62, v3;
	v10 =	vmul.f32 v10, v26  }
0x243: {  	v27 =	vadd.f32 v63, v28;
	v15 =	vmul.f32 v17, v15;
	v39 =	vperm.xlane v13, v4  }
0x244: {  	v20 =	vadd.f32 v33, v20;
	v41 =	vperm.xlane v22, v4;
	v37 =	vperm.xlane v10, v1  }
0x245: {  	v46 =	vperm.xlane v6, v2;
	v47 =	vadd.f32 v35, v16;
	v5 =	vadd.f32 v54, v5  }
0x246: {  	v56 =	vperm.xlane v7, v3;
	v13 =	vadd.f32 v39, v13;
	v10 =	vadd.f32 v37, v10  }
0x247: {  	v38 =	vld [tilespmem:s4+$0x3F50];
	[tilespmem:s0+$0x8F00] =	vst v18;
	v12 =	vmul.f32 v20, v12;
	v6 =	vadd.f32 v46, v6;
	v49 =	vperm.xlane v47, v3  }
0x248: {  	v24 =	vadd.f32 v34, v62;
	[tilespmem:s0+$0x8F60] =	vst v15;
	v8 =	vmul.f32 v13, v8;
	v43 =	vperm.xlane v10, v2  }
0x249: {  	v36 =	vperm.xlane v27, v4;
	v44 =	vadd.f32 v41, v22;
	[tilespmem:s0+$0x8F70] =	vst v12;
	v52 =	vperm.xlane v6, v3  }
0x24a: {  	v62 =	vperm.xlane v5, v4;
	v51 =	vadd.f32 v49, v47;
	[tilespmem:s0+$0x8F40] =	vst v8;
	v10 =	vadd.f32 v43, v10  }
0x24b: {  	v40 =	vperm.xlane v24, v4;
	v25 =	vadd.f32 v36, v27;
	v6 =	vadd.f32 v52, v6;
	v53 =	vld [tilespmem:s4+$0x3F10]  }
0x24c: {  	v7 =	vadd.f32 v56, v7;
	v13 =	vperm.xlane v51, v4;
	v57 =	vld [tilespmem:s4+$0x3F60];
	v50 =	vperm.xlane v10, v3  }
0x24d: {  	v42 =	vadd.f32 v40, v24;
	v45 =	vmul.f32 v25, v38;
	v59 =	vld [tilespmem:s4+$0x3F70];
	v60 =	vperm.xlane v6, v4  }
0x24e: {  	v11 =	vmul.f32 v44, v11;
	v61 =	vld [tilespmem:s4+$0x3F40];
	v8 =	vadd.f32 v13, v51;
	v10 =	vadd.f32 v50, v10  }
0x24f: {  	v63 =	vperm.xlane v7, v4;
	v14 =	vmul.f32 v42, v14;
	[tilespmem:s4+$0x8F50] =	vst v45;
	v55 =	vld [tilespmem:s4+$0x3F00];
	v6 =	vadd.f32 v60, v6  }
0x250: {  	v5 =	vadd.f32 v62, v5;
	[tilespmem:s4+$0x8F20] =	vst v11;
	v8 =	vmul.f32 v8, v53;
	v58 =	vperm.xlane v10, v4  }
0x251: {  	s22 =	sadd.s32 $0x1, s22;
	v7 =	vadd.f32 v63, v7;
	[tilespmem:s4+$0x8F30] =	vst v14;
	v6 =	vmul.f32 v6, v57  }
0x252: {  	p1 =	sne.s32 s22, $0x7C;
	v5 =	vmul.f32 v5, v59;
	[tilespmem:s4+$0x8F10] =	vst v8;
	v10 =	vadd.f32 v58, v10  }
.Ltmp7:
0x253: {  	v7 =	vmul.f32 v7, v61;
	[tilespmem:s4+$0x8F60] =	vst v6;
	(pc) =	sbr.rel @p1 .LBB2_10-.Ltmp7, $4  }
0x254: {  	[tilespmem:s4+$0x8F70] =	vst v5;
	v9 =	vmul.f32 v10, v55  }
0x255: {  	[tilespmem:s4+$0x8F40] =	vst v7  }
0x256: {  	[tilespmem:s4+$0x8F00] =	vst v9  }
0x257: {  	[spmem:s2] =	stream.indirect.scatter.add.f32 [tilespmem:s20], [sflag:$0x6], $0x80, s18, s30, $0xb8;
	[tilespmem:$0x1DB80] =	vst v63  }
0x258: {  	_ =	swait.ge [sflag:s9], $0x1400  }
0x259: {  	[sflag:s9] =	ssyncset.done $0x0  }
0x25a: {  	[sflag:s9] =	ssyncadd.s32 $0xFFFFEC00  }
0x25b: {  	_ =	swait.ge [sflag:s9], $0x1400  }
0x25c: {  	[sflag:s9] =	ssyncset.done $0x0  }
0x25d: {  	[sflag:s9] =	ssyncadd.s32 $0xFFFFEC00  }
0x25e: {  	_ =	swait.ge [sflag:s9], $0x1400  }
0x25f: {  	[sflag:s9] =	ssyncset.done $0x0  }
0x260: {  	[sflag:s9] =	ssyncadd.s32 $0xFFFFEC00  }
0x261: {  	_ =	swait.ge [sflag:s19], $0x1400  }
0x262: {  	[sflag:s19] =	ssyncset.done $0x0  }
0x263: {  	[sflag:s19] =	ssyncadd.s32 $0xFFFFEC00  }
0x264: {  	v5 =	vld [tilespmem:$0x100]  }
0x265: {  	v6 =	vld [tilespmem:$0x110]  }
0x266: {  	v7 =	vld [tilespmem:$0x118];
	_ =	sdelay $0x2  }
0x267: {  	[tilespmem:$0x200] =	vst v5  }
0x268: {  	[tilespmem:$0x210] =	vst v6  }
0x269: {  	[tilespmem:$0x218] =	vst v7  }
0x26a: {  	_ =	swait.ge [sflag:s10], $0x28  }
0x26b: {  	[sflag:s10] =	ssyncset.done $0x0  }
0x26c: {  	[sflag:s10] =	ssyncadd.s32 $0xFFFFFFD8  }
0x26d: {  	_ =	swait.ge [sflag:s10], $0x28  }
0x26e: {  	[sflag:s10] =	ssyncset.done $0x0  }
0x26f: {  	s0 =	simm.s32 $0x1700;
	[sflag:s10] =	ssyncadd.s32 $0xFFFFFFD8  }
0x270: {  	[tilespmem:s0], [sflag:$0x4] =	stream.indirect.gather [hbm4b:s7+s30], $0x80, s26, s30, $0xb8;
	[tilespmem:$0x1DB80] =	vst v63  }
0x271: {  	_ = 	snop  }
0x272: {  	[tilespmem:s12], [sflag:$0x4] =	stream.indirect.gather [hbm4b:s8+s30], $0x80, s26, s30, $0xb8;
	[tilespmem:$0x1DB80] =	vst v63  }
0x273: {  	s0 =	simm.s32 $0x0  }
0x274: {  	[tilespmem:s15], [sflag:$0x4] =	stream.indirect.gather [hbm4b:s1+s30], $0x80, s28, s30, $0xb8;
	[tilespmem:$0x1DB80] =	vst v63  }
0x275: {  	v5 =	vld [tilespmem:s0+$0x5320]  }
0x276: {  	v6 =	vld [tilespmem:s0+$0x5340]  }
0x277: {  	v7 =	vld [tilespmem:s0+$0x5310]  }
0x278: {  	v8 =	vld [tilespmem:s0+$0x5350]  }
0x279: {  	v11 =	vld [tilespmem:s0+$0x350]  }
0x27a: {  	v12 =	vld [tilespmem:s0+$0x5330]  }
0x27b: {  	v13 =	vld [tilespmem:s0+$0x330]  }
0x27c: {  	v14 =	vld [tilespmem:s0+$0x320]  }
0x27d: {  	v9 =	vld [tilespmem:s0+$0x5370]  }
0x27e: {  	v10 =	vld [tilespmem:s0+$0x5360]  }
0x27f: {  	v15 =	vld [tilespmem:s0+$0x370];
	v8 =	vmul.f32 v8, v11  }
0x280: {  	v16 =	vld [tilespmem:s0+$0x310];
	v12 =	vmul.f32 v12, v13  }
0x281: {  	v17 =	vld [tilespmem:s0+$0x360];
	v5 =	vmul.f32 v5, v14;
	v14 =	vperm.xlane v8, v1  }
0x282: {  	v11 =	vld [tilespmem:s0+$0x340];
	v18 =	vperm.xlane v12, v1  }
0x283: {  	v13 =	vld [tilespmem:s0+$0x5300];
	v20 =	vperm.xlane v5, v1;
	v8 =	vadd.f32 v14, v8  }
0x284: {  	v9 =	vmul.f32 v9, v15;
	v15 =	vld [tilespmem:s0+$0x300];
	v12 =	vadd.f32 v18, v12  }
0x285: {  	s4 =	simm.s32 $0x80;
	v19 =	vld [tilespmem:s0+$0x2B20];
	v7 =	vmul.f32 v7, v16;
	v5 =	vadd.f32 v20, v5;
	v16 =	vperm.xlane v8, v2  }
0x286: {  	v24 =	vld [tilespmem:s4+$0x5350];
	v10 =	vmul.f32 v10, v17;
	v17 =	vperm.xlane v12, v2  }
0x287: {  	v27 =	vld [tilespmem:s4+$0x5330];
	v22 =	vperm.xlane v9, v1;
	v21 =	vperm.xlane v5, v2;
	v8 =	vadd.f32 v16, v8  }
0x288: {  	v30 =	vld [tilespmem:s4+$0x360];
	v28 =	vperm.xlane v10, v1;
	v6 =	vmul.f32 v6, v11;
	v12 =	vadd.f32 v17, v12  }
0x289: {  	v14 =	vld [tilespmem:s0+$0x2B30];
	v13 =	vmul.f32 v13, v15;
	v5 =	vadd.f32 v21, v5;
	v21 =	vperm.xlane v8, v3  }
0x28a: {  	v18 =	vld [tilespmem:s0+$0x2B50];
	v9 =	vadd.f32 v22, v9;
	v23 =	vperm.xlane v6, v1;
	v25 =	vperm.xlane v12, v3  }
0x28b: {  	v20 =	vld [tilespmem:s4+$0x5320];
	v10 =	vadd.f32 v28, v10;
	v22 =	vperm.xlane v5, v3;
	v8 =	vadd.f32 v21, v8  }
0x28c: {  	v28 =	vld [tilespmem:s4+$0x310];
	v6 =	vadd.f32 v23, v6;
	v23 =	vperm.xlane v13, v1;
	v12 =	vadd.f32 v25, v12  }
0x28d: {  	v11 =	vld [tilespmem:s4+$0x5340];
	v16 =	vperm.xlane v7, v1;
	v5 =	vadd.f32 v22, v5;
	v22 =	vperm.xlane v8, v4  }
0x28e: {  	v13 =	vadd.f32 v23, v13;
	v23 =	vld [tilespmem:s4+$0x320];
	v29 =	vperm.xlane v12, v4  }
0x28f: {  	v15 =	vld [tilespmem:s4+$0x5370];
	v7 =	vadd.f32 v16, v7;
	v16 =	vperm.xlane v5, v4;
	v8 =	vadd.f32 v22, v8  }
0x290: {  	v26 =	vperm.xlane v9, v2;
	v17 =	vld [tilespmem:s4+$0x5310];
	v12 =	vadd.f32 v29, v12;
	v29 =	vperm.xlane v13, v2  }
0x291: {  	v21 =	vld [tilespmem:s4+$0x5360];
	v5 =	vadd.f32 v16, v5;
	v16 =	vperm.xlane v6, v2;
	v8 =	vmul.f32 v8, v18  }
0x292: {  	v22 =	vld [tilespmem:s4+$0x370];
	v18 =	vperm.xlane v7, v2;
	v12 =	vmul.f32 v12, v14;
	v14 =	vadd.f32 v29, v13  }
0x293: {  	v25 =	vld [tilespmem:s4+$0x350];
	v20 =	vmul.f32 v20, v23;
	v13 =	vperm.xlane v10, v2  }
0x294: {  	v29 =	vld [tilespmem:s4+$0x330];
	v5 =	vmul.f32 v5, v19;
	v7 =	vadd.f32 v18, v7;
	v18 =	vperm.xlane v14, v3  }
0x295: {  	v19 =	vld [tilespmem:s4+$0x340];
	v23 =	vadd.f32 v13, v10;
	v13 =	vadd.f32 v16, v6;
	v16 =	vmul.f32 v17, v28  }
0x296: {  	[tilespmem:s0+$0x7B50] =	vst v8;
	v6 =	vmul.f32 v21, v30;
	v8 =	vperm.xlane v7, v3  }
0x297: {  	v10 =	vld [tilespmem:s4+$0x5300];
	v22 =	vmul.f32 v15, v22;
	[tilespmem:s0+$0x7B20] =	vst v5;
	v5 =	vperm.xlane v20, v1;
	v18 =	vadd.f32 v18, v14  }
0x298: {  	v14 =	vmul.f32 v24, v25;
	v21 =	vperm.xlane v16, v1;
	v7 =	vadd.f32 v8, v7  }
0x299: {  	v28 =	vadd.f32 v5, v20;
	v25 =	vmul.f32 v27, v29;
	v27 =	vld [tilespmem:s0+$0x2B10];
	v5 =	vperm.xlane v23, v3  }
0x29a: {  	v20 =	vadd.f32 v26, v9;
	v26 =	vmul.f32 v11, v19;
	v15 =	vperm.xlane v7, v4  }
0x29b: {  	[tilespmem:s0+$0x7B30] =	vst v12;
	v12 =	vld [tilespmem:s0+$0x2B70];
	v24 =	vperm.xlane v14, v1;
	v9 =	vperm.xlane v28, v2  }
0x29c: {  	v19 =	vld [tilespmem:s0+$0x2B00];
	v17 =	vadd.f32 v5, v23;
	v5 =	vperm.xlane v22, v1;
	v7 =	vadd.f32 v15, v7  }
0x29d: {  	v11 =	vld [tilespmem:s4+$0x2B20];
	v23 =	vperm.xlane v25, v1;
	v29 =	vperm.xlane v26, v1;
	v30 =	vadd.f32 v24, v14  }
0x29e: {  	v8 =	vld [tilespmem:s0+$0x2B40];
	v24 =	vperm.xlane v20, v3;
	v5 =	vadd.f32 v5, v22;
	v31 =	vmul.f32 v7, v27  }
0x29f: {  	v14 =	vld [tilespmem:s4+$0x2B30];
	v22 =	vadd.f32 v9, v28;
	v27 =	vadd.f32 v23, v25;
	v23 =	vperm.xlane v30, v2  }
0x2a0: {  	v9 =	vadd.f32 v29, v26;
	v15 =	vld [tilespmem:s0+$0x2B60];
	v25 =	vperm.xlane v18, v4;
	v7 =	vperm.xlane v5, v2;
	[tilespmem:s0+$0x7B10] =	vst v31  }
0x2a1: {  	s3 =	simm.s32 $0x400;
	v29 =	vperm.xlane v27, v2;
	v28 =	vadd.f32 v23, v30;
	v23 =	vperm.xlane v17, v4;
	v26 =	vld [tilespmem:s4+$0x300]  }
.LBB2_16:
0x2a2: {  	s11 =	sshra.s32 s3, $0x2;
	p1 =	sne.s32 s3, $0x4E00;
	s3 =	sadd.s32 $0x200, s3;
	v30 =	vperm.xlane v22, v3;
	v31 =	vld [tilespmem:s4+$0x2B50];
	v32 =	vperm.xlane v6, v1;
	v20 =	vadd.f32 v24, v20  }
0x2a3: {  	v33 =	vperm.xlane v13, v3;
	v24 =	vld [tilespmem:s11+$0x5320];
	v27 =	vadd.f32 v29, v27;
	v29 =	vperm.xlane v28, v3  }
0x2a4: {  	v16 =	vadd.f32 v21, v16;
	v18 =	vadd.f32 v25, v18;
	v34 =	vld [tilespmem:s11+$0x5340];
	v21 =	vperm.xlane v20, v4  }
0x2a5: {  	v13 =	vadd.f32 v33, v13;
	v25 =	vld [tilespmem:s11+$0x5310];
	v35 =	vperm.xlane v27, v3;
	v28 =	vadd.f32 v29, v28  }
0x2a6: {  	v22 =	vadd.f32 v30, v22;
	v29 =	vld [tilespmem:s11+$0x5350];
	v10 =	vmul.f32 v10, v26;
	v26 =	vperm.xlane v16, v2  }
0x2a7: {  	v20 =	vadd.f32 v21, v20;
	v30 =	vld [tilespmem:s11+$0x5370];
	v27 =	vadd.f32 v35, v27;
	v33 =	vperm.xlane v28, v4  }
0x2a8: {  	v17 =	vadd.f32 v23, v17;
	v18 =	vmul.f32 v18, v19;
	v21 =	vld [tilespmem:s11+$0x5360];
	v35 =	vperm.xlane v10, v1  }
0x2a9: {  	v19 =	vld [tilespmem:s11+$0x350];
	v23 =	vperm.xlane v27, v4;
	v28 =	vadd.f32 v33, v28;
	v33 =	vperm.xlane v13, v4  }
0x2aa: {  	v15 =	vmul.f32 v17, v15;
	v36 =	vld [tilespmem:s11+$0x5330];
	v10 =	vadd.f32 v35, v10;
	v35 =	vperm.xlane v22, v4;
	[tilespmem:s0+$0x7B00] =	vst v18  }
0x2ab: {  	v17 =	vld [tilespmem:s11+$0x320];
	v18 =	vadd.f32 v23, v27;
	v23 =	vmul.f32 v28, v31;
	v13 =	vadd.f32 v33, v13  }
0x2ac: {  	v6 =	vadd.f32 v32, v6;
	v12 =	vmul.f32 v20, v12;
	v27 =	vld [tilespmem:s11+$0x370];
	v28 =	vperm.xlane v10, v2  }
0x2ad: {  	v22 =	vadd.f32 v35, v22;
	v20 =	vld [tilespmem:s11+$0x310];
	v14 =	vmul.f32 v18, v14;
	v8 =	vmul.f32 v13, v8;
	[tilespmem:s0+$0x7B60] =	vst v15  }
0x2ae: {  	v15 =	vld [tilespmem:s11+$0x360];
	v18 =	vadd.f32 v28, v10;
	v10 =	vperm.xlane v6, v2;
	[tilespmem:s0+$0x7B70] =	vst v12  }
0x2af: {  	v26 =	vadd.f32 v26, v16;
	v13 =	vperm.xlane v9, v2;
	v11 =	vmul.f32 v22, v11;
	v12 =	vld [tilespmem:s11+$0x330];
	[tilespmem:s0+$0x7B40] =	vst v8;
	s0 =	smov.u32 s4;
	s4 =	smov.u32 s11  }
0x2b0: {  	v8 =	vmul.f32 v24, v17;
	v17 =	vld [tilespmem:s4+$0x340];
	v22 =	vperm.xlane v18, v3;
	[tilespmem:s0+$0x7B50] =	vst v23;
	v23 =	vadd.f32 v10, v6  }
0x2b1: {  	v13 =	vadd.f32 v13, v9;
	v24 =	vperm.xlane v26, v3;
	v10 =	vld [tilespmem:s4+$0x5300];
	v27 =	vmul.f32 v30, v27;
	[tilespmem:s0+$0x7B20] =	vst v11  }
0x2b2: {  	v16 =	vmul.f32 v25, v20;
	v9 =	vperm.xlane v8, v1;
	v18 =	vadd.f32 v22, v18;
	[tilespmem:s0+$0x7B30] =	vst v14  }
0x2b3: {  	v11 =	vmul.f32 v29, v19;
	v14 =	vadd.f32 v24, v26;
	v6 =	vmul.f32 v21, v15  }
0x2b4: {  	v9 =	vadd.f32 v9, v8;
	v22 =	vmul.f32 v36, v12;
	v25 =	vld [tilespmem:s0+$0x2B10];
	v12 =	vperm.xlane v23, v3  }
0x2b5: {  	v20 =	vadd.f32 v7, v5;
	v15 =	vperm.xlane v11, v1;
	v19 =	vperm.xlane v14, v4  }
0x2b6: {  	v26 =	vmul.f32 v34, v17;
	v7 =	vperm.xlane v9, v2;
	v8 =	vld [tilespmem:s0+$0x2B40];
	v17 =	vadd.f32 v12, v23  }
0x2b7: {  	v5 =	vperm.xlane v27, v1;
	v21 =	vperm.xlane v16, v1;
	v14 =	vadd.f32 v19, v14;
	v12 =	vld [tilespmem:s0+$0x2B70]  }
.Ltmp8:
0x2b8: {  	v24 =	vperm.xlane v20, v3;
	v28 =	vadd.f32 v15, v11;
	v23 =	vperm.xlane v22, v1;
	v15 =	vld [tilespmem:s0+$0x2B60];
	(pc) =	sbr.rel @p1 .LBB2_16-.Ltmp8, $4  }
0x2b9: {  	v5 =	vadd.f32 v5, v27;
	v29 =	vperm.xlane v26, v1;
	v19 =	vld [tilespmem:s0+$0x2B00];
	v30 =	vmul.f32 v14, v25  }
0x2ba: {  	v27 =	vadd.f32 v23, v22;
	v23 =	vperm.xlane v28, v2;
	v25 =	vperm.xlane v18, v4;
	v11 =	vld [tilespmem:s4+$0x2B20]  }
0x2bb: {  	v22 =	vadd.f32 v7, v9;
	v7 =	vperm.xlane v5, v2;
	v9 =	vadd.f32 v29, v26;
	v14 =	vld [tilespmem:s4+$0x2B30];
	[tilespmem:s0+$0x7B10] =	vst v30  }
0x2bc: {  	v29 =	vperm.xlane v27, v2;
	v28 =	vadd.f32 v23, v28;
	v23 =	vperm.xlane v17, v4;
	v26 =	vld [tilespmem:s4+$0x300]  }
0x2bd: {  	v30 =	vperm.xlane v22, v3;
	v20 =	vadd.f32 v24, v20;
	v16 =	vadd.f32 v21, v16  }
0x2be: {  	v31 =	vperm.xlane v6, v1;
	v18 =	vadd.f32 v25, v18;
	v24 =	vadd.f32 v29, v27  }
0x2bf: {  	v27 =	vperm.xlane v28, v3;
	v29 =	vperm.xlane v13, v3;
	v17 =	vadd.f32 v23, v17  }
0x2c0: {  	v21 =	vperm.xlane v20, v4;
	v22 =	vadd.f32 v30, v22;
	v18 =	vmul.f32 v18, v19  }
0x2c1: {  	v25 =	vperm.xlane v24, v3;
	v13 =	vadd.f32 v29, v13;
	v10 =	vmul.f32 v10, v26  }
0x2c2: {  	v27 =	vadd.f32 v27, v28;
	v15 =	vmul.f32 v17, v15;
	v20 =	vadd.f32 v21, v20  }
0x2c3: {  	v28 =	vld [tilespmem:s4+$0x2B50];
	v24 =	vadd.f32 v25, v24;
	v19 =	vperm.xlane v13, v4;
	v21 =	vperm.xlane v10, v1  }
0x2c4: {  	v6 =	vadd.f32 v31, v6;
	v26 =	vperm.xlane v16, v2;
	v25 =	vperm.xlane v27, v4  }
0x2c5: {  	v23 =	vperm.xlane v24, v4;
	v13 =	vadd.f32 v19, v13;
	v10 =	vadd.f32 v21, v10  }
0x2c6: {  	[tilespmem:s0+$0x7B00] =	vst v18;
	v12 =	vmul.f32 v20, v12;
	v25 =	vadd.f32 v25, v27;
	v21 =	vperm.xlane v22, v4  }
0x2c7: {  	[tilespmem:s0+$0x7B60] =	vst v15;
	v17 =	vadd.f32 v23, v24;
	v8 =	vmul.f32 v13, v8;
	v18 =	vperm.xlane v10, v2  }
0x2c8: {  	v15 =	vperm.xlane v6, v2;
	[tilespmem:s0+$0x7B70] =	vst v12;
	v12 =	vadd.f32 v26, v16;
	v13 =	vmul.f32 v25, v28  }
0x2c9: {  	v19 =	vadd.f32 v21, v22;
	v14 =	vmul.f32 v17, v14;
	[tilespmem:s0+$0x7B40] =	vst v8;
	v10 =	vadd.f32 v18, v10  }
0x2ca: {  	v6 =	vadd.f32 v15, v6;
	v8 =	vperm.xlane v9, v2;
	[tilespmem:s4+$0x7B50] =	vst v13;
	v13 =	vperm.xlane v12, v3  }
0x2cb: {  	v5 =	vadd.f32 v7, v5;
	v11 =	vmul.f32 v19, v11;
	v15 =	vperm.xlane v10, v3  }
0x2cc: {  	v7 =	vadd.f32 v8, v9;
	v9 =	vperm.xlane v6, v3;
	v8 =	vadd.f32 v13, v12  }
0x2cd: {  	[tilespmem:s4+$0x7B20] =	vst v11;
	v11 =	vld [tilespmem:s4+$0x2B10];
	v12 =	vperm.xlane v5, v3;
	v10 =	vadd.f32 v15, v10  }
0x2ce: {  	[tilespmem:s4+$0x7B30] =	vst v14;
	v6 =	vadd.f32 v9, v6;
	v9 =	vld [tilespmem:s4+$0x2B00];
	v14 =	vperm.xlane v7, v3;
	v13 =	vperm.xlane v8, v4  }
0x2cf: {  	v15 =	vld [tilespmem:s4+$0x2B60];
	v5 =	vadd.f32 v12, v5;
	v16 =	vperm.xlane v10, v4  }
0x2d0: {  	v12 =	vld [tilespmem:s4+$0x2B70];
	v7 =	vadd.f32 v14, v7;
	v8 =	vadd.f32 v13, v8;
	v13 =	vperm.xlane v6, v4  }
0x2d1: {  	v14 =	vld [tilespmem:s4+$0x2B40];
	v10 =	vadd.f32 v16, v10;
	v16 =	vperm.xlane v5, v4  }
0x2d2: {  	v8 =	vmul.f32 v8, v11;
	v6 =	vadd.f32 v13, v6;
	v11 =	vperm.xlane v7, v4  }
0x2d3: {  	v5 =	vadd.f32 v16, v5;
	v9 =	vmul.f32 v10, v9  }
0x2d4: {  	[tilespmem:s4+$0x7B10] =	vst v8;
	v6 =	vmul.f32 v6, v15;
	v7 =	vadd.f32 v11, v7  }
0x2d5: {  	[tilespmem:s4+$0x7B00] =	vst v9;
	v5 =	vmul.f32 v5, v12  }
0x2d6: {  	v7 =	vmul.f32 v7, v14;
	[tilespmem:s4+$0x7B60] =	vst v6  }
0x2d7: {  	[tilespmem:s4+$0x7B70] =	vst v5  }
0x2d8: {  	[tilespmem:s4+$0x7B40] =	vst v7  }
0x2d9: {  	[spmem:s2] =	stream.indirect.scatter.add.f32 [tilespmem:s23], [sflag:$0x5], $0x80, s16, s30, $0xb8;
	[tilespmem:$0x1DB80] =	vst v63  }
0x2da: {  	_ =	swait.ge [sflag:s17], $0x1400  }
0x2db: {  	[sflag:s17] =	ssyncset.done $0x0  }
0x2dc: {  	[sflag:s17] =	ssyncadd.s32 $0xFFFFEC00  }
0x2dd: {  	_ =	swait.ge [sflag:s17], $0x1400  }
0x2de: {  	[sflag:s17] =	ssyncset.done $0x0  }
0x2df: {  	[sflag:s17] =	ssyncadd.s32 $0xFFFFEC00  }
0x2e0: {  	_ =	swait.ge [sflag:s17], $0x1400  }
0x2e1: {  	[sflag:s17] =	ssyncset.done $0x0  }
0x2e2: {  	[sflag:s17] =	ssyncadd.s32 $0xFFFFEC00  }
0x2e3: {  	_ =	swait.ge [sflag:s21], $0x1400  }
0x2e4: {  	[sflag:s21] =	ssyncset.done $0x0  }
0x2e5: {  	[sflag:s21] =	ssyncadd.s32 $0xFFFFEC00  }
0x2e6: {  	v5 =	vld [tilespmem:$0x180]  }
0x2e7: {  	v6 =	vld [tilespmem:$0x190]  }
0x2e8: {  	v7 =	vld [tilespmem:$0x198];
	_ =	sdelay $0x2  }
0x2e9: {  	[tilespmem:$0x280] =	vst v5  }
0x2ea: {  	[tilespmem:$0x290] =	vst v6  }
0x2eb: {  	s0 =	simm.s32 $0x0;
	[tilespmem:$0x298] =	vst v7  }
0x2ec: {  	v5 =	vld [tilespmem:s0+$0x6720]  }
0x2ed: {  	v7 =	vld [tilespmem:s0+$0x6710]  }
0x2ee: {  	v8 =	vld [tilespmem:s0+$0x6750]  }
0x2ef: {  	v9 =	vld [tilespmem:s0+$0x6770]  }
0x2f0: {  	v10 =	vld [tilespmem:s0+$0x6760]  }
0x2f1: {  	v11 =	vld [tilespmem:s0+$0x1750]  }
0x2f2: {  	v12 =	vld [tilespmem:s0+$0x6730]  }
0x2f3: {  	v13 =	vld [tilespmem:s0+$0x1730]  }
0x2f4: {  	v14 =	vld [tilespmem:s0+$0x1720]  }
0x2f5: {  	v15 =	vld [tilespmem:s0+$0x1770]  }
0x2f6: {  	v16 =	vld [tilespmem:s0+$0x1710]  }
0x2f7: {  	v17 =	vld [tilespmem:s0+$0x1760];
	v8 =	vmul.f32 v8, v11  }
0x2f8: {  	v6 =	vld [tilespmem:s0+$0x6740];
	v12 =	vmul.f32 v12, v13  }
0x2f9: {  	v11 =	vld [tilespmem:s0+$0x1740];
	v5 =	vmul.f32 v5, v14;
	v14 =	vperm.xlane v8, v1  }
0x2fa: {  	v13 =	vld [tilespmem:s0+$0x6700];
	v18 =	vperm.xlane v12, v1  }
0x2fb: {  	v9 =	vmul.f32 v9, v15;
	v15 =	vld [tilespmem:s0+$0x1700];
	v20 =	vperm.xlane v5, v1;
	v8 =	vadd.f32 v14, v8  }
0x2fc: {  	s4 =	simm.s32 $0x80;
	v19 =	vld [tilespmem:s0+$0x3F20];
	v7 =	vmul.f32 v7, v16;
	v10 =	vmul.f32 v10, v17;
	v12 =	vadd.f32 v18, v12  }
0x2fd: {  	v24 =	vld [tilespmem:s4+$0x6750];
	v22 =	vperm.xlane v9, v1;
	v5 =	vadd.f32 v20, v5;
	v16 =	vperm.xlane v8, v2  }
0x2fe: {  	v27 =	vld [tilespmem:s4+$0x6730];
	v28 =	vperm.xlane v10, v1;
	v17 =	vperm.xlane v12, v2  }
0x2ff: {  	v31 =	vld [tilespmem:s4+$0x1760];
	v6 =	vmul.f32 v6, v11;
	v21 =	vperm.xlane v5, v2;
	v8 =	vadd.f32 v16, v8  }
0x300: {  	v14 =	vld [tilespmem:s0+$0x3F30];
	v9 =	vadd.f32 v22, v9;
	v13 =	vmul.f32 v13, v15;
	v12 =	vadd.f32 v17, v12  }
0x301: {  	v18 =	vld [tilespmem:s0+$0x3F50];
	v23 =	vperm.xlane v6, v1;
	v5 =	vadd.f32 v21, v5;
	v21 =	vperm.xlane v8, v3  }
0x302: {  	v20 =	vld [tilespmem:s4+$0x6720];
	v10 =	vadd.f32 v28, v10;
	v16 =	vperm.xlane v7, v1;
	v25 =	vperm.xlane v12, v3  }
0x303: {  	v28 =	vld [tilespmem:s4+$0x1710];
	v6 =	vadd.f32 v23, v6;
	v22 =	vperm.xlane v5, v3;
	v8 =	vadd.f32 v21, v8  }
0x304: {  	v11 =	vld [tilespmem:s4+$0x6740];
	v23 =	vperm.xlane v13, v1;
	v7 =	vadd.f32 v16, v7;
	v12 =	vadd.f32 v25, v12  }
0x305: {  	v15 =	vld [tilespmem:s4+$0x6770];
	v5 =	vadd.f32 v22, v5;
	v22 =	vperm.xlane v8, v4  }
0x306: {  	v13 =	vadd.f32 v23, v13;
	v23 =	vld [tilespmem:s4+$0x1720];
	v30 =	vperm.xlane v7, v2;
	v29 =	vperm.xlane v12, v4  }
0x307: {  	v26 =	vperm.xlane v9, v2;
	v17 =	vld [tilespmem:s4+$0x6710];
	v16 =	vperm.xlane v5, v4;
	v8 =	vadd.f32 v22, v8  }
0x308: {  	v21 =	vld [tilespmem:s4+$0x6760];
	v7 =	vadd.f32 v30, v7;
	v12 =	vadd.f32 v29, v12;
	v29 =	vperm.xlane v13, v2  }
0x309: {  	v22 =	vld [tilespmem:s4+$0x1770];
	v5 =	vadd.f32 v16, v5;
	v16 =	vperm.xlane v6, v2;
	v8 =	vmul.f32 v8, v18  }
0x30a: {  	v25 =	vld [tilespmem:s4+$0x1750];
	v12 =	vmul.f32 v12, v14;
	v14 =	vadd.f32 v29, v13;
	v13 =	vperm.xlane v10, v2  }
0x30b: {  	v20 =	vmul.f32 v20, v23;
	v29 =	vld [tilespmem:s4+$0x1730];
	v5 =	vmul.f32 v5, v19  }
0x30c: {  	v19 =	vld [tilespmem:s4+$0x1740];
	v18 =	vperm.xlane v14, v3;
	[tilespmem:s0+$0x8F50] =	vst v8;
	v23 =	vadd.f32 v13, v10;
	v8 =	vperm.xlane v7, v3  }
0x30d: {  	v13 =	vadd.f32 v16, v6;
	v16 =	vmul.f32 v17, v28;
	v6 =	vmul.f32 v21, v31  }
0x30e: {  	v10 =	vld [tilespmem:s4+$0x6700];
	v22 =	vmul.f32 v15, v22;
	[tilespmem:s0+$0x8F20] =	vst v5;
	v5 =	vperm.xlane v20, v1;
	v18 =	vadd.f32 v18, v14  }
0x30f: {  	v14 =	vmul.f32 v24, v25;
	v7 =	vadd.f32 v8, v7;
	v21 =	vperm.xlane v16, v1  }
0x310: {  	v28 =	vadd.f32 v5, v20;
	v25 =	vmul.f32 v27, v29;
	v27 =	vld [tilespmem:s0+$0x3F10];
	v5 =	vperm.xlane v23, v3  }
0x311: {  	v20 =	vadd.f32 v26, v9;
	v26 =	vmul.f32 v11, v19;
	v15 =	vperm.xlane v7, v4  }
0x312: {  	[tilespmem:s0+$0x8F30] =	vst v12;
	v12 =	vld [tilespmem:s0+$0x3F70];
	v24 =	vperm.xlane v14, v1;
	v9 =	vperm.xlane v28, v2  }
0x313: {  	v8 =	vld [tilespmem:s0+$0x3F40];
	v17 =	vadd.f32 v5, v23;
	v5 =	vperm.xlane v22, v1;
	v7 =	vadd.f32 v15, v7  }
0x314: {  	v19 =	vld [tilespmem:s0+$0x3F00];
	v23 =	vperm.xlane v25, v1;
	v29 =	vperm.xlane v26, v1;
	v30 =	vadd.f32 v24, v14  }
0x315: {  	v11 =	vld [tilespmem:s4+$0x3F20];
	v24 =	vperm.xlane v20, v3;
	v5 =	vadd.f32 v5, v22;
	v31 =	vmul.f32 v7, v27  }
0x316: {  	v15 =	vld [tilespmem:s0+$0x3F60];
	v22 =	vadd.f32 v9, v28;
	v27 =	vadd.f32 v23, v25;
	v23 =	vperm.xlane v30, v2  }
0x317: {  	v14 =	vld [tilespmem:s4+$0x3F30];
	v9 =	vadd.f32 v29, v26;
	v25 =	vperm.xlane v18, v4;
	v7 =	vperm.xlane v5, v2;
	[tilespmem:s0+$0x8F10] =	vst v31  }
0x318: {  	s3 =	simm.s32 $0x400;
	s31 =	rddreg [dreg:$0xf];
	v29 =	vperm.xlane v27, v2;
	v28 =	vadd.f32 v23, v30;
	v23 =	vperm.xlane v17, v4;
	v26 =	vld [tilespmem:s4+$0x1700]  }
.LBB2_18:
0x319: {  	s11 =	sshra.s32 s3, $0x2;
	p1 =	sne.s32 s3, $0x4E00;
	s3 =	sadd.s32 $0x200, s3;
	v30 =	vperm.xlane v22, v3;
	v31 =	vld [tilespmem:s4+$0x3F50];
	v32 =	vperm.xlane v6, v1;
	v20 =	vadd.f32 v24, v20  }
0x31a: {  	v33 =	vperm.xlane v13, v3;
	v24 =	vld [tilespmem:s11+$0x6720];
	v27 =	vadd.f32 v29, v27;
	v29 =	vperm.xlane v28, v3  }
0x31b: {  	v16 =	vadd.f32 v21, v16;
	v18 =	vadd.f32 v25, v18;
	v34 =	vld [tilespmem:s11+$0x6740];
	v21 =	vperm.xlane v20, v4  }
0x31c: {  	v13 =	vadd.f32 v33, v13;
	v25 =	vld [tilespmem:s11+$0x6710];
	v35 =	vperm.xlane v27, v3;
	v28 =	vadd.f32 v29, v28  }
0x31d: {  	v22 =	vadd.f32 v30, v22;
	v29 =	vld [tilespmem:s11+$0x6750];
	v10 =	vmul.f32 v10, v26;
	v26 =	vperm.xlane v16, v2  }
0x31e: {  	v20 =	vadd.f32 v21, v20;
	v30 =	vld [tilespmem:s11+$0x6770];
	v27 =	vadd.f32 v35, v27;
	v33 =	vperm.xlane v28, v4  }
0x31f: {  	v17 =	vadd.f32 v23, v17;
	v18 =	vmul.f32 v18, v19;
	v21 =	vld [tilespmem:s11+$0x6760];
	v35 =	vperm.xlane v10, v1  }
0x320: {  	v19 =	vld [tilespmem:s11+$0x1750];
	v23 =	vperm.xlane v27, v4;
	v28 =	vadd.f32 v33, v28;
	v33 =	vperm.xlane v13, v4  }
0x321: {  	v15 =	vmul.f32 v17, v15;
	v36 =	vld [tilespmem:s11+$0x6730];
	v10 =	vadd.f32 v35, v10;
	v35 =	vperm.xlane v22, v4;
	[tilespmem:s0+$0x8F00] =	vst v18  }
0x322: {  	v17 =	vld [tilespmem:s11+$0x1720];
	v18 =	vadd.f32 v23, v27;
	v23 =	vmul.f32 v28, v31;
	v13 =	vadd.f32 v33, v13  }
0x323: {  	v6 =	vadd.f32 v32, v6;
	v12 =	vmul.f32 v20, v12;
	v27 =	vld [tilespmem:s11+$0x1770];
	v28 =	vperm.xlane v10, v2  }
0x324: {  	v22 =	vadd.f32 v35, v22;
	v20 =	vld [tilespmem:s11+$0x1710];
	v14 =	vmul.f32 v18, v14;
	v8 =	vmul.f32 v13, v8;
	[tilespmem:s0+$0x8F60] =	vst v15  }
0x325: {  	v15 =	vld [tilespmem:s11+$0x1760];
	v18 =	vadd.f32 v28, v10;
	v10 =	vperm.xlane v6, v2;
	[tilespmem:s0+$0x8F70] =	vst v12  }
0x326: {  	v26 =	vadd.f32 v26, v16;
	v13 =	vperm.xlane v9, v2;
	v11 =	vmul.f32 v22, v11;
	v12 =	vld [tilespmem:s11+$0x1730];
	[tilespmem:s0+$0x8F40] =	vst v8;
	s0 =	smov.u32 s4;
	s4 =	smov.u32 s11  }
0x327: {  	v8 =	vmul.f32 v24, v17;
	v17 =	vld [tilespmem:s4+$0x1740];
	v22 =	vperm.xlane v18, v3;
	[tilespmem:s0+$0x8F50] =	vst v23;
	v23 =	vadd.f32 v10, v6  }
0x328: {  	v13 =	vadd.f32 v13, v9;
	v24 =	vperm.xlane v26, v3;
	v10 =	vld [tilespmem:s4+$0x6700];
	v27 =	vmul.f32 v30, v27;
	[tilespmem:s0+$0x8F20] =	vst v11  }
0x329: {  	v16 =	vmul.f32 v25, v20;
	v9 =	vperm.xlane v8, v1;
	v18 =	vadd.f32 v22, v18;
	[tilespmem:s0+$0x8F30] =	vst v14  }
0x32a: {  	v11 =	vmul.f32 v29, v19;
	v14 =	vadd.f32 v24, v26;
	v6 =	vmul.f32 v21, v15  }
0x32b: {  	v9 =	vadd.f32 v9, v8;
	v22 =	vmul.f32 v36, v12;
	v25 =	vld [tilespmem:s0+$0x3F10];
	v12 =	vperm.xlane v23, v3  }
0x32c: {  	v20 =	vadd.f32 v7, v5;
	v15 =	vperm.xlane v11, v1;
	v19 =	vperm.xlane v14, v4  }
0x32d: {  	v26 =	vmul.f32 v34, v17;
	v7 =	vperm.xlane v9, v2;
	v8 =	vld [tilespmem:s0+$0x3F40];
	v17 =	vadd.f32 v12, v23  }
0x32e: {  	v5 =	vperm.xlane v27, v1;
	v21 =	vperm.xlane v16, v1;
	v14 =	vadd.f32 v19, v14;
	v12 =	vld [tilespmem:s0+$0x3F70]  }
.Ltmp9:
0x32f: {  	v24 =	vperm.xlane v20, v3;
	v28 =	vadd.f32 v15, v11;
	v23 =	vperm.xlane v22, v1;
	v15 =	vld [tilespmem:s0+$0x3F60];
	(pc) =	sbr.rel @p1 .LBB2_18-.Ltmp9, $4  }
0x330: {  	v5 =	vadd.f32 v5, v27;
	v29 =	vperm.xlane v26, v1;
	v19 =	vld [tilespmem:s0+$0x3F00];
	v30 =	vmul.f32 v14, v25  }
0x331: {  	v27 =	vadd.f32 v23, v22;
	v23 =	vperm.xlane v28, v2;
	v25 =	vperm.xlane v18, v4;
	v11 =	vld [tilespmem:s4+$0x3F20]  }
0x332: {  	v22 =	vadd.f32 v7, v9;
	v7 =	vperm.xlane v5, v2;
	v9 =	vadd.f32 v29, v26;
	v14 =	vld [tilespmem:s4+$0x3F30];
	[tilespmem:s0+$0x8F10] =	vst v30  }
0x333: {  	v29 =	vperm.xlane v27, v2;
	v28 =	vadd.f32 v23, v28;
	v23 =	vperm.xlane v17, v4;
	v26 =	vld [tilespmem:s4+$0x1700]  }
0x334: {  	v30 =	vperm.xlane v22, v3;
	v31 =	vperm.xlane v6, v1;
	v20 =	vadd.f32 v24, v20  }
0x335: {  	v32 =	vperm.xlane v13, v3;
	v16 =	vadd.f32 v21, v16;
	v18 =	vadd.f32 v25, v18  }
0x336: {  	v48 =	vperm.xlane v9, v2;
	v5 =	vadd.f32 v7, v5;
	v62 =	vadd.f32 v29, v27  }
0x337: {  	v63 =	vperm.xlane v28, v3;
	v17 =	vadd.f32 v23, v17;
	v33 =	vperm.xlane v20, v4  }
0x338: {  	v13 =	vadd.f32 v32, v13;
	v35 =	vperm.xlane v16, v2;
	v22 =	vadd.f32 v30, v22  }
0x339: {  	v18 =	vmul.f32 v18, v19;
	v6 =	vadd.f32 v31, v6;
	v54 =	vperm.xlane v5, v3  }
0x33a: {  	v7 =	vadd.f32 v48, v9;
	v34 =	vperm.xlane v62, v3;
	v10 =	vmul.f32 v10, v26  }
0x33b: {  	v27 =	vadd.f32 v63, v28;
	v15 =	vmul.f32 v17, v15;
	v39 =	vperm.xlane v13, v4  }
0x33c: {  	v20 =	vadd.f32 v33, v20;
	v41 =	vperm.xlane v22, v4;
	v37 =	vperm.xlane v10, v1  }
0x33d: {  	v46 =	vperm.xlane v6, v2;
	v47 =	vadd.f32 v35, v16;
	v5 =	vadd.f32 v54, v5  }
0x33e: {  	v56 =	vperm.xlane v7, v3;
	v13 =	vadd.f32 v39, v13;
	v10 =	vadd.f32 v37, v10  }
0x33f: {  	v38 =	vld [tilespmem:s4+$0x3F50];
	[tilespmem:s0+$0x8F00] =	vst v18;
	v12 =	vmul.f32 v20, v12;
	v6 =	vadd.f32 v46, v6;
	v49 =	vperm.xlane v47, v3  }
0x340: {  	v24 =	vadd.f32 v34, v62;
	[tilespmem:s0+$0x8F60] =	vst v15;
	v8 =	vmul.f32 v13, v8;
	v43 =	vperm.xlane v10, v2  }
0x341: {  	v36 =	vperm.xlane v27, v4;
	v44 =	vadd.f32 v41, v22;
	[tilespmem:s0+$0x8F70] =	vst v12;
	v52 =	vperm.xlane v6, v3  }
0x342: {  	v62 =	vperm.xlane v5, v4;
	v51 =	vadd.f32 v49, v47;
	[tilespmem:s0+$0x8F40] =	vst v8;
	v10 =	vadd.f32 v43, v10  }
0x343: {  	v40 =	vperm.xlane v24, v4;
	v25 =	vadd.f32 v36, v27;
	v6 =	vadd.f32 v52, v6;
	v53 =	vld [tilespmem:s4+$0x3F10]  }
0x344: {  	v7 =	vadd.f32 v56, v7;
	v13 =	vperm.xlane v51, v4;
	v57 =	vld [tilespmem:s4+$0x3F60];
	v50 =	vperm.xlane v10, v3  }
0x345: {  	v42 =	vadd.f32 v40, v24;
	v45 =	vmul.f32 v25, v38;
	v59 =	vld [tilespmem:s4+$0x3F70];
	v60 =	vperm.xlane v6, v4  }
0x346: {  	v11 =	vmul.f32 v44, v11;
	v61 =	vld [tilespmem:s4+$0x3F40];
	v8 =	vadd.f32 v13, v51;
	v10 =	vadd.f32 v50, v10  }
0x347: {  	v63 =	vperm.xlane v7, v4;
	v14 =	vmul.f32 v42, v14;
	[tilespmem:s4+$0x8F50] =	vst v45;
	v55 =	vld [tilespmem:s4+$0x3F00];
	v6 =	vadd.f32 v60, v6  }
0x348: {  	v5 =	vadd.f32 v62, v5;
	[tilespmem:s4+$0x8F20] =	vst v11;
	v8 =	vmul.f32 v8, v53;
	v58 =	vperm.xlane v10, v4  }
0x349: {  	v7 =	vadd.f32 v63, v7;
	[tilespmem:s4+$0x8F30] =	vst v14;
	v6 =	vmul.f32 v6, v57  }
0x34a: {  	v5 =	vmul.f32 v5, v59;
	[tilespmem:s4+$0x8F10] =	vst v8;
	v10 =	vadd.f32 v58, v10  }
0x34b: {  	v7 =	vmul.f32 v7, v61;
	[tilespmem:s4+$0x8F60] =	vst v6  }
0x34c: {  	[tilespmem:s4+$0x8F70] =	vst v5;
	v9 =	vmul.f32 v10, v55  }
0x34d: {  	[tilespmem:s4+$0x8F40] =	vst v7  }
0x34e: {  	[tilespmem:s4+$0x8F00] =	vst v9  }
0x34f: {  	[spmem:s2] =	stream.indirect.scatter.add.f32 [tilespmem:s20], [sflag:$0x6], $0x80, s18, s30, $0xb8;
	[tilespmem:$0x1DB80] =	vst v63  }
0x350: {  	_ =	swait.ge [sflag:s19], $0x1400  }
0x351: {  	[sflag:s19] =	ssyncset.done $0x0  }
0x352: {  	[sflag:s19] =	ssyncadd.s32 $0xFFFFEC00  }
0x353: {  	_ =	swait.ge [sflag:s21], $0x1400  }
0x354: {  	[sflag:s21] =	ssyncset.done $0x0  }
0x355: {  	[sflag:s21] =	ssyncadd.s32 $0xFFFFEC00  }
.Ltmp10:
0x356: {  	s11 =	stileid.u32;
	[bflag:$0x0] =	sbarrier.arrive $0xFFFF;
	(pc) =	sbr.rel @!p0 .LBB2_21-.Ltmp10, $4  }
0x357: {  	s0 =	sshll.u32 s11, $0x6;
	s11 =	rddreg [dreg:$0x10]  }
0x358: {  	s0 =	sor.u32 $0x1C07, s0;
	s22 =	rddreg [dreg:$0xd];
	s3 =	sshrl.u32 s11, $0x3  }
0x359: {  	[hbm:s22], [sflag:s0] =	dma.local [spmem:s3], $0x280  }
0x35a: {  	s4 =	sadd.s32 $0x2800, s22;
	s3 =	sadd.s32 $0xFFFFFFFF, s31;
	_ =	swait.ge [sflag:s24], $0x280  }
.LBB2_20:
0x35b: {  	[sflag:s24] =	ssyncset.done $0x0;
	s11 =	sadd.s32 $0x14000, s11;
	p0 =	sne.s32 s3, $0x1  }
.Ltmp11:
0x35c: {  	s22 =	sshrl.u32 s11, $0x3;
	[sflag:s24] =	ssyncadd.s32 $0xFFFFFD80;
	(pc) =	sbr.rel @p0 .LBB2_20-.Ltmp11, $3  }
0x35d: {  	[hbm:s4], [sflag:s0] =	dma.local [spmem:s22], $0x280  }
0x35e: {  	s3 =	sadd.s32 $0xFFFFFFFF, s3;
	_ =	sdelay $0x1  }
0x35f: {  	s4 =	sadd.s32 $0x2800, s4;
	_ =	swait.ge [sflag:s24], $0x280  }
.LBB2_21:
0x360: {  	s22 =	rddreg [dreg:$0x4]  }
0x361: {  	s0 =	rddreg [dreg:$0xe];
	s22 =	sadd.s32 $0x1, s22  }
0x362: {  	p0 =	sne.s32 s22, s0  }
.Ltmp12:
0x363: {  	_ = 	snop;
	(pc) =	sbr.rel @p0 .LBB2_1-.Ltmp12, $3  }
0x364: {  	_ =	sdelay $0x1  }
0x365: {  	[sflag:s24] =	ssyncset.done $0x0  }
0x366: {  	[sflag:s24] =	ssyncadd.s32 $0xFFFFFD80  }
0x367: {  	_ =	sfence.sel $0x180000  }
0x368: {  	[bflag:$0x0] =	sbarrier.arrive $0xFFFF  }
0x369: {  	_ =	strace $0x90000047  }
0x36a: {  	s0 =	stileid.u32;
	[bflag:$0x2] =	sbarrier.arrive $0xFFFF  }
0x36b: {  	p0 =	sne.s32 s0, $0x0;
	s0 =	rddreg [dreg:$0x3]  }
0x36c: {  	s0 =	sadd.s32 @!p0 $0x100000, s0  }
0x36d: {  	[sflag:s0] =	ssyncadd.tile.s32 @!p0 $0x1;
	_ =	shalt  }
.Lfunc_end2:
_tile_overlayer_lowered:
.L_overlay_start_2:
0x36e: {  	(tag) =	ssettag $0x2  }
0x36f: {  	s0 =	rddreg [dreg:$0x0];
	s2 =	stileid.u32  }
0x370: {  	s1 =	rddreg [dreg:$0x1];
	p0 =	sne.s32 s2, $0x0  }
0x371: {  	s3 =	rddreg [dreg:$0x2];
	[bflag:$0x3] =	sbarrier.arrive $0xFFFF;
	s2 =	simm.s32 @!p0 $0x1C07  }
0x372: {  	[timem:s3], [sflag:s2] =	dma.local @!p0 [hbm:s0], s1  }
0x373: {  	s0 =	simm.s32 @!p0 $0x7  }
0x374: {  	_ =	swait.ge @!p0 [sflag:s0], s1  }
0x375: {  	s1 =	ssub.s32 @!p0 $0x0, s1;
	[sflag:s0] =	ssyncset.done @!p0 $0x0  }
0x376: {  	[sflag:s0] =	ssyncadd.s32 @!p0 s1  }
0x377: {  	[bflag:$0x3] =	sbarrier.arrive $0xFFFF  }
0x378: {  	_ =	shalt  }

</sc_bundles>
